<compile_context>
chip_gen: v7x
topology: tpu7x:2x2x1
jax: 0.10.2.dev20260603
libtpu: 0.0.44.dev20260713+nightly
codegen_flags: <defaults>
</compile_context>

<pallas_src>
import functools
import math

import jax
import jax.numpy as jnp
from jax import lax
from jax.experimental import pallas as pl
from jax.experimental.pallas import tpu as pltpu
from jax.experimental.pallas import tpu_sc as plsc

EMBED = 512
H = 8
DH = EMBED // H
N = 2048
S = 2048
E = 32768
HALF = EMBED // 2
NTILES = 16
EPT = E // NTILES
BLK = 32
NBLK = EPT // BLK
ROWS_PT = N // NTILES
NEG = -1e9


def _proj_body(x_ref, wqa_ref, wqb_ref, wka_ref, wkb_ref, b_ref,
               qa_ref, qb_ref, ka_ref, kb_ref):
    xb = x_ref[...]
    qa_ref[...] = jnp.dot(xb, wqa_ref[...], preferred_element_type=jnp.float32) + b_ref[0, 0:HALF]
    qb_ref[...] = jnp.dot(xb, wqb_ref[...], preferred_element_type=jnp.float32) + b_ref[0, HALF:EMBED]
    ka_ref[...] = jnp.dot(xb, wka_ref[...], preferred_element_type=jnp.float32) + b_ref[1, 0:HALF]
    kb_ref[...] = jnp.dot(xb, wkb_ref[...], preferred_element_type=jnp.float32) + b_ref[1, HALF:EMBED]


def _project(x, Wq, bq, Wk, bk):
    scale = 1.0 / math.sqrt(DH)
    wqa = Wq[:, :HALF] * scale
    wqb = Wq[:, HALF:] * scale
    b2 = jnp.stack([bq * scale, bk], axis=0)
    RB = 256
    grid = (N // RB,)
    out_sd = jax.ShapeDtypeStruct((N, HALF), jnp.float32)
    return pl.pallas_call(
        _proj_body,
        grid=grid,
        in_specs=[
            pl.BlockSpec((RB, EMBED), lambda i: (i, 0)),
            pl.BlockSpec((EMBED, HALF), lambda i: (0, 0)),
            pl.BlockSpec((EMBED, HALF), lambda i: (0, 0)),
            pl.BlockSpec((EMBED, HALF), lambda i: (0, 0)),
            pl.BlockSpec((EMBED, HALF), lambda i: (0, 0)),
            pl.BlockSpec((2, EMBED), lambda i: (0, 0)),
        ],
        out_specs=[pl.BlockSpec((RB, HALF), lambda i: (i, 0))] * 4,
        out_shape=[out_sd, out_sd, out_sd, out_sd],
    )(x, wqa, wqb, Wk[:, :HALF], Wk[:, HALF:], b2)


def _iota16():
    return lax.iota(jnp.int32, 16)


def _splat(v):
    return jnp.full((16,), v, jnp.int32)


def _edge_body(qa, qb, ka, kb, row_h, src_h, bias_h, dist_h, alive_h,
               pos_h, sp_h, o2s_h, out_h, scr_h,
               o2s_v, sp_v, row_v, src_v, dist_v, alive_v, bias_v,
               ridx0_v, kidx0_v, ridx1_v, kidx1_v,
               q0_v, k0_v, q1_v, k1_v, acc_v,
               tmp_v, fin_v, pos_v, outbuf_v, sem0, sem1):
    c = lax.axis_index("c")
    s = lax.axis_index("s")
    ebase = s * EPT
    rbase = s * ROWS_PT
    zero16 = jnp.zeros((16,), jnp.float32)

    pltpu.sync_copy(o2s_h, o2s_v)
    pltpu.sync_copy(sp_h, sp_v)
    pltpu.sync_copy(row_h.at[pl.ds(ebase, EPT)], row_v)
    pltpu.sync_copy(src_h.at[pl.ds(ebase, EPT)], src_v)
    pltpu.sync_copy(dist_h.at[pl.ds(ebase, EPT)], dist_v)
    pltpu.sync_copy(alive_h.at[pl.ds(ebase, EPT)], alive_v)
    pltpu.sync_copy(bias_h.at[c, :, pl.ds(ebase, EPT)], bias_v)

    def zb(j, _):
        acc_v[pl.ds(j * 16, 16)] = zero16
        return 0
    lax.fori_loop(0, 20 * N // 16, zb, 0)


    def make_idx(b, ridx, kidx):
        def idx_body(g, _):
            src16 = src_v[pl.ds(b * BLK + g * 16, 16)]
            kidx[pl.ds(g * 16, 16)] = plsc.load_gather(o2s_v, [src16])
            ridx[pl.ds(g * 16, 16)] = row_v[pl.ds(b * BLK + g * 16, 16)]
            return 0

        lax.fori_loop(0, BLK // 16, idx_body, 0)

    def fire(ridx, kidx, qbuf, kbuf, sm):
        @pl.when(c == 0)
        def _():
            pltpu.async_copy(qa.at[ridx], qbuf, sm)
            pltpu.async_copy(ka.at[kidx], kbuf, sm)

        @pl.when(c == 1)
        def _():
            pltpu.async_copy(qb.at[ridx], qbuf, sm)
            pltpu.async_copy(kb.at[kidx], kbuf, sm)

    def drain(ridx, kidx, qbuf, kbuf, sm):
        @pl.when(c == 0)
        def _():
            pltpu.make_async_copy(qa.at[ridx], qbuf, sm).wait()
            pltpu.make_async_copy(ka.at[kidx], kbuf, sm).wait()

        @pl.when(c == 1)
        def _():
            pltpu.make_async_copy(qb.at[ridx], qbuf, sm).wait()
            pltpu.make_async_copy(kb.at[kidx], kbuf, sm).wait()

    def compute(b, qbuf, kbuf):
        off = b * BLK

        def grp_body(g, _):
            eo = off + g * 16
            rowl = _iota16() + g * 16

            def dbody(dd, carry, rowl=rowl):
                a0, a1, a2, a3, w = carry
                accs = [a0, a1, a2, a3]
                for u in range(2):
                    for h in range(4):
                        col = w + h * DH
                        qv = plsc.load_gather(qbuf, [rowl, col])
                        kv = plsc.load_gather(kbuf, [rowl, col])
                        accs[h] = accs[h] + qv * kv
                    w1 = w + 1
                    w = jnp.where(w1 >= DH, w1 - DH, w1)
                return (accs[0], accs[1], accs[2], accs[3], w)

            a0, a1, a2, a3, _unused = lax.fori_loop(
                0, DH // 2, dbody,
                (zero16, zero16, zero16, zero16, _iota16()))
            accs = (a0, a1, a2, a3)

            al = alive_v[pl.ds(eo, 16)]
            dv = dist_v[pl.ds(eo, 16)]
            inv = jnp.where(dv == 0.0, 0.0, 1.0 / dv)
            dead = (al - 1.0) * NEG * (-1.0)
            row16 = row_v[pl.ds(eo, 16)]
            src16 = src_v[pl.ds(eo, 16)]
            sp0 = plsc.load_gather(sp_v, [src16 * 3])
            sp1 = plsc.load_gather(sp_v, [src16 * 3 + 1])
            sp2 = plsc.load_gather(sp_v, [src16 * 3 + 2])
            for h in range(4):
                lg = accs[h] + bias_v[h, pl.ds(eo, 16)] + dead
                w = jnp.exp(lg)
                av = w * inv
                plsc.addupdate_scatter(acc_v, [row16 + h * N], w)
                plsc.addupdate_scatter(acc_v, [row16 + (4 + h) * N], av)
                plsc.addupdate_scatter(acc_v, [row16 + (8 + h * 3) * N], av * sp0)
                plsc.addupdate_scatter(acc_v, [row16 + (9 + h * 3) * N], av * sp1)
                plsc.addupdate_scatter(acc_v, [row16 + (10 + h * 3) * N], av * sp2)
            return 0

        lax.fori_loop(0, BLK // 16, grp_body, 0)

    make_idx(0, ridx0_v, kidx0_v)
    fire(ridx0_v, kidx0_v, q0_v, k0_v, sem0)

    def pipe_body(bb, _):
        b0 = bb * 2
        b1 = b0 + 1
        make_idx(b1, ridx1_v, kidx1_v)
        fire(ridx1_v, kidx1_v, q1_v, k1_v, sem1)
        drain(ridx0_v, kidx0_v, q0_v, k0_v, sem0)
        compute(b0, q0_v, k0_v)

        @pl.when(b1 + 1 < NBLK)
        def _():
            make_idx(b1 + 1, ridx0_v, kidx0_v)
            fire(ridx0_v, kidx0_v, q0_v, k0_v, sem0)

        drain(ridx1_v, kidx1_v, q1_v, k1_v, sem1)
        compute(b1, q1_v, k1_v)
        return 0

    lax.fori_loop(0, NBLK // 2, pipe_body, 0)

    pltpu.sync_copy(acc_v, scr_h.at[c, s])
    plsc.subcore_barrier()

    for r in range(20):
        def fz(j, _, r=r):
            fin_v[r, pl.ds(j * 16, 16)] = zero16
            return 0
        lax.fori_loop(0, ROWS_PT // 16, fz, 0)

    def tred(t, _):
        for r in range(20):
            pltpu.async_copy(scr_h.at[c, t, pl.ds(r * N + rbase, ROWS_PT)],
                             tmp_v.at[pl.ds(r * ROWS_PT, ROWS_PT)], sem0)
        for r in range(20):
            pltpu.make_async_copy(
                scr_h.at[c, t, pl.ds(r * N + rbase, ROWS_PT)],
                tmp_v.at[pl.ds(r * ROWS_PT, ROWS_PT)], sem0).wait()

        def ab(j, _):
            sl = pl.ds(j * 16, 16)
            for r in range(20):
                fin_v[r, sl] = fin_v[r, sl] + tmp_v[pl.ds(r * ROWS_PT + j * 16, 16)]
            return 0

        lax.fori_loop(0, ROWS_PT // 16, ab, 0)
        return 0

    lax.fori_loop(0, NTILES, tred, 0)

    pltpu.sync_copy(pos_h.at[pl.ds(rbase * 3, ROWS_PT * 3)], pos_v)

    def fin_body(g, _):
        l16 = _iota16() + g * 16
        l3 = l16 * 3
        l12 = l16 * 12
        for h in range(4):
            Z = fin_v[h, pl.ds(g * 16, 16)]
            rs = fin_v[4 + h, pl.ds(g * 16, 16)]
            good = Z > 0.0
            Zs = jnp.where(good, Z, 1.0)
            for d in range(3):
                dvv = fin_v[8 + h * 3 + d, pl.ds(g * 16, 16)]
                pd = plsc.load_gather(pos_v, [l3 + d])
                val = jnp.where(good, (dvv - rs * pd) / Zs, 0.0)
                plsc.store_scatter(outbuf_v, [l12 + (h * 3 + d)], val)
        return 0

    lax.fori_loop(0, ROWS_PT // 16, fin_body, 0)
    pltpu.sync_copy(outbuf_v, out_h.at[c, pl.ds(rbase * 12, ROWS_PT * 12)])


@functools.lru_cache(maxsize=1)
def _edge_kernel():
  return pl.kernel(
    _edge_body,
    out_type=(jax.ShapeDtypeStruct((2, N * 12), jnp.float32),
              jax.ShapeDtypeStruct((2, NTILES, 20 * N), jnp.float32)),
    mesh=plsc.VectorSubcoreMesh(core_axis_name="c", subcore_axis_name="s"),
    compiler_params=pltpu.CompilerParams(needs_layout_passes=False,
                                         internal_scratch_in_bytes=131072),
    scratch_types=[
        pltpu.VMEM((S,), jnp.int32),
        pltpu.VMEM((S * 3,), jnp.float32),
        pltpu.VMEM((EPT,), jnp.int32),
        pltpu.VMEM((EPT,), jnp.int32),
        pltpu.VMEM((EPT,), jnp.float32),
        pltpu.VMEM((EPT,), jnp.float32),
        pltpu.VMEM((4, EPT), jnp.float32),
        pltpu.VMEM((BLK,), jnp.int32),
        pltpu.VMEM((BLK,), jnp.int32),
        pltpu.VMEM((BLK,), jnp.int32),
        pltpu.VMEM((BLK,), jnp.int32),
        pltpu.VMEM((BLK, HALF), jnp.float32),
        pltpu.VMEM((BLK, HALF), jnp.float32),
        pltpu.VMEM((BLK, HALF), jnp.float32),
        pltpu.VMEM((BLK, HALF), jnp.float32),
        pltpu.VMEM((20 * N,), jnp.float32),
        pltpu.VMEM((20 * ROWS_PT,), jnp.float32),
        pltpu.VMEM((20, ROWS_PT), jnp.float32),
        pltpu.VMEM((ROWS_PT * 3,), jnp.float32),
        pltpu.VMEM((ROWS_PT * 12,), jnp.float32),
        pltpu.SemaphoreType.DMA,
        pltpu.SemaphoreType.DMA,
    ],
  )


def kernel(x, row_index, src_index, att_bias, dist, pos, src_pos, org_to_src,
           Wq, bq, Wk, bk):
    qa, qb, ka, kb = _project(x, Wq, bq, Wk, bk)

    key = row_index * S + src_index
    order = jnp.argsort(key, stable=True)
    sk = key[order]
    is_last = jnp.concatenate([sk[:-1] != sk[1:], jnp.ones((1,), bool)])
    order = order.reshape(16, E // 16).T.reshape(-1)
    row_s = row_index[order]
    src_s = src_index[order]
    dist_s = dist[order]
    alive_s = is_last.reshape(16, E // 16).T.reshape(-1).astype(jnp.float32)
    bias_s = att_bias[:, order].reshape(2, 4, E)

    out, _ = _edge_kernel()(qa, qb, ka, kb, row_s, src_s, bias_s, dist_s,
                            alive_s, pos.reshape(-1), src_pos.reshape(-1),
                            org_to_src)
    out = out.reshape(2, N, 12)
    return jnp.concatenate([out[0], out[1]], axis=-1)

# --- scband reference (transcript-rebuilt; emitter-appended) ---
"""Pipeline reference for scband-position-featurizer-63101659512934 (READ-ONLY COPY).

The authoritative reference and input builder live on the scoring server;
editing this copy changes nothing except your own understanding.
"""

import math
import jax, jax.numpy as jnp
import numpy as np

EMBED = 512
H = 8
DH = EMBED // H
N = 2048
S = 2048
E = 32768
NEG = -1e9


def setup_inputs(seed: int = 0) -> dict:
    key = jax.random.key(seed)
    ks = jax.random.split(key, 12)
    x = jax.random.normal(ks[0], (N, EMBED), dtype=jnp.float32)
    row_index = jax.random.randint(ks[1], (E,), 0, N)
    src_index = jax.random.randint(ks[2], (E,), 0, S)
    att_bias = jax.random.normal(ks[3], (H, E), dtype=jnp.float32)
    dist = jax.random.uniform(ks[4], (E,), dtype=jnp.float32)
    pos = jax.random.normal(ks[5], (N, 3), dtype=jnp.float32)
    src_pos = jax.random.normal(ks[6], (S, 3), dtype=jnp.float32)
    org_to_src = jax.random.randint(ks[7], (S,), 0, N)
    Wq = jax.random.normal(ks[8], (EMBED, EMBED), dtype=jnp.float32) / math.sqrt(EMBED)
    bq = jnp.zeros((EMBED,), dtype=jnp.float32)
    Wk = jax.random.normal(ks[9], (EMBED, EMBED), dtype=jnp.float32) / math.sqrt(EMBED)
    bk = jnp.zeros((EMBED,), dtype=jnp.float32)
    return {"x": x, "row_index": row_index, "src_index": src_index,
            "att_bias": att_bias, "dist": dist, "pos": pos, "src_pos": src_pos,
            "org_to_src": org_to_src, "Wq": Wq, "bq": bq, "Wk": Wk, "bk": bk}


def _proj(x, W, b, num_heads):
    # Linear(embed_dim, embed_dim) then split heads: [N, E] -> [H, N, E/H]
    y = x @ W + b
    n = x.shape[0]
    return jnp.transpose(y.reshape(n, num_heads, -1), (1, 0, 2))


def reference(x, row_index, src_index, att_bias, dist, pos, src_pos, org_to_src, Wq, bq, Wk, bk):
    num_heads = att_bias.shape[0]
    n_dst = pos.shape[0]
    n_src = src_pos.shape[0]
    query = _proj(x, Wq, bq, num_heads)                      # [H, N, DH]
    key = _proj(x, Wk, bk, num_heads)[:, org_to_src]         # [H, S, DH] gather
    value = jnp.broadcast_to(src_pos[None, :, :], (num_heads, n_src, src_pos.shape[1]))
    # _from_coo: dense additive mask, att_bias at edges, -inf (NEG) elsewhere
    mask = jnp.full((num_heads, n_dst, n_src), NEG, dtype=jnp.float32)
    mask = mask.at[:, row_index, src_index].set(att_bias)    # scatter
    # _wrap_value: 1/dist at edges (per head), 0 elsewhere
    dist_safe = jnp.where(dist == 0, jnp.inf, dist)
    inv_d = jnp.broadcast_to((1.0 / dist_safe)[None, :], (num_heads, dist.shape[0]))
    norm = jnp.zeros((num_heads, n_dst, n_src), dtype=jnp.float32)
    norm = norm.at[:, row_index, src_index].set(inv_d)       # scatter
    query = query / math.sqrt(query.shape[-1])
    logits = jnp.einsum('hnd,hsd->hns', query, key)          # masked_matmul (dense equiv)
    logits = logits + mask
    att = jax.nn.softmax(logits, axis=-1)
    att = att * norm                                         # zeros out non-edges
    dst_vec = jnp.einsum('hns,hsd->hnd', att, value)         # bmm(att, value)
    row_sum = jnp.sum(att, axis=-1, keepdims=True)           # bmm(att, ones)
    src_vec = row_sum * pos[None, :, :]
    feat = dst_vec - src_vec                                 # [H, N, 3]
    feat = jnp.transpose(feat, (1, 0, 2)).reshape(n_dst, -1)  # [N, H*3]
    return feat

if __name__ == "__main__":
    import jax
    _d = setup_inputs()
    print(jax.jit(kernel)(*tuple(_d.values())))

</pallas_src>

<mosaic_0001>
#map = affine_map<(d0, d1) -> (0, 0)>
#map1 = affine_map<(d0, d1) -> (0)>
#map2 = affine_map<(d0, d1) -> (0, 0, 0)>
module attributes {stable_mosaic.version = 14 : i64} {
  func.func @_edge_body(%arg0: i32, %arg1: i32, %arg2: memref<2048x256xf32, #tpu.memory_space<hbm>>, %arg3: memref<2048x256xf32, #tpu.memory_space<hbm>>, %arg4: memref<2048x256xf32, #tpu.memory_space<hbm>>, %arg5: memref<2048x256xf32, #tpu.memory_space<hbm>>, %arg6: memref<32768xi32, #tpu.memory_space<hbm>>, %arg7: memref<32768xi32, #tpu.memory_space<hbm>>, %arg8: memref<2x4x32768xf32, #tpu.memory_space<hbm>>, %arg9: memref<32768xf32, #tpu.memory_space<hbm>>, %arg10: memref<32768xf32, #tpu.memory_space<hbm>>, %arg11: memref<6144xf32, #tpu.memory_space<hbm>>, %arg12: memref<6144xf32, #tpu.memory_space<hbm>>, %arg13: memref<2048xi32, #tpu.memory_space<hbm>>, %arg14: memref<2x24576xf32, #tpu.memory_space<hbm>>, %arg15: memref<2x16x40960xf32, #tpu.memory_space<hbm>>, %arg16: memref<2048xi32, #tpu.memory_space<vmem>>, %arg17: memref<6144xf32, #tpu.memory_space<vmem>>, %arg18: memref<2048xi32, #tpu.memory_space<vmem>>, %arg19: memref<2048xi32, #tpu.memory_space<vmem>>, %arg20: memref<2048xf32, #tpu.memory_space<vmem>>, %arg21: memref<2048xf32, #tpu.memory_space<vmem>>, %arg22: memref<4x2048xf32, #tpu.memory_space<vmem>>, %arg23: memref<32xi32, #tpu.memory_space<vmem>>, %arg24: memref<32xi32, #tpu.memory_space<vmem>>, %arg25: memref<32xi32, #tpu.memory_space<vmem>>, %arg26: memref<32xi32, #tpu.memory_space<vmem>>, %arg27: memref<32x256xf32, #tpu.memory_space<vmem>>, %arg28: memref<32x256xf32, #tpu.memory_space<vmem>>, %arg29: memref<32x256xf32, #tpu.memory_space<vmem>>, %arg30: memref<32x256xf32, #tpu.memory_space<vmem>>, %arg31: memref<40960xf32, #tpu.memory_space<vmem>>, %arg32: memref<2560xf32, #tpu.memory_space<vmem>>, %arg33: memref<20x128xf32, #tpu.memory_space<vmem>>, %arg34: memref<384xf32, #tpu.memory_space<vmem>>, %arg35: memref<1536xf32, #tpu.memory_space<vmem>>, %arg36: memref<!tpu.dma_semaphore, #tpu.memory_space<semaphore_mem>>, %arg37: memref<!tpu.dma_semaphore, #tpu.memory_space<semaphore_mem>>) attributes {dimension_semantics = [#tpu.dimension_semantics<core_parallel>, #tpu.dimension_semantics<subcore_parallel>], iteration_bounds = array<i64: 2, 16>, scalar_prefetch = 0 : i64, scratch_operands = 22 : i64, tpu.core_type = #tpu.core_type<sc_vector_subcore>, window_params = [{transform_indices = #map}, {transform_indices = #map}, {transform_indices = #map}, {transform_indices = #map}, {transform_indices = #map1}, {transform_indices = #map1}, {transform_indices = #map2}, {transform_indices = #map1}, {transform_indices = #map1}, {transform_indices = #map1}, {transform_indices = #map1}, {transform_indices = #map1}, {transform_indices = #map}, {transform_indices = #map2}]} {
    %mul3A = arith.constant 2048 : i32
    %mul3A_0 = arith.muli %arg1, %mul3A : i32
    %mul3A_1 = arith.constant 128 : i32
    %mul3A_2 = arith.muli %arg1, %mul3A_1 : i32
    %broadcast_in_dim3A = arith.constant 0.000000e+00 : f32
    %broadcast_in_dim3A_3 = vector.broadcast %broadcast_in_dim3A : f32 to vector<16xf32>
    "tpu.region"() ({
      %run_scoped3A = tpu.sem_alloc : memref<!tpu.dma_semaphore, #tpu.memory_space<semaphore_mem>>
      tpu.enqueue_dma source(%arg13 : memref<2048xi32, #tpu.memory_space<hbm>>) target(%arg16 : memref<2048xi32, #tpu.memory_space<vmem>>) target_semaphore(%run_scoped3A : memref<!tpu.dma_semaphore, #tpu.memory_space<semaphore_mem>>)
      tpu.wait_dma2 semaphore(%run_scoped3A : memref<!tpu.dma_semaphore, #tpu.memory_space<semaphore_mem>>) src(%arg13 : memref<2048xi32, #tpu.memory_space<hbm>>) dst(%arg16 : memref<2048xi32, #tpu.memory_space<vmem>>)
      tpu.yield
    }) : () -> ()
    "tpu.region"() ({
      %run_scoped3A = tpu.sem_alloc : memref<!tpu.dma_semaphore, #tpu.memory_space<semaphore_mem>>
      tpu.enqueue_dma source(%arg12 : memref<6144xf32, #tpu.memory_space<hbm>>) target(%arg17 : memref<6144xf32, #tpu.memory_space<vmem>>) target_semaphore(%run_scoped3A : memref<!tpu.dma_semaphore, #tpu.memory_space<semaphore_mem>>)
      tpu.wait_dma2 semaphore(%run_scoped3A : memref<!tpu.dma_semaphore, #tpu.memory_space<semaphore_mem>>) src(%arg12 : memref<6144xf32, #tpu.memory_space<hbm>>) dst(%arg17 : memref<6144xf32, #tpu.memory_space<vmem>>)
      tpu.yield
    }) : () -> ()
    "tpu.region"() ({
      %run_scoped3A = tpu.sem_alloc : memref<!tpu.dma_semaphore, #tpu.memory_space<semaphore_mem>>
      %dma_start3A = tpu.memref_slice %arg6[%mul3A_0] : memref<32768xi32, #tpu.memory_space<hbm>> -> memref<2048xi32, #tpu.memory_space<hbm>>
      %dma_start3A_189 = tpu.memref_slice %arg6[%mul3A_0] : memref<32768xi32, #tpu.memory_space<hbm>> -> memref<2048xi32, #tpu.memory_space<hbm>>
      tpu.enqueue_dma source(%dma_start3A_189 : memref<2048xi32, #tpu.memory_space<hbm>>) target(%arg18 : memref<2048xi32, #tpu.memory_space<vmem>>) target_semaphore(%run_scoped3A : memref<!tpu.dma_semaphore, #tpu.memory_space<semaphore_mem>>)
      %dma_wait3A = tpu.memref_slice %arg6[%mul3A_0] : memref<32768xi32, #tpu.memory_space<hbm>> -> memref<2048xi32, #tpu.memory_space<hbm>>
      %dma_wait3A_190 = tpu.memref_slice %arg6[%mul3A_0] : memref<32768xi32, #tpu.memory_space<hbm>> -> memref<2048xi32, #tpu.memory_space<hbm>>
      tpu.wait_dma2 semaphore(%run_scoped3A : memref<!tpu.dma_semaphore, #tpu.memory_space<semaphore_mem>>) src(%dma_wait3A_190 : memref<2048xi32, #tpu.memory_space<hbm>>) dst(%arg18 : memref<2048xi32, #tpu.memory_space<vmem>>)
      tpu.yield
    }) : () -> ()
    "tpu.region"() ({
      %run_scoped3A = tpu.sem_alloc : memref<!tpu.dma_semaphore, #tpu.memory_space<semaphore_mem>>
      %dma_start3A = tpu.memref_slice %arg7[%mul3A_0] : memref<32768xi32, #tpu.memory_space<hbm>> -> memref<2048xi32, #tpu.memory_space<hbm>>
      %dma_start3A_189 = tpu.memref_slice %arg7[%mul3A_0] : memref<32768xi32, #tpu.memory_space<hbm>> -> memref<2048xi32, #tpu.memory_space<hbm>>
      tpu.enqueue_dma source(%dma_start3A_189 : memref<2048xi32, #tpu.memory_space<hbm>>) target(%arg19 : memref<2048xi32, #tpu.memory_space<vmem>>) target_semaphore(%run_scoped3A : memref<!tpu.dma_semaphore, #tpu.memory_space<semaphore_mem>>)
      %dma_wait3A = tpu.memref_slice %arg7[%mul3A_0] : memref<32768xi32, #tpu.memory_space<hbm>> -> memref<2048xi32, #tpu.memory_space<hbm>>
      %dma_wait3A_190 = tpu.memref_slice %arg7[%mul3A_0] : memref<32768xi32, #tpu.memory_space<hbm>> -> memref<2048xi32, #tpu.memory_space<hbm>>
      tpu.wait_dma2 semaphore(%run_scoped3A : memref<!tpu.dma_semaphore, #tpu.memory_space<semaphore_mem>>) src(%dma_wait3A_190 : memref<2048xi32, #tpu.memory_space<hbm>>) dst(%arg19 : memref<2048xi32, #tpu.memory_space<vmem>>)
      tpu.yield
    }) : () -> ()
    "tpu.region"() ({
      %run_scoped3A = tpu.sem_alloc : memref<!tpu.dma_semaphore, #tpu.memory_space<semaphore_mem>>
      %dma_start3A = tpu.memref_slice %arg9[%mul3A_0] : memref<32768xf32, #tpu.memory_space<hbm>> -> memref<2048xf32, #tpu.memory_space<hbm>>
      %dma_start3A_189 = tpu.memref_slice %arg9[%mul3A_0] : memref<32768xf32, #tpu.memory_space<hbm>> -> memref<2048xf32, #tpu.memory_space<hbm>>
      tpu.enqueue_dma source(%dma_start3A_189 : memref<2048xf32, #tpu.memory_space<hbm>>) target(%arg20 : memref<2048xf32, #tpu.memory_space<vmem>>) target_semaphore(%run_scoped3A : memref<!tpu.dma_semaphore, #tpu.memory_space<semaphore_mem>>)
      %dma_wait3A = tpu.memref_slice %arg9[%mul3A_0] : memref<32768xf32, #tpu.memory_space<hbm>> -> memref<2048xf32, #tpu.memory_space<hbm>>
      %dma_wait3A_190 = tpu.memref_slice %arg9[%mul3A_0] : memref<32768xf32, #tpu.memory_space<hbm>> -> memref<2048xf32, #tpu.memory_space<hbm>>
      tpu.wait_dma2 semaphore(%run_scoped3A : memref<!tpu.dma_semaphore, #tpu.memory_space<semaphore_mem>>) src(%dma_wait3A_190 : memref<2048xf32, #tpu.memory_space<hbm>>) dst(%arg20 : memref<2048xf32, #tpu.memory_space<vmem>>)
      tpu.yield
    }) : () -> ()
    "tpu.region"() ({
      %run_scoped3A = tpu.sem_alloc : memref<!tpu.dma_semaphore, #tpu.memory_space<semaphore_mem>>
      %dma_start3A = tpu.memref_slice %arg10[%mul3A_0] : memref<32768xf32, #tpu.memory_space<hbm>> -> memref<2048xf32, #tpu.memory_space<hbm>>
      %dma_start3A_189 = tpu.memref_slice %arg10[%mul3A_0] : memref<32768xf32, #tpu.memory_space<hbm>> -> memref<2048xf32, #tpu.memory_space<hbm>>
      tpu.enqueue_dma source(%dma_start3A_189 : memref<2048xf32, #tpu.memory_space<hbm>>) target(%arg21 : memref<2048xf32, #tpu.memory_space<vmem>>) target_semaphore(%run_scoped3A : memref<!tpu.dma_semaphore, #tpu.memory_space<semaphore_mem>>)
      %dma_wait3A = tpu.memref_slice %arg10[%mul3A_0] : memref<32768xf32, #tpu.memory_space<hbm>> -> memref<2048xf32, #tpu.memory_space<hbm>>
      %dma_wait3A_190 = tpu.memref_slice %arg10[%mul3A_0] : memref<32768xf32, #tpu.memory_space<hbm>> -> memref<2048xf32, #tpu.memory_space<hbm>>
      tpu.wait_dma2 semaphore(%run_scoped3A : memref<!tpu.dma_semaphore, #tpu.memory_space<semaphore_mem>>) src(%dma_wait3A_190 : memref<2048xf32, #tpu.memory_space<hbm>>) dst(%arg21 : memref<2048xf32, #tpu.memory_space<vmem>>)
      tpu.yield
    }) : () -> ()
    "tpu.region"() ({
      %run_scoped3A = tpu.sem_alloc : memref<!tpu.dma_semaphore, #tpu.memory_space<semaphore_mem>>
      %dma_start3A = arith.constant 0 : i32
      %dma_start3A_189 = tpu.memref_slice %arg8[%arg0, %dma_start3A, %mul3A_0] : memref<2x4x32768xf32, #tpu.memory_space<hbm>> -> memref<1x4x2048xf32, #tpu.memory_space<hbm>>
      %dma_start3A_190 = tpu.memref_squeeze %dma_start3A_189 : memref<1x4x2048xf32, #tpu.memory_space<hbm>> -> memref<4x2048xf32, #tpu.memory_space<hbm>>
      %dma_start3A_191 = arith.constant 0 : i32
      %dma_start3A_192 = tpu.memref_slice %arg8[%arg0, %dma_start3A_191, %mul3A_0] : memref<2x4x32768xf32, #tpu.memory_space<hbm>> -> memref<1x4x2048xf32, #tpu.memory_space<hbm>>
      %dma_start3A_193 = tpu.memref_squeeze %dma_start3A_192 : memref<1x4x2048xf32, #tpu.memory_space<hbm>> -> memref<4x2048xf32, #tpu.memory_space<hbm>>
      tpu.enqueue_dma source(%dma_start3A_193 : memref<4x2048xf32, #tpu.memory_space<hbm>>) target(%arg22 : memref<4x2048xf32, #tpu.memory_space<vmem>>) target_semaphore(%run_scoped3A : memref<!tpu.dma_semaphore, #tpu.memory_space<semaphore_mem>>)
      %dma_wait3A = arith.constant 0 : i32
      %dma_wait3A_194 = tpu.memref_slice %arg8[%arg0, %dma_wait3A, %mul3A_0] : memref<2x4x32768xf32, #tpu.memory_space<hbm>> -> memref<1x4x2048xf32, #tpu.memory_space<hbm>>
      %dma_wait3A_195 = tpu.memref_squeeze %dma_wait3A_194 : memref<1x4x2048xf32, #tpu.memory_space<hbm>> -> memref<4x2048xf32, #tpu.memory_space<hbm>>
      %dma_wait3A_196 = arith.constant 0 : i32
      %dma_wait3A_197 = tpu.memref_slice %arg8[%arg0, %dma_wait3A_196, %mul3A_0] : memref<2x4x32768xf32, #tpu.memory_space<hbm>> -> memref<1x4x2048xf32, #tpu.memory_space<hbm>>
      %dma_wait3A_198 = tpu.memref_squeeze %dma_wait3A_197 : memref<1x4x2048xf32, #tpu.memory_space<hbm>> -> memref<4x2048xf32, #tpu.memory_space<hbm>>
      tpu.wait_dma2 semaphore(%run_scoped3A : memref<!tpu.dma_semaphore, #tpu.memory_space<semaphore_mem>>) src(%dma_wait3A_198 : memref<4x2048xf32, #tpu.memory_space<hbm>>) dst(%arg22 : memref<4x2048xf32, #tpu.memory_space<vmem>>)
      tpu.yield
    }) : () -> ()
    %scan3A = arith.constant 0 : i32
    %scan3A_4 = arith.constant 0 : i32
    %scan3A_5 = arith.constant 2560 : i32
    %scan3A_6 = arith.addi %scan3A_4, %scan3A_5 : i32
    %scan3A_7 = arith.constant 1 : i32
    %scan3A_8 = scf.for %scan3A_189 = %scan3A_4 to %scan3A_6 step %scan3A_7 iter_args(%scan3A_190 = %scan3A) -> (i32)  : i32 {
      %mul3A_191 = arith.constant 16 : i32
      %mul3A_192 = arith.muli %scan3A_189, %mul3A_191 : i32
      %swap3A = arith.index_cast %mul3A_192 : i32 to index
      %swap3A_193 = tpu.vector_load %arg31[%swap3A] {strides = array<i32>} : memref<40960xf32, #tpu.memory_space<vmem>>, vector<16xf32>,
      tpu.vector_store %arg31[%swap3A], %broadcast_in_dim3A_3 {strides = array<i32>} : memref<40960xf32, #tpu.memory_space<vmem>>, vector<16xf32>,
      %scan3A_194 = arith.constant 0 : i32
      scf.yield %scan3A_194 : i32
    }
    %scan3A_9 = arith.constant 2560 : i32
    %scan3A_10 = arith.constant 0 : i32
    %scan3A_11 = arith.constant 0 : i32
    %scan3A_12 = arith.constant 2 : i32
    %scan3A_13 = arith.addi %scan3A_11, %scan3A_12 : i32
    %scan3A_14 = arith.constant 1 : i32
    %scan3A_15 = scf.for %scan3A_189 = %scan3A_11 to %scan3A_13 step %scan3A_14 iter_args(%scan3A_190 = %scan3A_10) -> (i32)  : i32 {
      %mul3A_191 = arith.constant 16 : i32
      %mul3A_192 = arith.muli %scan3A_189, %mul3A_191 : i32
      %add3A = arith.constant 0 : i32
      %add3A_193 = arith.addi %add3A, %mul3A_192 : i32
      %get3A = arith.index_cast %add3A_193 : i32 to index
      %get3A_194 = tpu.vector_load %arg19[%get3A] {strides = array<i32>} : memref<2048xi32, #tpu.memory_space<vmem>>, vector<16xi32>,
      %gather3A = tpu.vector_load_idx %arg16[%get3A_194] : memref<2048xi32, #tpu.memory_space<vmem>>[vector<16xi32>], vector<16xi32>,
      %mul3A_195 = arith.constant 16 : i32
      %mul3A_196 = arith.muli %scan3A_189, %mul3A_195 : i32
      %swap3A = arith.index_cast %mul3A_196 : i32 to index
      %swap3A_197 = tpu.vector_load %arg24[%swap3A] {strides = array<i32>} : memref<32xi32, #tpu.memory_space<vmem>>, vector<16xi32>,
      tpu.vector_store %arg24[%swap3A], %gather3A {strides = array<i32>} : memref<32xi32, #tpu.memory_space<vmem>>, vector<16xi32>,
      %mul3A_198 = arith.constant 16 : i32
      %mul3A_199 = arith.muli %scan3A_189, %mul3A_198 : i32
      %add3A_200 = arith.constant 0 : i32
      %add3A_201 = arith.addi %add3A_200, %mul3A_199 : i32
      %get3A_202 = arith.index_cast %add3A_201 : i32 to index
      %get3A_203 = tpu.vector_load %arg18[%get3A_202] {strides = array<i32>} : memref<2048xi32, #tpu.memory_space<vmem>>, vector<16xi32>,
      %mul3A_204 = arith.constant 16 : i32
      %mul3A_205 = arith.muli %scan3A_189, %mul3A_204 : i32
      %swap3A_206 = arith.index_cast %mul3A_205 : i32 to index
      %swap3A_207 = tpu.vector_load %arg23[%swap3A_206] {strides = array<i32>} : memref<32xi32, #tpu.memory_space<vmem>>, vector<16xi32>,
      tpu.vector_store %arg23[%swap3A_206], %get3A_203 {strides = array<i32>} : memref<32xi32, #tpu.memory_space<vmem>>, vector<16xi32>,
      %scan3A_208 = arith.constant 0 : i32
      scf.yield %scan3A_208 : i32
    }
    %scan3A_16 = arith.constant 2 : i32
    %eq3A = arith.constant 0 : i32
    %eq3A_17 = arith.cmpi eq, %arg0, %eq3A : i32
    %convert_element_type3A = arith.extui %eq3A_17 : i1 to i32
    %cond3A = arith.constant 0 : i32
    %cond3A_18 = arith.cmpi ne, %convert_element_type3A, %cond3A : i32
    scf.if %cond3A_18 {
      %dma_start3A = arith.constant 0 : i32
      %dma_start3A_189 = arith.constant 0 : i32
      %dma_start3A_190 = tpu.memref_slice %arg2[%dma_start3A, %dma_start3A_189] : memref<2048x256xf32, #tpu.memory_space<hbm>> -> memref<2048x256xf32, #tpu.memory_space<hbm>>
      tpu.enqueue_indirect_dma source(%dma_start3A_190 : memref<2048x256xf32, #tpu.memory_space<hbm>>) target(%arg27 : memref<32x256xf32, #tpu.memory_space<vmem>>) offsets(%arg23 : memref<32xi32, #tpu.memory_space<vmem>>) semaphore(%arg36 : memref<!tpu.dma_semaphore, #tpu.memory_space<semaphore_mem>>)
      %dma_start3A_191 = arith.constant 0 : i32
      %dma_start3A_192 = arith.constant 0 : i32
      %dma_start3A_193 = tpu.memref_slice %arg4[%dma_start3A_191, %dma_start3A_192] : memref<2048x256xf32, #tpu.memory_space<hbm>> -> memref<2048x256xf32, #tpu.memory_space<hbm>>
      tpu.enqueue_indirect_dma source(%dma_start3A_193 : memref<2048x256xf32, #tpu.memory_space<hbm>>) target(%arg28 : memref<32x256xf32, #tpu.memory_space<vmem>>) offsets(%arg24 : memref<32xi32, #tpu.memory_space<vmem>>) semaphore(%arg36 : memref<!tpu.dma_semaphore, #tpu.memory_space<semaphore_mem>>)
    } else {
    }
    %eq3A_19 = arith.constant 1 : i32
    %eq3A_20 = arith.cmpi eq, %arg0, %eq3A_19 : i32
    %convert_element_type3A_21 = arith.extui %eq3A_20 : i1 to i32
    %cond3A_22 = arith.constant 0 : i32
    %cond3A_23 = arith.cmpi ne, %convert_element_type3A_21, %cond3A_22 : i32
    scf.if %cond3A_23 {
      %dma_start3A = arith.constant 0 : i32
      %dma_start3A_189 = arith.constant 0 : i32
      %dma_start3A_190 = tpu.memref_slice %arg3[%dma_start3A, %dma_start3A_189] : memref<2048x256xf32, #tpu.memory_space<hbm>> -> memref<2048x256xf32, #tpu.memory_space<hbm>>
      tpu.enqueue_indirect_dma source(%dma_start3A_190 : memref<2048x256xf32, #tpu.memory_space<hbm>>) target(%arg27 : memref<32x256xf32, #tpu.memory_space<vmem>>) offsets(%arg23 : memref<32xi32, #tpu.memory_space<vmem>>) semaphore(%arg36 : memref<!tpu.dma_semaphore, #tpu.memory_space<semaphore_mem>>)
      %dma_start3A_191 = arith.constant 0 : i32
      %dma_start3A_192 = arith.constant 0 : i32
      %dma_start3A_193 = tpu.memref_slice %arg5[%dma_start3A_191, %dma_start3A_192] : memref<2048x256xf32, #tpu.memory_space<hbm>> -> memref<2048x256xf32, #tpu.memory_space<hbm>>
      tpu.enqueue_indirect_dma source(%dma_start3A_193 : memref<2048x256xf32, #tpu.memory_space<hbm>>) target(%arg28 : memref<32x256xf32, #tpu.memory_space<vmem>>) offsets(%arg24 : memref<32xi32, #tpu.memory_space<vmem>>) semaphore(%arg36 : memref<!tpu.dma_semaphore, #tpu.memory_space<semaphore_mem>>)
    } else {
    }
    %scan3A_24 = arith.constant 0 : i32
    %scan3A_25 = arith.constant 0 : i32
    %scan3A_26 = arith.constant 32 : i32
    %scan3A_27 = arith.addi %scan3A_25, %scan3A_26 : i32
    %scan3A_28 = arith.constant 1 : i32
    %scan3A_29 = scf.for %scan3A_189 = %scan3A_25 to %scan3A_27 step %scan3A_28 iter_args(%scan3A_190 = %scan3A_24) -> (i32)  : i32 {
      %mul3A_191 = arith.constant 2 : i32
      %mul3A_192 = arith.muli %scan3A_189, %mul3A_191 : i32
      %add3A = arith.constant 1 : i32
      %add3A_193 = arith.addi %mul3A_192, %add3A : i32
      %scan3A_194 = arith.constant 0 : i32
      %scan3A_195 = arith.constant 0 : i32
      %scan3A_196 = arith.constant 2 : i32
      %scan3A_197 = arith.addi %scan3A_195, %scan3A_196 : i32
      %scan3A_198 = arith.constant 1 : i32
      %scan3A_199 = scf.for %scan3A_256 = %scan3A_195 to %scan3A_197 step %scan3A_198 iter_args(%scan3A_257 = %scan3A_194) -> (i32)  : i32 {
        %mul3A_258 = arith.constant 32 : i32
        %mul3A_259 = arith.muli %add3A_193, %mul3A_258 : i32
        %mul3A_260 = arith.constant 16 : i32
        %mul3A_261 = arith.muli %scan3A_256, %mul3A_260 : i32
        %add3A_262 = arith.addi %mul3A_259, %mul3A_261 : i32
        %get3A = arith.index_cast %add3A_262 : i32 to index
        %get3A_263 = tpu.vector_load %arg19[%get3A] {strides = array<i32>} : memref<2048xi32, #tpu.memory_space<vmem>>, vector<16xi32>,
        %gather3A = tpu.vector_load_idx %arg16[%get3A_263] : memref<2048xi32, #tpu.memory_space<vmem>>[vector<16xi32>], vector<16xi32>,
        %mul3A_264 = arith.constant 16 : i32
        %mul3A_265 = arith.muli %scan3A_256, %mul3A_264 : i32
        %swap3A = arith.index_cast %mul3A_265 : i32 to index
        %swap3A_266 = tpu.vector_load %arg26[%swap3A] {strides = array<i32>} : memref<32xi32, #tpu.memory_space<vmem>>, vector<16xi32>,
        tpu.vector_store %arg26[%swap3A], %gather3A {strides = array<i32>} : memref<32xi32, #tpu.memory_space<vmem>>, vector<16xi32>,
        %mul3A_267 = arith.constant 32 : i32
        %mul3A_268 = arith.muli %add3A_193, %mul3A_267 : i32
        %mul3A_269 = arith.constant 16 : i32
        %mul3A_270 = arith.muli %scan3A_256, %mul3A_269 : i32
        %add3A_271 = arith.addi %mul3A_268, %mul3A_270 : i32
        %get3A_272 = arith.index_cast %add3A_271 : i32 to index
        %get3A_273 = tpu.vector_load %arg18[%get3A_272] {strides = array<i32>} : memref<2048xi32, #tpu.memory_space<vmem>>, vector<16xi32>,
        %mul3A_274 = arith.constant 16 : i32
        %mul3A_275 = arith.muli %scan3A_256, %mul3A_274 : i32
        %swap3A_276 = arith.index_cast %mul3A_275 : i32 to index
        %swap3A_277 = tpu.vector_load %arg25[%swap3A_276] {strides = array<i32>} : memref<32xi32, #tpu.memory_space<vmem>>, vector<16xi32>,
        tpu.vector_store %arg25[%swap3A_276], %get3A_273 {strides = array<i32>} : memref<32xi32, #tpu.memory_space<vmem>>, vector<16xi32>,
        %scan3A_278 = arith.constant 0 : i32
        scf.yield %scan3A_278 : i32
      }
      %scan3A_200 = arith.constant 2 : i32
      %eq3A_201 = arith.constant 0 : i32
      %eq3A_202 = arith.cmpi eq, %arg0, %eq3A_201 : i32
      %convert_element_type3A_203 = arith.extui %eq3A_202 : i1 to i32
      %cond3A_204 = arith.constant 0 : i32
      %cond3A_205 = arith.cmpi ne, %convert_element_type3A_203, %cond3A_204 : i32
      scf.if %cond3A_205 {
        %dma_start3A = arith.constant 0 : i32
        %dma_start3A_256 = arith.constant 0 : i32
        %dma_start3A_257 = tpu.memref_slice %arg2[%dma_start3A, %dma_start3A_256] : memref<2048x256xf32, #tpu.memory_space<hbm>> -> memref<2048x256xf32, #tpu.memory_space<hbm>>
        tpu.enqueue_indirect_dma source(%dma_start3A_257 : memref<2048x256xf32, #tpu.memory_space<hbm>>) target(%arg29 : memref<32x256xf32, #tpu.memory_space<vmem>>) offsets(%arg25 : memref<32xi32, #tpu.memory_space<vmem>>) semaphore(%arg37 : memref<!tpu.dma_semaphore, #tpu.memory_space<semaphore_mem>>)
        %dma_start3A_258 = arith.constant 0 : i32
        %dma_start3A_259 = arith.constant 0 : i32
        %dma_start3A_260 = tpu.memref_slice %arg4[%dma_start3A_258, %dma_start3A_259] : memref<2048x256xf32, #tpu.memory_space<hbm>> -> memref<2048x256xf32, #tpu.memory_space<hbm>>
        tpu.enqueue_indirect_dma source(%dma_start3A_260 : memref<2048x256xf32, #tpu.memory_space<hbm>>) target(%arg30 : memref<32x256xf32, #tpu.memory_space<vmem>>) offsets(%arg26 : memref<32xi32, #tpu.memory_space<vmem>>) semaphore(%arg37 : memref<!tpu.dma_semaphore, #tpu.memory_space<semaphore_mem>>)
      } else {
      }
      %eq3A_206 = arith.constant 1 : i32
      %eq3A_207 = arith.cmpi eq, %arg0, %eq3A_206 : i32
      %convert_element_type3A_208 = arith.extui %eq3A_207 : i1 to i32
      %cond3A_209 = arith.constant 0 : i32
      %cond3A_210 = arith.cmpi ne, %convert_element_type3A_208, %cond3A_209 : i32
      scf.if %cond3A_210 {
        %dma_start3A = arith.constant 0 : i32
        %dma_start3A_256 = arith.constant 0 : i32
        %dma_start3A_257 = tpu.memref_slice %arg3[%dma_start3A, %dma_start3A_256] : memref<2048x256xf32, #tpu.memory_space<hbm>> -> memref<2048x256xf32, #tpu.memory_space<hbm>>
        tpu.enqueue_indirect_dma source(%dma_start3A_257 : memref<2048x256xf32, #tpu.memory_space<hbm>>) target(%arg29 : memref<32x256xf32, #tpu.memory_space<vmem>>) offsets(%arg25 : memref<32xi32, #tpu.memory_space<vmem>>) semaphore(%arg37 : memref<!tpu.dma_semaphore, #tpu.memory_space<semaphore_mem>>)
        %dma_start3A_258 = arith.constant 0 : i32
        %dma_start3A_259 = arith.constant 0 : i32
        %dma_start3A_260 = tpu.memref_slice %arg5[%dma_start3A_258, %dma_start3A_259] : memref<2048x256xf32, #tpu.memory_space<hbm>> -> memref<2048x256xf32, #tpu.memory_space<hbm>>
        tpu.enqueue_indirect_dma source(%dma_start3A_260 : memref<2048x256xf32, #tpu.memory_space<hbm>>) target(%arg30 : memref<32x256xf32, #tpu.memory_space<vmem>>) offsets(%arg26 : memref<32xi32, #tpu.memory_space<vmem>>) semaphore(%arg37 : memref<!tpu.dma_semaphore, #tpu.memory_space<semaphore_mem>>)
      } else {
      }
      %eq3A_211 = arith.constant 0 : i32
      %eq3A_212 = arith.cmpi eq, %arg0, %eq3A_211 : i32
      %convert_element_type3A_213 = arith.extui %eq3A_212 : i1 to i32
      %cond3A_214 = arith.constant 0 : i32
      %cond3A_215 = arith.cmpi ne, %convert_element_type3A_213, %cond3A_214 : i32
      scf.if %cond3A_215 {
        %dma_wait3A = arith.constant 0 : i32
        %dma_wait3A_256 = arith.constant 0 : i32
        %dma_wait3A_257 = tpu.memref_slice %arg2[%dma_wait3A, %dma_wait3A_256] : memref<2048x256xf32, #tpu.memory_space<hbm>> -> memref<2048x256xf32, #tpu.memory_space<hbm>>
        tpu.wait_indirect_dma semaphore(%arg36 : memref<!tpu.dma_semaphore, #tpu.memory_space<semaphore_mem>>) src(%dma_wait3A_257 : memref<2048x256xf32, #tpu.memory_space<hbm>>) dst(%arg27 : memref<32x256xf32, #tpu.memory_space<vmem>>)
        %dma_wait3A_258 = arith.constant 0 : i32
        %dma_wait3A_259 = arith.constant 0 : i32
        %dma_wait3A_260 = tpu.memref_slice %arg4[%dma_wait3A_258, %dma_wait3A_259] : memref<2048x256xf32, #tpu.memory_space<hbm>> -> memref<2048x256xf32, #tpu.memory_space<hbm>>
        tpu.wait_indirect_dma semaphore(%arg36 : memref<!tpu.dma_semaphore, #tpu.memory_space<semaphore_mem>>) src(%dma_wait3A_260 : memref<2048x256xf32, #tpu.memory_space<hbm>>) dst(%arg28 : memref<32x256xf32, #tpu.memory_space<vmem>>)
      } else {
      }
      %eq3A_216 = arith.constant 1 : i32
      %eq3A_217 = arith.cmpi eq, %arg0, %eq3A_216 : i32
      %convert_element_type3A_218 = arith.extui %eq3A_217 : i1 to i32
      %cond3A_219 = arith.constant 0 : i32
      %cond3A_220 = arith.cmpi ne, %convert_element_type3A_218, %cond3A_219 : i32
      scf.if %cond3A_220 {
        %dma_wait3A = arith.constant 0 : i32
        %dma_wait3A_256 = arith.constant 0 : i32
        %dma_wait3A_257 = tpu.memref_slice %arg3[%dma_wait3A, %dma_wait3A_256] : memref<2048x256xf32, #tpu.memory_space<hbm>> -> memref<2048x256xf32, #tpu.memory_space<hbm>>
        tpu.wait_indirect_dma semaphore(%arg36 : memref<!tpu.dma_semaphore, #tpu.memory_space<semaphore_mem>>) src(%dma_wait3A_257 : memref<2048x256xf32, #tpu.memory_space<hbm>>) dst(%arg27 : memref<32x256xf32, #tpu.memory_space<vmem>>)
        %dma_wait3A_258 = arith.constant 0 : i32
        %dma_wait3A_259 = arith.constant 0 : i32
        %dma_wait3A_260 = tpu.memref_slice %arg5[%dma_wait3A_258, %dma_wait3A_259] : memref<2048x256xf32, #tpu.memory_space<hbm>> -> memref<2048x256xf32, #tpu.memory_space<hbm>>
        tpu.wait_indirect_dma semaphore(%arg36 : memref<!tpu.dma_semaphore, #tpu.memory_space<semaphore_mem>>) src(%dma_wait3A_260 : memref<2048x256xf32, #tpu.memory_space<hbm>>) dst(%arg28 : memref<32x256xf32, #tpu.memory_space<vmem>>)
      } else {
      }
      %mul3A_221 = arith.constant 32 : i32
      %mul3A_222 = arith.muli %mul3A_192, %mul3A_221 : i32
      %scan3A_223 = arith.constant 0 : i32
      %scan3A_224 = arith.constant 0 : i32
      %scan3A_225 = arith.constant 2 : i32
      %scan3A_226 = arith.addi %scan3A_224, %scan3A_225 : i32
      %scan3A_227 = arith.constant 1 : i32
      %scan3A_228 = scf.for %scan3A_256 = %scan3A_224 to %scan3A_226 step %scan3A_227 iter_args(%scan3A_257 = %scan3A_223) -> (i32)  : i32 {
        %mul3A_258 = arith.constant 16 : i32
        %mul3A_259 = arith.muli %scan3A_256, %mul3A_258 : i32
        %add3A_260 = arith.addi %mul3A_222, %mul3A_259 : i32
        %iota3A = tpu.iota {dimensions = array<i32: 0>} : vector<16xi32>
        %mul3A_261 = arith.constant 16 : i32
        %mul3A_262 = arith.muli %scan3A_256, %mul3A_261 : i32
        %add3A_263 = vector.broadcast %mul3A_262 : i32 to vector<16xi32>
        %add3A_264 = arith.addi %iota3A, %add3A_263 : vector<16xi32>
        %iota3A_265 = tpu.iota {dimensions = array<i32: 0>} : vector<16xi32>
        %scan3A_266 = arith.constant 0 : i32
        %scan3A_267 = arith.constant 32 : i32
        %scan3A_268 = arith.addi %scan3A_266, %scan3A_267 : i32
        %scan3A_269 = arith.constant 1 : i32
        %scan3A_270:5 = scf.for %scan3A_414 = %scan3A_266 to %scan3A_268 step %scan3A_269 iter_args(%scan3A_415 = %broadcast_in_dim3A_3, %scan3A_416 = %broadcast_in_dim3A_3, %scan3A_417 = %broadcast_in_dim3A_3, %scan3A_418 = %broadcast_in_dim3A_3, %scan3A_419 = %iota3A_265) -> (vector<16xf32>, vector<16xf32>, vector<16xf32>, vector<16xf32>, vector<16xi32>)  : i32 {
          %add3A_420 = arith.constant 0 : i32
          %add3A_421 = vector.broadcast %add3A_420 : i32 to vector<16xi32>
          %add3A_422 = arith.addi %scan3A_419, %add3A_421 : vector<16xi32>
          %gather3A_423 = tpu.vector_load_idx %arg27[%add3A_264, %add3A_422] : memref<32x256xf32, #tpu.memory_space<vmem>>[vector<16xi32>, vector<16xi32>], vector<16xf32>,
          %gather3A_424 = tpu.vector_load_idx %arg28[%add3A_264, %add3A_422] : memref<32x256xf32, #tpu.memory_space<vmem>>[vector<16xi32>, vector<16xi32>], vector<16xf32>,
          %mul3A_425 = arith.mulf %gather3A_423, %gather3A_424 : vector<16xf32>
          %add3A_426 = arith.addf %scan3A_415, %mul3A_425 : vector<16xf32>
          %add3A_427 = arith.constant 64 : i32
          %add3A_428 = vector.broadcast %add3A_427 : i32 to vector<16xi32>
          %add3A_429 = arith.addi %scan3A_419, %add3A_428 : vector<16xi32>
          %gather3A_430 = tpu.vector_load_idx %arg27[%add3A_264, %add3A_429] : memref<32x256xf32, #tpu.memory_space<vmem>>[vector<16xi32>, vector<16xi32>], vector<16xf32>,
          %gather3A_431 = tpu.vector_load_idx %arg28[%add3A_264, %add3A_429] : memref<32x256xf32, #tpu.memory_space<vmem>>[vector<16xi32>, vector<16xi32>], vector<16xf32>,
          %mul3A_432 = arith.mulf %gather3A_430, %gather3A_431 : vector<16xf32>
          %add3A_433 = arith.addf %scan3A_416, %mul3A_432 : vector<16xf32>
          %add3A_434 = arith.constant 128 : i32
          %add3A_435 = vector.broadcast %add3A_434 : i32 to vector<16xi32>
          %add3A_436 = arith.addi %scan3A_419, %add3A_435 : vector<16xi32>
          %gather3A_437 = tpu.vector_load_idx %arg27[%add3A_264, %add3A_436] : memref<32x256xf32, #tpu.memory_space<vmem>>[vector<16xi32>, vector<16xi32>], vector<16xf32>,
          %gather3A_438 = tpu.vector_load_idx %arg28[%add3A_264, %add3A_436] : memref<32x256xf32, #tpu.memory_space<vmem>>[vector<16xi32>, vector<16xi32>], vector<16xf32>,
          %mul3A_439 = arith.mulf %gather3A_437, %gather3A_438 : vector<16xf32>
          %add3A_440 = arith.addf %scan3A_417, %mul3A_439 : vector<16xf32>
          %add3A_441 = arith.constant 192 : i32
          %add3A_442 = vector.broadcast %add3A_441 : i32 to vector<16xi32>
          %add3A_443 = arith.addi %scan3A_419, %add3A_442 : vector<16xi32>
          %gather3A_444 = tpu.vector_load_idx %arg27[%add3A_264, %add3A_443] : memref<32x256xf32, #tpu.memory_space<vmem>>[vector<16xi32>, vector<16xi32>], vector<16xf32>,
          %gather3A_445 = tpu.vector_load_idx %arg28[%add3A_264, %add3A_443] : memref<32x256xf32, #tpu.memory_space<vmem>>[vector<16xi32>, vector<16xi32>], vector<16xf32>,
          %mul3A_446 = arith.mulf %gather3A_444, %gather3A_445 : vector<16xf32>
          %add3A_447 = arith.addf %scan3A_418, %mul3A_446 : vector<16xf32>
          %add3A_448 = arith.constant 1 : i32
          %add3A_449 = vector.broadcast %add3A_448 : i32 to vector<16xi32>
          %add3A_450 = arith.addi %scan3A_419, %add3A_449 : vector<16xi32>
          %ge3A = arith.constant 64 : i32
          %ge3A_451 = vector.broadcast %ge3A : i32 to vector<16xi32>
          %ge3A_452 = arith.cmpi sge, %add3A_450, %ge3A_451 : vector<16xi32>
          %sub3A_453 = arith.constant 64 : i32
          %sub3A_454 = vector.broadcast %sub3A_453 : i32 to vector<16xi32>
          %sub3A_455 = arith.subi %add3A_450, %sub3A_454 : vector<16xi32>
          %select_n3A_456 = arith.select %ge3A_452, %sub3A_455, %add3A_450 : vector<16xi1>, vector<16xi32>
          %add3A_457 = arith.constant 0 : i32
          %add3A_458 = vector.broadcast %add3A_457 : i32 to vector<16xi32>
          %add3A_459 = arith.addi %select_n3A_456, %add3A_458 : vector<16xi32>
          %gather3A_460 = tpu.vector_load_idx %arg27[%add3A_264, %add3A_459] : memref<32x256xf32, #tpu.memory_space<vmem>>[vector<16xi32>, vector<16xi32>], vector<16xf32>,
          %gather3A_461 = tpu.vector_load_idx %arg28[%add3A_264, %add3A_459] : memref<32x256xf32, #tpu.memory_space<vmem>>[vector<16xi32>, vector<16xi32>], vector<16xf32>,
          %mul3A_462 = arith.mulf %gather3A_460, %gather3A_461 : vector<16xf32>
          %add3A_463 = arith.addf %add3A_426, %mul3A_462 : vector<16xf32>
          %add3A_464 = arith.constant 64 : i32
          %add3A_465 = vector.broadcast %add3A_464 : i32 to vector<16xi32>
          %add3A_466 = arith.addi %select_n3A_456, %add3A_465 : vector<16xi32>
          %gather3A_467 = tpu.vector_load_idx %arg27[%add3A_264, %add3A_466] : memref<32x256xf32, #tpu.memory_space<vmem>>[vector<16xi32>, vector<16xi32>], vector<16xf32>,
          %gather3A_468 = tpu.vector_load_idx %arg28[%add3A_264, %add3A_466] : memref<32x256xf32, #tpu.memory_space<vmem>>[vector<16xi32>, vector<16xi32>], vector<16xf32>,
          %mul3A_469 = arith.mulf %gather3A_467, %gather3A_468 : vector<16xf32>
          %add3A_470 = arith.addf %add3A_433, %mul3A_469 : vector<16xf32>
          %add3A_471 = arith.constant 128 : i32
          %add3A_472 = vector.broadcast %add3A_471 : i32 to vector<16xi32>
          %add3A_473 = arith.addi %select_n3A_456, %add3A_472 : vector<16xi32>
          %gather3A_474 = tpu.vector_load_idx %arg27[%add3A_264, %add3A_473] : memref<32x256xf32, #tpu.memory_space<vmem>>[vector<16xi32>, vector<16xi32>], vector<16xf32>,
          %gather3A_475 = tpu.vector_load_idx %arg28[%add3A_264, %add3A_473] : memref<32x256xf32, #tpu.memory_space<vmem>>[vector<16xi32>, vector<16xi32>], vector<16xf32>,
          %mul3A_476 = arith.mulf %gather3A_474, %gather3A_475 : vector<16xf32>
          %add3A_477 = arith.addf %add3A_440, %mul3A_476 : vector<16xf32>
          %add3A_478 = arith.constant 192 : i32
          %add3A_479 = vector.broadcast %add3A_478 : i32 to vector<16xi32>
          %add3A_480 = arith.addi %select_n3A_456, %add3A_479 : vector<16xi32>
          %gather3A_481 = tpu.vector_load_idx %arg27[%add3A_264, %add3A_480] : memref<32x256xf32, #tpu.memory_space<vmem>>[vector<16xi32>, vector<16xi32>], vector<16xf32>,
          %gather3A_482 = tpu.vector_load_idx %arg28[%add3A_264, %add3A_480] : memref<32x256xf32, #tpu.memory_space<vmem>>[vector<16xi32>, vector<16xi32>], vector<16xf32>,
          %mul3A_483 = arith.mulf %gather3A_481, %gather3A_482 : vector<16xf32>
          %add3A_484 = arith.addf %add3A_447, %mul3A_483 : vector<16xf32>
          %add3A_485 = arith.constant 1 : i32
          %add3A_486 = vector.broadcast %add3A_485 : i32 to vector<16xi32>
          %add3A_487 = arith.addi %select_n3A_456, %add3A_486 : vector<16xi32>
          %ge3A_488 = arith.constant 64 : i32
          %ge3A_489 = vector.broadcast %ge3A_488 : i32 to vector<16xi32>
          %ge3A_490 = arith.cmpi sge, %add3A_487, %ge3A_489 : vector<16xi32>
          %sub3A_491 = arith.constant 64 : i32
          %sub3A_492 = vector.broadcast %sub3A_491 : i32 to vector<16xi32>
          %sub3A_493 = arith.subi %add3A_487, %sub3A_492 : vector<16xi32>
          %select_n3A_494 = arith.select %ge3A_490, %sub3A_493, %add3A_487 : vector<16xi1>, vector<16xi32>
          scf.yield %add3A_463, %add3A_470, %add3A_477, %add3A_484, %select_n3A_494 : vector<16xf32>, vector<16xf32>, vector<16xf32>, vector<16xf32>, vector<16xi32>
        }
        %scan3A_271 = arith.constant 32 : i32
        %get3A = arith.index_cast %add3A_260 : i32 to index
        %get3A_272 = tpu.vector_load %arg21[%get3A] {strides = array<i32>} : memref<2048xf32, #tpu.memory_space<vmem>>, vector<16xf32>,
        %get3A_273 = arith.index_cast %add3A_260 : i32 to index
        %get3A_274 = tpu.vector_load %arg20[%get3A_273] {strides = array<i32>} : memref<2048xf32, #tpu.memory_space<vmem>>, vector<16xf32>,
        %eq3A_275 = arith.constant 0.000000e+00 : f32
        %eq3A_276 = vector.broadcast %eq3A_275 : f32 to vector<16xf32>
        %eq3A_277 = arith.cmpf oeq, %get3A_274, %eq3A_276 : vector<16xf32>
        %div3A = arith.constant 1.000000e+00 : f32
        %div3A_278 = vector.broadcast %div3A : f32 to vector<16xf32>
        %div3A_279 = arith.divf %div3A_278, %get3A_274 : vector<16xf32>
        %jit3A = arith.constant 0.000000e+00 : f32
        %broadcast_in_dim3A_280 = vector.broadcast %jit3A : f32 to vector<16xf32>
        %select_n3A = arith.select %eq3A_277, %broadcast_in_dim3A_280, %div3A_279 : vector<16xi1>, vector<16xf32>
        %sub3A = arith.constant 1.000000e+00 : f32
        %sub3A_281 = vector.broadcast %sub3A : f32 to vector<16xf32>
        %sub3A_282 = arith.subf %get3A_272, %sub3A_281 : vector<16xf32>
        %mul3A_283 = arith.constant -1.000000e+09 : f32
        %mul3A_284 = vector.broadcast %mul3A_283 : f32 to vector<16xf32>
        %mul3A_285 = arith.mulf %sub3A_282, %mul3A_284 : vector<16xf32>
        %mul3A_286 = arith.constant -1.000000e+00 : f32
        %mul3A_287 = vector.broadcast %mul3A_286 : f32 to vector<16xf32>
        %mul3A_288 = arith.mulf %mul3A_285, %mul3A_287 : vector<16xf32>
        %get3A_289 = arith.index_cast %add3A_260 : i32 to index
        %get3A_290 = tpu.vector_load %arg18[%get3A_289] {strides = array<i32>} : memref<2048xi32, #tpu.memory_space<vmem>>, vector<16xi32>,
        %get3A_291 = arith.index_cast %add3A_260 : i32 to index
        %get3A_292 = tpu.vector_load %arg19[%get3A_291] {strides = array<i32>} : memref<2048xi32, #tpu.memory_space<vmem>>, vector<16xi32>,
        %mul3A_293 = arith.constant 3 : i32
        %mul3A_294 = vector.broadcast %mul3A_293 : i32 to vector<16xi32>
        %mul3A_295 = arith.muli %get3A_292, %mul3A_294 : vector<16xi32>
        %gather3A = tpu.vector_load_idx %arg17[%mul3A_295] : memref<6144xf32, #tpu.memory_space<vmem>>[vector<16xi32>], vector<16xf32>,
        %mul3A_296 = arith.constant 3 : i32
        %mul3A_297 = vector.broadcast %mul3A_296 : i32 to vector<16xi32>
        %mul3A_298 = arith.muli %get3A_292, %mul3A_297 : vector<16xi32>
        %add3A_299 = arith.constant 1 : i32
        %add3A_300 = vector.broadcast %add3A_299 : i32 to vector<16xi32>
        %add3A_301 = arith.addi %mul3A_298, %add3A_300 : vector<16xi32>
        %gather3A_302 = tpu.vector_load_idx %arg17[%add3A_301] : memref<6144xf32, #tpu.memory_space<vmem>>[vector<16xi32>], vector<16xf32>,
        %mul3A_303 = arith.constant 3 : i32
        %mul3A_304 = vector.broadcast %mul3A_303 : i32 to vector<16xi32>
        %mul3A_305 = arith.muli %get3A_292, %mul3A_304 : vector<16xi32>
        %add3A_306 = arith.constant 2 : i32
        %add3A_307 = vector.broadcast %add3A_306 : i32 to vector<16xi32>
        %add3A_308 = arith.addi %mul3A_305, %add3A_307 : vector<16xi32>
        %gather3A_309 = tpu.vector_load_idx %arg17[%add3A_308] : memref<6144xf32, #tpu.memory_space<vmem>>[vector<16xi32>], vector<16xf32>,
        %get3A_310 = arith.constant 0 : i32
        %get3A_311 = arith.index_cast %get3A_310 : i32 to index
        %get3A_312 = arith.index_cast %add3A_260 : i32 to index
        %get3A_313 = tpu.vector_load %arg22[%get3A_311, %get3A_312] {strides = array<i32>} : memref<4x2048xf32, #tpu.memory_space<vmem>>, vector<16xf32>,
        %add3A_314 = arith.addf %scan3A_270#0, %get3A_313 : vector<16xf32>
        %add3A_315 = arith.addf %add3A_314, %mul3A_288 : vector<16xf32>
        %exp3A = math.exp %add3A_315 : vector<16xf32>
        %mul3A_316 = arith.mulf %exp3A, %select_n3A : vector<16xf32>
        %add3A_317 = arith.constant 0 : i32
        %add3A_318 = vector.broadcast %add3A_317 : i32 to vector<16xi32>
        %add3A_319 = arith.addi %get3A_290, %add3A_318 : vector<16xi32>
        tpu.vector_store_idx %arg31[%add3A_319], %exp3A {add = true} : memref<40960xf32, #tpu.memory_space<vmem>>[vector<16xi32>], vector<16xf32>,
        %add3A_320 = arith.constant 8192 : i32
        %add3A_321 = vector.broadcast %add3A_320 : i32 to vector<16xi32>
        %add3A_322 = arith.addi %get3A_290, %add3A_321 : vector<16xi32>
        tpu.vector_store_idx %arg31[%add3A_322], %mul3A_316 {add = true} : memref<40960xf32, #tpu.memory_space<vmem>>[vector<16xi32>], vector<16xf32>,
        %add3A_323 = arith.constant 16384 : i32
        %add3A_324 = vector.broadcast %add3A_323 : i32 to vector<16xi32>
        %add3A_325 = arith.addi %get3A_290, %add3A_324 : vector<16xi32>
        %mul3A_326 = arith.mulf %mul3A_316, %gather3A : vector<16xf32>
        tpu.vector_store_idx %arg31[%add3A_325], %mul3A_326 {add = true} : memref<40960xf32, #tpu.memory_space<vmem>>[vector<16xi32>], vector<16xf32>,
        %add3A_327 = arith.constant 18432 : i32
        %add3A_328 = vector.broadcast %add3A_327 : i32 to vector<16xi32>
        %add3A_329 = arith.addi %get3A_290, %add3A_328 : vector<16xi32>
        %mul3A_330 = arith.mulf %mul3A_316, %gather3A_302 : vector<16xf32>
        tpu.vector_store_idx %arg31[%add3A_329], %mul3A_330 {add = true} : memref<40960xf32, #tpu.memory_space<vmem>>[vector<16xi32>], vector<16xf32>,
        %add3A_331 = arith.constant 20480 : i32
        %add3A_332 = vector.broadcast %add3A_331 : i32 to vector<16xi32>
        %add3A_333 = arith.addi %get3A_290, %add3A_332 : vector<16xi32>
        %mul3A_334 = arith.mulf %mul3A_316, %gather3A_309 : vector<16xf32>
        tpu.vector_store_idx %arg31[%add3A_333], %mul3A_334 {add = true} : memref<40960xf32, #tpu.memory_space<vmem>>[vector<16xi32>], vector<16xf32>,
        %get3A_335 = arith.constant 1 : i32
        %get3A_336 = arith.index_cast %get3A_335 : i32 to index
        %get3A_337 = arith.index_cast %add3A_260 : i32 to index
        %get3A_338 = tpu.vector_load %arg22[%get3A_336, %get3A_337] {strides = array<i32>} : memref<4x2048xf32, #tpu.memory_space<vmem>>, vector<16xf32>,
        %add3A_339 = arith.addf %scan3A_270#1, %get3A_338 : vector<16xf32>
        %add3A_340 = arith.addf %add3A_339, %mul3A_288 : vector<16xf32>
        %exp3A_341 = math.exp %add3A_340 : vector<16xf32>
        %mul3A_342 = arith.mulf %exp3A_341, %select_n3A : vector<16xf32>
        %add3A_343 = arith.constant 2048 : i32
        %add3A_344 = vector.broadcast %add3A_343 : i32 to vector<16xi32>
        %add3A_345 = arith.addi %get3A_290, %add3A_344 : vector<16xi32>
        tpu.vector_store_idx %arg31[%add3A_345], %exp3A_341 {add = true} : memref<40960xf32, #tpu.memory_space<vmem>>[vector<16xi32>], vector<16xf32>,
        %add3A_346 = arith.constant 10240 : i32
        %add3A_347 = vector.broadcast %add3A_346 : i32 to vector<16xi32>
        %add3A_348 = arith.addi %get3A_290, %add3A_347 : vector<16xi32>
        tpu.vector_store_idx %arg31[%add3A_348], %mul3A_342 {add = true} : memref<40960xf32, #tpu.memory_space<vmem>>[vector<16xi32>], vector<16xf32>,
        %add3A_349 = arith.constant 22528 : i32
        %add3A_350 = vector.broadcast %add3A_349 : i32 to vector<16xi32>
        %add3A_351 = arith.addi %get3A_290, %add3A_350 : vector<16xi32>
        %mul3A_352 = arith.mulf %mul3A_342, %gather3A : vector<16xf32>
        tpu.vector_store_idx %arg31[%add3A_351], %mul3A_352 {add = true} : memref<40960xf32, #tpu.memory_space<vmem>>[vector<16xi32>], vector<16xf32>,
        %add3A_353 = arith.constant 24576 : i32
        %add3A_354 = vector.broadcast %add3A_353 : i32 to vector<16xi32>
        %add3A_355 = arith.addi %get3A_290, %add3A_354 : vector<16xi32>
        %mul3A_356 = arith.mulf %mul3A_342, %gather3A_302 : vector<16xf32>
        tpu.vector_store_idx %arg31[%add3A_355], %mul3A_356 {add = true} : memref<40960xf32, #tpu.memory_space<vmem>>[vector<16xi32>], vector<16xf32>,
        %add3A_357 = arith.constant 26624 : i32
        %add3A_358 = vector.broadcast %add3A_357 : i32 to vector<16xi32>
        %add3A_359 = arith.addi %get3A_290, %add3A_358 : vector<16xi32>
        %mul3A_360 = arith.mulf %mul3A_342, %gather3A_309 : vector<16xf32>
        tpu.vector_store_idx %arg31[%add3A_359], %mul3A_360 {add = true} : memref<40960xf32, #tpu.memory_space<vmem>>[vector<16xi32>], vector<16xf32>,
        %get3A_361 = arith.constant 2 : i32
        %get3A_362 = arith.index_cast %get3A_361 : i32 to index
        %get3A_363 = arith.index_cast %add3A_260 : i32 to index
        %get3A_364 = tpu.vector_load %arg22[%get3A_362, %get3A_363] {strides = array<i32>} : memref<4x2048xf32, #tpu.memory_space<vmem>>, vector<16xf32>,
        %add3A_365 = arith.addf %scan3A_270#2, %get3A_364 : vector<16xf32>
        %add3A_366 = arith.addf %add3A_365, %mul3A_288 : vector<16xf32>
        %exp3A_367 = math.exp %add3A_366 : vector<16xf32>
        %mul3A_368 = arith.mulf %exp3A_367, %select_n3A : vector<16xf32>
        %add3A_369 = arith.constant 4096 : i32
        %add3A_370 = vector.broadcast %add3A_369 : i32 to vector<16xi32>
        %add3A_371 = arith.addi %get3A_290, %add3A_370 : vector<16xi32>
        tpu.vector_store_idx %arg31[%add3A_371], %exp3A_367 {add = true} : memref<40960xf32, #tpu.memory_space<vmem>>[vector<16xi32>], vector<16xf32>,
        %add3A_372 = arith.constant 12288 : i32
        %add3A_373 = vector.broadcast %add3A_372 : i32 to vector<16xi32>
        %add3A_374 = arith.addi %get3A_290, %add3A_373 : vector<16xi32>
        tpu.vector_store_idx %arg31[%add3A_374], %mul3A_368 {add = true} : memref<40960xf32, #tpu.memory_space<vmem>>[vector<16xi32>], vector<16xf32>,
        %add3A_375 = arith.constant 28672 : i32
        %add3A_376 = vector.broadcast %add3A_375 : i32 to vector<16xi32>
        %add3A_377 = arith.addi %get3A_290, %add3A_376 : vector<16xi32>
        %mul3A_378 = arith.mulf %mul3A_368, %gather3A : vector<16xf32>
        tpu.vector_store_idx %arg31[%add3A_377], %mul3A_378 {add = true} : memref<40960xf32, #tpu.memory_space<vmem>>[vector<16xi32>], vector<16xf32>,
        %add3A_379 = arith.constant 30720 : i32
        %add3A_380 = vector.broadcast %add3A_379 : i32 to vector<16xi32>
        %add3A_381 = arith.addi %get3A_290, %add3A_380 : vector<16xi32>
        %mul3A_382 = arith.mulf %mul3A_368, %gather3A_302 : vector<16xf32>
        tpu.vector_store_idx %arg31[%add3A_381], %mul3A_382 {add = true} : memref<40960xf32, #tpu.memory_space<vmem>>[vector<16xi32>], vector<16xf32>,
        %add3A_383 = arith.constant 32768 : i32
        %add3A_384 = vector.broadcast %add3A_383 : i32 to vector<16xi32>
        %add3A_385 = arith.addi %get3A_290, %add3A_384 : vector<16xi32>
        %mul3A_386 = arith.mulf %mul3A_368, %gather3A_309 : vector<16xf32>
        tpu.vector_store_idx %arg31[%add3A_385], %mul3A_386 {add = true} : memref<40960xf32, #tpu.memory_space<vmem>>[vector<16xi32>], vector<16xf32>,
        %get3A_387 = arith.constant 3 : i32
        %get3A_388 = arith.index_cast %get3A_387 : i32 to index
        %get3A_389 = arith.index_cast %add3A_260 : i32 to index
        %get3A_390 = tpu.vector_load %arg22[%get3A_388, %get3A_389] {strides = array<i32>} : memref<4x2048xf32, #tpu.memory_space<vmem>>, vector<16xf32>,
        %add3A_391 = arith.addf %scan3A_270#3, %get3A_390 : vector<16xf32>
        %add3A_392 = arith.addf %add3A_391, %mul3A_288 : vector<16xf32>
        %exp3A_393 = math.exp %add3A_392 : vector<16xf32>
        %mul3A_394 = arith.mulf %exp3A_393, %select_n3A : vector<16xf32>
        %add3A_395 = arith.constant 6144 : i32
        %add3A_396 = vector.broadcast %add3A_395 : i32 to vector<16xi32>
        %add3A_397 = arith.addi %get3A_290, %add3A_396 : vector<16xi32>
        tpu.vector_store_idx %arg31[%add3A_397], %exp3A_393 {add = true} : memref<40960xf32, #tpu.memory_space<vmem>>[vector<16xi32>], vector<16xf32>,
        %add3A_398 = arith.constant 14336 : i32
        %add3A_399 = vector.broadcast %add3A_398 : i32 to vector<16xi32>
        %add3A_400 = arith.addi %get3A_290, %add3A_399 : vector<16xi32>
        tpu.vector_store_idx %arg31[%add3A_400], %mul3A_394 {add = true} : memref<40960xf32, #tpu.memory_space<vmem>>[vector<16xi32>], vector<16xf32>,
        %add3A_401 = arith.constant 34816 : i32
        %add3A_402 = vector.broadcast %add3A_401 : i32 to vector<16xi32>
        %add3A_403 = arith.addi %get3A_290, %add3A_402 : vector<16xi32>
        %mul3A_404 = arith.mulf %mul3A_394, %gather3A : vector<16xf32>
        tpu.vector_store_idx %arg31[%add3A_403], %mul3A_404 {add = true} : memref<40960xf32, #tpu.memory_space<vmem>>[vector<16xi32>], vector<16xf32>,
        %add3A_405 = arith.constant 36864 : i32
        %add3A_406 = vector.broadcast %add3A_405 : i32 to vector<16xi32>
        %add3A_407 = arith.addi %get3A_290, %add3A_406 : vector<16xi32>
        %mul3A_408 = arith.mulf %mul3A_394, %gather3A_302 : vector<16xf32>
        tpu.vector_store_idx %arg31[%add3A_407], %mul3A_408 {add = true} : memref<40960xf32, #tpu.memory_space<vmem>>[vector<16xi32>], vector<16xf32>,
        %add3A_409 = arith.constant 38912 : i32
        %add3A_410 = vector.broadcast %add3A_409 : i32 to vector<16xi32>
        %add3A_411 = arith.addi %get3A_290, %add3A_410 : vector<16xi32>
        %mul3A_412 = arith.mulf %mul3A_394, %gather3A_309 : vector<16xf32>
        tpu.vector_store_idx %arg31[%add3A_411], %mul3A_412 {add = true} : memref<40960xf32, #tpu.memory_space<vmem>>[vector<16xi32>], vector<16xf32>,
        %scan3A_413 = arith.constant 0 : i32
        scf.yield %scan3A_413 : i32
      }
      %scan3A_229 = arith.constant 2 : i32
      %add3A_230 = arith.constant 1 : i32
      %add3A_231 = arith.addi %add3A_193, %add3A_230 : i32
      %lt3A = arith.constant 64 : i32
      %lt3A_232 = arith.cmpi slt, %add3A_231, %lt3A : i32
      %convert_element_type3A_233 = arith.extui %lt3A_232 : i1 to i32
      %cond3A_234 = arith.constant 0 : i32
      %cond3A_235 = arith.cmpi ne, %convert_element_type3A_233, %cond3A_234 : i32
      scf.if %cond3A_235 {
        %add3A_256 = arith.constant 1 : i32
        %add3A_257 = arith.addi %add3A_193, %add3A_256 : i32
        %scan3A_258 = arith.constant 0 : i32
        %scan3A_259 = arith.constant 0 : i32
        %scan3A_260 = arith.constant 2 : i32
        %scan3A_261 = arith.addi %scan3A_259, %scan3A_260 : i32
        %scan3A_262 = arith.constant 1 : i32
        %scan3A_263 = scf.for %scan3A_275 = %scan3A_259 to %scan3A_261 step %scan3A_262 iter_args(%scan3A_276 = %scan3A_258) -> (i32)  : i32 {
          %mul3A_277 = arith.constant 32 : i32
          %mul3A_278 = arith.muli %add3A_257, %mul3A_277 : i32
          %mul3A_279 = arith.constant 16 : i32
          %mul3A_280 = arith.muli %scan3A_275, %mul3A_279 : i32
          %add3A_281 = arith.addi %mul3A_278, %mul3A_280 : i32
          %get3A = arith.index_cast %add3A_281 : i32 to index
          %get3A_282 = tpu.vector_load %arg19[%get3A] {strides = array<i32>} : memref<2048xi32, #tpu.memory_space<vmem>>, vector<16xi32>,
          %gather3A = tpu.vector_load_idx %arg16[%get3A_282] : memref<2048xi32, #tpu.memory_space<vmem>>[vector<16xi32>], vector<16xi32>,
          %mul3A_283 = arith.constant 16 : i32
          %mul3A_284 = arith.muli %scan3A_275, %mul3A_283 : i32
          %swap3A = arith.index_cast %mul3A_284 : i32 to index
          %swap3A_285 = tpu.vector_load %arg24[%swap3A] {strides = array<i32>} : memref<32xi32, #tpu.memory_space<vmem>>, vector<16xi32>,
          tpu.vector_store %arg24[%swap3A], %gather3A {strides = array<i32>} : memref<32xi32, #tpu.memory_space<vmem>>, vector<16xi32>,
          %mul3A_286 = arith.constant 32 : i32
          %mul3A_287 = arith.muli %add3A_257, %mul3A_286 : i32
          %mul3A_288 = arith.constant 16 : i32
          %mul3A_289 = arith.muli %scan3A_275, %mul3A_288 : i32
          %add3A_290 = arith.addi %mul3A_287, %mul3A_289 : i32
          %get3A_291 = arith.index_cast %add3A_290 : i32 to index
          %get3A_292 = tpu.vector_load %arg18[%get3A_291] {strides = array<i32>} : memref<2048xi32, #tpu.memory_space<vmem>>, vector<16xi32>,
          %mul3A_293 = arith.constant 16 : i32
          %mul3A_294 = arith.muli %scan3A_275, %mul3A_293 : i32
          %swap3A_295 = arith.index_cast %mul3A_294 : i32 to index
          %swap3A_296 = tpu.vector_load %arg23[%swap3A_295] {strides = array<i32>} : memref<32xi32, #tpu.memory_space<vmem>>, vector<16xi32>,
          tpu.vector_store %arg23[%swap3A_295], %get3A_292 {strides = array<i32>} : memref<32xi32, #tpu.memory_space<vmem>>, vector<16xi32>,
          %scan3A_297 = arith.constant 0 : i32
          scf.yield %scan3A_297 : i32
        }
        %scan3A_264 = arith.constant 2 : i32
        %eq3A_265 = arith.constant 0 : i32
        %eq3A_266 = arith.cmpi eq, %arg0, %eq3A_265 : i32
        %convert_element_type3A_267 = arith.extui %eq3A_266 : i1 to i32
        %cond3A_268 = arith.constant 0 : i32
        %cond3A_269 = arith.cmpi ne, %convert_element_type3A_267, %cond3A_268 : i32
        scf.if %cond3A_269 {
          %dma_start3A = arith.constant 0 : i32
          %dma_start3A_275 = arith.constant 0 : i32
          %dma_start3A_276 = tpu.memref_slice %arg2[%dma_start3A, %dma_start3A_275] : memref<2048x256xf32, #tpu.memory_space<hbm>> -> memref<2048x256xf32, #tpu.memory_space<hbm>>
          tpu.enqueue_indirect_dma source(%dma_start3A_276 : memref<2048x256xf32, #tpu.memory_space<hbm>>) target(%arg27 : memref<32x256xf32, #tpu.memory_space<vmem>>) offsets(%arg23 : memref<32xi32, #tpu.memory_space<vmem>>) semaphore(%arg36 : memref<!tpu.dma_semaphore, #tpu.memory_space<semaphore_mem>>)
          %dma_start3A_277 = arith.constant 0 : i32
          %dma_start3A_278 = arith.constant 0 : i32
          %dma_start3A_279 = tpu.memref_slice %arg4[%dma_start3A_277, %dma_start3A_278] : memref<2048x256xf32, #tpu.memory_space<hbm>> -> memref<2048x256xf32, #tpu.memory_space<hbm>>
          tpu.enqueue_indirect_dma source(%dma_start3A_279 : memref<2048x256xf32, #tpu.memory_space<hbm>>) target(%arg28 : memref<32x256xf32, #tpu.memory_space<vmem>>) offsets(%arg24 : memref<32xi32, #tpu.memory_space<vmem>>) semaphore(%arg36 : memref<!tpu.dma_semaphore, #tpu.memory_space<semaphore_mem>>)
        } else {
        }
        %eq3A_270 = arith.constant 1 : i32
        %eq3A_271 = arith.cmpi eq, %arg0, %eq3A_270 : i32
        %convert_element_type3A_272 = arith.extui %eq3A_271 : i1 to i32
        %cond3A_273 = arith.constant 0 : i32
        %cond3A_274 = arith.cmpi ne, %convert_element_type3A_272, %cond3A_273 : i32
        scf.if %cond3A_274 {
          %dma_start3A = arith.constant 0 : i32
          %dma_start3A_275 = arith.constant 0 : i32
          %dma_start3A_276 = tpu.memref_slice %arg3[%dma_start3A, %dma_start3A_275] : memref<2048x256xf32, #tpu.memory_space<hbm>> -> memref<2048x256xf32, #tpu.memory_space<hbm>>
          tpu.enqueue_indirect_dma source(%dma_start3A_276 : memref<2048x256xf32, #tpu.memory_space<hbm>>) target(%arg27 : memref<32x256xf32, #tpu.memory_space<vmem>>) offsets(%arg23 : memref<32xi32, #tpu.memory_space<vmem>>) semaphore(%arg36 : memref<!tpu.dma_semaphore, #tpu.memory_space<semaphore_mem>>)
          %dma_start3A_277 = arith.constant 0 : i32
          %dma_start3A_278 = arith.constant 0 : i32
          %dma_start3A_279 = tpu.memref_slice %arg5[%dma_start3A_277, %dma_start3A_278] : memref<2048x256xf32, #tpu.memory_space<hbm>> -> memref<2048x256xf32, #tpu.memory_space<hbm>>
          tpu.enqueue_indirect_dma source(%dma_start3A_279 : memref<2048x256xf32, #tpu.memory_space<hbm>>) target(%arg28 : memref<32x256xf32, #tpu.memory_space<vmem>>) offsets(%arg24 : memref<32xi32, #tpu.memory_space<vmem>>) semaphore(%arg36 : memref<!tpu.dma_semaphore, #tpu.memory_space<semaphore_mem>>)
        } else {
        }
      } else {
      }
      %eq3A_236 = arith.constant 0 : i32
      %eq3A_237 = arith.cmpi eq, %arg0, %eq3A_236 : i32
      %convert_element_type3A_238 = arith.extui %eq3A_237 : i1 to i32
      %cond3A_239 = arith.constant 0 : i32
      %cond3A_240 = arith.cmpi ne, %convert_element_type3A_238, %cond3A_239 : i32
      scf.if %cond3A_240 {
        %dma_wait3A = arith.constant 0 : i32
        %dma_wait3A_256 = arith.constant 0 : i32
        %dma_wait3A_257 = tpu.memref_slice %arg2[%dma_wait3A, %dma_wait3A_256] : memref<2048x256xf32, #tpu.memory_space<hbm>> -> memref<2048x256xf32, #tpu.memory_space<hbm>>
        tpu.wait_indirect_dma semaphore(%arg37 : memref<!tpu.dma_semaphore, #tpu.memory_space<semaphore_mem>>) src(%dma_wait3A_257 : memref<2048x256xf32, #tpu.memory_space<hbm>>) dst(%arg29 : memref<32x256xf32, #tpu.memory_space<vmem>>)
        %dma_wait3A_258 = arith.constant 0 : i32
        %dma_wait3A_259 = arith.constant 0 : i32
        %dma_wait3A_260 = tpu.memref_slice %arg4[%dma_wait3A_258, %dma_wait3A_259] : memref<2048x256xf32, #tpu.memory_space<hbm>> -> memref<2048x256xf32, #tpu.memory_space<hbm>>
        tpu.wait_indirect_dma semaphore(%arg37 : memref<!tpu.dma_semaphore, #tpu.memory_space<semaphore_mem>>) src(%dma_wait3A_260 : memref<2048x256xf32, #tpu.memory_space<hbm>>) dst(%arg30 : memref<32x256xf32, #tpu.memory_space<vmem>>)
      } else {
      }
      %eq3A_241 = arith.constant 1 : i32
      %eq3A_242 = arith.cmpi eq, %arg0, %eq3A_241 : i32
      %convert_element_type3A_243 = arith.extui %eq3A_242 : i1 to i32
      %cond3A_244 = arith.constant 0 : i32
      %cond3A_245 = arith.cmpi ne, %convert_element_type3A_243, %cond3A_244 : i32
      scf.if %cond3A_245 {
        %dma_wait3A = arith.constant 0 : i32
        %dma_wait3A_256 = arith.constant 0 : i32
        %dma_wait3A_257 = tpu.memref_slice %arg3[%dma_wait3A, %dma_wait3A_256] : memref<2048x256xf32, #tpu.memory_space<hbm>> -> memref<2048x256xf32, #tpu.memory_space<hbm>>
        tpu.wait_indirect_dma semaphore(%arg37 : memref<!tpu.dma_semaphore, #tpu.memory_space<semaphore_mem>>) src(%dma_wait3A_257 : memref<2048x256xf32, #tpu.memory_space<hbm>>) dst(%arg29 : memref<32x256xf32, #tpu.memory_space<vmem>>)
        %dma_wait3A_258 = arith.constant 0 : i32
        %dma_wait3A_259 = arith.constant 0 : i32
        %dma_wait3A_260 = tpu.memref_slice %arg5[%dma_wait3A_258, %dma_wait3A_259] : memref<2048x256xf32, #tpu.memory_space<hbm>> -> memref<2048x256xf32, #tpu.memory_space<hbm>>
        tpu.wait_indirect_dma semaphore(%arg37 : memref<!tpu.dma_semaphore, #tpu.memory_space<semaphore_mem>>) src(%dma_wait3A_260 : memref<2048x256xf32, #tpu.memory_space<hbm>>) dst(%arg30 : memref<32x256xf32, #tpu.memory_space<vmem>>)
      } else {
      }
      %mul3A_246 = arith.constant 32 : i32
      %mul3A_247 = arith.muli %add3A_193, %mul3A_246 : i32
      %scan3A_248 = arith.constant 0 : i32
      %scan3A_249 = arith.constant 0 : i32
      %scan3A_250 = arith.constant 2 : i32
      %scan3A_251 = arith.addi %scan3A_249, %scan3A_250 : i32
      %scan3A_252 = arith.constant 1 : i32
      %scan3A_253 = scf.for %scan3A_256 = %scan3A_249 to %scan3A_251 step %scan3A_252 iter_args(%scan3A_257 = %scan3A_248) -> (i32)  : i32 {
        %mul3A_258 = arith.constant 16 : i32
        %mul3A_259 = arith.muli %scan3A_256, %mul3A_258 : i32
        %add3A_260 = arith.addi %mul3A_247, %mul3A_259 : i32
        %iota3A = tpu.iota {dimensions = array<i32: 0>} : vector<16xi32>
        %mul3A_261 = arith.constant 16 : i32
        %mul3A_262 = arith.muli %scan3A_256, %mul3A_261 : i32
        %add3A_263 = vector.broadcast %mul3A_262 : i32 to vector<16xi32>
        %add3A_264 = arith.addi %iota3A, %add3A_263 : vector<16xi32>
        %iota3A_265 = tpu.iota {dimensions = array<i32: 0>} : vector<16xi32>
        %scan3A_266 = arith.constant 0 : i32
        %scan3A_267 = arith.constant 32 : i32
        %scan3A_268 = arith.addi %scan3A_266, %scan3A_267 : i32
        %scan3A_269 = arith.constant 1 : i32
        %scan3A_270:5 = scf.for %scan3A_414 = %scan3A_266 to %scan3A_268 step %scan3A_269 iter_args(%scan3A_415 = %broadcast_in_dim3A_3, %scan3A_416 = %broadcast_in_dim3A_3, %scan3A_417 = %broadcast_in_dim3A_3, %scan3A_418 = %broadcast_in_dim3A_3, %scan3A_419 = %iota3A_265) -> (vector<16xf32>, vector<16xf32>, vector<16xf32>, vector<16xf32>, vector<16xi32>)  : i32 {
          %add3A_420 = arith.constant 0 : i32
          %add3A_421 = vector.broadcast %add3A_420 : i32 to vector<16xi32>
          %add3A_422 = arith.addi %scan3A_419, %add3A_421 : vector<16xi32>
          %gather3A_423 = tpu.vector_load_idx %arg29[%add3A_264, %add3A_422] : memref<32x256xf32, #tpu.memory_space<vmem>>[vector<16xi32>, vector<16xi32>], vector<16xf32>,
          %gather3A_424 = tpu.vector_load_idx %arg30[%add3A_264, %add3A_422] : memref<32x256xf32, #tpu.memory_space<vmem>>[vector<16xi32>, vector<16xi32>], vector<16xf32>,
          %mul3A_425 = arith.mulf %gather3A_423, %gather3A_424 : vector<16xf32>
          %add3A_426 = arith.addf %scan3A_415, %mul3A_425 : vector<16xf32>
          %add3A_427 = arith.constant 64 : i32
          %add3A_428 = vector.broadcast %add3A_427 : i32 to vector<16xi32>
          %add3A_429 = arith.addi %scan3A_419, %add3A_428 : vector<16xi32>
          %gather3A_430 = tpu.vector_load_idx %arg29[%add3A_264, %add3A_429] : memref<32x256xf32, #tpu.memory_space<vmem>>[vector<16xi32>, vector<16xi32>], vector<16xf32>,
          %gather3A_431 = tpu.vector_load_idx %arg30[%add3A_264, %add3A_429] : memref<32x256xf32, #tpu.memory_space<vmem>>[vector<16xi32>, vector<16xi32>], vector<16xf32>,
          %mul3A_432 = arith.mulf %gather3A_430, %gather3A_431 : vector<16xf32>
          %add3A_433 = arith.addf %scan3A_416, %mul3A_432 : vector<16xf32>
          %add3A_434 = arith.constant 128 : i32
          %add3A_435 = vector.broadcast %add3A_434 : i32 to vector<16xi32>
          %add3A_436 = arith.addi %scan3A_419, %add3A_435 : vector<16xi32>
          %gather3A_437 = tpu.vector_load_idx %arg29[%add3A_264, %add3A_436] : memref<32x256xf32, #tpu.memory_space<vmem>>[vector<16xi32>, vector<16xi32>], vector<16xf32>,
          %gather3A_438 = tpu.vector_load_idx %arg30[%add3A_264, %add3A_436] : memref<32x256xf32, #tpu.memory_space<vmem>>[vector<16xi32>, vector<16xi32>], vector<16xf32>,
          %mul3A_439 = arith.mulf %gather3A_437, %gather3A_438 : vector<16xf32>
          %add3A_440 = arith.addf %scan3A_417, %mul3A_439 : vector<16xf32>
          %add3A_441 = arith.constant 192 : i32
          %add3A_442 = vector.broadcast %add3A_441 : i32 to vector<16xi32>
          %add3A_443 = arith.addi %scan3A_419, %add3A_442 : vector<16xi32>
          %gather3A_444 = tpu.vector_load_idx %arg29[%add3A_264, %add3A_443] : memref<32x256xf32, #tpu.memory_space<vmem>>[vector<16xi32>, vector<16xi32>], vector<16xf32>,
          %gather3A_445 = tpu.vector_load_idx %arg30[%add3A_264, %add3A_443] : memref<32x256xf32, #tpu.memory_space<vmem>>[vector<16xi32>, vector<16xi32>], vector<16xf32>,
          %mul3A_446 = arith.mulf %gather3A_444, %gather3A_445 : vector<16xf32>
          %add3A_447 = arith.addf %scan3A_418, %mul3A_446 : vector<16xf32>
          %add3A_448 = arith.constant 1 : i32
          %add3A_449 = vector.broadcast %add3A_448 : i32 to vector<16xi32>
          %add3A_450 = arith.addi %scan3A_419, %add3A_449 : vector<16xi32>
          %ge3A = arith.constant 64 : i32
          %ge3A_451 = vector.broadcast %ge3A : i32 to vector<16xi32>
          %ge3A_452 = arith.cmpi sge, %add3A_450, %ge3A_451 : vector<16xi32>
          %sub3A_453 = arith.constant 64 : i32
          %sub3A_454 = vector.broadcast %sub3A_453 : i32 to vector<16xi32>
          %sub3A_455 = arith.subi %add3A_450, %sub3A_454 : vector<16xi32>
          %select_n3A_456 = arith.select %ge3A_452, %sub3A_455, %add3A_450 : vector<16xi1>, vector<16xi32>
          %add3A_457 = arith.constant 0 : i32
          %add3A_458 = vector.broadcast %add3A_457 : i32 to vector<16xi32>
          %add3A_459 = arith.addi %select_n3A_456, %add3A_458 : vector<16xi32>
          %gather3A_460 = tpu.vector_load_idx %arg29[%add3A_264, %add3A_459] : memref<32x256xf32, #tpu.memory_space<vmem>>[vector<16xi32>, vector<16xi32>], vector<16xf32>,
          %gather3A_461 = tpu.vector_load_idx %arg30[%add3A_264, %add3A_459] : memref<32x256xf32, #tpu.memory_space<vmem>>[vector<16xi32>, vector<16xi32>], vector<16xf32>,
          %mul3A_462 = arith.mulf %gather3A_460, %gather3A_461 : vector<16xf32>
          %add3A_463 = arith.addf %add3A_426, %mul3A_462 : vector<16xf32>
          %add3A_464 = arith.constant 64 : i32
          %add3A_465 = vector.broadcast %add3A_464 : i32 to vector<16xi32>
          %add3A_466 = arith.addi %select_n3A_456, %add3A_465 : vector<16xi32>
          %gather3A_467 = tpu.vector_load_idx %arg29[%add3A_264, %add3A_466] : memref<32x256xf32, #tpu.memory_space<vmem>>[vector<16xi32>, vector<16xi32>], vector<16xf32>,
          %gather3A_468 = tpu.vector_load_idx %arg30[%add3A_264, %add3A_466] : memref<32x256xf32, #tpu.memory_space<vmem>>[vector<16xi32>, vector<16xi32>], vector<16xf32>,
          %mul3A_469 = arith.mulf %gather3A_467, %gather3A_468 : vector<16xf32>
          %add3A_470 = arith.addf %add3A_433, %mul3A_469 : vector<16xf32>
          %add3A_471 = arith.constant 128 : i32
          %add3A_472 = vector.broadcast %add3A_471 : i32 to vector<16xi32>
          %add3A_473 = arith.addi %select_n3A_456, %add3A_472 : vector<16xi32>
          %gather3A_474 = tpu.vector_load_idx %arg29[%add3A_264, %add3A_473] : memref<32x256xf32, #tpu.memory_space<vmem>>[vector<16xi32>, vector<16xi32>], vector<16xf32>,
          %gather3A_475 = tpu.vector_load_idx %arg30[%add3A_264, %add3A_473] : memref<32x256xf32, #tpu.memory_space<vmem>>[vector<16xi32>, vector<16xi32>], vector<16xf32>,
          %mul3A_476 = arith.mulf %gather3A_474, %gather3A_475 : vector<16xf32>
          %add3A_477 = arith.addf %add3A_440, %mul3A_476 : vector<16xf32>
          %add3A_478 = arith.constant 192 : i32
          %add3A_479 = vector.broadcast %add3A_478 : i32 to vector<16xi32>
          %add3A_480 = arith.addi %select_n3A_456, %add3A_479 : vector<16xi32>
          %gather3A_481 = tpu.vector_load_idx %arg29[%add3A_264, %add3A_480] : memref<32x256xf32, #tpu.memory_space<vmem>>[vector<16xi32>, vector<16xi32>], vector<16xf32>,
          %gather3A_482 = tpu.vector_load_idx %arg30[%add3A_264, %add3A_480] : memref<32x256xf32, #tpu.memory_space<vmem>>[vector<16xi32>, vector<16xi32>], vector<16xf32>,
          %mul3A_483 = arith.mulf %gather3A_481, %gather3A_482 : vector<16xf32>
          %add3A_484 = arith.addf %add3A_447, %mul3A_483 : vector<16xf32>
          %add3A_485 = arith.constant 1 : i32
          %add3A_486 = vector.broadcast %add3A_485 : i32 to vector<16xi32>
          %add3A_487 = arith.addi %select_n3A_456, %add3A_486 : vector<16xi32>
          %ge3A_488 = arith.constant 64 : i32
          %ge3A_489 = vector.broadcast %ge3A_488 : i32 to vector<16xi32>
          %ge3A_490 = arith.cmpi sge, %add3A_487, %ge3A_489 : vector<16xi32>
          %sub3A_491 = arith.constant 64 : i32
          %sub3A_492 = vector.broadcast %sub3A_491 : i32 to vector<16xi32>
          %sub3A_493 = arith.subi %add3A_487, %sub3A_492 : vector<16xi32>
          %select_n3A_494 = arith.select %ge3A_490, %sub3A_493, %add3A_487 : vector<16xi1>, vector<16xi32>
          scf.yield %add3A_463, %add3A_470, %add3A_477, %add3A_484, %select_n3A_494 : vector<16xf32>, vector<16xf32>, vector<16xf32>, vector<16xf32>, vector<16xi32>
        }
        %scan3A_271 = arith.constant 32 : i32
        %get3A = arith.index_cast %add3A_260 : i32 to index
        %get3A_272 = tpu.vector_load %arg21[%get3A] {strides = array<i32>} : memref<2048xf32, #tpu.memory_space<vmem>>, vector<16xf32>,
        %get3A_273 = arith.index_cast %add3A_260 : i32 to index
        %get3A_274 = tpu.vector_load %arg20[%get3A_273] {strides = array<i32>} : memref<2048xf32, #tpu.memory_space<vmem>>, vector<16xf32>,
        %eq3A_275 = arith.constant 0.000000e+00 : f32
        %eq3A_276 = vector.broadcast %eq3A_275 : f32 to vector<16xf32>
        %eq3A_277 = arith.cmpf oeq, %get3A_274, %eq3A_276 : vector<16xf32>
        %div3A = arith.constant 1.000000e+00 : f32
        %div3A_278 = vector.broadcast %div3A : f32 to vector<16xf32>
        %div3A_279 = arith.divf %div3A_278, %get3A_274 : vector<16xf32>
        %jit3A = arith.constant 0.000000e+00 : f32
        %broadcast_in_dim3A_280 = vector.broadcast %jit3A : f32 to vector<16xf32>
        %select_n3A = arith.select %eq3A_277, %broadcast_in_dim3A_280, %div3A_279 : vector<16xi1>, vector<16xf32>
        %sub3A = arith.constant 1.000000e+00 : f32
        %sub3A_281 = vector.broadcast %sub3A : f32 to vector<16xf32>
        %sub3A_282 = arith.subf %get3A_272, %sub3A_281 : vector<16xf32>
        %mul3A_283 = arith.constant -1.000000e+09 : f32
        %mul3A_284 = vector.broadcast %mul3A_283 : f32 to vector<16xf32>
        %mul3A_285 = arith.mulf %sub3A_282, %mul3A_284 : vector<16xf32>
        %mul3A_286 = arith.constant -1.000000e+00 : f32
        %mul3A_287 = vector.broadcast %mul3A_286 : f32 to vector<16xf32>
        %mul3A_288 = arith.mulf %mul3A_285, %mul3A_287 : vector<16xf32>
        %get3A_289 = arith.index_cast %add3A_260 : i32 to index
        %get3A_290 = tpu.vector_load %arg18[%get3A_289] {strides = array<i32>} : memref<2048xi32, #tpu.memory_space<vmem>>, vector<16xi32>,
        %get3A_291 = arith.index_cast %add3A_260 : i32 to index
        %get3A_292 = tpu.vector_load %arg19[%get3A_291] {strides = array<i32>} : memref<2048xi32, #tpu.memory_space<vmem>>, vector<16xi32>,
        %mul3A_293 = arith.constant 3 : i32
        %mul3A_294 = vector.broadcast %mul3A_293 : i32 to vector<16xi32>
        %mul3A_295 = arith.muli %get3A_292, %mul3A_294 : vector<16xi32>
        %gather3A = tpu.vector_load_idx %arg17[%mul3A_295] : memref<6144xf32, #tpu.memory_space<vmem>>[vector<16xi32>], vector<16xf32>,
        %mul3A_296 = arith.constant 3 : i32
        %mul3A_297 = vector.broadcast %mul3A_296 : i32 to vector<16xi32>
        %mul3A_298 = arith.muli %get3A_292, %mul3A_297 : vector<16xi32>
        %add3A_299 = arith.constant 1 : i32
        %add3A_300 = vector.broadcast %add3A_299 : i32 to vector<16xi32>
        %add3A_301 = arith.addi %mul3A_298, %add3A_300 : vector<16xi32>
        %gather3A_302 = tpu.vector_load_idx %arg17[%add3A_301] : memref<6144xf32, #tpu.memory_space<vmem>>[vector<16xi32>], vector<16xf32>,
        %mul3A_303 = arith.constant 3 : i32
        %mul3A_304 = vector.broadcast %mul3A_303 : i32 to vector<16xi32>
        %mul3A_305 = arith.muli %get3A_292, %mul3A_304 : vector<16xi32>
        %add3A_306 = arith.constant 2 : i32
        %add3A_307 = vector.broadcast %add3A_306 : i32 to vector<16xi32>
        %add3A_308 = arith.addi %mul3A_305, %add3A_307 : vector<16xi32>
        %gather3A_309 = tpu.vector_load_idx %arg17[%add3A_308] : memref<6144xf32, #tpu.memory_space<vmem>>[vector<16xi32>], vector<16xf32>,
        %get3A_310 = arith.constant 0 : i32
        %get3A_311 = arith.index_cast %get3A_310 : i32 to index
        %get3A_312 = arith.index_cast %add3A_260 : i32 to index
        %get3A_313 = tpu.vector_load %arg22[%get3A_311, %get3A_312] {strides = array<i32>} : memref<4x2048xf32, #tpu.memory_space<vmem>>, vector<16xf32>,
        %add3A_314 = arith.addf %scan3A_270#0, %get3A_313 : vector<16xf32>
        %add3A_315 = arith.addf %add3A_314, %mul3A_288 : vector<16xf32>
        %exp3A = math.exp %add3A_315 : vector<16xf32>
        %mul3A_316 = arith.mulf %exp3A, %select_n3A : vector<16xf32>
        %add3A_317 = arith.constant 0 : i32
        %add3A_318 = vector.broadcast %add3A_317 : i32 to vector<16xi32>
        %add3A_319 = arith.addi %get3A_290, %add3A_318 : vector<16xi32>
        tpu.vector_store_idx %arg31[%add3A_319], %exp3A {add = true} : memref<40960xf32, #tpu.memory_space<vmem>>[vector<16xi32>], vector<16xf32>,
        %add3A_320 = arith.constant 8192 : i32
        %add3A_321 = vector.broadcast %add3A_320 : i32 to vector<16xi32>
        %add3A_322 = arith.addi %get3A_290, %add3A_321 : vector<16xi32>
        tpu.vector_store_idx %arg31[%add3A_322], %mul3A_316 {add = true} : memref<40960xf32, #tpu.memory_space<vmem>>[vector<16xi32>], vector<16xf32>,
        %add3A_323 = arith.constant 16384 : i32
        %add3A_324 = vector.broadcast %add3A_323 : i32 to vector<16xi32>
        %add3A_325 = arith.addi %get3A_290, %add3A_324 : vector<16xi32>
        %mul3A_326 = arith.mulf %mul3A_316, %gather3A : vector<16xf32>
        tpu.vector_store_idx %arg31[%add3A_325], %mul3A_326 {add = true} : memref<40960xf32, #tpu.memory_space<vmem>>[vector<16xi32>], vector<16xf32>,
        %add3A_327 = arith.constant 18432 : i32
        %add3A_328 = vector.broadcast %add3A_327 : i32 to vector<16xi32>
        %add3A_329 = arith.addi %get3A_290, %add3A_328 : vector<16xi32>
        %mul3A_330 = arith.mulf %mul3A_316, %gather3A_302 : vector<16xf32>
        tpu.vector_store_idx %arg31[%add3A_329], %mul3A_330 {add = true} : memref<40960xf32, #tpu.memory_space<vmem>>[vector<16xi32>], vector<16xf32>,
        %add3A_331 = arith.constant 20480 : i32
        %add3A_332 = vector.broadcast %add3A_331 : i32 to vector<16xi32>
        %add3A_333 = arith.addi %get3A_290, %add3A_332 : vector<16xi32>
        %mul3A_334 = arith.mulf %mul3A_316, %gather3A_309 : vector<16xf32>
        tpu.vector_store_idx %arg31[%add3A_333], %mul3A_334 {add = true} : memref<40960xf32, #tpu.memory_space<vmem>>[vector<16xi32>], vector<16xf32>,
        %get3A_335 = arith.constant 1 : i32
        %get3A_336 = arith.index_cast %get3A_335 : i32 to index
        %get3A_337 = arith.index_cast %add3A_260 : i32 to index
        %get3A_338 = tpu.vector_load %arg22[%get3A_336, %get3A_337] {strides = array<i32>} : memref<4x2048xf32, #tpu.memory_space<vmem>>, vector<16xf32>,
        %add3A_339 = arith.addf %scan3A_270#1, %get3A_338 : vector<16xf32>
        %add3A_340 = arith.addf %add3A_339, %mul3A_288 : vector<16xf32>
        %exp3A_341 = math.exp %add3A_340 : vector<16xf32>
        %mul3A_342 = arith.mulf %exp3A_341, %select_n3A : vector<16xf32>
        %add3A_343 = arith.constant 2048 : i32
        %add3A_344 = vector.broadcast %add3A_343 : i32 to vector<16xi32>
        %add3A_345 = arith.addi %get3A_290, %add3A_344 : vector<16xi32>
        tpu.vector_store_idx %arg31[%add3A_345], %exp3A_341 {add = true} : memref<40960xf32, #tpu.memory_space<vmem>>[vector<16xi32>], vector<16xf32>,
        %add3A_346 = arith.constant 10240 : i32
        %add3A_347 = vector.broadcast %add3A_346 : i32 to vector<16xi32>
        %add3A_348 = arith.addi %get3A_290, %add3A_347 : vector<16xi32>
        tpu.vector_store_idx %arg31[%add3A_348], %mul3A_342 {add = true} : memref<40960xf32, #tpu.memory_space<vmem>>[vector<16xi32>], vector<16xf32>,
        %add3A_349 = arith.constant 22528 : i32
        %add3A_350 = vector.broadcast %add3A_349 : i32 to vector<16xi32>
        %add3A_351 = arith.addi %get3A_290, %add3A_350 : vector<16xi32>
        %mul3A_352 = arith.mulf %mul3A_342, %gather3A : vector<16xf32>
        tpu.vector_store_idx %arg31[%add3A_351], %mul3A_352 {add = true} : memref<40960xf32, #tpu.memory_space<vmem>>[vector<16xi32>], vector<16xf32>,
        %add3A_353 = arith.constant 24576 : i32
        %add3A_354 = vector.broadcast %add3A_353 : i32 to vector<16xi32>
        %add3A_355 = arith.addi %get3A_290, %add3A_354 : vector<16xi32>
        %mul3A_356 = arith.mulf %mul3A_342, %gather3A_302 : vector<16xf32>
        tpu.vector_store_idx %arg31[%add3A_355], %mul3A_356 {add = true} : memref<40960xf32, #tpu.memory_space<vmem>>[vector<16xi32>], vector<16xf32>,
        %add3A_357 = arith.constant 26624 : i32
        %add3A_358 = vector.broadcast %add3A_357 : i32 to vector<16xi32>
        %add3A_359 = arith.addi %get3A_290, %add3A_358 : vector<16xi32>
        %mul3A_360 = arith.mulf %mul3A_342, %gather3A_309 : vector<16xf32>
        tpu.vector_store_idx %arg31[%add3A_359], %mul3A_360 {add = true} : memref<40960xf32, #tpu.memory_space<vmem>>[vector<16xi32>], vector<16xf32>,
        %get3A_361 = arith.constant 2 : i32
        %get3A_362 = arith.index_cast %get3A_361 : i32 to index
        %get3A_363 = arith.index_cast %add3A_260 : i32 to index
        %get3A_364 = tpu.vector_load %arg22[%get3A_362, %get3A_363] {strides = array<i32>} : memref<4x2048xf32, #tpu.memory_space<vmem>>, vector<16xf32>,
        %add3A_365 = arith.addf %scan3A_270#2, %get3A_364 : vector<16xf32>
        %add3A_366 = arith.addf %add3A_365, %mul3A_288 : vector<16xf32>
        %exp3A_367 = math.exp %add3A_366 : vector<16xf32>
        %mul3A_368 = arith.mulf %exp3A_367, %select_n3A : vector<16xf32>
        %add3A_369 = arith.constant 4096 : i32
        %add3A_370 = vector.broadcast %add3A_369 : i32 to vector<16xi32>
        %add3A_371 = arith.addi %get3A_290, %add3A_370 : vector<16xi32>
        tpu.vector_store_idx %arg31[%add3A_371], %exp3A_367 {add = true} : memref<40960xf32, #tpu.memory_space<vmem>>[vector<16xi32>], vector<16xf32>,
        %add3A_372 = arith.constant 12288 : i32
        %add3A_373 = vector.broadcast %add3A_372 : i32 to vector<16xi32>
        %add3A_374 = arith.addi %get3A_290, %add3A_373 : vector<16xi32>
        tpu.vector_store_idx %arg31[%add3A_374], %mul3A_368 {add = true} : memref<40960xf32, #tpu.memory_space<vmem>>[vector<16xi32>], vector<16xf32>,
        %add3A_375 = arith.constant 28672 : i32
        %add3A_376 = vector.broadcast %add3A_375 : i32 to vector<16xi32>
        %add3A_377 = arith.addi %get3A_290, %add3A_376 : vector<16xi32>
        %mul3A_378 = arith.mulf %mul3A_368, %gather3A : vector<16xf32>
        tpu.vector_store_idx %arg31[%add3A_377], %mul3A_378 {add = true} : memref<40960xf32, #tpu.memory_space<vmem>>[vector<16xi32>], vector<16xf32>,
        %add3A_379 = arith.constant 30720 : i32
        %add3A_380 = vector.broadcast %add3A_379 : i32 to vector<16xi32>
        %add3A_381 = arith.addi %get3A_290, %add3A_380 : vector<16xi32>
        %mul3A_382 = arith.mulf %mul3A_368, %gather3A_302 : vector<16xf32>
        tpu.vector_store_idx %arg31[%add3A_381], %mul3A_382 {add = true} : memref<40960xf32, #tpu.memory_space<vmem>>[vector<16xi32>], vector<16xf32>,
        %add3A_383 = arith.constant 32768 : i32
        %add3A_384 = vector.broadcast %add3A_383 : i32 to vector<16xi32>
        %add3A_385 = arith.addi %get3A_290, %add3A_384 : vector<16xi32>
        %mul3A_386 = arith.mulf %mul3A_368, %gather3A_309 : vector<16xf32>
        tpu.vector_store_idx %arg31[%add3A_385], %mul3A_386 {add = true} : memref<40960xf32, #tpu.memory_space<vmem>>[vector<16xi32>], vector<16xf32>,
        %get3A_387 = arith.constant 3 : i32
        %get3A_388 = arith.index_cast %get3A_387 : i32 to index
        %get3A_389 = arith.index_cast %add3A_260 : i32 to index
        %get3A_390 = tpu.vector_load %arg22[%get3A_388, %get3A_389] {strides = array<i32>} : memref<4x2048xf32, #tpu.memory_space<vmem>>, vector<16xf32>,
        %add3A_391 = arith.addf %scan3A_270#3, %get3A_390 : vector<16xf32>
        %add3A_392 = arith.addf %add3A_391, %mul3A_288 : vector<16xf32>
        %exp3A_393 = math.exp %add3A_392 : vector<16xf32>
        %mul3A_394 = arith.mulf %exp3A_393, %select_n3A : vector<16xf32>
        %add3A_395 = arith.constant 6144 : i32
        %add3A_396 = vector.broadcast %add3A_395 : i32 to vector<16xi32>
        %add3A_397 = arith.addi %get3A_290, %add3A_396 : vector<16xi32>
        tpu.vector_store_idx %arg31[%add3A_397], %exp3A_393 {add = true} : memref<40960xf32, #tpu.memory_space<vmem>>[vector<16xi32>], vector<16xf32>,
        %add3A_398 = arith.constant 14336 : i32
        %add3A_399 = vector.broadcast %add3A_398 : i32 to vector<16xi32>
        %add3A_400 = arith.addi %get3A_290, %add3A_399 : vector<16xi32>
        tpu.vector_store_idx %arg31[%add3A_400], %mul3A_394 {add = true} : memref<40960xf32, #tpu.memory_space<vmem>>[vector<16xi32>], vector<16xf32>,
        %add3A_401 = arith.constant 34816 : i32
        %add3A_402 = vector.broadcast %add3A_401 : i32 to vector<16xi32>
        %add3A_403 = arith.addi %get3A_290, %add3A_402 : vector<16xi32>
        %mul3A_404 = arith.mulf %mul3A_394, %gather3A : vector<16xf32>
        tpu.vector_store_idx %arg31[%add3A_403], %mul3A_404 {add = true} : memref<40960xf32, #tpu.memory_space<vmem>>[vector<16xi32>], vector<16xf32>,
        %add3A_405 = arith.constant 36864 : i32
        %add3A_406 = vector.broadcast %add3A_405 : i32 to vector<16xi32>
        %add3A_407 = arith.addi %get3A_290, %add3A_406 : vector<16xi32>
        %mul3A_408 = arith.mulf %mul3A_394, %gather3A_302 : vector<16xf32>
        tpu.vector_store_idx %arg31[%add3A_407], %mul3A_408 {add = true} : memref<40960xf32, #tpu.memory_space<vmem>>[vector<16xi32>], vector<16xf32>,
        %add3A_409 = arith.constant 38912 : i32
        %add3A_410 = vector.broadcast %add3A_409 : i32 to vector<16xi32>
        %add3A_411 = arith.addi %get3A_290, %add3A_410 : vector<16xi32>
        %mul3A_412 = arith.mulf %mul3A_394, %gather3A_309 : vector<16xf32>
        tpu.vector_store_idx %arg31[%add3A_411], %mul3A_412 {add = true} : memref<40960xf32, #tpu.memory_space<vmem>>[vector<16xi32>], vector<16xf32>,
        %scan3A_413 = arith.constant 0 : i32
        scf.yield %scan3A_413 : i32
      }
      %scan3A_254 = arith.constant 2 : i32
      %scan3A_255 = arith.constant 0 : i32
      scf.yield %scan3A_255 : i32
    }
    %scan3A_30 = arith.constant 32 : i32
    "tpu.region"() ({
      %run_scoped3A = tpu.sem_alloc : memref<!tpu.dma_semaphore, #tpu.memory_space<semaphore_mem>>
      %dma_start3A = arith.constant 0 : i32
      %dma_start3A_189 = tpu.memref_slice %arg15[%arg0, %arg1, %dma_start3A] : memref<2x16x40960xf32, #tpu.memory_space<hbm>> -> memref<1x1x40960xf32, #tpu.memory_space<hbm>>
      %dma_start3A_190 = tpu.memref_squeeze %dma_start3A_189 : memref<1x1x40960xf32, #tpu.memory_space<hbm>> -> memref<40960xf32, #tpu.memory_space<hbm>>
      %dma_start3A_191 = arith.constant 0 : i32
      %dma_start3A_192 = tpu.memref_slice %arg15[%arg0, %arg1, %dma_start3A_191] : memref<2x16x40960xf32, #tpu.memory_space<hbm>> -> memref<1x1x40960xf32, #tpu.memory_space<hbm>>
      %dma_start3A_193 = tpu.memref_squeeze %dma_start3A_192 : memref<1x1x40960xf32, #tpu.memory_space<hbm>> -> memref<40960xf32, #tpu.memory_space<hbm>>
      tpu.enqueue_dma source(%arg31 : memref<40960xf32, #tpu.memory_space<vmem>>) target(%dma_start3A_193 : memref<40960xf32, #tpu.memory_space<hbm>>) target_semaphore(%run_scoped3A : memref<!tpu.dma_semaphore, #tpu.memory_space<semaphore_mem>>)
      %dma_wait3A = arith.constant 0 : i32
      %dma_wait3A_194 = tpu.memref_slice %arg15[%arg0, %arg1, %dma_wait3A] : memref<2x16x40960xf32, #tpu.memory_space<hbm>> -> memref<1x1x40960xf32, #tpu.memory_space<hbm>>
      %dma_wait3A_195 = tpu.memref_squeeze %dma_wait3A_194 : memref<1x1x40960xf32, #tpu.memory_space<hbm>> -> memref<40960xf32, #tpu.memory_space<hbm>>
      %dma_wait3A_196 = arith.constant 0 : i32
      %dma_wait3A_197 = tpu.memref_slice %arg15[%arg0, %arg1, %dma_wait3A_196] : memref<2x16x40960xf32, #tpu.memory_space<hbm>> -> memref<1x1x40960xf32, #tpu.memory_space<hbm>>
      %dma_wait3A_198 = tpu.memref_squeeze %dma_wait3A_197 : memref<1x1x40960xf32, #tpu.memory_space<hbm>> -> memref<40960xf32, #tpu.memory_space<hbm>>
      tpu.wait_dma2 semaphore(%run_scoped3A : memref<!tpu.dma_semaphore, #tpu.memory_space<semaphore_mem>>) src(%arg31 : memref<40960xf32, #tpu.memory_space<vmem>>) dst(%dma_wait3A_198 : memref<40960xf32, #tpu.memory_space<hbm>>)
      tpu.yield
    }) : () -> ()
    %barrier3A = arith.constant 0 : index
    tpu.barrier barrier_id(%barrier3A)
    %scan3A_31 = arith.constant 0 : i32
    %scan3A_32 = arith.constant 0 : i32
    %scan3A_33 = arith.constant 8 : i32
    %scan3A_34 = arith.addi %scan3A_32, %scan3A_33 : i32
    %scan3A_35 = arith.constant 1 : i32
    %scan3A_36 = scf.for %scan3A_189 = %scan3A_32 to %scan3A_34 step %scan3A_35 iter_args(%scan3A_190 = %scan3A_31) -> (i32)  : i32 {
      %mul3A_191 = arith.constant 16 : i32
      %mul3A_192 = arith.muli %scan3A_189, %mul3A_191 : i32
      %swap3A = arith.constant 0 : i32
      %swap3A_193 = arith.index_cast %swap3A : i32 to index
      %swap3A_194 = arith.index_cast %mul3A_192 : i32 to index
      %swap3A_195 = tpu.vector_load %arg33[%swap3A_193, %swap3A_194] {strides = array<i32>} : memref<20x128xf32, #tpu.memory_space<vmem>>, vector<16xf32>,
      tpu.vector_store %arg33[%swap3A_193, %swap3A_194], %broadcast_in_dim3A_3 {strides = array<i32>} : memref<20x128xf32, #tpu.memory_space<vmem>>, vector<16xf32>,
      %scan3A_196 = arith.constant 0 : i32
      scf.yield %scan3A_196 : i32
    }
    %scan3A_37 = arith.constant 8 : i32
    %scan3A_38 = arith.constant 0 : i32
    %scan3A_39 = arith.constant 0 : i32
    %scan3A_40 = arith.constant 8 : i32
    %scan3A_41 = arith.addi %scan3A_39, %scan3A_40 : i32
    %scan3A_42 = arith.constant 1 : i32
    %scan3A_43 = scf.for %scan3A_189 = %scan3A_39 to %scan3A_41 step %scan3A_42 iter_args(%scan3A_190 = %scan3A_38) -> (i32)  : i32 {
      %mul3A_191 = arith.constant 16 : i32
      %mul3A_192 = arith.muli %scan3A_189, %mul3A_191 : i32
      %swap3A = arith.constant 1 : i32
      %swap3A_193 = arith.index_cast %swap3A : i32 to index
      %swap3A_194 = arith.index_cast %mul3A_192 : i32 to index
      %swap3A_195 = tpu.vector_load %arg33[%swap3A_193, %swap3A_194] {strides = array<i32>} : memref<20x128xf32, #tpu.memory_space<vmem>>, vector<16xf32>,
      tpu.vector_store %arg33[%swap3A_193, %swap3A_194], %broadcast_in_dim3A_3 {strides = array<i32>} : memref<20x128xf32, #tpu.memory_space<vmem>>, vector<16xf32>,
      %scan3A_196 = arith.constant 0 : i32
      scf.yield %scan3A_196 : i32
    }
    %scan3A_44 = arith.constant 8 : i32
    %scan3A_45 = arith.constant 0 : i32
    %scan3A_46 = arith.constant 0 : i32
    %scan3A_47 = arith.constant 8 : i32
    %scan3A_48 = arith.addi %scan3A_46, %scan3A_47 : i32
    %scan3A_49 = arith.constant 1 : i32
    %scan3A_50 = scf.for %scan3A_189 = %scan3A_46 to %scan3A_48 step %scan3A_49 iter_args(%scan3A_190 = %scan3A_45) -> (i32)  : i32 {
      %mul3A_191 = arith.constant 16 : i32
      %mul3A_192 = arith.muli %scan3A_189, %mul3A_191 : i32
      %swap3A = arith.constant 2 : i32
      %swap3A_193 = arith.index_cast %swap3A : i32 to index
      %swap3A_194 = arith.index_cast %mul3A_192 : i32 to index
      %swap3A_195 = tpu.vector_load %arg33[%swap3A_193, %swap3A_194] {strides = array<i32>} : memref<20x128xf32, #tpu.memory_space<vmem>>, vector<16xf32>,
      tpu.vector_store %arg33[%swap3A_193, %swap3A_194], %broadcast_in_dim3A_3 {strides = array<i32>} : memref<20x128xf32, #tpu.memory_space<vmem>>, vector<16xf32>,
      %scan3A_196 = arith.constant 0 : i32
      scf.yield %scan3A_196 : i32
    }
    %scan3A_51 = arith.constant 8 : i32
    %scan3A_52 = arith.constant 0 : i32
    %scan3A_53 = arith.constant 0 : i32
    %scan3A_54 = arith.constant 8 : i32
    %scan3A_55 = arith.addi %scan3A_53, %scan3A_54 : i32
    %scan3A_56 = arith.constant 1 : i32
    %scan3A_57 = scf.for %scan3A_189 = %scan3A_53 to %scan3A_55 step %scan3A_56 iter_args(%scan3A_190 = %scan3A_52) -> (i32)  : i32 {
      %mul3A_191 = arith.constant 16 : i32
      %mul3A_192 = arith.muli %scan3A_189, %mul3A_191 : i32
      %swap3A = arith.constant 3 : i32
      %swap3A_193 = arith.index_cast %swap3A : i32 to index
      %swap3A_194 = arith.index_cast %mul3A_192 : i32 to index
      %swap3A_195 = tpu.vector_load %arg33[%swap3A_193, %swap3A_194] {strides = array<i32>} : memref<20x128xf32, #tpu.memory_space<vmem>>, vector<16xf32>,
      tpu.vector_store %arg33[%swap3A_193, %swap3A_194], %broadcast_in_dim3A_3 {strides = array<i32>} : memref<20x128xf32, #tpu.memory_space<vmem>>, vector<16xf32>,
      %scan3A_196 = arith.constant 0 : i32
      scf.yield %scan3A_196 : i32
    }
    %scan3A_58 = arith.constant 8 : i32
    %scan3A_59 = arith.constant 0 : i32
    %scan3A_60 = arith.constant 0 : i32
    %scan3A_61 = arith.constant 8 : i32
    %scan3A_62 = arith.addi %scan3A_60, %scan3A_61 : i32
    %scan3A_63 = arith.constant 1 : i32
    %scan3A_64 = scf.for %scan3A_189 = %scan3A_60 to %scan3A_62 step %scan3A_63 iter_args(%scan3A_190 = %scan3A_59) -> (i32)  : i32 {
      %mul3A_191 = arith.constant 16 : i32
      %mul3A_192 = arith.muli %scan3A_189, %mul3A_191 : i32
      %swap3A = arith.constant 4 : i32
      %swap3A_193 = arith.index_cast %swap3A : i32 to index
      %swap3A_194 = arith.index_cast %mul3A_192 : i32 to index
      %swap3A_195 = tpu.vector_load %arg33[%swap3A_193, %swap3A_194] {strides = array<i32>} : memref<20x128xf32, #tpu.memory_space<vmem>>, vector<16xf32>,
      tpu.vector_store %arg33[%swap3A_193, %swap3A_194], %broadcast_in_dim3A_3 {strides = array<i32>} : memref<20x128xf32, #tpu.memory_space<vmem>>, vector<16xf32>,
      %scan3A_196 = arith.constant 0 : i32
      scf.yield %scan3A_196 : i32
    }
    %scan3A_65 = arith.constant 8 : i32
    %scan3A_66 = arith.constant 0 : i32
    %scan3A_67 = arith.constant 0 : i32
    %scan3A_68 = arith.constant 8 : i32
    %scan3A_69 = arith.addi %scan3A_67, %scan3A_68 : i32
    %scan3A_70 = arith.constant 1 : i32
    %scan3A_71 = scf.for %scan3A_189 = %scan3A_67 to %scan3A_69 step %scan3A_70 iter_args(%scan3A_190 = %scan3A_66) -> (i32)  : i32 {
      %mul3A_191 = arith.constant 16 : i32
      %mul3A_192 = arith.muli %scan3A_189, %mul3A_191 : i32
      %swap3A = arith.constant 5 : i32
      %swap3A_193 = arith.index_cast %swap3A : i32 to index
      %swap3A_194 = arith.index_cast %mul3A_192 : i32 to index
      %swap3A_195 = tpu.vector_load %arg33[%swap3A_193, %swap3A_194] {strides = array<i32>} : memref<20x128xf32, #tpu.memory_space<vmem>>, vector<16xf32>,
      tpu.vector_store %arg33[%swap3A_193, %swap3A_194], %broadcast_in_dim3A_3 {strides = array<i32>} : memref<20x128xf32, #tpu.memory_space<vmem>>, vector<16xf32>,
      %scan3A_196 = arith.constant 0 : i32
      scf.yield %scan3A_196 : i32
    }
    %scan3A_72 = arith.constant 8 : i32
    %scan3A_73 = arith.constant 0 : i32
    %scan3A_74 = arith.constant 0 : i32
    %scan3A_75 = arith.constant 8 : i32
    %scan3A_76 = arith.addi %scan3A_74, %scan3A_75 : i32
    %scan3A_77 = arith.constant 1 : i32
    %scan3A_78 = scf.for %scan3A_189 = %scan3A_74 to %scan3A_76 step %scan3A_77 iter_args(%scan3A_190 = %scan3A_73) -> (i32)  : i32 {
      %mul3A_191 = arith.constant 16 : i32
      %mul3A_192 = arith.muli %scan3A_189, %mul3A_191 : i32
      %swap3A = arith.constant 6 : i32
      %swap3A_193 = arith.index_cast %swap3A : i32 to index
      %swap3A_194 = arith.index_cast %mul3A_192 : i32 to index
      %swap3A_195 = tpu.vector_load %arg33[%swap3A_193, %swap3A_194] {strides = array<i32>} : memref<20x128xf32, #tpu.memory_space<vmem>>, vector<16xf32>,
      tpu.vector_store %arg33[%swap3A_193, %swap3A_194], %broadcast_in_dim3A_3 {strides = array<i32>} : memref<20x128xf32, #tpu.memory_space<vmem>>, vector<16xf32>,
      %scan3A_196 = arith.constant 0 : i32
      scf.yield %scan3A_196 : i32
    }
    %scan3A_79 = arith.constant 8 : i32
    %scan3A_80 = arith.constant 0 : i32
    %scan3A_81 = arith.constant 0 : i32
    %scan3A_82 = arith.constant 8 : i32
    %scan3A_83 = arith.addi %scan3A_81, %scan3A_82 : i32
    %scan3A_84 = arith.constant 1 : i32
    %scan3A_85 = scf.for %scan3A_189 = %scan3A_81 to %scan3A_83 step %scan3A_84 iter_args(%scan3A_190 = %scan3A_80) -> (i32)  : i32 {
      %mul3A_191 = arith.constant 16 : i32
      %mul3A_192 = arith.muli %scan3A_189, %mul3A_191 : i32
      %swap3A = arith.constant 7 : i32
      %swap3A_193 = arith.index_cast %swap3A : i32 to index
      %swap3A_194 = arith.index_cast %mul3A_192 : i32 to index
      %swap3A_195 = tpu.vector_load %arg33[%swap3A_193, %swap3A_194] {strides = array<i32>} : memref<20x128xf32, #tpu.memory_space<vmem>>, vector<16xf32>,
      tpu.vector_store %arg33[%swap3A_193, %swap3A_194], %broadcast_in_dim3A_3 {strides = array<i32>} : memref<20x128xf32, #tpu.memory_space<vmem>>, vector<16xf32>,
      %scan3A_196 = arith.constant 0 : i32
      scf.yield %scan3A_196 : i32
    }
    %scan3A_86 = arith.constant 8 : i32
    %scan3A_87 = arith.constant 0 : i32
    %scan3A_88 = arith.constant 0 : i32
    %scan3A_89 = arith.constant 8 : i32
    %scan3A_90 = arith.addi %scan3A_88, %scan3A_89 : i32
    %scan3A_91 = arith.constant 1 : i32
    %scan3A_92 = scf.for %scan3A_189 = %scan3A_88 to %scan3A_90 step %scan3A_91 iter_args(%scan3A_190 = %scan3A_87) -> (i32)  : i32 {
      %mul3A_191 = arith.constant 16 : i32
      %mul3A_192 = arith.muli %scan3A_189, %mul3A_191 : i32
      %swap3A = arith.constant 8 : i32
      %swap3A_193 = arith.index_cast %swap3A : i32 to index
      %swap3A_194 = arith.index_cast %mul3A_192 : i32 to index
      %swap3A_195 = tpu.vector_load %arg33[%swap3A_193, %swap3A_194] {strides = array<i32>} : memref<20x128xf32, #tpu.memory_space<vmem>>, vector<16xf32>,
      tpu.vector_store %arg33[%swap3A_193, %swap3A_194], %broadcast_in_dim3A_3 {strides = array<i32>} : memref<20x128xf32, #tpu.memory_space<vmem>>, vector<16xf32>,
      %scan3A_196 = arith.constant 0 : i32
      scf.yield %scan3A_196 : i32
    }
    %scan3A_93 = arith.constant 8 : i32
    %scan3A_94 = arith.constant 0 : i32
    %scan3A_95 = arith.constant 0 : i32
    %scan3A_96 = arith.constant 8 : i32
    %scan3A_97 = arith.addi %scan3A_95, %scan3A_96 : i32
    %scan3A_98 = arith.constant 1 : i32
    %scan3A_99 = scf.for %scan3A_189 = %scan3A_95 to %scan3A_97 step %scan3A_98 iter_args(%scan3A_190 = %scan3A_94) -> (i32)  : i32 {
      %mul3A_191 = arith.constant 16 : i32
      %mul3A_192 = arith.muli %scan3A_189, %mul3A_191 : i32
      %swap3A = arith.constant 9 : i32
      %swap3A_193 = arith.index_cast %swap3A : i32 to index
      %swap3A_194 = arith.index_cast %mul3A_192 : i32 to index
      %swap3A_195 = tpu.vector_load %arg33[%swap3A_193, %swap3A_194] {strides = array<i32>} : memref<20x128xf32, #tpu.memory_space<vmem>>, vector<16xf32>,
      tpu.vector_store %arg33[%swap3A_193, %swap3A_194], %broadcast_in_dim3A_3 {strides = array<i32>} : memref<20x128xf32, #tpu.memory_space<vmem>>, vector<16xf32>,
      %scan3A_196 = arith.constant 0 : i32
      scf.yield %scan3A_196 : i32
    }
    %scan3A_100 = arith.constant 8 : i32
    %scan3A_101 = arith.constant 0 : i32
    %scan3A_102 = arith.constant 0 : i32
    %scan3A_103 = arith.constant 8 : i32
    %scan3A_104 = arith.addi %scan3A_102, %scan3A_103 : i32
    %scan3A_105 = arith.constant 1 : i32
    %scan3A_106 = scf.for %scan3A_189 = %scan3A_102 to %scan3A_104 step %scan3A_105 iter_args(%scan3A_190 = %scan3A_101) -> (i32)  : i32 {
      %mul3A_191 = arith.constant 16 : i32
      %mul3A_192 = arith.muli %scan3A_189, %mul3A_191 : i32
      %swap3A = arith.constant 10 : i32
      %swap3A_193 = arith.index_cast %swap3A : i32 to index
      %swap3A_194 = arith.index_cast %mul3A_192 : i32 to index
      %swap3A_195 = tpu.vector_load %arg33[%swap3A_193, %swap3A_194] {strides = array<i32>} : memref<20x128xf32, #tpu.memory_space<vmem>>, vector<16xf32>,
      tpu.vector_store %arg33[%swap3A_193, %swap3A_194], %broadcast_in_dim3A_3 {strides = array<i32>} : memref<20x128xf32, #tpu.memory_space<vmem>>, vector<16xf32>,
      %scan3A_196 = arith.constant 0 : i32
      scf.yield %scan3A_196 : i32
    }
    %scan3A_107 = arith.constant 8 : i32
    %scan3A_108 = arith.constant 0 : i32
    %scan3A_109 = arith.constant 0 : i32
    %scan3A_110 = arith.constant 8 : i32
    %scan3A_111 = arith.addi %scan3A_109, %scan3A_110 : i32
    %scan3A_112 = arith.constant 1 : i32
    %scan3A_113 = scf.for %scan3A_189 = %scan3A_109 to %scan3A_111 step %scan3A_112 iter_args(%scan3A_190 = %scan3A_108) -> (i32)  : i32 {
      %mul3A_191 = arith.constant 16 : i32
      %mul3A_192 = arith.muli %scan3A_189, %mul3A_191 : i32
      %swap3A = arith.constant 11 : i32
      %swap3A_193 = arith.index_cast %swap3A : i32 to index
      %swap3A_194 = arith.index_cast %mul3A_192 : i32 to index
      %swap3A_195 = tpu.vector_load %arg33[%swap3A_193, %swap3A_194] {strides = array<i32>} : memref<20x128xf32, #tpu.memory_space<vmem>>, vector<16xf32>,
      tpu.vector_store %arg33[%swap3A_193, %swap3A_194], %broadcast_in_dim3A_3 {strides = array<i32>} : memref<20x128xf32, #tpu.memory_space<vmem>>, vector<16xf32>,
      %scan3A_196 = arith.constant 0 : i32
      scf.yield %scan3A_196 : i32
    }
    %scan3A_114 = arith.constant 8 : i32
    %scan3A_115 = arith.constant 0 : i32
    %scan3A_116 = arith.constant 0 : i32
    %scan3A_117 = arith.constant 8 : i32
    %scan3A_118 = arith.addi %scan3A_116, %scan3A_117 : i32
    %scan3A_119 = arith.constant 1 : i32
    %scan3A_120 = scf.for %scan3A_189 = %scan3A_116 to %scan3A_118 step %scan3A_119 iter_args(%scan3A_190 = %scan3A_115) -> (i32)  : i32 {
      %mul3A_191 = arith.constant 16 : i32
      %mul3A_192 = arith.muli %scan3A_189, %mul3A_191 : i32
      %swap3A = arith.constant 12 : i32
      %swap3A_193 = arith.index_cast %swap3A : i32 to index
      %swap3A_194 = arith.index_cast %mul3A_192 : i32 to index
      %swap3A_195 = tpu.vector_load %arg33[%swap3A_193, %swap3A_194] {strides = array<i32>} : memref<20x128xf32, #tpu.memory_space<vmem>>, vector<16xf32>,
      tpu.vector_store %arg33[%swap3A_193, %swap3A_194], %broadcast_in_dim3A_3 {strides = array<i32>} : memref<20x128xf32, #tpu.memory_space<vmem>>, vector<16xf32>,
      %scan3A_196 = arith.constant 0 : i32
      scf.yield %scan3A_196 : i32
    }
    %scan3A_121 = arith.constant 8 : i32
    %scan3A_122 = arith.constant 0 : i32
    %scan3A_123 = arith.constant 0 : i32
    %scan3A_124 = arith.constant 8 : i32
    %scan3A_125 = arith.addi %scan3A_123, %scan3A_124 : i32
    %scan3A_126 = arith.constant 1 : i32
    %scan3A_127 = scf.for %scan3A_189 = %scan3A_123 to %scan3A_125 step %scan3A_126 iter_args(%scan3A_190 = %scan3A_122) -> (i32)  : i32 {
      %mul3A_191 = arith.constant 16 : i32
      %mul3A_192 = arith.muli %scan3A_189, %mul3A_191 : i32
      %swap3A = arith.constant 13 : i32
      %swap3A_193 = arith.index_cast %swap3A : i32 to index
      %swap3A_194 = arith.index_cast %mul3A_192 : i32 to index
      %swap3A_195 = tpu.vector_load %arg33[%swap3A_193, %swap3A_194] {strides = array<i32>} : memref<20x128xf32, #tpu.memory_space<vmem>>, vector<16xf32>,
      tpu.vector_store %arg33[%swap3A_193, %swap3A_194], %broadcast_in_dim3A_3 {strides = array<i32>} : memref<20x128xf32, #tpu.memory_space<vmem>>, vector<16xf32>,
      %scan3A_196 = arith.constant 0 : i32
      scf.yield %scan3A_196 : i32
    }
    %scan3A_128 = arith.constant 8 : i32
    %scan3A_129 = arith.constant 0 : i32
    %scan3A_130 = arith.constant 0 : i32
    %scan3A_131 = arith.constant 8 : i32
    %scan3A_132 = arith.addi %scan3A_130, %scan3A_131 : i32
    %scan3A_133 = arith.constant 1 : i32
    %scan3A_134 = scf.for %scan3A_189 = %scan3A_130 to %scan3A_132 step %scan3A_133 iter_args(%scan3A_190 = %scan3A_129) -> (i32)  : i32 {
      %mul3A_191 = arith.constant 16 : i32
      %mul3A_192 = arith.muli %scan3A_189, %mul3A_191 : i32
      %swap3A = arith.constant 14 : i32
      %swap3A_193 = arith.index_cast %swap3A : i32 to index
      %swap3A_194 = arith.index_cast %mul3A_192 : i32 to index
      %swap3A_195 = tpu.vector_load %arg33[%swap3A_193, %swap3A_194] {strides = array<i32>} : memref<20x128xf32, #tpu.memory_space<vmem>>, vector<16xf32>,
      tpu.vector_store %arg33[%swap3A_193, %swap3A_194], %broadcast_in_dim3A_3 {strides = array<i32>} : memref<20x128xf32, #tpu.memory_space<vmem>>, vector<16xf32>,
      %scan3A_196 = arith.constant 0 : i32
      scf.yield %scan3A_196 : i32
    }
    %scan3A_135 = arith.constant 8 : i32
    %scan3A_136 = arith.constant 0 : i32
    %scan3A_137 = arith.constant 0 : i32
    %scan3A_138 = arith.constant 8 : i32
    %scan3A_139 = arith.addi %scan3A_137, %scan3A_138 : i32
    %scan3A_140 = arith.constant 1 : i32
    %scan3A_141 = scf.for %scan3A_189 = %scan3A_137 to %scan3A_139 step %scan3A_140 iter_args(%scan3A_190 = %scan3A_136) -> (i32)  : i32 {
      %mul3A_191 = arith.constant 16 : i32
      %mul3A_192 = arith.muli %scan3A_189, %mul3A_191 : i32
      %swap3A = arith.constant 15 : i32
      %swap3A_193 = arith.index_cast %swap3A : i32 to index
      %swap3A_194 = arith.index_cast %mul3A_192 : i32 to index
      %swap3A_195 = tpu.vector_load %arg33[%swap3A_193, %swap3A_194] {strides = array<i32>} : memref<20x128xf32, #tpu.memory_space<vmem>>, vector<16xf32>,
      tpu.vector_store %arg33[%swap3A_193, %swap3A_194], %broadcast_in_dim3A_3 {strides = array<i32>} : memref<20x128xf32, #tpu.memory_space<vmem>>, vector<16xf32>,
      %scan3A_196 = arith.constant 0 : i32
      scf.yield %scan3A_196 : i32
    }
    %scan3A_142 = arith.constant 8 : i32
    %scan3A_143 = arith.constant 0 : i32
    %scan3A_144 = arith.constant 0 : i32
    %scan3A_145 = arith.constant 8 : i32
    %scan3A_146 = arith.addi %scan3A_144, %scan3A_145 : i32
    %scan3A_147 = arith.constant 1 : i32
    %scan3A_148 = scf.for %scan3A_189 = %scan3A_144 to %scan3A_146 step %scan3A_147 iter_args(%scan3A_190 = %scan3A_143) -> (i32)  : i32 {
      %mul3A_191 = arith.constant 16 : i32
      %mul3A_192 = arith.muli %scan3A_189, %mul3A_191 : i32
      %swap3A = arith.constant 16 : i32
      %swap3A_193 = arith.index_cast %swap3A : i32 to index
      %swap3A_194 = arith.index_cast %mul3A_192 : i32 to index
      %swap3A_195 = tpu.vector_load %arg33[%swap3A_193, %swap3A_194] {strides = array<i32>} : memref<20x128xf32, #tpu.memory_space<vmem>>, vector<16xf32>,
      tpu.vector_store %arg33[%swap3A_193, %swap3A_194], %broadcast_in_dim3A_3 {strides = array<i32>} : memref<20x128xf32, #tpu.memory_space<vmem>>, vector<16xf32>,
      %scan3A_196 = arith.constant 0 : i32
      scf.yield %scan3A_196 : i32
    }
    %scan3A_149 = arith.constant 8 : i32
    %scan3A_150 = arith.constant 0 : i32
    %scan3A_151 = arith.constant 0 : i32
    %scan3A_152 = arith.constant 8 : i32
    %scan3A_153 = arith.addi %scan3A_151, %scan3A_152 : i32
    %scan3A_154 = arith.constant 1 : i32
    %scan3A_155 = scf.for %scan3A_189 = %scan3A_151 to %scan3A_153 step %scan3A_154 iter_args(%scan3A_190 = %scan3A_150) -> (i32)  : i32 {
      %mul3A_191 = arith.constant 16 : i32
      %mul3A_192 = arith.muli %scan3A_189, %mul3A_191 : i32
      %swap3A = arith.constant 17 : i32
      %swap3A_193 = arith.index_cast %swap3A : i32 to index
      %swap3A_194 = arith.index_cast %mul3A_192 : i32 to index
      %swap3A_195 = tpu.vector_load %arg33[%swap3A_193, %swap3A_194] {strides = array<i32>} : memref<20x128xf32, #tpu.memory_space<vmem>>, vector<16xf32>,
      tpu.vector_store %arg33[%swap3A_193, %swap3A_194], %broadcast_in_dim3A_3 {strides = array<i32>} : memref<20x128xf32, #tpu.memory_space<vmem>>, vector<16xf32>,
      %scan3A_196 = arith.constant 0 : i32
      scf.yield %scan3A_196 : i32
    }
    %scan3A_156 = arith.constant 8 : i32
    %scan3A_157 = arith.constant 0 : i32
    %scan3A_158 = arith.constant 0 : i32
    %scan3A_159 = arith.constant 8 : i32
    %scan3A_160 = arith.addi %scan3A_158, %scan3A_159 : i32
    %scan3A_161 = arith.constant 1 : i32
    %scan3A_162 = scf.for %scan3A_189 = %scan3A_158 to %scan3A_160 step %scan3A_161 iter_args(%scan3A_190 = %scan3A_157) -> (i32)  : i32 {
      %mul3A_191 = arith.constant 16 : i32
      %mul3A_192 = arith.muli %scan3A_189, %mul3A_191 : i32
      %swap3A = arith.constant 18 : i32
      %swap3A_193 = arith.index_cast %swap3A : i32 to index
      %swap3A_194 = arith.index_cast %mul3A_192 : i32 to index
      %swap3A_195 = tpu.vector_load %arg33[%swap3A_193, %swap3A_194] {strides = array<i32>} : memref<20x128xf32, #tpu.memory_space<vmem>>, vector<16xf32>,
      tpu.vector_store %arg33[%swap3A_193, %swap3A_194], %broadcast_in_dim3A_3 {strides = array<i32>} : memref<20x128xf32, #tpu.memory_space<vmem>>, vector<16xf32>,
      %scan3A_196 = arith.constant 0 : i32
      scf.yield %scan3A_196 : i32
    }
    %scan3A_163 = arith.constant 8 : i32
    %scan3A_164 = arith.constant 0 : i32
    %scan3A_165 = arith.constant 0 : i32
    %scan3A_166 = arith.constant 8 : i32
    %scan3A_167 = arith.addi %scan3A_165, %scan3A_166 : i32
    %scan3A_168 = arith.constant 1 : i32
    %scan3A_169 = scf.for %scan3A_189 = %scan3A_165 to %scan3A_167 step %scan3A_168 iter_args(%scan3A_190 = %scan3A_164) -> (i32)  : i32 {
      %mul3A_191 = arith.constant 16 : i32
      %mul3A_192 = arith.muli %scan3A_189, %mul3A_191 : i32
      %swap3A = arith.constant 19 : i32
      %swap3A_193 = arith.index_cast %swap3A : i32 to index
      %swap3A_194 = arith.index_cast %mul3A_192 : i32 to index
      %swap3A_195 = tpu.vector_load %arg33[%swap3A_193, %swap3A_194] {strides = array<i32>} : memref<20x128xf32, #tpu.memory_space<vmem>>, vector<16xf32>,
      tpu.vector_store %arg33[%swap3A_193, %swap3A_194], %broadcast_in_dim3A_3 {strides = array<i32>} : memref<20x128xf32, #tpu.memory_space<vmem>>, vector<16xf32>,
      %scan3A_196 = arith.constant 0 : i32
      scf.yield %scan3A_196 : i32
    }
    %scan3A_170 = arith.constant 8 : i32
    %scan3A_171 = arith.constant 0 : i32
    %scan3A_172 = arith.constant 0 : i32
    %scan3A_173 = arith.constant 16 : i32
    %scan3A_174 = arith.addi %scan3A_172, %scan3A_173 : i32
    %scan3A_175 = arith.constant 1 : i32
    %scan3A_176 = scf.for %scan3A_189 = %scan3A_172 to %scan3A_174 step %scan3A_175 iter_args(%scan3A_190 = %scan3A_171) -> (i32)  : i32 {
      %add3A = arith.constant 0 : i32
      %add3A_191 = arith.addi %add3A, %mul3A_2 : i32
      %dma_start3A = arith.constant 0 : i32
      %dma_start3A_192 = tpu.memref_slice %arg32[%dma_start3A] : memref<2560xf32, #tpu.memory_space<vmem>> -> memref<128xf32, #tpu.memory_space<vmem>>
      %dma_start3A_193 = tpu.memref_slice %arg15[%arg0, %scan3A_189, %add3A_191] : memref<2x16x40960xf32, #tpu.memory_space<hbm>> -> memref<1x1x128xf32, #tpu.memory_space<hbm>>
      %dma_start3A_194 = tpu.memref_squeeze %dma_start3A_193 : memref<1x1x128xf32, #tpu.memory_space<hbm>> -> memref<128xf32, #tpu.memory_space<hbm>>
      %dma_start3A_195 = arith.constant 0 : i32
      %dma_start3A_196 = tpu.memref_slice %arg32[%dma_start3A_195] : memref<2560xf32, #tpu.memory_space<vmem>> -> memref<128xf32, #tpu.memory_space<vmem>>
      %dma_start3A_197 = tpu.memref_slice %arg15[%arg0, %scan3A_189, %add3A_191] : memref<2x16x40960xf32, #tpu.memory_space<hbm>> -> memref<1x1x128xf32, #tpu.memory_space<hbm>>
      %dma_start3A_198 = tpu.memref_squeeze %dma_start3A_197 : memref<1x1x128xf32, #tpu.memory_space<hbm>> -> memref<128xf32, #tpu.memory_space<hbm>>
      tpu.enqueue_dma source(%dma_start3A_198 : memref<128xf32, #tpu.memory_space<hbm>>) target(%dma_start3A_196 : memref<128xf32, #tpu.memory_space<vmem>>) target_semaphore(%arg36 : memref<!tpu.dma_semaphore, #tpu.memory_space<semaphore_mem>>)
      %add3A_199 = arith.constant 2048 : i32
      %add3A_200 = arith.addi %add3A_199, %mul3A_2 : i32
      %dma_start3A_201 = arith.constant 128 : i32
      %dma_start3A_202 = tpu.memref_slice %arg32[%dma_start3A_201] : memref<2560xf32, #tpu.memory_space<vmem>> -> memref<128xf32, #tpu.memory_space<vmem>>
      %dma_start3A_203 = tpu.memref_slice %arg15[%arg0, %scan3A_189, %add3A_200] : memref<2x16x40960xf32, #tpu.memory_space<hbm>> -> memref<1x1x128xf32, #tpu.memory_space<hbm>>
      %dma_start3A_204 = tpu.memref_squeeze %dma_start3A_203 : memref<1x1x128xf32, #tpu.memory_space<hbm>> -> memref<128xf32, #tpu.memory_space<hbm>>
      %dma_start3A_205 = arith.constant 128 : i32
      %dma_start3A_206 = tpu.memref_slice %arg32[%dma_start3A_205] : memref<2560xf32, #tpu.memory_space<vmem>> -> memref<128xf32, #tpu.memory_space<vmem>>
      %dma_start3A_207 = tpu.memref_slice %arg15[%arg0, %scan3A_189, %add3A_200] : memref<2x16x40960xf32, #tpu.memory_space<hbm>> -> memref<1x1x128xf32, #tpu.memory_space<hbm>>
      %dma_start3A_208 = tpu.memref_squeeze %dma_start3A_207 : memref<1x1x128xf32, #tpu.memory_space<hbm>> -> memref<128xf32, #tpu.memory_space<hbm>>
      tpu.enqueue_dma source(%dma_start3A_208 : memref<128xf32, #tpu.memory_space<hbm>>) target(%dma_start3A_206 : memref<128xf32, #tpu.memory_space<vmem>>) target_semaphore(%arg36 : memref<!tpu.dma_semaphore, #tpu.memory_space<semaphore_mem>>)
      %add3A_209 = arith.constant 4096 : i32
      %add3A_210 = arith.addi %add3A_209, %mul3A_2 : i32
      %dma_start3A_211 = arith.constant 256 : i32
      %dma_start3A_212 = tpu.memref_slice %arg32[%dma_start3A_211] : memref<2560xf32, #tpu.memory_space<vmem>> -> memref<128xf32, #tpu.memory_space<vmem>>
      %dma_start3A_213 = tpu.memref_slice %arg15[%arg0, %scan3A_189, %add3A_210] : memref<2x16x40960xf32, #tpu.memory_space<hbm>> -> memref<1x1x128xf32, #tpu.memory_space<hbm>>
      %dma_start3A_214 = tpu.memref_squeeze %dma_start3A_213 : memref<1x1x128xf32, #tpu.memory_space<hbm>> -> memref<128xf32, #tpu.memory_space<hbm>>
      %dma_start3A_215 = arith.constant 256 : i32
      %dma_start3A_216 = tpu.memref_slice %arg32[%dma_start3A_215] : memref<2560xf32, #tpu.memory_space<vmem>> -> memref<128xf32, #tpu.memory_space<vmem>>
      %dma_start3A_217 = tpu.memref_slice %arg15[%arg0, %scan3A_189, %add3A_210] : memref<2x16x40960xf32, #tpu.memory_space<hbm>> -> memref<1x1x128xf32, #tpu.memory_space<hbm>>
      %dma_start3A_218 = tpu.memref_squeeze %dma_start3A_217 : memref<1x1x128xf32, #tpu.memory_space<hbm>> -> memref<128xf32, #tpu.memory_space<hbm>>
      tpu.enqueue_dma source(%dma_start3A_218 : memref<128xf32, #tpu.memory_space<hbm>>) target(%dma_start3A_216 : memref<128xf32, #tpu.memory_space<vmem>>) target_semaphore(%arg36 : memref<!tpu.dma_semaphore, #tpu.memory_space<semaphore_mem>>)
      %add3A_219 = arith.constant 6144 : i32
      %add3A_220 = arith.addi %add3A_219, %mul3A_2 : i32
      %dma_start3A_221 = arith.constant 384 : i32
      %dma_start3A_222 = tpu.memref_slice %arg32[%dma_start3A_221] : memref<2560xf32, #tpu.memory_space<vmem>> -> memref<128xf32, #tpu.memory_space<vmem>>
      %dma_start3A_223 = tpu.memref_slice %arg15[%arg0, %scan3A_189, %add3A_220] : memref<2x16x40960xf32, #tpu.memory_space<hbm>> -> memref<1x1x128xf32, #tpu.memory_space<hbm>>
      %dma_start3A_224 = tpu.memref_squeeze %dma_start3A_223 : memref<1x1x128xf32, #tpu.memory_space<hbm>> -> memref<128xf32, #tpu.memory_space<hbm>>
      %dma_start3A_225 = arith.constant 384 : i32
      %dma_start3A_226 = tpu.memref_slice %arg32[%dma_start3A_225] : memref<2560xf32, #tpu.memory_space<vmem>> -> memref<128xf32, #tpu.memory_space<vmem>>
      %dma_start3A_227 = tpu.memref_slice %arg15[%arg0, %scan3A_189, %add3A_220] : memref<2x16x40960xf32, #tpu.memory_space<hbm>> -> memref<1x1x128xf32, #tpu.memory_space<hbm>>
      %dma_start3A_228 = tpu.memref_squeeze %dma_start3A_227 : memref<1x1x128xf32, #tpu.memory_space<hbm>> -> memref<128xf32, #tpu.memory_space<hbm>>
      tpu.enqueue_dma source(%dma_start3A_228 : memref<128xf32, #tpu.memory_space<hbm>>) target(%dma_start3A_226 : memref<128xf32, #tpu.memory_space<vmem>>) target_semaphore(%arg36 : memref<!tpu.dma_semaphore, #tpu.memory_space<semaphore_mem>>)
      %add3A_229 = arith.constant 8192 : i32
      %add3A_230 = arith.addi %add3A_229, %mul3A_2 : i32
      %dma_start3A_231 = arith.constant 512 : i32
      %dma_start3A_232 = tpu.memref_slice %arg32[%dma_start3A_231] : memref<2560xf32, #tpu.memory_space<vmem>> -> memref<128xf32, #tpu.memory_space<vmem>>
      %dma_start3A_233 = tpu.memref_slice %arg15[%arg0, %scan3A_189, %add3A_230] : memref<2x16x40960xf32, #tpu.memory_space<hbm>> -> memref<1x1x128xf32, #tpu.memory_space<hbm>>
      %dma_start3A_234 = tpu.memref_squeeze %dma_start3A_233 : memref<1x1x128xf32, #tpu.memory_space<hbm>> -> memref<128xf32, #tpu.memory_space<hbm>>
      %dma_start3A_235 = arith.constant 512 : i32
      %dma_start3A_236 = tpu.memref_slice %arg32[%dma_start3A_235] : memref<2560xf32, #tpu.memory_space<vmem>> -> memref<128xf32, #tpu.memory_space<vmem>>
      %dma_start3A_237 = tpu.memref_slice %arg15[%arg0, %scan3A_189, %add3A_230] : memref<2x16x40960xf32, #tpu.memory_space<hbm>> -> memref<1x1x128xf32, #tpu.memory_space<hbm>>
      %dma_start3A_238 = tpu.memref_squeeze %dma_start3A_237 : memref<1x1x128xf32, #tpu.memory_space<hbm>> -> memref<128xf32, #tpu.memory_space<hbm>>
      tpu.enqueue_dma source(%dma_start3A_238 : memref<128xf32, #tpu.memory_space<hbm>>) target(%dma_start3A_236 : memref<128xf32, #tpu.memory_space<vmem>>) target_semaphore(%arg36 : memref<!tpu.dma_semaphore, #tpu.memory_space<semaphore_mem>>)
      %add3A_239 = arith.constant 10240 : i32
      %add3A_240 = arith.addi %add3A_239, %mul3A_2 : i32
      %dma_start3A_241 = arith.constant 640 : i32
      %dma_start3A_242 = tpu.memref_slice %arg32[%dma_start3A_241] : memref<2560xf32, #tpu.memory_space<vmem>> -> memref<128xf32, #tpu.memory_space<vmem>>
      %dma_start3A_243 = tpu.memref_slice %arg15[%arg0, %scan3A_189, %add3A_240] : memref<2x16x40960xf32, #tpu.memory_space<hbm>> -> memref<1x1x128xf32, #tpu.memory_space<hbm>>
      %dma_start3A_244 = tpu.memref_squeeze %dma_start3A_243 : memref<1x1x128xf32, #tpu.memory_space<hbm>> -> memref<128xf32, #tpu.memory_space<hbm>>
      %dma_start3A_245 = arith.constant 640 : i32
      %dma_start3A_246 = tpu.memref_slice %arg32[%dma_start3A_245] : memref<2560xf32, #tpu.memory_space<vmem>> -> memref<128xf32, #tpu.memory_space<vmem>>
      %dma_start3A_247 = tpu.memref_slice %arg15[%arg0, %scan3A_189, %add3A_240] : memref<2x16x40960xf32, #tpu.memory_space<hbm>> -> memref<1x1x128xf32, #tpu.memory_space<hbm>>
      %dma_start3A_248 = tpu.memref_squeeze %dma_start3A_247 : memref<1x1x128xf32, #tpu.memory_space<hbm>> -> memref<128xf32, #tpu.memory_space<hbm>>
      tpu.enqueue_dma source(%dma_start3A_248 : memref<128xf32, #tpu.memory_space<hbm>>) target(%dma_start3A_246 : memref<128xf32, #tpu.memory_space<vmem>>) target_semaphore(%arg36 : memref<!tpu.dma_semaphore, #tpu.memory_space<semaphore_mem>>)
      %add3A_249 = arith.constant 12288 : i32
      %add3A_250 = arith.addi %add3A_249, %mul3A_2 : i32
      %dma_start3A_251 = arith.constant 768 : i32
      %dma_start3A_252 = tpu.memref_slice %arg32[%dma_start3A_251] : memref<2560xf32, #tpu.memory_space<vmem>> -> memref<128xf32, #tpu.memory_space<vmem>>
      %dma_start3A_253 = tpu.memref_slice %arg15[%arg0, %scan3A_189, %add3A_250] : memref<2x16x40960xf32, #tpu.memory_space<hbm>> -> memref<1x1x128xf32, #tpu.memory_space<hbm>>
      %dma_start3A_254 = tpu.memref_squeeze %dma_start3A_253 : memref<1x1x128xf32, #tpu.memory_space<hbm>> -> memref<128xf32, #tpu.memory_space<hbm>>
      %dma_start3A_255 = arith.constant 768 : i32
      %dma_start3A_256 = tpu.memref_slice %arg32[%dma_start3A_255] : memref<2560xf32, #tpu.memory_space<vmem>> -> memref<128xf32, #tpu.memory_space<vmem>>
      %dma_start3A_257 = tpu.memref_slice %arg15[%arg0, %scan3A_189, %add3A_250] : memref<2x16x40960xf32, #tpu.memory_space<hbm>> -> memref<1x1x128xf32, #tpu.memory_space<hbm>>
      %dma_start3A_258 = tpu.memref_squeeze %dma_start3A_257 : memref<1x1x128xf32, #tpu.memory_space<hbm>> -> memref<128xf32, #tpu.memory_space<hbm>>
      tpu.enqueue_dma source(%dma_start3A_258 : memref<128xf32, #tpu.memory_space<hbm>>) target(%dma_start3A_256 : memref<128xf32, #tpu.memory_space<vmem>>) target_semaphore(%arg36 : memref<!tpu.dma_semaphore, #tpu.memory_space<semaphore_mem>>)
      %add3A_259 = arith.constant 14336 : i32
      %add3A_260 = arith.addi %add3A_259, %mul3A_2 : i32
      %dma_start3A_261 = arith.constant 896 : i32
      %dma_start3A_262 = tpu.memref_slice %arg32[%dma_start3A_261] : memref<2560xf32, #tpu.memory_space<vmem>> -> memref<128xf32, #tpu.memory_space<vmem>>
      %dma_start3A_263 = tpu.memref_slice %arg15[%arg0, %scan3A_189, %add3A_260] : memref<2x16x40960xf32, #tpu.memory_space<hbm>> -> memref<1x1x128xf32, #tpu.memory_space<hbm>>
      %dma_start3A_264 = tpu.memref_squeeze %dma_start3A_263 : memref<1x1x128xf32, #tpu.memory_space<hbm>> -> memref<128xf32, #tpu.memory_space<hbm>>
      %dma_start3A_265 = arith.constant 896 : i32
      %dma_start3A_266 = tpu.memref_slice %arg32[%dma_start3A_265] : memref<2560xf32, #tpu.memory_space<vmem>> -> memref<128xf32, #tpu.memory_space<vmem>>
      %dma_start3A_267 = tpu.memref_slice %arg15[%arg0, %scan3A_189, %add3A_260] : memref<2x16x40960xf32, #tpu.memory_space<hbm>> -> memref<1x1x128xf32, #tpu.memory_space<hbm>>
      %dma_start3A_268 = tpu.memref_squeeze %dma_start3A_267 : memref<1x1x128xf32, #tpu.memory_space<hbm>> -> memref<128xf32, #tpu.memory_space<hbm>>
      tpu.enqueue_dma source(%dma_start3A_268 : memref<128xf32, #tpu.memory_space<hbm>>) target(%dma_start3A_266 : memref<128xf32, #tpu.memory_space<vmem>>) target_semaphore(%arg36 : memref<!tpu.dma_semaphore, #tpu.memory_space<semaphore_mem>>)
      %add3A_269 = arith.constant 16384 : i32
      %add3A_270 = arith.addi %add3A_269, %mul3A_2 : i32
      %dma_start3A_271 = arith.constant 1024 : i32
      %dma_start3A_272 = tpu.memref_slice %arg32[%dma_start3A_271] : memref<2560xf32, #tpu.memory_space<vmem>> -> memref<128xf32, #tpu.memory_space<vmem>>
      %dma_start3A_273 = tpu.memref_slice %arg15[%arg0, %scan3A_189, %add3A_270] : memref<2x16x40960xf32, #tpu.memory_space<hbm>> -> memref<1x1x128xf32, #tpu.memory_space<hbm>>
      %dma_start3A_274 = tpu.memref_squeeze %dma_start3A_273 : memref<1x1x128xf32, #tpu.memory_space<hbm>> -> memref<128xf32, #tpu.memory_space<hbm>>
      %dma_start3A_275 = arith.constant 1024 : i32
      %dma_start3A_276 = tpu.memref_slice %arg32[%dma_start3A_275] : memref<2560xf32, #tpu.memory_space<vmem>> -> memref<128xf32, #tpu.memory_space<vmem>>
      %dma_start3A_277 = tpu.memref_slice %arg15[%arg0, %scan3A_189, %add3A_270] : memref<2x16x40960xf32, #tpu.memory_space<hbm>> -> memref<1x1x128xf32, #tpu.memory_space<hbm>>
      %dma_start3A_278 = tpu.memref_squeeze %dma_start3A_277 : memref<1x1x128xf32, #tpu.memory_space<hbm>> -> memref<128xf32, #tpu.memory_space<hbm>>
      tpu.enqueue_dma source(%dma_start3A_278 : memref<128xf32, #tpu.memory_space<hbm>>) target(%dma_start3A_276 : memref<128xf32, #tpu.memory_space<vmem>>) target_semaphore(%arg36 : memref<!tpu.dma_semaphore, #tpu.memory_space<semaphore_mem>>)
      %add3A_279 = arith.constant 18432 : i32
      %add3A_280 = arith.addi %add3A_279, %mul3A_2 : i32
      %dma_start3A_281 = arith.constant 1152 : i32
      %dma_start3A_282 = tpu.memref_slice %arg32[%dma_start3A_281] : memref<2560xf32, #tpu.memory_space<vmem>> -> memref<128xf32, #tpu.memory_space<vmem>>
      %dma_start3A_283 = tpu.memref_slice %arg15[%arg0, %scan3A_189, %add3A_280] : memref<2x16x40960xf32, #tpu.memory_space<hbm>> -> memref<1x1x128xf32, #tpu.memory_space<hbm>>
      %dma_start3A_284 = tpu.memref_squeeze %dma_start3A_283 : memref<1x1x128xf32, #tpu.memory_space<hbm>> -> memref<128xf32, #tpu.memory_space<hbm>>
      %dma_start3A_285 = arith.constant 1152 : i32
      %dma_start3A_286 = tpu.memref_slice %arg32[%dma_start3A_285] : memref<2560xf32, #tpu.memory_space<vmem>> -> memref<128xf32, #tpu.memory_space<vmem>>
      %dma_start3A_287 = tpu.memref_slice %arg15[%arg0, %scan3A_189, %add3A_280] : memref<2x16x40960xf32, #tpu.memory_space<hbm>> -> memref<1x1x128xf32, #tpu.memory_space<hbm>>
      %dma_start3A_288 = tpu.memref_squeeze %dma_start3A_287 : memref<1x1x128xf32, #tpu.memory_space<hbm>> -> memref<128xf32, #tpu.memory_space<hbm>>
      tpu.enqueue_dma source(%dma_start3A_288 : memref<128xf32, #tpu.memory_space<hbm>>) target(%dma_start3A_286 : memref<128xf32, #tpu.memory_space<vmem>>) target_semaphore(%arg36 : memref<!tpu.dma_semaphore, #tpu.memory_space<semaphore_mem>>)
      %add3A_289 = arith.constant 20480 : i32
      %add3A_290 = arith.addi %add3A_289, %mul3A_2 : i32
      %dma_start3A_291 = arith.constant 1280 : i32
      %dma_start3A_292 = tpu.memref_slice %arg32[%dma_start3A_291] : memref<2560xf32, #tpu.memory_space<vmem>> -> memref<128xf32, #tpu.memory_space<vmem>>
      %dma_start3A_293 = tpu.memref_slice %arg15[%arg0, %scan3A_189, %add3A_290] : memref<2x16x40960xf32, #tpu.memory_space<hbm>> -> memref<1x1x128xf32, #tpu.memory_space<hbm>>
      %dma_start3A_294 = tpu.memref_squeeze %dma_start3A_293 : memref<1x1x128xf32, #tpu.memory_space<hbm>> -> memref<128xf32, #tpu.memory_space<hbm>>
      %dma_start3A_295 = arith.constant 1280 : i32
      %dma_start3A_296 = tpu.memref_slice %arg32[%dma_start3A_295] : memref<2560xf32, #tpu.memory_space<vmem>> -> memref<128xf32, #tpu.memory_space<vmem>>
      %dma_start3A_297 = tpu.memref_slice %arg15[%arg0, %scan3A_189, %add3A_290] : memref<2x16x40960xf32, #tpu.memory_space<hbm>> -> memref<1x1x128xf32, #tpu.memory_space<hbm>>
      %dma_start3A_298 = tpu.memref_squeeze %dma_start3A_297 : memref<1x1x128xf32, #tpu.memory_space<hbm>> -> memref<128xf32, #tpu.memory_space<hbm>>
      tpu.enqueue_dma source(%dma_start3A_298 : memref<128xf32, #tpu.memory_space<hbm>>) target(%dma_start3A_296 : memref<128xf32, #tpu.memory_space<vmem>>) target_semaphore(%arg36 : memref<!tpu.dma_semaphore, #tpu.memory_space<semaphore_mem>>)
      %add3A_299 = arith.constant 22528 : i32
      %add3A_300 = arith.addi %add3A_299, %mul3A_2 : i32
      %dma_start3A_301 = arith.constant 1408 : i32
      %dma_start3A_302 = tpu.memref_slice %arg32[%dma_start3A_301] : memref<2560xf32, #tpu.memory_space<vmem>> -> memref<128xf32, #tpu.memory_space<vmem>>
      %dma_start3A_303 = tpu.memref_slice %arg15[%arg0, %scan3A_189, %add3A_300] : memref<2x16x40960xf32, #tpu.memory_space<hbm>> -> memref<1x1x128xf32, #tpu.memory_space<hbm>>
      %dma_start3A_304 = tpu.memref_squeeze %dma_start3A_303 : memref<1x1x128xf32, #tpu.memory_space<hbm>> -> memref<128xf32, #tpu.memory_space<hbm>>
      %dma_start3A_305 = arith.constant 1408 : i32
      %dma_start3A_306 = tpu.memref_slice %arg32[%dma_start3A_305] : memref<2560xf32, #tpu.memory_space<vmem>> -> memref<128xf32, #tpu.memory_space<vmem>>
      %dma_start3A_307 = tpu.memref_slice %arg15[%arg0, %scan3A_189, %add3A_300] : memref<2x16x40960xf32, #tpu.memory_space<hbm>> -> memref<1x1x128xf32, #tpu.memory_space<hbm>>
      %dma_start3A_308 = tpu.memref_squeeze %dma_start3A_307 : memref<1x1x128xf32, #tpu.memory_space<hbm>> -> memref<128xf32, #tpu.memory_space<hbm>>
      tpu.enqueue_dma source(%dma_start3A_308 : memref<128xf32, #tpu.memory_space<hbm>>) target(%dma_start3A_306 : memref<128xf32, #tpu.memory_space<vmem>>) target_semaphore(%arg36 : memref<!tpu.dma_semaphore, #tpu.memory_space<semaphore_mem>>)
      %add3A_309 = arith.constant 24576 : i32
      %add3A_310 = arith.addi %add3A_309, %mul3A_2 : i32
      %dma_start3A_311 = arith.constant 1536 : i32
      %dma_start3A_312 = tpu.memref_slice %arg32[%dma_start3A_311] : memref<2560xf32, #tpu.memory_space<vmem>> -> memref<128xf32, #tpu.memory_space<vmem>>
      %dma_start3A_313 = tpu.memref_slice %arg15[%arg0, %scan3A_189, %add3A_310] : memref<2x16x40960xf32, #tpu.memory_space<hbm>> -> memref<1x1x128xf32, #tpu.memory_space<hbm>>
      %dma_start3A_314 = tpu.memref_squeeze %dma_start3A_313 : memref<1x1x128xf32, #tpu.memory_space<hbm>> -> memref<128xf32, #tpu.memory_space<hbm>>
      %dma_start3A_315 = arith.constant 1536 : i32
      %dma_start3A_316 = tpu.memref_slice %arg32[%dma_start3A_315] : memref<2560xf32, #tpu.memory_space<vmem>> -> memref<128xf32, #tpu.memory_space<vmem>>
      %dma_start3A_317 = tpu.memref_slice %arg15[%arg0, %scan3A_189, %add3A_310] : memref<2x16x40960xf32, #tpu.memory_space<hbm>> -> memref<1x1x128xf32, #tpu.memory_space<hbm>>
      %dma_start3A_318 = tpu.memref_squeeze %dma_start3A_317 : memref<1x1x128xf32, #tpu.memory_space<hbm>> -> memref<128xf32, #tpu.memory_space<hbm>>
      tpu.enqueue_dma source(%dma_start3A_318 : memref<128xf32, #tpu.memory_space<hbm>>) target(%dma_start3A_316 : memref<128xf32, #tpu.memory_space<vmem>>) target_semaphore(%arg36 : memref<!tpu.dma_semaphore, #tpu.memory_space<semaphore_mem>>)
      %add3A_319 = arith.constant 26624 : i32
      %add3A_320 = arith.addi %add3A_319, %mul3A_2 : i32
      %dma_start3A_321 = arith.constant 1664 : i32
      %dma_start3A_322 = tpu.memref_slice %arg32[%dma_start3A_321] : memref<2560xf32, #tpu.memory_space<vmem>> -> memref<128xf32, #tpu.memory_space<vmem>>
      %dma_start3A_323 = tpu.memref_slice %arg15[%arg0, %scan3A_189, %add3A_320] : memref<2x16x40960xf32, #tpu.memory_space<hbm>> -> memref<1x1x128xf32, #tpu.memory_space<hbm>>
      %dma_start3A_324 = tpu.memref_squeeze %dma_start3A_323 : memref<1x1x128xf32, #tpu.memory_space<hbm>> -> memref<128xf32, #tpu.memory_space<hbm>>
      %dma_start3A_325 = arith.constant 1664 : i32
      %dma_start3A_326 = tpu.memref_slice %arg32[%dma_start3A_325] : memref<2560xf32, #tpu.memory_space<vmem>> -> memref<128xf32, #tpu.memory_space<vmem>>
      %dma_start3A_327 = tpu.memref_slice %arg15[%arg0, %scan3A_189, %add3A_320] : memref<2x16x40960xf32, #tpu.memory_space<hbm>> -> memref<1x1x128xf32, #tpu.memory_space<hbm>>
      %dma_start3A_328 = tpu.memref_squeeze %dma_start3A_327 : memref<1x1x128xf32, #tpu.memory_space<hbm>> -> memref<128xf32, #tpu.memory_space<hbm>>
      tpu.enqueue_dma source(%dma_start3A_328 : memref<128xf32, #tpu.memory_space<hbm>>) target(%dma_start3A_326 : memref<128xf32, #tpu.memory_space<vmem>>) target_semaphore(%arg36 : memref<!tpu.dma_semaphore, #tpu.memory_space<semaphore_mem>>)
      %add3A_329 = arith.constant 28672 : i32
      %add3A_330 = arith.addi %add3A_329, %mul3A_2 : i32
      %dma_start3A_331 = arith.constant 1792 : i32
      %dma_start3A_332 = tpu.memref_slice %arg32[%dma_start3A_331] : memref<2560xf32, #tpu.memory_space<vmem>> -> memref<128xf32, #tpu.memory_space<vmem>>
      %dma_start3A_333 = tpu.memref_slice %arg15[%arg0, %scan3A_189, %add3A_330] : memref<2x16x40960xf32, #tpu.memory_space<hbm>> -> memref<1x1x128xf32, #tpu.memory_space<hbm>>
      %dma_start3A_334 = tpu.memref_squeeze %dma_start3A_333 : memref<1x1x128xf32, #tpu.memory_space<hbm>> -> memref<128xf32, #tpu.memory_space<hbm>>
      %dma_start3A_335 = arith.constant 1792 : i32
      %dma_start3A_336 = tpu.memref_slice %arg32[%dma_start3A_335] : memref<2560xf32, #tpu.memory_space<vmem>> -> memref<128xf32, #tpu.memory_space<vmem>>
      %dma_start3A_337 = tpu.memref_slice %arg15[%arg0, %scan3A_189, %add3A_330] : memref<2x16x40960xf32, #tpu.memory_space<hbm>> -> memref<1x1x128xf32, #tpu.memory_space<hbm>>
      %dma_start3A_338 = tpu.memref_squeeze %dma_start3A_337 : memref<1x1x128xf32, #tpu.memory_space<hbm>> -> memref<128xf32, #tpu.memory_space<hbm>>
      tpu.enqueue_dma source(%dma_start3A_338 : memref<128xf32, #tpu.memory_space<hbm>>) target(%dma_start3A_336 : memref<128xf32, #tpu.memory_space<vmem>>) target_semaphore(%arg36 : memref<!tpu.dma_semaphore, #tpu.memory_space<semaphore_mem>>)
      %add3A_339 = arith.constant 30720 : i32
      %add3A_340 = arith.addi %add3A_339, %mul3A_2 : i32
      %dma_start3A_341 = arith.constant 1920 : i32
      %dma_start3A_342 = tpu.memref_slice %arg32[%dma_start3A_341] : memref<2560xf32, #tpu.memory_space<vmem>> -> memref<128xf32, #tpu.memory_space<vmem>>
      %dma_start3A_343 = tpu.memref_slice %arg15[%arg0, %scan3A_189, %add3A_340] : memref<2x16x40960xf32, #tpu.memory_space<hbm>> -> memref<1x1x128xf32, #tpu.memory_space<hbm>>
      %dma_start3A_344 = tpu.memref_squeeze %dma_start3A_343 : memref<1x1x128xf32, #tpu.memory_space<hbm>> -> memref<128xf32, #tpu.memory_space<hbm>>
      %dma_start3A_345 = arith.constant 1920 : i32
      %dma_start3A_346 = tpu.memref_slice %arg32[%dma_start3A_345] : memref<2560xf32, #tpu.memory_space<vmem>> -> memref<128xf32, #tpu.memory_space<vmem>>
      %dma_start3A_347 = tpu.memref_slice %arg15[%arg0, %scan3A_189, %add3A_340] : memref<2x16x40960xf32, #tpu.memory_space<hbm>> -> memref<1x1x128xf32, #tpu.memory_space<hbm>>
      %dma_start3A_348 = tpu.memref_squeeze %dma_start3A_347 : memref<1x1x128xf32, #tpu.memory_space<hbm>> -> memref<128xf32, #tpu.memory_space<hbm>>
      tpu.enqueue_dma source(%dma_start3A_348 : memref<128xf32, #tpu.memory_space<hbm>>) target(%dma_start3A_346 : memref<128xf32, #tpu.memory_space<vmem>>) target_semaphore(%arg36 : memref<!tpu.dma_semaphore, #tpu.memory_space<semaphore_mem>>)
      %add3A_349 = arith.constant 32768 : i32
      %add3A_350 = arith.addi %add3A_349, %mul3A_2 : i32
      %dma_start3A_351 = arith.constant 2048 : i32
      %dma_start3A_352 = tpu.memref_slice %arg32[%dma_start3A_351] : memref<2560xf32, #tpu.memory_space<vmem>> -> memref<128xf32, #tpu.memory_space<vmem>>
      %dma_start3A_353 = tpu.memref_slice %arg15[%arg0, %scan3A_189, %add3A_350] : memref<2x16x40960xf32, #tpu.memory_space<hbm>> -> memref<1x1x128xf32, #tpu.memory_space<hbm>>
      %dma_start3A_354 = tpu.memref_squeeze %dma_start3A_353 : memref<1x1x128xf32, #tpu.memory_space<hbm>> -> memref<128xf32, #tpu.memory_space<hbm>>
      %dma_start3A_355 = arith.constant 2048 : i32
      %dma_start3A_356 = tpu.memref_slice %arg32[%dma_start3A_355] : memref<2560xf32, #tpu.memory_space<vmem>> -> memref<128xf32, #tpu.memory_space<vmem>>
      %dma_start3A_357 = tpu.memref_slice %arg15[%arg0, %scan3A_189, %add3A_350] : memref<2x16x40960xf32, #tpu.memory_space<hbm>> -> memref<1x1x128xf32, #tpu.memory_space<hbm>>
      %dma_start3A_358 = tpu.memref_squeeze %dma_start3A_357 : memref<1x1x128xf32, #tpu.memory_space<hbm>> -> memref<128xf32, #tpu.memory_space<hbm>>
      tpu.enqueue_dma source(%dma_start3A_358 : memref<128xf32, #tpu.memory_space<hbm>>) target(%dma_start3A_356 : memref<128xf32, #tpu.memory_space<vmem>>) target_semaphore(%arg36 : memref<!tpu.dma_semaphore, #tpu.memory_space<semaphore_mem>>)
      %add3A_359 = arith.constant 34816 : i32
      %add3A_360 = arith.addi %add3A_359, %mul3A_2 : i32
      %dma_start3A_361 = arith.constant 2176 : i32
      %dma_start3A_362 = tpu.memref_slice %arg32[%dma_start3A_361] : memref<2560xf32, #tpu.memory_space<vmem>> -> memref<128xf32, #tpu.memory_space<vmem>>
      %dma_start3A_363 = tpu.memref_slice %arg15[%arg0, %scan3A_189, %add3A_360] : memref<2x16x40960xf32, #tpu.memory_space<hbm>> -> memref<1x1x128xf32, #tpu.memory_space<hbm>>
      %dma_start3A_364 = tpu.memref_squeeze %dma_start3A_363 : memref<1x1x128xf32, #tpu.memory_space<hbm>> -> memref<128xf32, #tpu.memory_space<hbm>>
      %dma_start3A_365 = arith.constant 2176 : i32
      %dma_start3A_366 = tpu.memref_slice %arg32[%dma_start3A_365] : memref<2560xf32, #tpu.memory_space<vmem>> -> memref<128xf32, #tpu.memory_space<vmem>>
      %dma_start3A_367 = tpu.memref_slice %arg15[%arg0, %scan3A_189, %add3A_360] : memref<2x16x40960xf32, #tpu.memory_space<hbm>> -> memref<1x1x128xf32, #tpu.memory_space<hbm>>
      %dma_start3A_368 = tpu.memref_squeeze %dma_start3A_367 : memref<1x1x128xf32, #tpu.memory_space<hbm>> -> memref<128xf32, #tpu.memory_space<hbm>>
      tpu.enqueue_dma source(%dma_start3A_368 : memref<128xf32, #tpu.memory_space<hbm>>) target(%dma_start3A_366 : memref<128xf32, #tpu.memory_space<vmem>>) target_semaphore(%arg36 : memref<!tpu.dma_semaphore, #tpu.memory_space<semaphore_mem>>)
      %add3A_369 = arith.constant 36864 : i32
      %add3A_370 = arith.addi %add3A_369, %mul3A_2 : i32
      %dma_start3A_371 = arith.constant 2304 : i32
      %dma_start3A_372 = tpu.memref_slice %arg32[%dma_start3A_371] : memref<2560xf32, #tpu.memory_space<vmem>> -> memref<128xf32, #tpu.memory_space<vmem>>
      %dma_start3A_373 = tpu.memref_slice %arg15[%arg0, %scan3A_189, %add3A_370] : memref<2x16x40960xf32, #tpu.memory_space<hbm>> -> memref<1x1x128xf32, #tpu.memory_space<hbm>>
      %dma_start3A_374 = tpu.memref_squeeze %dma_start3A_373 : memref<1x1x128xf32, #tpu.memory_space<hbm>> -> memref<128xf32, #tpu.memory_space<hbm>>
      %dma_start3A_375 = arith.constant 2304 : i32
      %dma_start3A_376 = tpu.memref_slice %arg32[%dma_start3A_375] : memref<2560xf32, #tpu.memory_space<vmem>> -> memref<128xf32, #tpu.memory_space<vmem>>
      %dma_start3A_377 = tpu.memref_slice %arg15[%arg0, %scan3A_189, %add3A_370] : memref<2x16x40960xf32, #tpu.memory_space<hbm>> -> memref<1x1x128xf32, #tpu.memory_space<hbm>>
      %dma_start3A_378 = tpu.memref_squeeze %dma_start3A_377 : memref<1x1x128xf32, #tpu.memory_space<hbm>> -> memref<128xf32, #tpu.memory_space<hbm>>
      tpu.enqueue_dma source(%dma_start3A_378 : memref<128xf32, #tpu.memory_space<hbm>>) target(%dma_start3A_376 : memref<128xf32, #tpu.memory_space<vmem>>) target_semaphore(%arg36 : memref<!tpu.dma_semaphore, #tpu.memory_space<semaphore_mem>>)
      %add3A_379 = arith.constant 38912 : i32
      %add3A_380 = arith.addi %add3A_379, %mul3A_2 : i32
      %dma_start3A_381 = arith.constant 2432 : i32
      %dma_start3A_382 = tpu.memref_slice %arg32[%dma_start3A_381] : memref<2560xf32, #tpu.memory_space<vmem>> -> memref<128xf32, #tpu.memory_space<vmem>>
      %dma_start3A_383 = tpu.memref_slice %arg15[%arg0, %scan3A_189, %add3A_380] : memref<2x16x40960xf32, #tpu.memory_space<hbm>> -> memref<1x1x128xf32, #tpu.memory_space<hbm>>
      %dma_start3A_384 = tpu.memref_squeeze %dma_start3A_383 : memref<1x1x128xf32, #tpu.memory_space<hbm>> -> memref<128xf32, #tpu.memory_space<hbm>>
      %dma_start3A_385 = arith.constant 2432 : i32
      %dma_start3A_386 = tpu.memref_slice %arg32[%dma_start3A_385] : memref<2560xf32, #tpu.memory_space<vmem>> -> memref<128xf32, #tpu.memory_space<vmem>>
      %dma_start3A_387 = tpu.memref_slice %arg15[%arg0, %scan3A_189, %add3A_380] : memref<2x16x40960xf32, #tpu.memory_space<hbm>> -> memref<1x1x128xf32, #tpu.memory_space<hbm>>
      %dma_start3A_388 = tpu.memref_squeeze %dma_start3A_387 : memref<1x1x128xf32, #tpu.memory_space<hbm>> -> memref<128xf32, #tpu.memory_space<hbm>>
      tpu.enqueue_dma source(%dma_start3A_388 : memref<128xf32, #tpu.memory_space<hbm>>) target(%dma_start3A_386 : memref<128xf32, #tpu.memory_space<vmem>>) target_semaphore(%arg36 : memref<!tpu.dma_semaphore, #tpu.memory_space<semaphore_mem>>)
      %add3A_389 = arith.constant 0 : i32
      %add3A_390 = arith.addi %add3A_389, %mul3A_2 : i32
      %dma_wait3A = arith.constant 0 : i32
      %dma_wait3A_391 = tpu.memref_slice %arg32[%dma_wait3A] : memref<2560xf32, #tpu.memory_space<vmem>> -> memref<128xf32, #tpu.memory_space<vmem>>
      %dma_wait3A_392 = tpu.memref_slice %arg15[%arg0, %scan3A_189, %add3A_390] : memref<2x16x40960xf32, #tpu.memory_space<hbm>> -> memref<1x1x128xf32, #tpu.memory_space<hbm>>
      %dma_wait3A_393 = tpu.memref_squeeze %dma_wait3A_392 : memref<1x1x128xf32, #tpu.memory_space<hbm>> -> memref<128xf32, #tpu.memory_space<hbm>>
      %dma_wait3A_394 = arith.constant 0 : i32
      %dma_wait3A_395 = tpu.memref_slice %arg32[%dma_wait3A_394] : memref<2560xf32, #tpu.memory_space<vmem>> -> memref<128xf32, #tpu.memory_space<vmem>>
      %dma_wait3A_396 = tpu.memref_slice %arg15[%arg0, %scan3A_189, %add3A_390] : memref<2x16x40960xf32, #tpu.memory_space<hbm>> -> memref<1x1x128xf32, #tpu.memory_space<hbm>>
      %dma_wait3A_397 = tpu.memref_squeeze %dma_wait3A_396 : memref<1x1x128xf32, #tpu.memory_space<hbm>> -> memref<128xf32, #tpu.memory_space<hbm>>
      tpu.wait_dma2 semaphore(%arg36 : memref<!tpu.dma_semaphore, #tpu.memory_space<semaphore_mem>>) src(%dma_wait3A_397 : memref<128xf32, #tpu.memory_space<hbm>>) dst(%dma_wait3A_395 : memref<128xf32, #tpu.memory_space<vmem>>)
      %add3A_398 = arith.constant 2048 : i32
      %add3A_399 = arith.addi %add3A_398, %mul3A_2 : i32
      %dma_wait3A_400 = arith.constant 128 : i32
      %dma_wait3A_401 = tpu.memref_slice %arg32[%dma_wait3A_400] : memref<2560xf32, #tpu.memory_space<vmem>> -> memref<128xf32, #tpu.memory_space<vmem>>
      %dma_wait3A_402 = tpu.memref_slice %arg15[%arg0, %scan3A_189, %add3A_399] : memref<2x16x40960xf32, #tpu.memory_space<hbm>> -> memref<1x1x128xf32, #tpu.memory_space<hbm>>
      %dma_wait3A_403 = tpu.memref_squeeze %dma_wait3A_402 : memref<1x1x128xf32, #tpu.memory_space<hbm>> -> memref<128xf32, #tpu.memory_space<hbm>>
      %dma_wait3A_404 = arith.constant 128 : i32
      %dma_wait3A_405 = tpu.memref_slice %arg32[%dma_wait3A_404] : memref<2560xf32, #tpu.memory_space<vmem>> -> memref<128xf32, #tpu.memory_space<vmem>>
      %dma_wait3A_406 = tpu.memref_slice %arg15[%arg0, %scan3A_189, %add3A_399] : memref<2x16x40960xf32, #tpu.memory_space<hbm>> -> memref<1x1x128xf32, #tpu.memory_space<hbm>>
      %dma_wait3A_407 = tpu.memref_squeeze %dma_wait3A_406 : memref<1x1x128xf32, #tpu.memory_space<hbm>> -> memref<128xf32, #tpu.memory_space<hbm>>
      tpu.wait_dma2 semaphore(%arg36 : memref<!tpu.dma_semaphore, #tpu.memory_space<semaphore_mem>>) src(%dma_wait3A_407 : memref<128xf32, #tpu.memory_space<hbm>>) dst(%dma_wait3A_405 : memref<128xf32, #tpu.memory_space<vmem>>)
      %add3A_408 = arith.constant 4096 : i32
      %add3A_409 = arith.addi %add3A_408, %mul3A_2 : i32
      %dma_wait3A_410 = arith.constant 256 : i32
      %dma_wait3A_411 = tpu.memref_slice %arg32[%dma_wait3A_410] : memref<2560xf32, #tpu.memory_space<vmem>> -> memref<128xf32, #tpu.memory_space<vmem>>
      %dma_wait3A_412 = tpu.memref_slice %arg15[%arg0, %scan3A_189, %add3A_409] : memref<2x16x40960xf32, #tpu.memory_space<hbm>> -> memref<1x1x128xf32, #tpu.memory_space<hbm>>
      %dma_wait3A_413 = tpu.memref_squeeze %dma_wait3A_412 : memref<1x1x128xf32, #tpu.memory_space<hbm>> -> memref<128xf32, #tpu.memory_space<hbm>>
      %dma_wait3A_414 = arith.constant 256 : i32
      %dma_wait3A_415 = tpu.memref_slice %arg32[%dma_wait3A_414] : memref<2560xf32, #tpu.memory_space<vmem>> -> memref<128xf32, #tpu.memory_space<vmem>>
      %dma_wait3A_416 = tpu.memref_slice %arg15[%arg0, %scan3A_189, %add3A_409] : memref<2x16x40960xf32, #tpu.memory_space<hbm>> -> memref<1x1x128xf32, #tpu.memory_space<hbm>>
      %dma_wait3A_417 = tpu.memref_squeeze %dma_wait3A_416 : memref<1x1x128xf32, #tpu.memory_space<hbm>> -> memref<128xf32, #tpu.memory_space<hbm>>
      tpu.wait_dma2 semaphore(%arg36 : memref<!tpu.dma_semaphore, #tpu.memory_space<semaphore_mem>>) src(%dma_wait3A_417 : memref<128xf32, #tpu.memory_space<hbm>>) dst(%dma_wait3A_415 : memref<128xf32, #tpu.memory_space<vmem>>)
      %add3A_418 = arith.constant 6144 : i32
      %add3A_419 = arith.addi %add3A_418, %mul3A_2 : i32
      %dma_wait3A_420 = arith.constant 384 : i32
      %dma_wait3A_421 = tpu.memref_slice %arg32[%dma_wait3A_420] : memref<2560xf32, #tpu.memory_space<vmem>> -> memref<128xf32, #tpu.memory_space<vmem>>
      %dma_wait3A_422 = tpu.memref_slice %arg15[%arg0, %scan3A_189, %add3A_419] : memref<2x16x40960xf32, #tpu.memory_space<hbm>> -> memref<1x1x128xf32, #tpu.memory_space<hbm>>
      %dma_wait3A_423 = tpu.memref_squeeze %dma_wait3A_422 : memref<1x1x128xf32, #tpu.memory_space<hbm>> -> memref<128xf32, #tpu.memory_space<hbm>>
      %dma_wait3A_424 = arith.constant 384 : i32
      %dma_wait3A_425 = tpu.memref_slice %arg32[%dma_wait3A_424] : memref<2560xf32, #tpu.memory_space<vmem>> -> memref<128xf32, #tpu.memory_space<vmem>>
      %dma_wait3A_426 = tpu.memref_slice %arg15[%arg0, %scan3A_189, %add3A_419] : memref<2x16x40960xf32, #tpu.memory_space<hbm>> -> memref<1x1x128xf32, #tpu.memory_space<hbm>>
      %dma_wait3A_427 = tpu.memref_squeeze %dma_wait3A_426 : memref<1x1x128xf32, #tpu.memory_space<hbm>> -> memref<128xf32, #tpu.memory_space<hbm>>
      tpu.wait_dma2 semaphore(%arg36 : memref<!tpu.dma_semaphore, #tpu.memory_space<semaphore_mem>>) src(%dma_wait3A_427 : memref<128xf32, #tpu.memory_space<hbm>>) dst(%dma_wait3A_425 : memref<128xf32, #tpu.memory_space<vmem>>)
      %add3A_428 = arith.constant 8192 : i32
      %add3A_429 = arith.addi %add3A_428, %mul3A_2 : i32
      %dma_wait3A_430 = arith.constant 512 : i32
      %dma_wait3A_431 = tpu.memref_slice %arg32[%dma_wait3A_430] : memref<2560xf32, #tpu.memory_space<vmem>> -> memref<128xf32, #tpu.memory_space<vmem>>
      %dma_wait3A_432 = tpu.memref_slice %arg15[%arg0, %scan3A_189, %add3A_429] : memref<2x16x40960xf32, #tpu.memory_space<hbm>> -> memref<1x1x128xf32, #tpu.memory_space<hbm>>
      %dma_wait3A_433 = tpu.memref_squeeze %dma_wait3A_432 : memref<1x1x128xf32, #tpu.memory_space<hbm>> -> memref<128xf32, #tpu.memory_space<hbm>>
      %dma_wait3A_434 = arith.constant 512 : i32
      %dma_wait3A_435 = tpu.memref_slice %arg32[%dma_wait3A_434] : memref<2560xf32, #tpu.memory_space<vmem>> -> memref<128xf32, #tpu.memory_space<vmem>>
      %dma_wait3A_436 = tpu.memref_slice %arg15[%arg0, %scan3A_189, %add3A_429] : memref<2x16x40960xf32, #tpu.memory_space<hbm>> -> memref<1x1x128xf32, #tpu.memory_space<hbm>>
      %dma_wait3A_437 = tpu.memref_squeeze %dma_wait3A_436 : memref<1x1x128xf32, #tpu.memory_space<hbm>> -> memref<128xf32, #tpu.memory_space<hbm>>
      tpu.wait_dma2 semaphore(%arg36 : memref<!tpu.dma_semaphore, #tpu.memory_space<semaphore_mem>>) src(%dma_wait3A_437 : memref<128xf32, #tpu.memory_space<hbm>>) dst(%dma_wait3A_435 : memref<128xf32, #tpu.memory_space<vmem>>)
      %add3A_438 = arith.constant 10240 : i32
      %add3A_439 = arith.addi %add3A_438, %mul3A_2 : i32
      %dma_wait3A_440 = arith.constant 640 : i32
      %dma_wait3A_441 = tpu.memref_slice %arg32[%dma_wait3A_440] : memref<2560xf32, #tpu.memory_space<vmem>> -> memref<128xf32, #tpu.memory_space<vmem>>
      %dma_wait3A_442 = tpu.memref_slice %arg15[%arg0, %scan3A_189, %add3A_439] : memref<2x16x40960xf32, #tpu.memory_space<hbm>> -> memref<1x1x128xf32, #tpu.memory_space<hbm>>
      %dma_wait3A_443 = tpu.memref_squeeze %dma_wait3A_442 : memref<1x1x128xf32, #tpu.memory_space<hbm>> -> memref<128xf32, #tpu.memory_space<hbm>>
      %dma_wait3A_444 = arith.constant 640 : i32
      %dma_wait3A_445 = tpu.memref_slice %arg32[%dma_wait3A_444] : memref<2560xf32, #tpu.memory_space<vmem>> -> memref<128xf32, #tpu.memory_space<vmem>>
      %dma_wait3A_446 = tpu.memref_slice %arg15[%arg0, %scan3A_189, %add3A_439] : memref<2x16x40960xf32, #tpu.memory_space<hbm>> -> memref<1x1x128xf32, #tpu.memory_space<hbm>>
      %dma_wait3A_447 = tpu.memref_squeeze %dma_wait3A_446 : memref<1x1x128xf32, #tpu.memory_space<hbm>> -> memref<128xf32, #tpu.memory_space<hbm>>
      tpu.wait_dma2 semaphore(%arg36 : memref<!tpu.dma_semaphore, #tpu.memory_space<semaphore_mem>>) src(%dma_wait3A_447 : memref<128xf32, #tpu.memory_space<hbm>>) dst(%dma_wait3A_445 : memref<128xf32, #tpu.memory_space<vmem>>)
      %add3A_448 = arith.constant 12288 : i32
      %add3A_449 = arith.addi %add3A_448, %mul3A_2 : i32
      %dma_wait3A_450 = arith.constant 768 : i32
      %dma_wait3A_451 = tpu.memref_slice %arg32[%dma_wait3A_450] : memref<2560xf32, #tpu.memory_space<vmem>> -> memref<128xf32, #tpu.memory_space<vmem>>
      %dma_wait3A_452 = tpu.memref_slice %arg15[%arg0, %scan3A_189, %add3A_449] : memref<2x16x40960xf32, #tpu.memory_space<hbm>> -> memref<1x1x128xf32, #tpu.memory_space<hbm>>
      %dma_wait3A_453 = tpu.memref_squeeze %dma_wait3A_452 : memref<1x1x128xf32, #tpu.memory_space<hbm>> -> memref<128xf32, #tpu.memory_space<hbm>>
      %dma_wait3A_454 = arith.constant 768 : i32
      %dma_wait3A_455 = tpu.memref_slice %arg32[%dma_wait3A_454] : memref<2560xf32, #tpu.memory_space<vmem>> -> memref<128xf32, #tpu.memory_space<vmem>>
      %dma_wait3A_456 = tpu.memref_slice %arg15[%arg0, %scan3A_189, %add3A_449] : memref<2x16x40960xf32, #tpu.memory_space<hbm>> -> memref<1x1x128xf32, #tpu.memory_space<hbm>>
      %dma_wait3A_457 = tpu.memref_squeeze %dma_wait3A_456 : memref<1x1x128xf32, #tpu.memory_space<hbm>> -> memref<128xf32, #tpu.memory_space<hbm>>
      tpu.wait_dma2 semaphore(%arg36 : memref<!tpu.dma_semaphore, #tpu.memory_space<semaphore_mem>>) src(%dma_wait3A_457 : memref<128xf32, #tpu.memory_space<hbm>>) dst(%dma_wait3A_455 : memref<128xf32, #tpu.memory_space<vmem>>)
      %add3A_458 = arith.constant 14336 : i32
      %add3A_459 = arith.addi %add3A_458, %mul3A_2 : i32
      %dma_wait3A_460 = arith.constant 896 : i32
      %dma_wait3A_461 = tpu.memref_slice %arg32[%dma_wait3A_460] : memref<2560xf32, #tpu.memory_space<vmem>> -> memref<128xf32, #tpu.memory_space<vmem>>
      %dma_wait3A_462 = tpu.memref_slice %arg15[%arg0, %scan3A_189, %add3A_459] : memref<2x16x40960xf32, #tpu.memory_space<hbm>> -> memref<1x1x128xf32, #tpu.memory_space<hbm>>
      %dma_wait3A_463 = tpu.memref_squeeze %dma_wait3A_462 : memref<1x1x128xf32, #tpu.memory_space<hbm>> -> memref<128xf32, #tpu.memory_space<hbm>>
      %dma_wait3A_464 = arith.constant 896 : i32
      %dma_wait3A_465 = tpu.memref_slice %arg32[%dma_wait3A_464] : memref<2560xf32, #tpu.memory_space<vmem>> -> memref<128xf32, #tpu.memory_space<vmem>>
      %dma_wait3A_466 = tpu.memref_slice %arg15[%arg0, %scan3A_189, %add3A_459] : memref<2x16x40960xf32, #tpu.memory_space<hbm>> -> memref<1x1x128xf32, #tpu.memory_space<hbm>>
      %dma_wait3A_467 = tpu.memref_squeeze %dma_wait3A_466 : memref<1x1x128xf32, #tpu.memory_space<hbm>> -> memref<128xf32, #tpu.memory_space<hbm>>
      tpu.wait_dma2 semaphore(%arg36 : memref<!tpu.dma_semaphore, #tpu.memory_space<semaphore_mem>>) src(%dma_wait3A_467 : memref<128xf32, #tpu.memory_space<hbm>>) dst(%dma_wait3A_465 : memref<128xf32, #tpu.memory_space<vmem>>)
      %add3A_468 = arith.constant 16384 : i32
      %add3A_469 = arith.addi %add3A_468, %mul3A_2 : i32
      %dma_wait3A_470 = arith.constant 1024 : i32
      %dma_wait3A_471 = tpu.memref_slice %arg32[%dma_wait3A_470] : memref<2560xf32, #tpu.memory_space<vmem>> -> memref<128xf32, #tpu.memory_space<vmem>>
      %dma_wait3A_472 = tpu.memref_slice %arg15[%arg0, %scan3A_189, %add3A_469] : memref<2x16x40960xf32, #tpu.memory_space<hbm>> -> memref<1x1x128xf32, #tpu.memory_space<hbm>>
      %dma_wait3A_473 = tpu.memref_squeeze %dma_wait3A_472 : memref<1x1x128xf32, #tpu.memory_space<hbm>> -> memref<128xf32, #tpu.memory_space<hbm>>
      %dma_wait3A_474 = arith.constant 1024 : i32
      %dma_wait3A_475 = tpu.memref_slice %arg32[%dma_wait3A_474] : memref<2560xf32, #tpu.memory_space<vmem>> -> memref<128xf32, #tpu.memory_space<vmem>>
      %dma_wait3A_476 = tpu.memref_slice %arg15[%arg0, %scan3A_189, %add3A_469] : memref<2x16x40960xf32, #tpu.memory_space<hbm>> -> memref<1x1x128xf32, #tpu.memory_space<hbm>>
      %dma_wait3A_477 = tpu.memref_squeeze %dma_wait3A_476 : memref<1x1x128xf32, #tpu.memory_space<hbm>> -> memref<128xf32, #tpu.memory_space<hbm>>
      tpu.wait_dma2 semaphore(%arg36 : memref<!tpu.dma_semaphore, #tpu.memory_space<semaphore_mem>>) src(%dma_wait3A_477 : memref<128xf32, #tpu.memory_space<hbm>>) dst(%dma_wait3A_475 : memref<128xf32, #tpu.memory_space<vmem>>)
      %add3A_478 = arith.constant 18432 : i32
      %add3A_479 = arith.addi %add3A_478, %mul3A_2 : i32
      %dma_wait3A_480 = arith.constant 1152 : i32
      %dma_wait3A_481 = tpu.memref_slice %arg32[%dma_wait3A_480] : memref<2560xf32, #tpu.memory_space<vmem>> -> memref<128xf32, #tpu.memory_space<vmem>>
      %dma_wait3A_482 = tpu.memref_slice %arg15[%arg0, %scan3A_189, %add3A_479] : memref<2x16x40960xf32, #tpu.memory_space<hbm>> -> memref<1x1x128xf32, #tpu.memory_space<hbm>>
      %dma_wait3A_483 = tpu.memref_squeeze %dma_wait3A_482 : memref<1x1x128xf32, #tpu.memory_space<hbm>> -> memref<128xf32, #tpu.memory_space<hbm>>
      %dma_wait3A_484 = arith.constant 1152 : i32
      %dma_wait3A_485 = tpu.memref_slice %arg32[%dma_wait3A_484] : memref<2560xf32, #tpu.memory_space<vmem>> -> memref<128xf32, #tpu.memory_space<vmem>>
      %dma_wait3A_486 = tpu.memref_slice %arg15[%arg0, %scan3A_189, %add3A_479] : memref<2x16x40960xf32, #tpu.memory_space<hbm>> -> memref<1x1x128xf32, #tpu.memory_space<hbm>>
      %dma_wait3A_487 = tpu.memref_squeeze %dma_wait3A_486 : memref<1x1x128xf32, #tpu.memory_space<hbm>> -> memref<128xf32, #tpu.memory_space<hbm>>
      tpu.wait_dma2 semaphore(%arg36 : memref<!tpu.dma_semaphore, #tpu.memory_space<semaphore_mem>>) src(%dma_wait3A_487 : memref<128xf32, #tpu.memory_space<hbm>>) dst(%dma_wait3A_485 : memref<128xf32, #tpu.memory_space<vmem>>)
      %add3A_488 = arith.constant 20480 : i32
      %add3A_489 = arith.addi %add3A_488, %mul3A_2 : i32
      %dma_wait3A_490 = arith.constant 1280 : i32
      %dma_wait3A_491 = tpu.memref_slice %arg32[%dma_wait3A_490] : memref<2560xf32, #tpu.memory_space<vmem>> -> memref<128xf32, #tpu.memory_space<vmem>>
      %dma_wait3A_492 = tpu.memref_slice %arg15[%arg0, %scan3A_189, %add3A_489] : memref<2x16x40960xf32, #tpu.memory_space<hbm>> -> memref<1x1x128xf32, #tpu.memory_space<hbm>>
      %dma_wait3A_493 = tpu.memref_squeeze %dma_wait3A_492 : memref<1x1x128xf32, #tpu.memory_space<hbm>> -> memref<128xf32, #tpu.memory_space<hbm>>
      %dma_wait3A_494 = arith.constant 1280 : i32
      %dma_wait3A_495 = tpu.memref_slice %arg32[%dma_wait3A_494] : memref<2560xf32, #tpu.memory_space<vmem>> -> memref<128xf32, #tpu.memory_space<vmem>>
      %dma_wait3A_496 = tpu.memref_slice %arg15[%arg0, %scan3A_189, %add3A_489] : memref<2x16x40960xf32, #tpu.memory_space<hbm>> -> memref<1x1x128xf32, #tpu.memory_space<hbm>>
      %dma_wait3A_497 = tpu.memref_squeeze %dma_wait3A_496 : memref<1x1x128xf32, #tpu.memory_space<hbm>> -> memref<128xf32, #tpu.memory_space<hbm>>
      tpu.wait_dma2 semaphore(%arg36 : memref<!tpu.dma_semaphore, #tpu.memory_space<semaphore_mem>>) src(%dma_wait3A_497 : memref<128xf32, #tpu.memory_space<hbm>>) dst(%dma_wait3A_495 : memref<128xf32, #tpu.memory_space<vmem>>)
      %add3A_498 = arith.constant 22528 : i32
      %add3A_499 = arith.addi %add3A_498, %mul3A_2 : i32
      %dma_wait3A_500 = arith.constant 1408 : i32
      %dma_wait3A_501 = tpu.memref_slice %arg32[%dma_wait3A_500] : memref<2560xf32, #tpu.memory_space<vmem>> -> memref<128xf32, #tpu.memory_space<vmem>>
      %dma_wait3A_502 = tpu.memref_slice %arg15[%arg0, %scan3A_189, %add3A_499] : memref<2x16x40960xf32, #tpu.memory_space<hbm>> -> memref<1x1x128xf32, #tpu.memory_space<hbm>>
      %dma_wait3A_503 = tpu.memref_squeeze %dma_wait3A_502 : memref<1x1x128xf32, #tpu.memory_space<hbm>> -> memref<128xf32, #tpu.memory_space<hbm>>
      %dma_wait3A_504 = arith.constant 1408 : i32
      %dma_wait3A_505 = tpu.memref_slice %arg32[%dma_wait3A_504] : memref<2560xf32, #tpu.memory_space<vmem>> -> memref<128xf32, #tpu.memory_space<vmem>>
      %dma_wait3A_506 = tpu.memref_slice %arg15[%arg0, %scan3A_189, %add3A_499] : memref<2x16x40960xf32, #tpu.memory_space<hbm>> -> memref<1x1x128xf32, #tpu.memory_space<hbm>>
      %dma_wait3A_507 = tpu.memref_squeeze %dma_wait3A_506 : memref<1x1x128xf32, #tpu.memory_space<hbm>> -> memref<128xf32, #tpu.memory_space<hbm>>
      tpu.wait_dma2 semaphore(%arg36 : memref<!tpu.dma_semaphore, #tpu.memory_space<semaphore_mem>>) src(%dma_wait3A_507 : memref<128xf32, #tpu.memory_space<hbm>>) dst(%dma_wait3A_505 : memref<128xf32, #tpu.memory_space<vmem>>)
      %add3A_508 = arith.constant 24576 : i32
      %add3A_509 = arith.addi %add3A_508, %mul3A_2 : i32
      %dma_wait3A_510 = arith.constant 1536 : i32
      %dma_wait3A_511 = tpu.memref_slice %arg32[%dma_wait3A_510] : memref<2560xf32, #tpu.memory_space<vmem>> -> memref<128xf32, #tpu.memory_space<vmem>>
      %dma_wait3A_512 = tpu.memref_slice %arg15[%arg0, %scan3A_189, %add3A_509] : memref<2x16x40960xf32, #tpu.memory_space<hbm>> -> memref<1x1x128xf32, #tpu.memory_space<hbm>>
      %dma_wait3A_513 = tpu.memref_squeeze %dma_wait3A_512 : memref<1x1x128xf32, #tpu.memory_space<hbm>> -> memref<128xf32, #tpu.memory_space<hbm>>
      %dma_wait3A_514 = arith.constant 1536 : i32
      %dma_wait3A_515 = tpu.memref_slice %arg32[%dma_wait3A_514] : memref<2560xf32, #tpu.memory_space<vmem>> -> memref<128xf32, #tpu.memory_space<vmem>>
      %dma_wait3A_516 = tpu.memref_slice %arg15[%arg0, %scan3A_189, %add3A_509] : memref<2x16x40960xf32, #tpu.memory_space<hbm>> -> memref<1x1x128xf32, #tpu.memory_space<hbm>>
      %dma_wait3A_517 = tpu.memref_squeeze %dma_wait3A_516 : memref<1x1x128xf32, #tpu.memory_space<hbm>> -> memref<128xf32, #tpu.memory_space<hbm>>
      tpu.wait_dma2 semaphore(%arg36 : memref<!tpu.dma_semaphore, #tpu.memory_space<semaphore_mem>>) src(%dma_wait3A_517 : memref<128xf32, #tpu.memory_space<hbm>>) dst(%dma_wait3A_515 : memref<128xf32, #tpu.memory_space<vmem>>)
      %add3A_518 = arith.constant 26624 : i32
      %add3A_519 = arith.addi %add3A_518, %mul3A_2 : i32
      %dma_wait3A_520 = arith.constant 1664 : i32
      %dma_wait3A_521 = tpu.memref_slice %arg32[%dma_wait3A_520] : memref<2560xf32, #tpu.memory_space<vmem>> -> memref<128xf32, #tpu.memory_space<vmem>>
      %dma_wait3A_522 = tpu.memref_slice %arg15[%arg0, %scan3A_189, %add3A_519] : memref<2x16x40960xf32, #tpu.memory_space<hbm>> -> memref<1x1x128xf32, #tpu.memory_space<hbm>>
      %dma_wait3A_523 = tpu.memref_squeeze %dma_wait3A_522 : memref<1x1x128xf32, #tpu.memory_space<hbm>> -> memref<128xf32, #tpu.memory_space<hbm>>
      %dma_wait3A_524 = arith.constant 1664 : i32
      %dma_wait3A_525 = tpu.memref_slice %arg32[%dma_wait3A_524] : memref<2560xf32, #tpu.memory_space<vmem>> -> memref<128xf32, #tpu.memory_space<vmem>>
      %dma_wait3A_526 = tpu.memref_slice %arg15[%arg0, %scan3A_189, %add3A_519] : memref<2x16x40960xf32, #tpu.memory_space<hbm>> -> memref<1x1x128xf32, #tpu.memory_space<hbm>>
      %dma_wait3A_527 = tpu.memref_squeeze %dma_wait3A_526 : memref<1x1x128xf32, #tpu.memory_space<hbm>> -> memref<128xf32, #tpu.memory_space<hbm>>
      tpu.wait_dma2 semaphore(%arg36 : memref<!tpu.dma_semaphore, #tpu.memory_space<semaphore_mem>>) src(%dma_wait3A_527 : memref<128xf32, #tpu.memory_space<hbm>>) dst(%dma_wait3A_525 : memref<128xf32, #tpu.memory_space<vmem>>)
      %add3A_528 = arith.constant 28672 : i32
      %add3A_529 = arith.addi %add3A_528, %mul3A_2 : i32
      %dma_wait3A_530 = arith.constant 1792 : i32
      %dma_wait3A_531 = tpu.memref_slice %arg32[%dma_wait3A_530] : memref<2560xf32, #tpu.memory_space<vmem>> -> memref<128xf32, #tpu.memory_space<vmem>>
      %dma_wait3A_532 = tpu.memref_slice %arg15[%arg0, %scan3A_189, %add3A_529] : memref<2x16x40960xf32, #tpu.memory_space<hbm>> -> memref<1x1x128xf32, #tpu.memory_space<hbm>>
      %dma_wait3A_533 = tpu.memref_squeeze %dma_wait3A_532 : memref<1x1x128xf32, #tpu.memory_space<hbm>> -> memref<128xf32, #tpu.memory_space<hbm>>
      %dma_wait3A_534 = arith.constant 1792 : i32
      %dma_wait3A_535 = tpu.memref_slice %arg32[%dma_wait3A_534] : memref<2560xf32, #tpu.memory_space<vmem>> -> memref<128xf32, #tpu.memory_space<vmem>>
      %dma_wait3A_536 = tpu.memref_slice %arg15[%arg0, %scan3A_189, %add3A_529] : memref<2x16x40960xf32, #tpu.memory_space<hbm>> -> memref<1x1x128xf32, #tpu.memory_space<hbm>>
      %dma_wait3A_537 = tpu.memref_squeeze %dma_wait3A_536 : memref<1x1x128xf32, #tpu.memory_space<hbm>> -> memref<128xf32, #tpu.memory_space<hbm>>
      tpu.wait_dma2 semaphore(%arg36 : memref<!tpu.dma_semaphore, #tpu.memory_space<semaphore_mem>>) src(%dma_wait3A_537 : memref<128xf32, #tpu.memory_space<hbm>>) dst(%dma_wait3A_535 : memref<128xf32, #tpu.memory_space<vmem>>)
      %add3A_538 = arith.constant 30720 : i32
      %add3A_539 = arith.addi %add3A_538, %mul3A_2 : i32
      %dma_wait3A_540 = arith.constant 1920 : i32
      %dma_wait3A_541 = tpu.memref_slice %arg32[%dma_wait3A_540] : memref<2560xf32, #tpu.memory_space<vmem>> -> memref<128xf32, #tpu.memory_space<vmem>>
      %dma_wait3A_542 = tpu.memref_slice %arg15[%arg0, %scan3A_189, %add3A_539] : memref<2x16x40960xf32, #tpu.memory_space<hbm>> -> memref<1x1x128xf32, #tpu.memory_space<hbm>>
      %dma_wait3A_543 = tpu.memref_squeeze %dma_wait3A_542 : memref<1x1x128xf32, #tpu.memory_space<hbm>> -> memref<128xf32, #tpu.memory_space<hbm>>
      %dma_wait3A_544 = arith.constant 1920 : i32
      %dma_wait3A_545 = tpu.memref_slice %arg32[%dma_wait3A_544] : memref<2560xf32, #tpu.memory_space<vmem>> -> memref<128xf32, #tpu.memory_space<vmem>>
      %dma_wait3A_546 = tpu.memref_slice %arg15[%arg0, %scan3A_189, %add3A_539] : memref<2x16x40960xf32, #tpu.memory_space<hbm>> -> memref<1x1x128xf32, #tpu.memory_space<hbm>>
      %dma_wait3A_547 = tpu.memref_squeeze %dma_wait3A_546 : memref<1x1x128xf32, #tpu.memory_space<hbm>> -> memref<128xf32, #tpu.memory_space<hbm>>
      tpu.wait_dma2 semaphore(%arg36 : memref<!tpu.dma_semaphore, #tpu.memory_space<semaphore_mem>>) src(%dma_wait3A_547 : memref<128xf32, #tpu.memory_space<hbm>>) dst(%dma_wait3A_545 : memref<128xf32, #tpu.memory_space<vmem>>)
      %add3A_548 = arith.constant 32768 : i32
      %add3A_549 = arith.addi %add3A_548, %mul3A_2 : i32
      %dma_wait3A_550 = arith.constant 2048 : i32
      %dma_wait3A_551 = tpu.memref_slice %arg32[%dma_wait3A_550] : memref<2560xf32, #tpu.memory_space<vmem>> -> memref<128xf32, #tpu.memory_space<vmem>>
      %dma_wait3A_552 = tpu.memref_slice %arg15[%arg0, %scan3A_189, %add3A_549] : memref<2x16x40960xf32, #tpu.memory_space<hbm>> -> memref<1x1x128xf32, #tpu.memory_space<hbm>>
      %dma_wait3A_553 = tpu.memref_squeeze %dma_wait3A_552 : memref<1x1x128xf32, #tpu.memory_space<hbm>> -> memref<128xf32, #tpu.memory_space<hbm>>
      %dma_wait3A_554 = arith.constant 2048 : i32
      %dma_wait3A_555 = tpu.memref_slice %arg32[%dma_wait3A_554] : memref<2560xf32, #tpu.memory_space<vmem>> -> memref<128xf32, #tpu.memory_space<vmem>>
      %dma_wait3A_556 = tpu.memref_slice %arg15[%arg0, %scan3A_189, %add3A_549] : memref<2x16x40960xf32, #tpu.memory_space<hbm>> -> memref<1x1x128xf32, #tpu.memory_space<hbm>>
      %dma_wait3A_557 = tpu.memref_squeeze %dma_wait3A_556 : memref<1x1x128xf32, #tpu.memory_space<hbm>> -> memref<128xf32, #tpu.memory_space<hbm>>
      tpu.wait_dma2 semaphore(%arg36 : memref<!tpu.dma_semaphore, #tpu.memory_space<semaphore_mem>>) src(%dma_wait3A_557 : memref<128xf32, #tpu.memory_space<hbm>>) dst(%dma_wait3A_555 : memref<128xf32, #tpu.memory_space<vmem>>)
      %add3A_558 = arith.constant 34816 : i32
      %add3A_559 = arith.addi %add3A_558, %mul3A_2 : i32
      %dma_wait3A_560 = arith.constant 2176 : i32
      %dma_wait3A_561 = tpu.memref_slice %arg32[%dma_wait3A_560] : memref<2560xf32, #tpu.memory_space<vmem>> -> memref<128xf32, #tpu.memory_space<vmem>>
      %dma_wait3A_562 = tpu.memref_slice %arg15[%arg0, %scan3A_189, %add3A_559] : memref<2x16x40960xf32, #tpu.memory_space<hbm>> -> memref<1x1x128xf32, #tpu.memory_space<hbm>>
      %dma_wait3A_563 = tpu.memref_squeeze %dma_wait3A_562 : memref<1x1x128xf32, #tpu.memory_space<hbm>> -> memref<128xf32, #tpu.memory_space<hbm>>
      %dma_wait3A_564 = arith.constant 2176 : i32
      %dma_wait3A_565 = tpu.memref_slice %arg32[%dma_wait3A_564] : memref<2560xf32, #tpu.memory_space<vmem>> -> memref<128xf32, #tpu.memory_space<vmem>>
      %dma_wait3A_566 = tpu.memref_slice %arg15[%arg0, %scan3A_189, %add3A_559] : memref<2x16x40960xf32, #tpu.memory_space<hbm>> -> memref<1x1x128xf32, #tpu.memory_space<hbm>>
      %dma_wait3A_567 = tpu.memref_squeeze %dma_wait3A_566 : memref<1x1x128xf32, #tpu.memory_space<hbm>> -> memref<128xf32, #tpu.memory_space<hbm>>
      tpu.wait_dma2 semaphore(%arg36 : memref<!tpu.dma_semaphore, #tpu.memory_space<semaphore_mem>>) src(%dma_wait3A_567 : memref<128xf32, #tpu.memory_space<hbm>>) dst(%dma_wait3A_565 : memref<128xf32, #tpu.memory_space<vmem>>)
      %add3A_568 = arith.constant 36864 : i32
      %add3A_569 = arith.addi %add3A_568, %mul3A_2 : i32
      %dma_wait3A_570 = arith.constant 2304 : i32
      %dma_wait3A_571 = tpu.memref_slice %arg32[%dma_wait3A_570] : memref<2560xf32, #tpu.memory_space<vmem>> -> memref<128xf32, #tpu.memory_space<vmem>>
      %dma_wait3A_572 = tpu.memref_slice %arg15[%arg0, %scan3A_189, %add3A_569] : memref<2x16x40960xf32, #tpu.memory_space<hbm>> -> memref<1x1x128xf32, #tpu.memory_space<hbm>>
      %dma_wait3A_573 = tpu.memref_squeeze %dma_wait3A_572 : memref<1x1x128xf32, #tpu.memory_space<hbm>> -> memref<128xf32, #tpu.memory_space<hbm>>
      %dma_wait3A_574 = arith.constant 2304 : i32
      %dma_wait3A_575 = tpu.memref_slice %arg32[%dma_wait3A_574] : memref<2560xf32, #tpu.memory_space<vmem>> -> memref<128xf32, #tpu.memory_space<vmem>>
      %dma_wait3A_576 = tpu.memref_slice %arg15[%arg0, %scan3A_189, %add3A_569] : memref<2x16x40960xf32, #tpu.memory_space<hbm>> -> memref<1x1x128xf32, #tpu.memory_space<hbm>>
      %dma_wait3A_577 = tpu.memref_squeeze %dma_wait3A_576 : memref<1x1x128xf32, #tpu.memory_space<hbm>> -> memref<128xf32, #tpu.memory_space<hbm>>
      tpu.wait_dma2 semaphore(%arg36 : memref<!tpu.dma_semaphore, #tpu.memory_space<semaphore_mem>>) src(%dma_wait3A_577 : memref<128xf32, #tpu.memory_space<hbm>>) dst(%dma_wait3A_575 : memref<128xf32, #tpu.memory_space<vmem>>)
      %add3A_578 = arith.constant 38912 : i32
      %add3A_579 = arith.addi %add3A_578, %mul3A_2 : i32
      %dma_wait3A_580 = arith.constant 2432 : i32
      %dma_wait3A_581 = tpu.memref_slice %arg32[%dma_wait3A_580] : memref<2560xf32, #tpu.memory_space<vmem>> -> memref<128xf32, #tpu.memory_space<vmem>>
      %dma_wait3A_582 = tpu.memref_slice %arg15[%arg0, %scan3A_189, %add3A_579] : memref<2x16x40960xf32, #tpu.memory_space<hbm>> -> memref<1x1x128xf32, #tpu.memory_space<hbm>>
      %dma_wait3A_583 = tpu.memref_squeeze %dma_wait3A_582 : memref<1x1x128xf32, #tpu.memory_space<hbm>> -> memref<128xf32, #tpu.memory_space<hbm>>
      %dma_wait3A_584 = arith.constant 2432 : i32
      %dma_wait3A_585 = tpu.memref_slice %arg32[%dma_wait3A_584] : memref<2560xf32, #tpu.memory_space<vmem>> -> memref<128xf32, #tpu.memory_space<vmem>>
      %dma_wait3A_586 = tpu.memref_slice %arg15[%arg0, %scan3A_189, %add3A_579] : memref<2x16x40960xf32, #tpu.memory_space<hbm>> -> memref<1x1x128xf32, #tpu.memory_space<hbm>>
      %dma_wait3A_587 = tpu.memref_squeeze %dma_wait3A_586 : memref<1x1x128xf32, #tpu.memory_space<hbm>> -> memref<128xf32, #tpu.memory_space<hbm>>
      tpu.wait_dma2 semaphore(%arg36 : memref<!tpu.dma_semaphore, #tpu.memory_space<semaphore_mem>>) src(%dma_wait3A_587 : memref<128xf32, #tpu.memory_space<hbm>>) dst(%dma_wait3A_585 : memref<128xf32, #tpu.memory_space<vmem>>)
      %scan3A_588 = arith.constant 0 : i32
      %scan3A_589 = arith.constant 0 : i32
      %scan3A_590 = arith.constant 8 : i32
      %scan3A_591 = arith.addi %scan3A_589, %scan3A_590 : i32
      %scan3A_592 = arith.constant 1 : i32
      %scan3A_593 = scf.for %scan3A_596 = %scan3A_589 to %scan3A_591 step %scan3A_592 iter_args(%scan3A_597 = %scan3A_588) -> (i32)  : i32 {
        %mul3A_598 = arith.constant 16 : i32
        %mul3A_599 = arith.muli %scan3A_596, %mul3A_598 : i32
        %get3A = arith.constant 0 : i32
        %get3A_600 = arith.index_cast %get3A : i32 to index
        %get3A_601 = arith.index_cast %mul3A_599 : i32 to index
        %get3A_602 = tpu.vector_load %arg33[%get3A_600, %get3A_601] {strides = array<i32>} : memref<20x128xf32, #tpu.memory_space<vmem>>, vector<16xf32>,
        %mul3A_603 = arith.constant 16 : i32
        %mul3A_604 = arith.muli %scan3A_596, %mul3A_603 : i32
        %add3A_605 = arith.constant 0 : i32
        %add3A_606 = arith.addi %add3A_605, %mul3A_604 : i32
        %get3A_607 = arith.index_cast %add3A_606 : i32 to index
        %get3A_608 = tpu.vector_load %arg32[%get3A_607] {strides = array<i32>} : memref<2560xf32, #tpu.memory_space<vmem>>, vector<16xf32>,
        %add3A_609 = arith.addf %get3A_602, %get3A_608 : vector<16xf32>
        %swap3A = arith.constant 0 : i32
        %swap3A_610 = arith.index_cast %swap3A : i32 to index
        %swap3A_611 = arith.index_cast %mul3A_599 : i32 to index
        %swap3A_612 = tpu.vector_load %arg33[%swap3A_610, %swap3A_611] {strides = array<i32>} : memref<20x128xf32, #tpu.memory_space<vmem>>, vector<16xf32>,
        tpu.vector_store %arg33[%swap3A_610, %swap3A_611], %add3A_609 {strides = array<i32>} : memref<20x128xf32, #tpu.memory_space<vmem>>, vector<16xf32>,
        %get3A_613 = arith.constant 1 : i32
        %get3A_614 = arith.index_cast %get3A_613 : i32 to index
        %get3A_615 = arith.index_cast %mul3A_599 : i32 to index
        %get3A_616 = tpu.vector_load %arg33[%get3A_614, %get3A_615] {strides = array<i32>} : memref<20x128xf32, #tpu.memory_space<vmem>>, vector<16xf32>,
        %mul3A_617 = arith.constant 16 : i32
        %mul3A_618 = arith.muli %scan3A_596, %mul3A_617 : i32
        %add3A_619 = arith.constant 128 : i32
        %add3A_620 = arith.addi %add3A_619, %mul3A_618 : i32
        %get3A_621 = arith.index_cast %add3A_620 : i32 to index
        %get3A_622 = tpu.vector_load %arg32[%get3A_621] {strides = array<i32>} : memref<2560xf32, #tpu.memory_space<vmem>>, vector<16xf32>,
        %add3A_623 = arith.addf %get3A_616, %get3A_622 : vector<16xf32>
        %swap3A_624 = arith.constant 1 : i32
        %swap3A_625 = arith.index_cast %swap3A_624 : i32 to index
        %swap3A_626 = arith.index_cast %mul3A_599 : i32 to index
        %swap3A_627 = tpu.vector_load %arg33[%swap3A_625, %swap3A_626] {strides = array<i32>} : memref<20x128xf32, #tpu.memory_space<vmem>>, vector<16xf32>,
        tpu.vector_store %arg33[%swap3A_625, %swap3A_626], %add3A_623 {strides = array<i32>} : memref<20x128xf32, #tpu.memory_space<vmem>>, vector<16xf32>,
        %get3A_628 = arith.constant 2 : i32
        %get3A_629 = arith.index_cast %get3A_628 : i32 to index
        %get3A_630 = arith.index_cast %mul3A_599 : i32 to index
        %get3A_631 = tpu.vector_load %arg33[%get3A_629, %get3A_630] {strides = array<i32>} : memref<20x128xf32, #tpu.memory_space<vmem>>, vector<16xf32>,
        %mul3A_632 = arith.constant 16 : i32
        %mul3A_633 = arith.muli %scan3A_596, %mul3A_632 : i32
        %add3A_634 = arith.constant 256 : i32
        %add3A_635 = arith.addi %add3A_634, %mul3A_633 : i32
        %get3A_636 = arith.index_cast %add3A_635 : i32 to index
        %get3A_637 = tpu.vector_load %arg32[%get3A_636] {strides = array<i32>} : memref<2560xf32, #tpu.memory_space<vmem>>, vector<16xf32>,
        %add3A_638 = arith.addf %get3A_631, %get3A_637 : vector<16xf32>
        %swap3A_639 = arith.constant 2 : i32
        %swap3A_640 = arith.index_cast %swap3A_639 : i32 to index
        %swap3A_641 = arith.index_cast %mul3A_599 : i32 to index
        %swap3A_642 = tpu.vector_load %arg33[%swap3A_640, %swap3A_641] {strides = array<i32>} : memref<20x128xf32, #tpu.memory_space<vmem>>, vector<16xf32>,
        tpu.vector_store %arg33[%swap3A_640, %swap3A_641], %add3A_638 {strides = array<i32>} : memref<20x128xf32, #tpu.memory_space<vmem>>, vector<16xf32>,
        %get3A_643 = arith.constant 3 : i32
        %get3A_644 = arith.index_cast %get3A_643 : i32 to index
        %get3A_645 = arith.index_cast %mul3A_599 : i32 to index
        %get3A_646 = tpu.vector_load %arg33[%get3A_644, %get3A_645] {strides = array<i32>} : memref<20x128xf32, #tpu.memory_space<vmem>>, vector<16xf32>,
        %mul3A_647 = arith.constant 16 : i32
        %mul3A_648 = arith.muli %scan3A_596, %mul3A_647 : i32
        %add3A_649 = arith.constant 384 : i32
        %add3A_650 = arith.addi %add3A_649, %mul3A_648 : i32
        %get3A_651 = arith.index_cast %add3A_650 : i32 to index
        %get3A_652 = tpu.vector_load %arg32[%get3A_651] {strides = array<i32>} : memref<2560xf32, #tpu.memory_space<vmem>>, vector<16xf32>,
        %add3A_653 = arith.addf %get3A_646, %get3A_652 : vector<16xf32>
        %swap3A_654 = arith.constant 3 : i32
        %swap3A_655 = arith.index_cast %swap3A_654 : i32 to index
        %swap3A_656 = arith.index_cast %mul3A_599 : i32 to index
        %swap3A_657 = tpu.vector_load %arg33[%swap3A_655, %swap3A_656] {strides = array<i32>} : memref<20x128xf32, #tpu.memory_space<vmem>>, vector<16xf32>,
        tpu.vector_store %arg33[%swap3A_655, %swap3A_656], %add3A_653 {strides = array<i32>} : memref<20x128xf32, #tpu.memory_space<vmem>>, vector<16xf32>,
        %get3A_658 = arith.constant 4 : i32
        %get3A_659 = arith.index_cast %get3A_658 : i32 to index
        %get3A_660 = arith.index_cast %mul3A_599 : i32 to index
        %get3A_661 = tpu.vector_load %arg33[%get3A_659, %get3A_660] {strides = array<i32>} : memref<20x128xf32, #tpu.memory_space<vmem>>, vector<16xf32>,
        %mul3A_662 = arith.constant 16 : i32
        %mul3A_663 = arith.muli %scan3A_596, %mul3A_662 : i32
        %add3A_664 = arith.constant 512 : i32
        %add3A_665 = arith.addi %add3A_664, %mul3A_663 : i32
        %get3A_666 = arith.index_cast %add3A_665 : i32 to index
        %get3A_667 = tpu.vector_load %arg32[%get3A_666] {strides = array<i32>} : memref<2560xf32, #tpu.memory_space<vmem>>, vector<16xf32>,
        %add3A_668 = arith.addf %get3A_661, %get3A_667 : vector<16xf32>
        %swap3A_669 = arith.constant 4 : i32
        %swap3A_670 = arith.index_cast %swap3A_669 : i32 to index
        %swap3A_671 = arith.index_cast %mul3A_599 : i32 to index
        %swap3A_672 = tpu.vector_load %arg33[%swap3A_670, %swap3A_671] {strides = array<i32>} : memref<20x128xf32, #tpu.memory_space<vmem>>, vector<16xf32>,
        tpu.vector_store %arg33[%swap3A_670, %swap3A_671], %add3A_668 {strides = array<i32>} : memref<20x128xf32, #tpu.memory_space<vmem>>, vector<16xf32>,
        %get3A_673 = arith.constant 5 : i32
        %get3A_674 = arith.index_cast %get3A_673 : i32 to index
        %get3A_675 = arith.index_cast %mul3A_599 : i32 to index
        %get3A_676 = tpu.vector_load %arg33[%get3A_674, %get3A_675] {strides = array<i32>} : memref<20x128xf32, #tpu.memory_space<vmem>>, vector<16xf32>,
        %mul3A_677 = arith.constant 16 : i32
        %mul3A_678 = arith.muli %scan3A_596, %mul3A_677 : i32
        %add3A_679 = arith.constant 640 : i32
        %add3A_680 = arith.addi %add3A_679, %mul3A_678 : i32
        %get3A_681 = arith.index_cast %add3A_680 : i32 to index
        %get3A_682 = tpu.vector_load %arg32[%get3A_681] {strides = array<i32>} : memref<2560xf32, #tpu.memory_space<vmem>>, vector<16xf32>,
        %add3A_683 = arith.addf %get3A_676, %get3A_682 : vector<16xf32>
        %swap3A_684 = arith.constant 5 : i32
        %swap3A_685 = arith.index_cast %swap3A_684 : i32 to index
        %swap3A_686 = arith.index_cast %mul3A_599 : i32 to index
        %swap3A_687 = tpu.vector_load %arg33[%swap3A_685, %swap3A_686] {strides = array<i32>} : memref<20x128xf32, #tpu.memory_space<vmem>>, vector<16xf32>,
        tpu.vector_store %arg33[%swap3A_685, %swap3A_686], %add3A_683 {strides = array<i32>} : memref<20x128xf32, #tpu.memory_space<vmem>>, vector<16xf32>,
        %get3A_688 = arith.constant 6 : i32
        %get3A_689 = arith.index_cast %get3A_688 : i32 to index
        %get3A_690 = arith.index_cast %mul3A_599 : i32 to index
        %get3A_691 = tpu.vector_load %arg33[%get3A_689, %get3A_690] {strides = array<i32>} : memref<20x128xf32, #tpu.memory_space<vmem>>, vector<16xf32>,
        %mul3A_692 = arith.constant 16 : i32
        %mul3A_693 = arith.muli %scan3A_596, %mul3A_692 : i32
        %add3A_694 = arith.constant 768 : i32
        %add3A_695 = arith.addi %add3A_694, %mul3A_693 : i32
        %get3A_696 = arith.index_cast %add3A_695 : i32 to index
        %get3A_697 = tpu.vector_load %arg32[%get3A_696] {strides = array<i32>} : memref<2560xf32, #tpu.memory_space<vmem>>, vector<16xf32>,
        %add3A_698 = arith.addf %get3A_691, %get3A_697 : vector<16xf32>
        %swap3A_699 = arith.constant 6 : i32
        %swap3A_700 = arith.index_cast %swap3A_699 : i32 to index
        %swap3A_701 = arith.index_cast %mul3A_599 : i32 to index
        %swap3A_702 = tpu.vector_load %arg33[%swap3A_700, %swap3A_701] {strides = array<i32>} : memref<20x128xf32, #tpu.memory_space<vmem>>, vector<16xf32>,
        tpu.vector_store %arg33[%swap3A_700, %swap3A_701], %add3A_698 {strides = array<i32>} : memref<20x128xf32, #tpu.memory_space<vmem>>, vector<16xf32>,
        %get3A_703 = arith.constant 7 : i32
        %get3A_704 = arith.index_cast %get3A_703 : i32 to index
        %get3A_705 = arith.index_cast %mul3A_599 : i32 to index
        %get3A_706 = tpu.vector_load %arg33[%get3A_704, %get3A_705] {strides = array<i32>} : memref<20x128xf32, #tpu.memory_space<vmem>>, vector<16xf32>,
        %mul3A_707 = arith.constant 16 : i32
        %mul3A_708 = arith.muli %scan3A_596, %mul3A_707 : i32
        %add3A_709 = arith.constant 896 : i32
        %add3A_710 = arith.addi %add3A_709, %mul3A_708 : i32
        %get3A_711 = arith.index_cast %add3A_710 : i32 to index
        %get3A_712 = tpu.vector_load %arg32[%get3A_711] {strides = array<i32>} : memref<2560xf32, #tpu.memory_space<vmem>>, vector<16xf32>,
        %add3A_713 = arith.addf %get3A_706, %get3A_712 : vector<16xf32>
        %swap3A_714 = arith.constant 7 : i32
        %swap3A_715 = arith.index_cast %swap3A_714 : i32 to index
        %swap3A_716 = arith.index_cast %mul3A_599 : i32 to index
        %swap3A_717 = tpu.vector_load %arg33[%swap3A_715, %swap3A_716] {strides = array<i32>} : memref<20x128xf32, #tpu.memory_space<vmem>>, vector<16xf32>,
        tpu.vector_store %arg33[%swap3A_715, %swap3A_716], %add3A_713 {strides = array<i32>} : memref<20x128xf32, #tpu.memory_space<vmem>>, vector<16xf32>,
        %get3A_718 = arith.constant 8 : i32
        %get3A_719 = arith.index_cast %get3A_718 : i32 to index
        %get3A_720 = arith.index_cast %mul3A_599 : i32 to index
        %get3A_721 = tpu.vector_load %arg33[%get3A_719, %get3A_720] {strides = array<i32>} : memref<20x128xf32, #tpu.memory_space<vmem>>, vector<16xf32>,
        %mul3A_722 = arith.constant 16 : i32
        %mul3A_723 = arith.muli %scan3A_596, %mul3A_722 : i32
        %add3A_724 = arith.constant 1024 : i32
        %add3A_725 = arith.addi %add3A_724, %mul3A_723 : i32
        %get3A_726 = arith.index_cast %add3A_725 : i32 to index
        %get3A_727 = tpu.vector_load %arg32[%get3A_726] {strides = array<i32>} : memref<2560xf32, #tpu.memory_space<vmem>>, vector<16xf32>,
        %add3A_728 = arith.addf %get3A_721, %get3A_727 : vector<16xf32>
        %swap3A_729 = arith.constant 8 : i32
        %swap3A_730 = arith.index_cast %swap3A_729 : i32 to index
        %swap3A_731 = arith.index_cast %mul3A_599 : i32 to index
        %swap3A_732 = tpu.vector_load %arg33[%swap3A_730, %swap3A_731] {strides = array<i32>} : memref<20x128xf32, #tpu.memory_space<vmem>>, vector<16xf32>,
        tpu.vector_store %arg33[%swap3A_730, %swap3A_731], %add3A_728 {strides = array<i32>} : memref<20x128xf32, #tpu.memory_space<vmem>>, vector<16xf32>,
        %get3A_733 = arith.constant 9 : i32
        %get3A_734 = arith.index_cast %get3A_733 : i32 to index
        %get3A_735 = arith.index_cast %mul3A_599 : i32 to index
        %get3A_736 = tpu.vector_load %arg33[%get3A_734, %get3A_735] {strides = array<i32>} : memref<20x128xf32, #tpu.memory_space<vmem>>, vector<16xf32>,
        %mul3A_737 = arith.constant 16 : i32
        %mul3A_738 = arith.muli %scan3A_596, %mul3A_737 : i32
        %add3A_739 = arith.constant 1152 : i32
        %add3A_740 = arith.addi %add3A_739, %mul3A_738 : i32
        %get3A_741 = arith.index_cast %add3A_740 : i32 to index
        %get3A_742 = tpu.vector_load %arg32[%get3A_741] {strides = array<i32>} : memref<2560xf32, #tpu.memory_space<vmem>>, vector<16xf32>,
        %add3A_743 = arith.addf %get3A_736, %get3A_742 : vector<16xf32>
        %swap3A_744 = arith.constant 9 : i32
        %swap3A_745 = arith.index_cast %swap3A_744 : i32 to index
        %swap3A_746 = arith.index_cast %mul3A_599 : i32 to index
        %swap3A_747 = tpu.vector_load %arg33[%swap3A_745, %swap3A_746] {strides = array<i32>} : memref<20x128xf32, #tpu.memory_space<vmem>>, vector<16xf32>,
        tpu.vector_store %arg33[%swap3A_745, %swap3A_746], %add3A_743 {strides = array<i32>} : memref<20x128xf32, #tpu.memory_space<vmem>>, vector<16xf32>,
        %get3A_748 = arith.constant 10 : i32
        %get3A_749 = arith.index_cast %get3A_748 : i32 to index
        %get3A_750 = arith.index_cast %mul3A_599 : i32 to index
        %get3A_751 = tpu.vector_load %arg33[%get3A_749, %get3A_750] {strides = array<i32>} : memref<20x128xf32, #tpu.memory_space<vmem>>, vector<16xf32>,
        %mul3A_752 = arith.constant 16 : i32
        %mul3A_753 = arith.muli %scan3A_596, %mul3A_752 : i32
        %add3A_754 = arith.constant 1280 : i32
        %add3A_755 = arith.addi %add3A_754, %mul3A_753 : i32
        %get3A_756 = arith.index_cast %add3A_755 : i32 to index
        %get3A_757 = tpu.vector_load %arg32[%get3A_756] {strides = array<i32>} : memref<2560xf32, #tpu.memory_space<vmem>>, vector<16xf32>,
        %add3A_758 = arith.addf %get3A_751, %get3A_757 : vector<16xf32>
        %swap3A_759 = arith.constant 10 : i32
        %swap3A_760 = arith.index_cast %swap3A_759 : i32 to index
        %swap3A_761 = arith.index_cast %mul3A_599 : i32 to index
        %swap3A_762 = tpu.vector_load %arg33[%swap3A_760, %swap3A_761] {strides = array<i32>} : memref<20x128xf32, #tpu.memory_space<vmem>>, vector<16xf32>,
        tpu.vector_store %arg33[%swap3A_760, %swap3A_761], %add3A_758 {strides = array<i32>} : memref<20x128xf32, #tpu.memory_space<vmem>>, vector<16xf32>,
        %get3A_763 = arith.constant 11 : i32
        %get3A_764 = arith.index_cast %get3A_763 : i32 to index
        %get3A_765 = arith.index_cast %mul3A_599 : i32 to index
        %get3A_766 = tpu.vector_load %arg33[%get3A_764, %get3A_765] {strides = array<i32>} : memref<20x128xf32, #tpu.memory_space<vmem>>, vector<16xf32>,
        %mul3A_767 = arith.constant 16 : i32
        %mul3A_768 = arith.muli %scan3A_596, %mul3A_767 : i32
        %add3A_769 = arith.constant 1408 : i32
        %add3A_770 = arith.addi %add3A_769, %mul3A_768 : i32
        %get3A_771 = arith.index_cast %add3A_770 : i32 to index
        %get3A_772 = tpu.vector_load %arg32[%get3A_771] {strides = array<i32>} : memref<2560xf32, #tpu.memory_space<vmem>>, vector<16xf32>,
        %add3A_773 = arith.addf %get3A_766, %get3A_772 : vector<16xf32>
        %swap3A_774 = arith.constant 11 : i32
        %swap3A_775 = arith.index_cast %swap3A_774 : i32 to index
        %swap3A_776 = arith.index_cast %mul3A_599 : i32 to index
        %swap3A_777 = tpu.vector_load %arg33[%swap3A_775, %swap3A_776] {strides = array<i32>} : memref<20x128xf32, #tpu.memory_space<vmem>>, vector<16xf32>,
        tpu.vector_store %arg33[%swap3A_775, %swap3A_776], %add3A_773 {strides = array<i32>} : memref<20x128xf32, #tpu.memory_space<vmem>>, vector<16xf32>,
        %get3A_778 = arith.constant 12 : i32
        %get3A_779 = arith.index_cast %get3A_778 : i32 to index
        %get3A_780 = arith.index_cast %mul3A_599 : i32 to index
        %get3A_781 = tpu.vector_load %arg33[%get3A_779, %get3A_780] {strides = array<i32>} : memref<20x128xf32, #tpu.memory_space<vmem>>, vector<16xf32>,
        %mul3A_782 = arith.constant 16 : i32
        %mul3A_783 = arith.muli %scan3A_596, %mul3A_782 : i32
        %add3A_784 = arith.constant 1536 : i32
        %add3A_785 = arith.addi %add3A_784, %mul3A_783 : i32
        %get3A_786 = arith.index_cast %add3A_785 : i32 to index
        %get3A_787 = tpu.vector_load %arg32[%get3A_786] {strides = array<i32>} : memref<2560xf32, #tpu.memory_space<vmem>>, vector<16xf32>,
        %add3A_788 = arith.addf %get3A_781, %get3A_787 : vector<16xf32>
        %swap3A_789 = arith.constant 12 : i32
        %swap3A_790 = arith.index_cast %swap3A_789 : i32 to index
        %swap3A_791 = arith.index_cast %mul3A_599 : i32 to index
        %swap3A_792 = tpu.vector_load %arg33[%swap3A_790, %swap3A_791] {strides = array<i32>} : memref<20x128xf32, #tpu.memory_space<vmem>>, vector<16xf32>,
        tpu.vector_store %arg33[%swap3A_790, %swap3A_791], %add3A_788 {strides = array<i32>} : memref<20x128xf32, #tpu.memory_space<vmem>>, vector<16xf32>,
        %get3A_793 = arith.constant 13 : i32
        %get3A_794 = arith.index_cast %get3A_793 : i32 to index
        %get3A_795 = arith.index_cast %mul3A_599 : i32 to index
        %get3A_796 = tpu.vector_load %arg33[%get3A_794, %get3A_795] {strides = array<i32>} : memref<20x128xf32, #tpu.memory_space<vmem>>, vector<16xf32>,
        %mul3A_797 = arith.constant 16 : i32
        %mul3A_798 = arith.muli %scan3A_596, %mul3A_797 : i32
        %add3A_799 = arith.constant 1664 : i32
        %add3A_800 = arith.addi %add3A_799, %mul3A_798 : i32
        %get3A_801 = arith.index_cast %add3A_800 : i32 to index
        %get3A_802 = tpu.vector_load %arg32[%get3A_801] {strides = array<i32>} : memref<2560xf32, #tpu.memory_space<vmem>>, vector<16xf32>,
        %add3A_803 = arith.addf %get3A_796, %get3A_802 : vector<16xf32>
        %swap3A_804 = arith.constant 13 : i32
        %swap3A_805 = arith.index_cast %swap3A_804 : i32 to index
        %swap3A_806 = arith.index_cast %mul3A_599 : i32 to index
        %swap3A_807 = tpu.vector_load %arg33[%swap3A_805, %swap3A_806] {strides = array<i32>} : memref<20x128xf32, #tpu.memory_space<vmem>>, vector<16xf32>,
        tpu.vector_store %arg33[%swap3A_805, %swap3A_806], %add3A_803 {strides = array<i32>} : memref<20x128xf32, #tpu.memory_space<vmem>>, vector<16xf32>,
        %get3A_808 = arith.constant 14 : i32
        %get3A_809 = arith.index_cast %get3A_808 : i32 to index
        %get3A_810 = arith.index_cast %mul3A_599 : i32 to index
        %get3A_811 = tpu.vector_load %arg33[%get3A_809, %get3A_810] {strides = array<i32>} : memref<20x128xf32, #tpu.memory_space<vmem>>, vector<16xf32>,
        %mul3A_812 = arith.constant 16 : i32
        %mul3A_813 = arith.muli %scan3A_596, %mul3A_812 : i32
        %add3A_814 = arith.constant 1792 : i32
        %add3A_815 = arith.addi %add3A_814, %mul3A_813 : i32
        %get3A_816 = arith.index_cast %add3A_815 : i32 to index
        %get3A_817 = tpu.vector_load %arg32[%get3A_816] {strides = array<i32>} : memref<2560xf32, #tpu.memory_space<vmem>>, vector<16xf32>,
        %add3A_818 = arith.addf %get3A_811, %get3A_817 : vector<16xf32>
        %swap3A_819 = arith.constant 14 : i32
        %swap3A_820 = arith.index_cast %swap3A_819 : i32 to index
        %swap3A_821 = arith.index_cast %mul3A_599 : i32 to index
        %swap3A_822 = tpu.vector_load %arg33[%swap3A_820, %swap3A_821] {strides = array<i32>} : memref<20x128xf32, #tpu.memory_space<vmem>>, vector<16xf32>,
        tpu.vector_store %arg33[%swap3A_820, %swap3A_821], %add3A_818 {strides = array<i32>} : memref<20x128xf32, #tpu.memory_space<vmem>>, vector<16xf32>,
        %get3A_823 = arith.constant 15 : i32
        %get3A_824 = arith.index_cast %get3A_823 : i32 to index
        %get3A_825 = arith.index_cast %mul3A_599 : i32 to index
        %get3A_826 = tpu.vector_load %arg33[%get3A_824, %get3A_825] {strides = array<i32>} : memref<20x128xf32, #tpu.memory_space<vmem>>, vector<16xf32>,
        %mul3A_827 = arith.constant 16 : i32
        %mul3A_828 = arith.muli %scan3A_596, %mul3A_827 : i32
        %add3A_829 = arith.constant 1920 : i32
        %add3A_830 = arith.addi %add3A_829, %mul3A_828 : i32
        %get3A_831 = arith.index_cast %add3A_830 : i32 to index
        %get3A_832 = tpu.vector_load %arg32[%get3A_831] {strides = array<i32>} : memref<2560xf32, #tpu.memory_space<vmem>>, vector<16xf32>,
        %add3A_833 = arith.addf %get3A_826, %get3A_832 : vector<16xf32>
        %swap3A_834 = arith.constant 15 : i32
        %swap3A_835 = arith.index_cast %swap3A_834 : i32 to index
        %swap3A_836 = arith.index_cast %mul3A_599 : i32 to index
        %swap3A_837 = tpu.vector_load %arg33[%swap3A_835, %swap3A_836] {strides = array<i32>} : memref<20x128xf32, #tpu.memory_space<vmem>>, vector<16xf32>,
        tpu.vector_store %arg33[%swap3A_835, %swap3A_836], %add3A_833 {strides = array<i32>} : memref<20x128xf32, #tpu.memory_space<vmem>>, vector<16xf32>,
        %get3A_838 = arith.constant 16 : i32
        %get3A_839 = arith.index_cast %get3A_838 : i32 to index
        %get3A_840 = arith.index_cast %mul3A_599 : i32 to index
        %get3A_841 = tpu.vector_load %arg33[%get3A_839, %get3A_840] {strides = array<i32>} : memref<20x128xf32, #tpu.memory_space<vmem>>, vector<16xf32>,
        %mul3A_842 = arith.constant 16 : i32
        %mul3A_843 = arith.muli %scan3A_596, %mul3A_842 : i32
        %add3A_844 = arith.constant 2048 : i32
        %add3A_845 = arith.addi %add3A_844, %mul3A_843 : i32
        %get3A_846 = arith.index_cast %add3A_845 : i32 to index
        %get3A_847 = tpu.vector_load %arg32[%get3A_846] {strides = array<i32>} : memref<2560xf32, #tpu.memory_space<vmem>>, vector<16xf32>,
        %add3A_848 = arith.addf %get3A_841, %get3A_847 : vector<16xf32>
        %swap3A_849 = arith.constant 16 : i32
        %swap3A_850 = arith.index_cast %swap3A_849 : i32 to index
        %swap3A_851 = arith.index_cast %mul3A_599 : i32 to index
        %swap3A_852 = tpu.vector_load %arg33[%swap3A_850, %swap3A_851] {strides = array<i32>} : memref<20x128xf32, #tpu.memory_space<vmem>>, vector<16xf32>,
        tpu.vector_store %arg33[%swap3A_850, %swap3A_851], %add3A_848 {strides = array<i32>} : memref<20x128xf32, #tpu.memory_space<vmem>>, vector<16xf32>,
        %get3A_853 = arith.constant 17 : i32
        %get3A_854 = arith.index_cast %get3A_853 : i32 to index
        %get3A_855 = arith.index_cast %mul3A_599 : i32 to index
        %get3A_856 = tpu.vector_load %arg33[%get3A_854, %get3A_855] {strides = array<i32>} : memref<20x128xf32, #tpu.memory_space<vmem>>, vector<16xf32>,
        %mul3A_857 = arith.constant 16 : i32
        %mul3A_858 = arith.muli %scan3A_596, %mul3A_857 : i32
        %add3A_859 = arith.constant 2176 : i32
        %add3A_860 = arith.addi %add3A_859, %mul3A_858 : i32
        %get3A_861 = arith.index_cast %add3A_860 : i32 to index
        %get3A_862 = tpu.vector_load %arg32[%get3A_861] {strides = array<i32>} : memref<2560xf32, #tpu.memory_space<vmem>>, vector<16xf32>,
        %add3A_863 = arith.addf %get3A_856, %get3A_862 : vector<16xf32>
        %swap3A_864 = arith.constant 17 : i32
        %swap3A_865 = arith.index_cast %swap3A_864 : i32 to index
        %swap3A_866 = arith.index_cast %mul3A_599 : i32 to index
        %swap3A_867 = tpu.vector_load %arg33[%swap3A_865, %swap3A_866] {strides = array<i32>} : memref<20x128xf32, #tpu.memory_space<vmem>>, vector<16xf32>,
        tpu.vector_store %arg33[%swap3A_865, %swap3A_866], %add3A_863 {strides = array<i32>} : memref<20x128xf32, #tpu.memory_space<vmem>>, vector<16xf32>,
        %get3A_868 = arith.constant 18 : i32
        %get3A_869 = arith.index_cast %get3A_868 : i32 to index
        %get3A_870 = arith.index_cast %mul3A_599 : i32 to index
        %get3A_871 = tpu.vector_load %arg33[%get3A_869, %get3A_870] {strides = array<i32>} : memref<20x128xf32, #tpu.memory_space<vmem>>, vector<16xf32>,
        %mul3A_872 = arith.constant 16 : i32
        %mul3A_873 = arith.muli %scan3A_596, %mul3A_872 : i32
        %add3A_874 = arith.constant 2304 : i32
        %add3A_875 = arith.addi %add3A_874, %mul3A_873 : i32
        %get3A_876 = arith.index_cast %add3A_875 : i32 to index
        %get3A_877 = tpu.vector_load %arg32[%get3A_876] {strides = array<i32>} : memref<2560xf32, #tpu.memory_space<vmem>>, vector<16xf32>,
        %add3A_878 = arith.addf %get3A_871, %get3A_877 : vector<16xf32>
        %swap3A_879 = arith.constant 18 : i32
        %swap3A_880 = arith.index_cast %swap3A_879 : i32 to index
        %swap3A_881 = arith.index_cast %mul3A_599 : i32 to index
        %swap3A_882 = tpu.vector_load %arg33[%swap3A_880, %swap3A_881] {strides = array<i32>} : memref<20x128xf32, #tpu.memory_space<vmem>>, vector<16xf32>,
        tpu.vector_store %arg33[%swap3A_880, %swap3A_881], %add3A_878 {strides = array<i32>} : memref<20x128xf32, #tpu.memory_space<vmem>>, vector<16xf32>,
        %get3A_883 = arith.constant 19 : i32
        %get3A_884 = arith.index_cast %get3A_883 : i32 to index
        %get3A_885 = arith.index_cast %mul3A_599 : i32 to index
        %get3A_886 = tpu.vector_load %arg33[%get3A_884, %get3A_885] {strides = array<i32>} : memref<20x128xf32, #tpu.memory_space<vmem>>, vector<16xf32>,
        %mul3A_887 = arith.constant 16 : i32
        %mul3A_888 = arith.muli %scan3A_596, %mul3A_887 : i32
        %add3A_889 = arith.constant 2432 : i32
        %add3A_890 = arith.addi %add3A_889, %mul3A_888 : i32
        %get3A_891 = arith.index_cast %add3A_890 : i32 to index
        %get3A_892 = tpu.vector_load %arg32[%get3A_891] {strides = array<i32>} : memref<2560xf32, #tpu.memory_space<vmem>>, vector<16xf32>,
        %add3A_893 = arith.addf %get3A_886, %get3A_892 : vector<16xf32>
        %swap3A_894 = arith.constant 19 : i32
        %swap3A_895 = arith.index_cast %swap3A_894 : i32 to index
        %swap3A_896 = arith.index_cast %mul3A_599 : i32 to index
        %swap3A_897 = tpu.vector_load %arg33[%swap3A_895, %swap3A_896] {strides = array<i32>} : memref<20x128xf32, #tpu.memory_space<vmem>>, vector<16xf32>,
        tpu.vector_store %arg33[%swap3A_895, %swap3A_896], %add3A_893 {strides = array<i32>} : memref<20x128xf32, #tpu.memory_space<vmem>>, vector<16xf32>,
        %scan3A_898 = arith.constant 0 : i32
        scf.yield %scan3A_898 : i32
      }
      %scan3A_594 = arith.constant 8 : i32
      %scan3A_595 = arith.constant 0 : i32
      scf.yield %scan3A_595 : i32
    }
    %scan3A_177 = arith.constant 16 : i32
    %mul3A_178 = arith.constant 3 : i32
    %mul3A_179 = arith.muli %mul3A_2, %mul3A_178 : i32
    "tpu.region"() ({
      %run_scoped3A = tpu.sem_alloc : memref<!tpu.dma_semaphore, #tpu.memory_space<semaphore_mem>>
      %dma_start3A = tpu.memref_slice %arg11[%mul3A_179] : memref<6144xf32, #tpu.memory_space<hbm>> -> memref<384xf32, #tpu.memory_space<hbm>>
      %dma_start3A_189 = tpu.memref_slice %arg11[%mul3A_179] : memref<6144xf32, #tpu.memory_space<hbm>> -> memref<384xf32, #tpu.memory_space<hbm>>
      tpu.enqueue_dma source(%dma_start3A_189 : memref<384xf32, #tpu.memory_space<hbm>>) target(%arg34 : memref<384xf32, #tpu.memory_space<vmem>>) target_semaphore(%run_scoped3A : memref<!tpu.dma_semaphore, #tpu.memory_space<semaphore_mem>>)
      %dma_wait3A = tpu.memref_slice %arg11[%mul3A_179] : memref<6144xf32, #tpu.memory_space<hbm>> -> memref<384xf32, #tpu.memory_space<hbm>>
      %dma_wait3A_190 = tpu.memref_slice %arg11[%mul3A_179] : memref<6144xf32, #tpu.memory_space<hbm>> -> memref<384xf32, #tpu.memory_space<hbm>>
      tpu.wait_dma2 semaphore(%run_scoped3A : memref<!tpu.dma_semaphore, #tpu.memory_space<semaphore_mem>>) src(%dma_wait3A_190 : memref<384xf32, #tpu.memory_space<hbm>>) dst(%arg34 : memref<384xf32, #tpu.memory_space<vmem>>)
      tpu.yield
    }) : () -> ()
    %scan3A_180 = arith.constant 0 : i32
    %scan3A_181 = arith.constant 0 : i32
    %scan3A_182 = arith.constant 8 : i32
    %scan3A_183 = arith.addi %scan3A_181, %scan3A_182 : i32
    %scan3A_184 = arith.constant 1 : i32
    %scan3A_185 = scf.for %scan3A_189 = %scan3A_181 to %scan3A_183 step %scan3A_184 iter_args(%scan3A_190 = %scan3A_180) -> (i32)  : i32 {
      %iota3A = tpu.iota {dimensions = array<i32: 0>} : vector<16xi32>
      %mul3A_191 = arith.constant 16 : i32
      %mul3A_192 = arith.muli %scan3A_189, %mul3A_191 : i32
      %add3A = vector.broadcast %mul3A_192 : i32 to vector<16xi32>
      %add3A_193 = arith.addi %iota3A, %add3A : vector<16xi32>
      %mul3A_194 = arith.constant 3 : i32
      %mul3A_195 = vector.broadcast %mul3A_194 : i32 to vector<16xi32>
      %mul3A_196 = arith.muli %add3A_193, %mul3A_195 : vector<16xi32>
      %mul3A_197 = arith.constant 12 : i32
      %mul3A_198 = vector.broadcast %mul3A_197 : i32 to vector<16xi32>
      %mul3A_199 = arith.muli %add3A_193, %mul3A_198 : vector<16xi32>
      %mul3A_200 = arith.constant 16 : i32
      %mul3A_201 = arith.muli %scan3A_189, %mul3A_200 : i32
      %get3A = arith.constant 0 : i32
      %get3A_202 = arith.index_cast %get3A : i32 to index
      %get3A_203 = arith.index_cast %mul3A_201 : i32 to index
      %get3A_204 = tpu.vector_load %arg33[%get3A_202, %get3A_203] {strides = array<i32>} : memref<20x128xf32, #tpu.memory_space<vmem>>, vector<16xf32>,
      %mul3A_205 = arith.constant 16 : i32
      %mul3A_206 = arith.muli %scan3A_189, %mul3A_205 : i32
      %get3A_207 = arith.constant 4 : i32
      %get3A_208 = arith.index_cast %get3A_207 : i32 to index
      %get3A_209 = arith.index_cast %mul3A_206 : i32 to index
      %get3A_210 = tpu.vector_load %arg33[%get3A_208, %get3A_209] {strides = array<i32>} : memref<20x128xf32, #tpu.memory_space<vmem>>, vector<16xf32>,
      %gt3A = arith.constant 0.000000e+00 : f32
      %gt3A_211 = vector.broadcast %gt3A : f32 to vector<16xf32>
      %gt3A_212 = arith.cmpf ogt, %get3A_204, %gt3A_211 : vector<16xf32>
      %jit3A = arith.constant 1.000000e+00 : f32
      %broadcast_in_dim3A_213 = vector.broadcast %jit3A : f32 to vector<16xf32>
      %select_n3A = arith.select %gt3A_212, %get3A_204, %broadcast_in_dim3A_213 : vector<16xi1>, vector<16xf32>
      %mul3A_214 = arith.constant 16 : i32
      %mul3A_215 = arith.muli %scan3A_189, %mul3A_214 : i32
      %get3A_216 = arith.constant 8 : i32
      %get3A_217 = arith.index_cast %get3A_216 : i32 to index
      %get3A_218 = arith.index_cast %mul3A_215 : i32 to index
      %get3A_219 = tpu.vector_load %arg33[%get3A_217, %get3A_218] {strides = array<i32>} : memref<20x128xf32, #tpu.memory_space<vmem>>, vector<16xf32>,
      %add3A_220 = arith.constant 0 : i32
      %add3A_221 = vector.broadcast %add3A_220 : i32 to vector<16xi32>
      %add3A_222 = arith.addi %mul3A_196, %add3A_221 : vector<16xi32>
      %gather3A = tpu.vector_load_idx %arg34[%add3A_222] : memref<384xf32, #tpu.memory_space<vmem>>[vector<16xi32>], vector<16xf32>,
      %mul3A_223 = arith.mulf %get3A_210, %gather3A : vector<16xf32>
      %sub3A = arith.subf %get3A_219, %mul3A_223 : vector<16xf32>
      %div3A = arith.divf %sub3A, %select_n3A : vector<16xf32>
      %jit3A_224 = arith.constant 0.000000e+00 : f32
      %broadcast_in_dim3A_225 = vector.broadcast %jit3A_224 : f32 to vector<16xf32>
      %select_n3A_226 = arith.select %gt3A_212, %div3A, %broadcast_in_dim3A_225 : vector<16xi1>, vector<16xf32>
      %add3A_227 = arith.constant 0 : i32
      %add3A_228 = vector.broadcast %add3A_227 : i32 to vector<16xi32>
      %add3A_229 = arith.addi %mul3A_199, %add3A_228 : vector<16xi32>
      tpu.vector_store_idx %arg35[%add3A_229], %select_n3A_226 : memref<1536xf32, #tpu.memory_space<vmem>>[vector<16xi32>], vector<16xf32>,
      %mul3A_230 = arith.constant 16 : i32
      %mul3A_231 = arith.muli %scan3A_189, %mul3A_230 : i32
      %get3A_232 = arith.constant 9 : i32
      %get3A_233 = arith.index_cast %get3A_232 : i32 to index
      %get3A_234 = arith.index_cast %mul3A_231 : i32 to index
      %get3A_235 = tpu.vector_load %arg33[%get3A_233, %get3A_234] {strides = array<i32>} : memref<20x128xf32, #tpu.memory_space<vmem>>, vector<16xf32>,
      %add3A_236 = arith.constant 1 : i32
      %add3A_237 = vector.broadcast %add3A_236 : i32 to vector<16xi32>
      %add3A_238 = arith.addi %mul3A_196, %add3A_237 : vector<16xi32>
      %gather3A_239 = tpu.vector_load_idx %arg34[%add3A_238] : memref<384xf32, #tpu.memory_space<vmem>>[vector<16xi32>], vector<16xf32>,
      %mul3A_240 = arith.mulf %get3A_210, %gather3A_239 : vector<16xf32>
      %sub3A_241 = arith.subf %get3A_235, %mul3A_240 : vector<16xf32>
      %div3A_242 = arith.divf %sub3A_241, %select_n3A : vector<16xf32>
      %jit3A_243 = arith.constant 0.000000e+00 : f32
      %broadcast_in_dim3A_244 = vector.broadcast %jit3A_243 : f32 to vector<16xf32>
      %select_n3A_245 = arith.select %gt3A_212, %div3A_242, %broadcast_in_dim3A_244 : vector<16xi1>, vector<16xf32>
      %add3A_246 = arith.constant 1 : i32
      %add3A_247 = vector.broadcast %add3A_246 : i32 to vector<16xi32>
      %add3A_248 = arith.addi %mul3A_199, %add3A_247 : vector<16xi32>
      tpu.vector_store_idx %arg35[%add3A_248], %select_n3A_245 : memref<1536xf32, #tpu.memory_space<vmem>>[vector<16xi32>], vector<16xf32>,
      %mul3A_249 = arith.constant 16 : i32
      %mul3A_250 = arith.muli %scan3A_189, %mul3A_249 : i32
      %get3A_251 = arith.constant 10 : i32
      %get3A_252 = arith.index_cast %get3A_251 : i32 to index
      %get3A_253 = arith.index_cast %mul3A_250 : i32 to index
      %get3A_254 = tpu.vector_load %arg33[%get3A_252, %get3A_253] {strides = array<i32>} : memref<20x128xf32, #tpu.memory_space<vmem>>, vector<16xf32>,
      %add3A_255 = arith.constant 2 : i32
      %add3A_256 = vector.broadcast %add3A_255 : i32 to vector<16xi32>
      %add3A_257 = arith.addi %mul3A_196, %add3A_256 : vector<16xi32>
      %gather3A_258 = tpu.vector_load_idx %arg34[%add3A_257] : memref<384xf32, #tpu.memory_space<vmem>>[vector<16xi32>], vector<16xf32>,
      %mul3A_259 = arith.mulf %get3A_210, %gather3A_258 : vector<16xf32>
      %sub3A_260 = arith.subf %get3A_254, %mul3A_259 : vector<16xf32>
      %div3A_261 = arith.divf %sub3A_260, %select_n3A : vector<16xf32>
      %jit3A_262 = arith.constant 0.000000e+00 : f32
      %broadcast_in_dim3A_263 = vector.broadcast %jit3A_262 : f32 to vector<16xf32>
      %select_n3A_264 = arith.select %gt3A_212, %div3A_261, %broadcast_in_dim3A_263 : vector<16xi1>, vector<16xf32>
      %add3A_265 = arith.constant 2 : i32
      %add3A_266 = vector.broadcast %add3A_265 : i32 to vector<16xi32>
      %add3A_267 = arith.addi %mul3A_199, %add3A_266 : vector<16xi32>
      tpu.vector_store_idx %arg35[%add3A_267], %select_n3A_264 : memref<1536xf32, #tpu.memory_space<vmem>>[vector<16xi32>], vector<16xf32>,
      %mul3A_268 = arith.constant 16 : i32
      %mul3A_269 = arith.muli %scan3A_189, %mul3A_268 : i32
      %get3A_270 = arith.constant 1 : i32
      %get3A_271 = arith.index_cast %get3A_270 : i32 to index
      %get3A_272 = arith.index_cast %mul3A_269 : i32 to index
      %get3A_273 = tpu.vector_load %arg33[%get3A_271, %get3A_272] {strides = array<i32>} : memref<20x128xf32, #tpu.memory_space<vmem>>, vector<16xf32>,
      %mul3A_274 = arith.constant 16 : i32
      %mul3A_275 = arith.muli %scan3A_189, %mul3A_274 : i32
      %get3A_276 = arith.constant 5 : i32
      %get3A_277 = arith.index_cast %get3A_276 : i32 to index
      %get3A_278 = arith.index_cast %mul3A_275 : i32 to index
      %get3A_279 = tpu.vector_load %arg33[%get3A_277, %get3A_278] {strides = array<i32>} : memref<20x128xf32, #tpu.memory_space<vmem>>, vector<16xf32>,
      %gt3A_280 = arith.constant 0.000000e+00 : f32
      %gt3A_281 = vector.broadcast %gt3A_280 : f32 to vector<16xf32>
      %gt3A_282 = arith.cmpf ogt, %get3A_273, %gt3A_281 : vector<16xf32>
      %jit3A_283 = arith.constant 1.000000e+00 : f32
      %broadcast_in_dim3A_284 = vector.broadcast %jit3A_283 : f32 to vector<16xf32>
      %select_n3A_285 = arith.select %gt3A_282, %get3A_273, %broadcast_in_dim3A_284 : vector<16xi1>, vector<16xf32>
      %mul3A_286 = arith.constant 16 : i32
      %mul3A_287 = arith.muli %scan3A_189, %mul3A_286 : i32
      %get3A_288 = arith.constant 11 : i32
      %get3A_289 = arith.index_cast %get3A_288 : i32 to index
      %get3A_290 = arith.index_cast %mul3A_287 : i32 to index
      %get3A_291 = tpu.vector_load %arg33[%get3A_289, %get3A_290] {strides = array<i32>} : memref<20x128xf32, #tpu.memory_space<vmem>>, vector<16xf32>,
      %add3A_292 = arith.constant 0 : i32
      %add3A_293 = vector.broadcast %add3A_292 : i32 to vector<16xi32>
      %add3A_294 = arith.addi %mul3A_196, %add3A_293 : vector<16xi32>
      %gather3A_295 = tpu.vector_load_idx %arg34[%add3A_294] : memref<384xf32, #tpu.memory_space<vmem>>[vector<16xi32>], vector<16xf32>,
      %mul3A_296 = arith.mulf %get3A_279, %gather3A_295 : vector<16xf32>
      %sub3A_297 = arith.subf %get3A_291, %mul3A_296 : vector<16xf32>
      %div3A_298 = arith.divf %sub3A_297, %select_n3A_285 : vector<16xf32>
      %jit3A_299 = arith.constant 0.000000e+00 : f32
      %broadcast_in_dim3A_300 = vector.broadcast %jit3A_299 : f32 to vector<16xf32>
      %select_n3A_301 = arith.select %gt3A_282, %div3A_298, %broadcast_in_dim3A_300 : vector<16xi1>, vector<16xf32>
      %add3A_302 = arith.constant 3 : i32
      %add3A_303 = vector.broadcast %add3A_302 : i32 to vector<16xi32>
      %add3A_304 = arith.addi %mul3A_199, %add3A_303 : vector<16xi32>
      tpu.vector_store_idx %arg35[%add3A_304], %select_n3A_301 : memref<1536xf32, #tpu.memory_space<vmem>>[vector<16xi32>], vector<16xf32>,
      %mul3A_305 = arith.constant 16 : i32
      %mul3A_306 = arith.muli %scan3A_189, %mul3A_305 : i32
      %get3A_307 = arith.constant 12 : i32
      %get3A_308 = arith.index_cast %get3A_307 : i32 to index
      %get3A_309 = arith.index_cast %mul3A_306 : i32 to index
      %get3A_310 = tpu.vector_load %arg33[%get3A_308, %get3A_309] {strides = array<i32>} : memref<20x128xf32, #tpu.memory_space<vmem>>, vector<16xf32>,
      %add3A_311 = arith.constant 1 : i32
      %add3A_312 = vector.broadcast %add3A_311 : i32 to vector<16xi32>
      %add3A_313 = arith.addi %mul3A_196, %add3A_312 : vector<16xi32>
      %gather3A_314 = tpu.vector_load_idx %arg34[%add3A_313] : memref<384xf32, #tpu.memory_space<vmem>>[vector<16xi32>], vector<16xf32>,
      %mul3A_315 = arith.mulf %get3A_279, %gather3A_314 : vector<16xf32>
      %sub3A_316 = arith.subf %get3A_310, %mul3A_315 : vector<16xf32>
      %div3A_317 = arith.divf %sub3A_316, %select_n3A_285 : vector<16xf32>
      %jit3A_318 = arith.constant 0.000000e+00 : f32
      %broadcast_in_dim3A_319 = vector.broadcast %jit3A_318 : f32 to vector<16xf32>
      %select_n3A_320 = arith.select %gt3A_282, %div3A_317, %broadcast_in_dim3A_319 : vector<16xi1>, vector<16xf32>
      %add3A_321 = arith.constant 4 : i32
      %add3A_322 = vector.broadcast %add3A_321 : i32 to vector<16xi32>
      %add3A_323 = arith.addi %mul3A_199, %add3A_322 : vector<16xi32>
      tpu.vector_store_idx %arg35[%add3A_323], %select_n3A_320 : memref<1536xf32, #tpu.memory_space<vmem>>[vector<16xi32>], vector<16xf32>,
      %mul3A_324 = arith.constant 16 : i32
      %mul3A_325 = arith.muli %scan3A_189, %mul3A_324 : i32
      %get3A_326 = arith.constant 13 : i32
      %get3A_327 = arith.index_cast %get3A_326 : i32 to index
      %get3A_328 = arith.index_cast %mul3A_325 : i32 to index
      %get3A_329 = tpu.vector_load %arg33[%get3A_327, %get3A_328] {strides = array<i32>} : memref<20x128xf32, #tpu.memory_space<vmem>>, vector<16xf32>,
      %add3A_330 = arith.constant 2 : i32
      %add3A_331 = vector.broadcast %add3A_330 : i32 to vector<16xi32>
      %add3A_332 = arith.addi %mul3A_196, %add3A_331 : vector<16xi32>
      %gather3A_333 = tpu.vector_load_idx %arg34[%add3A_332] : memref<384xf32, #tpu.memory_space<vmem>>[vector<16xi32>], vector<16xf32>,
      %mul3A_334 = arith.mulf %get3A_279, %gather3A_333 : vector<16xf32>
      %sub3A_335 = arith.subf %get3A_329, %mul3A_334 : vector<16xf32>
      %div3A_336 = arith.divf %sub3A_335, %select_n3A_285 : vector<16xf32>
      %jit3A_337 = arith.constant 0.000000e+00 : f32
      %broadcast_in_dim3A_338 = vector.broadcast %jit3A_337 : f32 to vector<16xf32>
      %select_n3A_339 = arith.select %gt3A_282, %div3A_336, %broadcast_in_dim3A_338 : vector<16xi1>, vector<16xf32>
      %add3A_340 = arith.constant 5 : i32
      %add3A_341 = vector.broadcast %add3A_340 : i32 to vector<16xi32>
      %add3A_342 = arith.addi %mul3A_199, %add3A_341 : vector<16xi32>
      tpu.vector_store_idx %arg35[%add3A_342], %select_n3A_339 : memref<1536xf32, #tpu.memory_space<vmem>>[vector<16xi32>], vector<16xf32>,
      %mul3A_343 = arith.constant 16 : i32
      %mul3A_344 = arith.muli %scan3A_189, %mul3A_343 : i32
      %get3A_345 = arith.constant 2 : i32
      %get3A_346 = arith.index_cast %get3A_345 : i32 to index
      %get3A_347 = arith.index_cast %mul3A_344 : i32 to index
      %get3A_348 = tpu.vector_load %arg33[%get3A_346, %get3A_347] {strides = array<i32>} : memref<20x128xf32, #tpu.memory_space<vmem>>, vector<16xf32>,
      %mul3A_349 = arith.constant 16 : i32
      %mul3A_350 = arith.muli %scan3A_189, %mul3A_349 : i32
      %get3A_351 = arith.constant 6 : i32
      %get3A_352 = arith.index_cast %get3A_351 : i32 to index
      %get3A_353 = arith.index_cast %mul3A_350 : i32 to index
      %get3A_354 = tpu.vector_load %arg33[%get3A_352, %get3A_353] {strides = array<i32>} : memref<20x128xf32, #tpu.memory_space<vmem>>, vector<16xf32>,
      %gt3A_355 = arith.constant 0.000000e+00 : f32
      %gt3A_356 = vector.broadcast %gt3A_355 : f32 to vector<16xf32>
      %gt3A_357 = arith.cmpf ogt, %get3A_348, %gt3A_356 : vector<16xf32>
      %jit3A_358 = arith.constant 1.000000e+00 : f32
      %broadcast_in_dim3A_359 = vector.broadcast %jit3A_358 : f32 to vector<16xf32>
      %select_n3A_360 = arith.select %gt3A_357, %get3A_348, %broadcast_in_dim3A_359 : vector<16xi1>, vector<16xf32>
      %mul3A_361 = arith.constant 16 : i32
      %mul3A_362 = arith.muli %scan3A_189, %mul3A_361 : i32
      %get3A_363 = arith.constant 14 : i32
      %get3A_364 = arith.index_cast %get3A_363 : i32 to index
      %get3A_365 = arith.index_cast %mul3A_362 : i32 to index
      %get3A_366 = tpu.vector_load %arg33[%get3A_364, %get3A_365] {strides = array<i32>} : memref<20x128xf32, #tpu.memory_space<vmem>>, vector<16xf32>,
      %add3A_367 = arith.constant 0 : i32
      %add3A_368 = vector.broadcast %add3A_367 : i32 to vector<16xi32>
      %add3A_369 = arith.addi %mul3A_196, %add3A_368 : vector<16xi32>
      %gather3A_370 = tpu.vector_load_idx %arg34[%add3A_369] : memref<384xf32, #tpu.memory_space<vmem>>[vector<16xi32>], vector<16xf32>,
      %mul3A_371 = arith.mulf %get3A_354, %gather3A_370 : vector<16xf32>
      %sub3A_372 = arith.subf %get3A_366, %mul3A_371 : vector<16xf32>
      %div3A_373 = arith.divf %sub3A_372, %select_n3A_360 : vector<16xf32>
      %jit3A_374 = arith.constant 0.000000e+00 : f32
      %broadcast_in_dim3A_375 = vector.broadcast %jit3A_374 : f32 to vector<16xf32>
      %select_n3A_376 = arith.select %gt3A_357, %div3A_373, %broadcast_in_dim3A_375 : vector<16xi1>, vector<16xf32>
      %add3A_377 = arith.constant 6 : i32
      %add3A_378 = vector.broadcast %add3A_377 : i32 to vector<16xi32>
      %add3A_379 = arith.addi %mul3A_199, %add3A_378 : vector<16xi32>
      tpu.vector_store_idx %arg35[%add3A_379], %select_n3A_376 : memref<1536xf32, #tpu.memory_space<vmem>>[vector<16xi32>], vector<16xf32>,
      %mul3A_380 = arith.constant 16 : i32
      %mul3A_381 = arith.muli %scan3A_189, %mul3A_380 : i32
      %get3A_382 = arith.constant 15 : i32
      %get3A_383 = arith.index_cast %get3A_382 : i32 to index
      %get3A_384 = arith.index_cast %mul3A_381 : i32 to index
      %get3A_385 = tpu.vector_load %arg33[%get3A_383, %get3A_384] {strides = array<i32>} : memref<20x128xf32, #tpu.memory_space<vmem>>, vector<16xf32>,
      %add3A_386 = arith.constant 1 : i32
      %add3A_387 = vector.broadcast %add3A_386 : i32 to vector<16xi32>
      %add3A_388 = arith.addi %mul3A_196, %add3A_387 : vector<16xi32>
      %gather3A_389 = tpu.vector_load_idx %arg34[%add3A_388] : memref<384xf32, #tpu.memory_space<vmem>>[vector<16xi32>], vector<16xf32>,
      %mul3A_390 = arith.mulf %get3A_354, %gather3A_389 : vector<16xf32>
      %sub3A_391 = arith.subf %get3A_385, %mul3A_390 : vector<16xf32>
      %div3A_392 = arith.divf %sub3A_391, %select_n3A_360 : vector<16xf32>
      %jit3A_393 = arith.constant 0.000000e+00 : f32
      %broadcast_in_dim3A_394 = vector.broadcast %jit3A_393 : f32 to vector<16xf32>
      %select_n3A_395 = arith.select %gt3A_357, %div3A_392, %broadcast_in_dim3A_394 : vector<16xi1>, vector<16xf32>
      %add3A_396 = arith.constant 7 : i32
      %add3A_397 = vector.broadcast %add3A_396 : i32 to vector<16xi32>
      %add3A_398 = arith.addi %mul3A_199, %add3A_397 : vector<16xi32>
      tpu.vector_store_idx %arg35[%add3A_398], %select_n3A_395 : memref<1536xf32, #tpu.memory_space<vmem>>[vector<16xi32>], vector<16xf32>,
      %mul3A_399 = arith.constant 16 : i32
      %mul3A_400 = arith.muli %scan3A_189, %mul3A_399 : i32
      %get3A_401 = arith.constant 16 : i32
      %get3A_402 = arith.index_cast %get3A_401 : i32 to index
      %get3A_403 = arith.index_cast %mul3A_400 : i32 to index
      %get3A_404 = tpu.vector_load %arg33[%get3A_402, %get3A_403] {strides = array<i32>} : memref<20x128xf32, #tpu.memory_space<vmem>>, vector<16xf32>,
      %add3A_405 = arith.constant 2 : i32
      %add3A_406 = vector.broadcast %add3A_405 : i32 to vector<16xi32>
      %add3A_407 = arith.addi %mul3A_196, %add3A_406 : vector<16xi32>
      %gather3A_408 = tpu.vector_load_idx %arg34[%add3A_407] : memref<384xf32, #tpu.memory_space<vmem>>[vector<16xi32>], vector<16xf32>,
      %mul3A_409 = arith.mulf %get3A_354, %gather3A_408 : vector<16xf32>
      %sub3A_410 = arith.subf %get3A_404, %mul3A_409 : vector<16xf32>
      %div3A_411 = arith.divf %sub3A_410, %select_n3A_360 : vector<16xf32>
      %jit3A_412 = arith.constant 0.000000e+00 : f32
      %broadcast_in_dim3A_413 = vector.broadcast %jit3A_412 : f32 to vector<16xf32>
      %select_n3A_414 = arith.select %gt3A_357, %div3A_411, %broadcast_in_dim3A_413 : vector<16xi1>, vector<16xf32>
      %add3A_415 = arith.constant 8 : i32
      %add3A_416 = vector.broadcast %add3A_415 : i32 to vector<16xi32>
      %add3A_417 = arith.addi %mul3A_199, %add3A_416 : vector<16xi32>
      tpu.vector_store_idx %arg35[%add3A_417], %select_n3A_414 : memref<1536xf32, #tpu.memory_space<vmem>>[vector<16xi32>], vector<16xf32>,
      %mul3A_418 = arith.constant 16 : i32
      %mul3A_419 = arith.muli %scan3A_189, %mul3A_418 : i32
      %get3A_420 = arith.constant 3 : i32
      %get3A_421 = arith.index_cast %get3A_420 : i32 to index
      %get3A_422 = arith.index_cast %mul3A_419 : i32 to index
      %get3A_423 = tpu.vector_load %arg33[%get3A_421, %get3A_422] {strides = array<i32>} : memref<20x128xf32, #tpu.memory_space<vmem>>, vector<16xf32>,
      %mul3A_424 = arith.constant 16 : i32
      %mul3A_425 = arith.muli %scan3A_189, %mul3A_424 : i32
      %get3A_426 = arith.constant 7 : i32
      %get3A_427 = arith.index_cast %get3A_426 : i32 to index
      %get3A_428 = arith.index_cast %mul3A_425 : i32 to index
      %get3A_429 = tpu.vector_load %arg33[%get3A_427, %get3A_428] {strides = array<i32>} : memref<20x128xf32, #tpu.memory_space<vmem>>, vector<16xf32>,
      %gt3A_430 = arith.constant 0.000000e+00 : f32
      %gt3A_431 = vector.broadcast %gt3A_430 : f32 to vector<16xf32>
      %gt3A_432 = arith.cmpf ogt, %get3A_423, %gt3A_431 : vector<16xf32>
      %jit3A_433 = arith.constant 1.000000e+00 : f32
      %broadcast_in_dim3A_434 = vector.broadcast %jit3A_433 : f32 to vector<16xf32>
      %select_n3A_435 = arith.select %gt3A_432, %get3A_423, %broadcast_in_dim3A_434 : vector<16xi1>, vector<16xf32>
      %mul3A_436 = arith.constant 16 : i32
      %mul3A_437 = arith.muli %scan3A_189, %mul3A_436 : i32
      %get3A_438 = arith.constant 17 : i32
      %get3A_439 = arith.index_cast %get3A_438 : i32 to index
      %get3A_440 = arith.index_cast %mul3A_437 : i32 to index
      %get3A_441 = tpu.vector_load %arg33[%get3A_439, %get3A_440] {strides = array<i32>} : memref<20x128xf32, #tpu.memory_space<vmem>>, vector<16xf32>,
      %add3A_442 = arith.constant 0 : i32
      %add3A_443 = vector.broadcast %add3A_442 : i32 to vector<16xi32>
      %add3A_444 = arith.addi %mul3A_196, %add3A_443 : vector<16xi32>
      %gather3A_445 = tpu.vector_load_idx %arg34[%add3A_444] : memref<384xf32, #tpu.memory_space<vmem>>[vector<16xi32>], vector<16xf32>,
      %mul3A_446 = arith.mulf %get3A_429, %gather3A_445 : vector<16xf32>
      %sub3A_447 = arith.subf %get3A_441, %mul3A_446 : vector<16xf32>
      %div3A_448 = arith.divf %sub3A_447, %select_n3A_435 : vector<16xf32>
      %jit3A_449 = arith.constant 0.000000e+00 : f32
      %broadcast_in_dim3A_450 = vector.broadcast %jit3A_449 : f32 to vector<16xf32>
      %select_n3A_451 = arith.select %gt3A_432, %div3A_448, %broadcast_in_dim3A_450 : vector<16xi1>, vector<16xf32>
      %add3A_452 = arith.constant 9 : i32
      %add3A_453 = vector.broadcast %add3A_452 : i32 to vector<16xi32>
      %add3A_454 = arith.addi %mul3A_199, %add3A_453 : vector<16xi32>
      tpu.vector_store_idx %arg35[%add3A_454], %select_n3A_451 : memref<1536xf32, #tpu.memory_space<vmem>>[vector<16xi32>], vector<16xf32>,
      %mul3A_455 = arith.constant 16 : i32
      %mul3A_456 = arith.muli %scan3A_189, %mul3A_455 : i32
      %get3A_457 = arith.constant 18 : i32
      %get3A_458 = arith.index_cast %get3A_457 : i32 to index
      %get3A_459 = arith.index_cast %mul3A_456 : i32 to index
      %get3A_460 = tpu.vector_load %arg33[%get3A_458, %get3A_459] {strides = array<i32>} : memref<20x128xf32, #tpu.memory_space<vmem>>, vector<16xf32>,
      %add3A_461 = arith.constant 1 : i32
      %add3A_462 = vector.broadcast %add3A_461 : i32 to vector<16xi32>
      %add3A_463 = arith.addi %mul3A_196, %add3A_462 : vector<16xi32>
      %gather3A_464 = tpu.vector_load_idx %arg34[%add3A_463] : memref<384xf32, #tpu.memory_space<vmem>>[vector<16xi32>], vector<16xf32>,
      %mul3A_465 = arith.mulf %get3A_429, %gather3A_464 : vector<16xf32>
      %sub3A_466 = arith.subf %get3A_460, %mul3A_465 : vector<16xf32>
      %div3A_467 = arith.divf %sub3A_466, %select_n3A_435 : vector<16xf32>
      %jit3A_468 = arith.constant 0.000000e+00 : f32
      %broadcast_in_dim3A_469 = vector.broadcast %jit3A_468 : f32 to vector<16xf32>
      %select_n3A_470 = arith.select %gt3A_432, %div3A_467, %broadcast_in_dim3A_469 : vector<16xi1>, vector<16xf32>
      %add3A_471 = arith.constant 10 : i32
      %add3A_472 = vector.broadcast %add3A_471 : i32 to vector<16xi32>
      %add3A_473 = arith.addi %mul3A_199, %add3A_472 : vector<16xi32>
      tpu.vector_store_idx %arg35[%add3A_473], %select_n3A_470 : memref<1536xf32, #tpu.memory_space<vmem>>[vector<16xi32>], vector<16xf32>,
      %mul3A_474 = arith.constant 16 : i32
      %mul3A_475 = arith.muli %scan3A_189, %mul3A_474 : i32
      %get3A_476 = arith.constant 19 : i32
      %get3A_477 = arith.index_cast %get3A_476 : i32 to index
      %get3A_478 = arith.index_cast %mul3A_475 : i32 to index
      %get3A_479 = tpu.vector_load %arg33[%get3A_477, %get3A_478] {strides = array<i32>} : memref<20x128xf32, #tpu.memory_space<vmem>>, vector<16xf32>,
      %add3A_480 = arith.constant 2 : i32
      %add3A_481 = vector.broadcast %add3A_480 : i32 to vector<16xi32>
      %add3A_482 = arith.addi %mul3A_196, %add3A_481 : vector<16xi32>
      %gather3A_483 = tpu.vector_load_idx %arg34[%add3A_482] : memref<384xf32, #tpu.memory_space<vmem>>[vector<16xi32>], vector<16xf32>,
      %mul3A_484 = arith.mulf %get3A_429, %gather3A_483 : vector<16xf32>
      %sub3A_485 = arith.subf %get3A_479, %mul3A_484 : vector<16xf32>
      %div3A_486 = arith.divf %sub3A_485, %select_n3A_435 : vector<16xf32>
      %jit3A_487 = arith.constant 0.000000e+00 : f32
      %broadcast_in_dim3A_488 = vector.broadcast %jit3A_487 : f32 to vector<16xf32>
      %select_n3A_489 = arith.select %gt3A_432, %div3A_486, %broadcast_in_dim3A_488 : vector<16xi1>, vector<16xf32>
      %add3A_490 = arith.constant 11 : i32
      %add3A_491 = vector.broadcast %add3A_490 : i32 to vector<16xi32>
      %add3A_492 = arith.addi %mul3A_199, %add3A_491 : vector<16xi32>
      tpu.vector_store_idx %arg35[%add3A_492], %select_n3A_489 : memref<1536xf32, #tpu.memory_space<vmem>>[vector<16xi32>], vector<16xf32>,
      %scan3A_493 = arith.constant 0 : i32
      scf.yield %scan3A_493 : i32
    }
    %scan3A_186 = arith.constant 8 : i32
    %mul3A_187 = arith.constant 12 : i32
    %mul3A_188 = arith.muli %mul3A_2, %mul3A_187 : i32
    "tpu.region"() ({
      %run_scoped3A = tpu.sem_alloc : memref<!tpu.dma_semaphore, #tpu.memory_space<semaphore_mem>>
      %dma_start3A = tpu.memref_slice %arg14[%arg0, %mul3A_188] : memref<2x24576xf32, #tpu.memory_space<hbm>> -> memref<1x1536xf32, #tpu.memory_space<hbm>>
      %dma_start3A_189 = tpu.memref_squeeze %dma_start3A : memref<1x1536xf32, #tpu.memory_space<hbm>> -> memref<1536xf32, #tpu.memory_space<hbm>>
      %dma_start3A_190 = tpu.memref_slice %arg14[%arg0, %mul3A_188] : memref<2x24576xf32, #tpu.memory_space<hbm>> -> memref<1x1536xf32, #tpu.memory_space<hbm>>
      %dma_start3A_191 = tpu.memref_squeeze %dma_start3A_190 : memref<1x1536xf32, #tpu.memory_space<hbm>> -> memref<1536xf32, #tpu.memory_space<hbm>>
      tpu.enqueue_dma source(%arg35 : memref<1536xf32, #tpu.memory_space<vmem>>) target(%dma_start3A_191 : memref<1536xf32, #tpu.memory_space<hbm>>) target_semaphore(%run_scoped3A : memref<!tpu.dma_semaphore, #tpu.memory_space<semaphore_mem>>)
      %dma_wait3A = tpu.memref_slice %arg14[%arg0, %mul3A_188] : memref<2x24576xf32, #tpu.memory_space<hbm>> -> memref<1x1536xf32, #tpu.memory_space<hbm>>
      %dma_wait3A_192 = tpu.memref_squeeze %dma_wait3A : memref<1x1536xf32, #tpu.memory_space<hbm>> -> memref<1536xf32, #tpu.memory_space<hbm>>
      %dma_wait3A_193 = tpu.memref_slice %arg14[%arg0, %mul3A_188] : memref<2x24576xf32, #tpu.memory_space<hbm>> -> memref<1x1536xf32, #tpu.memory_space<hbm>>
      %dma_wait3A_194 = tpu.memref_squeeze %dma_wait3A_193 : memref<1x1536xf32, #tpu.memory_space<hbm>> -> memref<1536xf32, #tpu.memory_space<hbm>>
      tpu.wait_dma2 semaphore(%run_scoped3A : memref<!tpu.dma_semaphore, #tpu.memory_space<semaphore_mem>>) src(%arg35 : memref<1536xf32, #tpu.memory_space<vmem>>) dst(%dma_wait3A_194 : memref<1536xf32, #tpu.memory_space<hbm>>)
      tpu.yield
    }) : () -> ()
    return
  }
}

module attributes {stable_mosaic.version = 14 : i64} {
  func.func @_proj_body(%arg0: i32, %arg1: memref<256x512xf32, #tpu.memory_space<vmem>>, %arg2: memref<512x256xf32, #tpu.memory_space<vmem>>, %arg3: memref<512x256xf32, #tpu.memory_space<vmem>>, %arg4: memref<512x256xf32, #tpu.memory_space<vmem>>, %arg5: memref<512x256xf32, #tpu.memory_space<vmem>>, %arg6: memref<2x512xf32, #tpu.memory_space<vmem>>, %arg7: memref<256x256xf32, #tpu.memory_space<vmem>>, %arg8: memref<256x256xf32, #tpu.memory_space<vmem>>, %arg9: memref<256x256xf32, #tpu.memory_space<vmem>>, %arg10: memref<256x256xf32, #tpu.memory_space<vmem>>) attributes {dimension_semantics = [#tpu.dimension_semantics<arbitrary>], iteration_bounds = array<i64: 8>, scalar_prefetch = 0 : i64, scratch_operands = 0 : i64, tpu.core_type = #tpu.core_type<tc>, window_params = [{transform_indices = @transform_0, window_bounds = array<i64: 256, 512>}, {pipeline_mode = #tpu.pipeline_mode<synchronous>, transform_indices = @transform_1, window_bounds = array<i64: 512, 256>}, {pipeline_mode = #tpu.pipeline_mode<synchronous>, transform_indices = @transform_2, window_bounds = array<i64: 512, 256>}, {pipeline_mode = #tpu.pipeline_mode<synchronous>, transform_indices = @transform_3, window_bounds = array<i64: 512, 256>}, {pipeline_mode = #tpu.pipeline_mode<synchronous>, transform_indices = @transform_4, window_bounds = array<i64: 512, 256>}, {pipeline_mode = #tpu.pipeline_mode<synchronous>, transform_indices = @transform_5, window_bounds = array<i64: 2, 512>}, {transform_indices = @transform_6, window_bounds = array<i64: 256, 256>}, {transform_indices = @transform_7, window_bounds = array<i64: 256, 256>}, {transform_indices = @transform_8, window_bounds = array<i64: 256, 256>}, {transform_indices = @transform_9, window_bounds = array<i64: 256, 256>}]} {
    %get3A = arith.constant 0 : index
    %get3A_0 = arith.constant 0 : index
    %get3A_1 = vector.load %arg1[%get3A, %get3A_0] : memref<256x512xf32, #tpu.memory_space<vmem>>, vector<256x512xf32>
    %get3A_2 = arith.constant 0 : index
    %get3A_3 = arith.constant 0 : index
    %get3A_4 = vector.load %arg2[%get3A_2, %get3A_3] : memref<512x256xf32, #tpu.memory_space<vmem>>, vector<512x256xf32>
    %dot_general3A = arith.constant dense<0.000000e+00> : vector<256x256xf32>
    %dot_general3A_5 = tpu.matmul %get3A_1, %get3A_4, %dot_general3A {dimension_numbers = #tpu.dot_dimension_numbers<[1], [0], [0], [1], [0, 0, 1, 1], [], []>, transpose_lhs_hint = false} : vector<256x512xf32>, vector<512x256xf32>, vector<256x256xf32> -> vector<256x256xf32>
    %get3A_6 = arith.constant 0 : index
    %get3A_7 = arith.constant 0 : index
    %get3A_8 = vector.load %arg6[%get3A_6, %get3A_7] : memref<2x512xf32, #tpu.memory_space<vmem>>, vector<1x256xf32>
    %get3A_9 = vector.shape_cast %get3A_8 : vector<1x256xf32> to vector<256xf32>
    %broadcast_in_dim3A = vector.shape_cast %get3A_9 : vector<256xf32> to vector<1x256xf32>
    %add3A = vector.broadcast %broadcast_in_dim3A : vector<1x256xf32> to vector<256x256xf32>
    %add3A_10 = arith.addf %dot_general3A_5, %add3A : vector<256x256xf32>
    %swap3A = arith.constant 0 : index
    %swap3A_11 = arith.constant 0 : index
    %swap3A_12 = vector.load %arg7[%swap3A, %swap3A_11] : memref<256x256xf32, #tpu.memory_space<vmem>>, vector<256x256xf32>
    tpu.vector_store %arg7[%swap3A, %swap3A_11], %add3A_10 {strides = array<i32>} : memref<256x256xf32, #tpu.memory_space<vmem>>, vector<256x256xf32>,
    %get3A_13 = arith.constant 0 : index
    %get3A_14 = arith.constant 0 : index
    %get3A_15 = vector.load %arg3[%get3A_13, %get3A_14] : memref<512x256xf32, #tpu.memory_space<vmem>>, vector<512x256xf32>
    %dot_general3A_16 = arith.constant dense<0.000000e+00> : vector<256x256xf32>
    %dot_general3A_17 = tpu.matmul %get3A_1, %get3A_15, %dot_general3A_16 {dimension_numbers = #tpu.dot_dimension_numbers<[1], [0], [0], [1], [0, 0, 1, 1], [], []>, transpose_lhs_hint = false} : vector<256x512xf32>, vector<512x256xf32>, vector<256x256xf32> -> vector<256x256xf32>
    %get3A_18 = arith.constant 0 : index
    %get3A_19 = arith.constant 256 : index
    %get3A_20 = vector.load %arg6[%get3A_18, %get3A_19] : memref<2x512xf32, #tpu.memory_space<vmem>>, vector<1x256xf32>
    %get3A_21 = vector.shape_cast %get3A_20 : vector<1x256xf32> to vector<256xf32>
    %broadcast_in_dim3A_22 = vector.shape_cast %get3A_21 : vector<256xf32> to vector<1x256xf32>
    %add3A_23 = vector.broadcast %broadcast_in_dim3A_22 : vector<1x256xf32> to vector<256x256xf32>
    %add3A_24 = arith.addf %dot_general3A_17, %add3A_23 : vector<256x256xf32>
    %swap3A_25 = arith.constant 0 : index
    %swap3A_26 = arith.constant 0 : index
    %swap3A_27 = vector.load %arg8[%swap3A_25, %swap3A_26] : memref<256x256xf32, #tpu.memory_space<vmem>>, vector<256x256xf32>
    tpu.vector_store %arg8[%swap3A_25, %swap3A_26], %add3A_24 {strides = array<i32>} : memref<256x256xf32, #tpu.memory_space<vmem>>, vector<256x256xf32>,
    %get3A_28 = arith.constant 0 : index
    %get3A_29 = arith.constant 0 : index
    %get3A_30 = vector.load %arg4[%get3A_28, %get3A_29] : memref<512x256xf32, #tpu.memory_space<vmem>>, vector<512x256xf32>
    %dot_general3A_31 = arith.constant dense<0.000000e+00> : vector<256x256xf32>
    %dot_general3A_32 = tpu.matmul %get3A_1, %get3A_30, %dot_general3A_31 {dimension_numbers = #tpu.dot_dimension_numbers<[1], [0], [0], [1], [0, 0, 1, 1], [], []>, transpose_lhs_hint = false} : vector<256x512xf32>, vector<512x256xf32>, vector<256x256xf32> -> vector<256x256xf32>
    %get3A_33 = arith.constant 1 : index
    %get3A_34 = arith.constant 0 : index
    %get3A_35 = vector.load %arg6[%get3A_33, %get3A_34] : memref<2x512xf32, #tpu.memory_space<vmem>>, vector<1x256xf32>
    %get3A_36 = vector.shape_cast %get3A_35 : vector<1x256xf32> to vector<256xf32>
    %broadcast_in_dim3A_37 = vector.shape_cast %get3A_36 : vector<256xf32> to vector<1x256xf32>
    %add3A_38 = vector.broadcast %broadcast_in_dim3A_37 : vector<1x256xf32> to vector<256x256xf32>
    %add3A_39 = arith.addf %dot_general3A_32, %add3A_38 : vector<256x256xf32>
    %swap3A_40 = arith.constant 0 : index
    %swap3A_41 = arith.constant 0 : index
    %swap3A_42 = vector.load %arg9[%swap3A_40, %swap3A_41] : memref<256x256xf32, #tpu.memory_space<vmem>>, vector<256x256xf32>
    tpu.vector_store %arg9[%swap3A_40, %swap3A_41], %add3A_39 {strides = array<i32>} : memref<256x256xf32, #tpu.memory_space<vmem>>, vector<256x256xf32>,
    %get3A_43 = arith.constant 0 : index
    %get3A_44 = arith.constant 0 : index
    %get3A_45 = vector.load %arg5[%get3A_43, %get3A_44] : memref<512x256xf32, #tpu.memory_space<vmem>>, vector<512x256xf32>
    %dot_general3A_46 = arith.constant dense<0.000000e+00> : vector<256x256xf32>
    %dot_general3A_47 = tpu.matmul %get3A_1, %get3A_45, %dot_general3A_46 {dimension_numbers = #tpu.dot_dimension_numbers<[1], [0], [0], [1], [0, 0, 1, 1], [], []>, transpose_lhs_hint = false} : vector<256x512xf32>, vector<512x256xf32>, vector<256x256xf32> -> vector<256x256xf32>
    %get3A_48 = arith.constant 1 : index
    %get3A_49 = arith.constant 256 : index
    %get3A_50 = vector.load %arg6[%get3A_48, %get3A_49] : memref<2x512xf32, #tpu.memory_space<vmem>>, vector<1x256xf32>
    %get3A_51 = vector.shape_cast %get3A_50 : vector<1x256xf32> to vector<256xf32>
    %broadcast_in_dim3A_52 = vector.shape_cast %get3A_51 : vector<256xf32> to vector<1x256xf32>
    %add3A_53 = vector.broadcast %broadcast_in_dim3A_52 : vector<1x256xf32> to vector<256x256xf32>
    %add3A_54 = arith.addf %dot_general3A_47, %add3A_53 : vector<256x256xf32>
    %swap3A_55 = arith.constant 0 : index
    %swap3A_56 = arith.constant 0 : index
    %swap3A_57 = vector.load %arg10[%swap3A_55, %swap3A_56] : memref<256x256xf32, #tpu.memory_space<vmem>>, vector<256x256xf32>
    tpu.vector_store %arg10[%swap3A_55, %swap3A_56], %add3A_54 {strides = array<i32>} : memref<256x256xf32, #tpu.memory_space<vmem>>, vector<256x256xf32>,
    return
  }
  func.func @transform_0(%arg0: i32) -> (i32, i32) {
    %c0_i32 = arith.constant 0 : i32
    %c0_i32_0 = arith.constant 0 : i32
    return %arg0, %c0_i32 : i32, i32
  }
  func.func @transform_1(%arg0: i32) -> (i32, i32) {
    %c0_i32 = arith.constant 0 : i32
    %c0_i32_0 = arith.constant 0 : i32
    %c0_i32_1 = arith.constant 0 : i32
    return %c0_i32, %c0_i32_0 : i32, i32
  }
  func.func @transform_2(%arg0: i32) -> (i32, i32) {
    %c0_i32 = arith.constant 0 : i32
    %c0_i32_0 = arith.constant 0 : i32
    %c0_i32_1 = arith.constant 0 : i32
    return %c0_i32, %c0_i32_0 : i32, i32
  }
  func.func @transform_3(%arg0: i32) -> (i32, i32) {
    %c0_i32 = arith.constant 0 : i32
    %c0_i32_0 = arith.constant 0 : i32
    %c0_i32_1 = arith.constant 0 : i32
    return %c0_i32, %c0_i32_0 : i32, i32
  }
  func.func @transform_4(%arg0: i32) -> (i32, i32) {
    %c0_i32 = arith.constant 0 : i32
    %c0_i32_0 = arith.constant 0 : i32
    %c0_i32_1 = arith.constant 0 : i32
    return %c0_i32, %c0_i32_0 : i32, i32
  }
  func.func @transform_5(%arg0: i32) -> (i32, i32) {
    %c0_i32 = arith.constant 0 : i32
    %c0_i32_0 = arith.constant 0 : i32
    %c0_i32_1 = arith.constant 0 : i32
    return %c0_i32, %c0_i32_0 : i32, i32
  }
  func.func @transform_6(%arg0: i32) -> (i32, i32) {
    %c0_i32 = arith.constant 0 : i32
    %c0_i32_0 = arith.constant 0 : i32
    return %arg0, %c0_i32 : i32, i32
  }
  func.func @transform_7(%arg0: i32) -> (i32, i32) {
    %c0_i32 = arith.constant 0 : i32
    %c0_i32_0 = arith.constant 0 : i32
    return %arg0, %c0_i32 : i32, i32
  }
  func.func @transform_8(%arg0: i32) -> (i32, i32) {
    %c0_i32 = arith.constant 0 : i32
    %c0_i32_0 = arith.constant 0 : i32
    return %arg0, %c0_i32 : i32, i32
  }
  func.func @transform_9(%arg0: i32) -> (i32, i32) {
    %c0_i32 = arith.constant 0 : i32
    %c0_i32_0 = arith.constant 0 : i32
    return %arg0, %c0_i32 : i32, i32
  }
}

</mosaic_0001>

<sc_bundles>
// kernel: gather_offload_async_start.1
scs
__scs_entry_jumppad:
0x0: {  	(pc) =	sbr.rel $0x88, $3  }
0x1: {  	(tag) =	ssettag $0x0;
	lr =	simm.s32 $0x1  }
0x2: {  	[smem:$0x3F95] =	sst lr;
	_ =	strace $0xD0000000  }
0x3: {  	_ = 	snop  }
0x4: {  	_ = 	snop  }
0x5: {  	_ = 	snop  }
0x6: {  	_ = 	snop  }
0x7: {  	_ = 	snop  }
__scs_overlays_trampoline_lowered:
0x8: {  	[smem:$0x3FA4] =	sst s0  }
0x9: {  	[smem:$0x3FA5] =	sst s1  }
0xa: {  	[smem:$0x3FA6] =	sst s2  }
0xb: {  	[smem:$0x3FA7] =	sst s3  }
0xc: {  	[smem:$0x3FA8] =	sst s4  }
0xd: {  	[smem:$0x3FA9] =	sst s5  }
0xe: {  	[smem:$0x3FAA] =	sst s6  }
0xf: {  	[smem:$0x3FAB] =	sst s7  }
0x10: {  	[smem:$0x3FAC] =	sst s8  }
0x11: {  	[smem:$0x3FAD] =	sst s9;
	s0 =	simm.s32 @!p0 $0x0  }
0x12: {  	s1 =	sld [smem:$0x3F93];
	s0 =	simm.s32 @p0 $0x1  }
0x13: {  	[smem:$0x3FAE] =	sst s0;
	s0 =	simm.s32 @!p1 $0x0  }
0x14: {  	s2 =	sld [smem:$0x3F92];
	s0 =	simm.s32 @p1 $0x1  }
0x15: {  	[smem:$0x3FAF] =	sst s0;
	s0 =	simm.s32 @!p2 $0x0  }
0x16: {  	s3 =	sld [smem:$0x3FDB];
	s0 =	simm.s32 @p2 $0x1  }
0x17: {  	s4 =	simm.s32 $0x1BF5;
	[smem:$0x3FB1] =	sst s0  }
0x18: {  	s0 =	sld [smem:$0x3F94];
	_ =	swait.ge [sflag:s4], $0x0  }
0x19: {  	s7 =	sld [smem:$0x3F95]  }
0x1a: {  	s8 =	sadd.s32 $0xFFFFE003, lr  }
0x1b: {  	s9 =	sadd.s32 $0xFFFFFEF7, lr;
	s5 =	simm.s32 $0xFFFFFFFF;
	p2 =	slt.u32 s8, $0xFFFFF086  }
0x1c: {  	p1 =	slt.u32 s9, $0xF7A;
	s5 =	simm.s32 @!p2 $0x0  }
0x1d: {  	s5 =	simm.s32 @p1 $0x1;
	p0 =	seq.s32 s7, s2  }
0x1e: {  	s7 =	smul.u32 @!p0 $0xF7A, s2;
	p2 =	seq.s32 @!p0 s5, $0x0  }
0x1f: {  	s9 =	smul.u32 $0xF7A, s1;
	s8 =	simm.s32 @!p0 $0x1BF5;
	p2 =	por !p2, p0  }
0x20: {  	[sflag:s8] =	ssyncset.s32 @!p0 $0xFFFFF086;
	s6 =	sadd.s32 @!p0 s3, s7;
	s7 =	simm.s32 @!p0 $0x108  }
0x21: {  	s3 =	sadd.s32 s3, s9;
	s6 =	sadd.s32 @!p0 $0x88, s6;
	s7 =	simm.s32 @p2 $0x1082  }
0x22: {  	[simem:s7], [sflag:s8] =	dma.local @!p0 [hbm:s6], $0xF7A  }
0x23: {  	s9 =	sor.u32 $0xD0000000, s2;
	s6 =	simm.s32 $0x108;
	_ =	swait.ge @!p0 [sflag:s8], $0x0  }
0x24: {  	s3 =	sadd.s32 $0x88, s3;
	s6 =	simm.s32 @!p1 $0x1082;
	[sflag:s4] =	ssyncset.s32 $0xFFFFF086  }
0x25: {  	[simem:s6], [sflag:s4] =	dma.local [hbm:s3], $0xF7A  }
0x26: {  	[smem:$0x3F95] =	sst s1;
	(tag) =	ssettag s2;
	_ =	strace s9  }
0x27: {  	s1 =	sld [smem:$0x3FA5]  }
0x28: {  	s2 =	sld [smem:$0x3FA6]  }
0x29: {  	s4 =	sld [smem:$0x3FA8]  }
0x2a: {  	p0 =	seq.s32 s5, $0x0;
	s5 =	sld [smem:$0x3FA9]  }
0x2b: {  	s6 =	sld [smem:$0x3FAA]  }
0x2c: {  	s7 =	sld [smem:$0x3FAB]  }
0x2d: {  	s3 =	simm.s32 $0x108;
	s8 =	sld [smem:$0x3FAC]  }
0x2e: {  	s3 =	simm.s32 @!p0 $0x1082;
	s9 =	sld [smem:$0x3FAD]  }
0x2f: {  	lr =	sadd.s32 s0, s3;
	s0 =	sld [smem:$0x3FA4]  }
0x30: {  	s3 =	sld [smem:$0x3FA7]  }
0x31: {  	[smem:$0x3FB0] =	sst s10  }
0x32: {  	s10 =	sld [smem:$0x3FAE];
	_ =	sdelay $0x3  }
0x33: {  	p0 =	seq.s32 s10, $0x1;
	s10 =	sld [smem:$0x3FB0];
	_ =	sdelay $0x3  }
0x34: {  	[smem:$0x3FB0] =	sst s10  }
0x35: {  	s10 =	sld [smem:$0x3FAF];
	_ =	sdelay $0x3  }
0x36: {  	p1 =	seq.s32 s10, $0x1;
	s10 =	sld [smem:$0x3FB0];
	_ =	sdelay $0x3  }
0x37: {  	[smem:$0x3FB0] =	sst s10  }
0x38: {  	s10 =	sld [smem:$0x3FB1]  }
0x39: {  	_ = 	snop;
	(pc) =	sbr.ind lr, $3  }
0x3a: {  	_ = 	snop  }
0x3b: {  	_ = 	snop  }
0x3c: {  	p2 =	seq.s32 s10, $0x1;
	s10 =	sld [smem:$0x3FB0]  }
0x3d: {  	_ =	shalt  }
0x3e: {  	_ =	shalt  }
0x3f: {  	_ =	shalt  }
0x40: {  	_ =	shalt  }
0x41: {  	_ =	shalt  }
0x42: {  	_ =	shalt  }
0x43: {  	_ =	shalt  }
0x44: {  	_ =	shalt  }
0x45: {  	_ =	shalt  }
0x46: {  	_ =	shalt  }
0x47: {  	_ =	shalt  }
0x48: {  	_ =	shalt  }
0x49: {  	_ =	shalt  }
0x4a: {  	_ =	shalt  }
0x4b: {  	_ =	shalt  }
0x4c: {  	_ =	shalt  }
0x4d: {  	_ =	shalt  }
0x4e: {  	_ =	shalt  }
0x4f: {  	_ =	shalt  }
0x50: {  	_ =	shalt  }
0x51: {  	_ =	shalt  }
0x52: {  	_ =	shalt  }
0x53: {  	_ =	shalt  }
0x54: {  	_ =	shalt  }
0x55: {  	_ =	shalt  }
0x56: {  	_ =	shalt  }
0x57: {  	_ =	shalt  }
0x58: {  	_ =	shalt  }
0x59: {  	_ =	shalt  }
0x5a: {  	_ =	shalt  }
0x5b: {  	_ =	shalt  }
0x5c: {  	_ =	shalt  }
0x5d: {  	_ =	shalt  }
0x5e: {  	_ =	shalt  }
0x5f: {  	_ =	shalt  }
0x60: {  	_ =	shalt  }
0x61: {  	_ =	shalt  }
0x62: {  	_ =	shalt  }
0x63: {  	_ =	shalt  }
0x64: {  	_ =	shalt  }
0x65: {  	_ =	shalt  }
0x66: {  	_ =	shalt  }
0x67: {  	_ =	shalt  }
0x68: {  	_ =	shalt  }
0x69: {  	_ =	shalt  }
0x6a: {  	_ =	shalt  }
0x6b: {  	_ =	shalt  }
0x6c: {  	_ =	shalt  }
0x6d: {  	_ =	shalt  }
0x6e: {  	_ =	shalt  }
0x6f: {  	_ =	shalt  }
0x70: {  	_ =	shalt  }
0x71: {  	_ =	shalt  }
0x72: {  	_ =	shalt  }
0x73: {  	_ =	shalt  }
0x74: {  	_ =	shalt  }
0x75: {  	_ =	shalt  }
0x76: {  	_ =	shalt  }
0x77: {  	_ =	shalt  }
0x78: {  	_ =	shalt  }
0x79: {  	_ =	shalt  }
0x7a: {  	_ =	shalt  }
0x7b: {  	_ =	shalt  }
0x7c: {  	_ =	shalt  }
0x7d: {  	_ =	shalt  }
0x7e: {  	_ =	shalt  }
0x7f: {  	_ =	shalt  }
0x80: {  	_ =	shalt  }
0x81: {  	_ =	shalt  }
0x82: {  	_ =	shalt  }
0x83: {  	_ =	shalt  }
0x84: {  	_ =	shalt  }
0x85: {  	_ =	shalt  }
0x86: {  	_ =	shalt  }
0x87: {  	_ =	shalt  }
.Lfunc_end0:
.L_simem_size_0:
called_computation.1_lowered:
.L_overlay_start_0:
0x88: {  	s2 =	sld [smem:$0x3FD9]  }
0x89: {  	s3 =	sld [smem:$0x3FFE];
	_ =	sdelay $0x1  }
0x8a: {  	s1 =	srdreg.scid  }
0x8b: {  	s0 =	sand.u32 $0x1, s1  }
0x8c: {  	s17 =	sshll.u32 s0, $0xA;
	s2 =	sadd.s32 s3, s2  }
0x8d: {  	s2 =	sadd.s32 s2, s17  }
0x8e: {  	[smem:$0x3FBC] =	sst s2  }
0x8f: {  	_ = 	snop  }
0x90: {  	s2 =	sld [smem:$0x3FC8]  }
0x91: {  	s18 =	sld [smem:$0x3FD0];
	(tm) =	ssettm $0x1  }
0x92: {  	s4 =	sld [smem:$0x3FFB];
	_ =	sdelay $0x3  }
0x93: {  	_ =	strace s4  }
0x94: {  	s4 =	sld [smem:$0x3FFC];
	_ =	sdelay $0x3  }
0x95: {  	_ =	strace s4  }
0x96: {  	s4 =	sld [smem:$0x3FFD];
	_ =	sdelay $0x3  }
0x97: {  	_ =	strace s4  }
0x98: {  	_ =	strace $0x8FFFFFFF  }
0x99: {  	s19 =	sld [smem:$0x3FDB];
	_ =	sdelay $0x1  }
0x9a: {  	s5 =	simm.s32 $_scs_section_size  }
0x9b: {  	s6 =	simm.s32 $_size__tile_overlayer_lowered;
	s7 =	simm.s32 $_tile_overlayer_lowered  }
0x9c: {  	s22 =	simm.s32 $0x1BFF;
	s21 =	sshll.u32 s7, $0x1;
	s4 =	sadd.s32 s5, s19  }
0x9d: {  	s8 =	simm.s32 $0x0;
	s20 =	sshll.u32 s6, $0x1;
	s6 =	sadd.s32 s21, s4  }
0x9e: {  	[timem:s8], [sflag:s22] =	dma.local [hbm:s6], s20  }
0x9f: {  	_ =	swait.ge [sflag:s22], s20  }
0xa0: {  	s5 =	ssub.s32 $0x0, s20;
	[sflag:s22] =	ssyncset.done $0x0  }
0xa1: {  	[sflag:s22] =	ssyncadd.s32 s5;
	_ =	sdelay $0x1  }
0xa2: {  	s23 =	simm.s32 $0x1B8B  }
0xa3: {  	_ =	swait.ge [sflag:s23], $0x1  }
0xa4: {  	[sflag:s23] =	ssyncset.done $0x0  }
0xa5: {  	s25 =	simm.s32 $0x1B8E;
	s24 =	sld [smem:$0x3FFE];
	[sflag:s23] =	ssyncadd.s32 $0xFFFFFFFF  }
0xa6: {  	s26 =	simm.s32 $execute0_lowered;
	[smem:$0x3FD2] =	sst s25  }
0xa7: {  	s6 =	sshll.u32 s26, $0x1;
	_ =	strace $0x8000004C;
	[dreg:$0x1] =	wrdreg $0xFFFFFFFF  }
0xa8: {  	s28 =	simm.s32 $_size_execute0_lowered;
	s4 =	sadd.s32 s4, s6;
	[dreg:$0x0] =	wrdreg $0x0  }
0xa9: {  	s6 =	sshll.u32 s28, $0x1;
	[dreg:$0x2] =	wrdreg s4  }
0xaa: {  	[dreg:$0x3] =	wrdreg s6  }
0xab: {  	[dreg:$0x4] =	wrdreg $0xC0  }
0xac: {  	_ =	task [dreg:s8], $0x5FFFF  }
0xad: {  	[dreg:$0x1] =	wrdreg $0xFFFFFFFF  }
0xae: {  	[dreg:$0x0] =	wrdreg $0x60  }
0xaf: {  	[dreg:$0x2] =	wrdreg s2  }
0xb0: {  	[dreg:$0x3] =	wrdreg s18  }
0xb1: {  	[dreg:$0x4] =	wrdreg s24  }
0xb2: {  	[dreg:$0x5] =	wrdreg $0x9  }
0xb3: {  	_ =	task.clear_ibuf [dreg:s8], $0x6FFFF;
	_ =	strace $0x9000004C  }
0xb4: {  	s29 =	simm.s32 $0x9;
	_ =	strace $0x8000004E  }
0xb5: {  	_ =	swait.ge [sflag:s29], $0x1  }
0xb6: {  	[sflag:s29] =	ssyncadd.s32 $0xFFFFFFFF  }
0xb7: {  	_ =	strace $0x9000004E  }
0xb8: {  	_ =	sfence  }
0xb9: {  	s30 =	sld [smem:$0x0];
	_ =	sdelay $0x2  }
0xba: {  	s31 =	sshll.u32 s1, $0xD;
	s1 =	sshrl.u32 s1, $0x2  }
0xbb: {  	s3 =	sand.u32 $0x4000, s31;
	s1 =	sadd.s32 s1, s30  }
0xbc: {  	s0 =	sor.u32 s3, s0;
	s1 =	sshll.u32 s1, $0x11  }
0xbd: {  	s0 =	sor.u32 s1, s0  }
0xbe: {  	s0 =	sadd.s32 $0x8F2B, s0  }
0xbf: {  	[sflag:s0] =	ssyncadd.remote.s32 $0x1  }
0xc0: {  	_ =	sfence.sel $0xFFFF  }
0xc1: {  	[dreg:$0x0] =	wrdreg $0xFFFFFFFF;
	(pc) =	sbr.abs _section_cstart, $3  }
0xc2: {  	[dreg:$0x1] =	wrdreg $0xFFFFFFFF  }
0xc3: {  	_ =	task.clear_ibuf [dreg:s8], $0x2FFFF;
	_ =	strace $0x9FFFFFFF  }
0xc4: {  	(tm) =	ssettm $0x7FFFFFFF  }
0xc5: {  	_ =	shalt  }
tec
execute0_lowered:
.L_overlay_start_1:
0x0: {  	(tag) =	ssettag $0x1  }
0x1: {  	s2 =	rddreg [dreg:$0x0]  }
0x2: {  	s1 =	srdreg.scid;
	s3 =	rddreg [dreg:$0x1]  }
0x3: {  	s0 =	stileid.u32;
	s5 =	rddreg [dreg:$0x2]  }
0x4: {  	s9 =	simm.s32 $0x1;
	s10 =	simm.s32 $0x3;
	s1 =	sshll.u32 s1, $0x9  }
0x5: {  	s13 =	simm.s32 $0x0;
	s4 =	sshll.u32 s0, $0xA;
	s6 =	sand.u32 $0x200, s1  }
0x6: {  	s12 =	simm.s32 $0x0;
	s5 =	sadd.s32 $0x2400, s5;
	s4 =	sor.u32 s4, s6  }
0x7: {  	s1 =	rddreg [dreg:$0x3];
	_ =	strace $0x8000004D;
	s8 =	ssub.s32 $0x8000, s4  }
.Ltmp0:
0x8: {  	s6 =	simm.s32 $0x1;
	s7 =	sand.u32 $0x3E00, s8;
	(pc) =	sbr.rel .LBB2_1-.Ltmp0, $4  }
0x9: {  	[sflag:s6] =	ssyncpa.u1 $0x0;
	s11 =	smov.u32 s4;
	p0 =	sne.s32 s7, $0x0  }
0xa: {  	s8 =	sshrl.u32 s8, $0xE;
	s7 =	simm.s32 $0x2;
	s9 =	simm.s32 @!p0 $0x0  }
0xb: {  	[sflag:s7] =	ssyncpa.u1 $0x0;
	p0 =	por $0x0, $0x0;
	s8 =	sadd.s32 s9, s8  }
0xc: {  	vm0 =	vmmov $0xffff;
	[sflag:s10] =	ssyncpa.u1 $0x0;
	s10 =	simm.s32 $0x0;
	s9 =	sadd.s32 $0x1, s8  }
.LBB2_4:
0xd: {  	v2 =	vnsel vm1, $0x0, v2  }
0xe: {  	vm1 =	vgt.s32 v0, $0x0;
	v2 =	vmin.u32 v2, $0x7FFF  }
0xf: {  	v0 =	vnsel vm1, $0x0, v0  }
0x10: {  	v0 =	vmin.u32 v0, $0x7FFF  }
0x11: {  	[tilespmem:s15], [sflag:$0x1] =	stream.indirect_vreg.gather [hbm4b:s2+s10], $0x1, v1, vm0, $0x4038;
	[tilespmem:$0x800] =	vst v63  }
0x12: {  	(ifvalue) =	ssetifvalue $0x7FFFFFFF  }
0x13: {  	[tilespmem:s16], [sflag:$0x1] =	stream.indirect_vreg.gather [hbm4b:s2+s10], $0x1, v2, vm0, $0x4038;
	[tilespmem:$0x800] =	vst v63  }
0x14: {  	s29 =	sadd.s32 $0x10, s16;
	(ifvalue) =	ssetifvalue $0x7FFFFFFF  }
0x15: {  	[tilespmem:s29], [sflag:$0x1] =	stream.indirect_vreg.gather [hbm4b:s2+s10], $0x1, v0, vm0, $0x4038;
	[tilespmem:$0x800] =	vst v63  }
0x16: {  	_ =	swait.ge [sflag:s6], $0x200  }
0x17: {  	s30 =	sshrl.u32 s13, $0x3;
	[sflag:s6] =	ssyncset.done $0x0  }
0x18: {  	s31 =	sand.u32 $0x7, s13;
	s15 =	sadd.s32 s5, s30;
	[sflag:s6] =	ssyncadd.s32 $0xFFFFFE00  }
0x19: {  	[hbm4b:s15+s31] =	stream.linear.scatter [tilespmem:s14], [sflag:$0x3], $0x200, $0x38;
	[tilespmem:$0x800] =	vst v63  }
.LBB2_5:
0x1a: {  	s15 =	sadd.s32 $0x4000, s11  }
0x1b: {  	p2 =	sgt.s32 s15, $0x7FFF  }
0x1c: {  	s15 =	smov.u32 @p2 s4;
	p2 =	sne.s32 s12, s9  }
.Ltmp1:
0x1d: {  	p1 =	slt.u32 s12, $0x2;
	(pc) =	sbr.rel @!p2 .LBB2_6-.Ltmp1, $4  }
0x1e: {  	s14 =	simm.s32 @!p1 $0x3  }
0x1f: {  	s16 =	sadd.s32 $0x1, s12;
	_ =	swait.ge @!p1 [sflag:s14], $0x200  }
0x20: {  	s13 =	smov.u32 s11;
	p0 =	por !p0, !p0;
	[sflag:s14] =	ssyncset.done @!p1 $0x0  }
0x21: {  	s12 =	smov.u32 s16;
	s11 =	smov.u32 s15;
	[sflag:s14] =	ssyncadd.s32 @!p1 $0xFFFFFE00  }
.LBB2_1:
0x22: {  	p1 =	sge.u32 s12, s8  }
0x23: {  	s14 =	sxor.u32 @!p1 $0xFFFFFFFF, s12  }
0x24: {  	s31 =	sadd.s32 $0xFFFFFFFF, s12;
	s15 =	sshrl.u32 @!p1 s11, $0x3;
	s14 =	sshll.u32 @!p1 s14, $0x9  }
0x25: {  	s16 =	sand.u32 @!p1 $0x7, s11;
	s15 =	sadd.s32 @!p1 s3, s15;
	s14 =	sand.u32 @!p1 $0x200, s14  }
0x26: {  	[tilespmem:s14], [sflag:$0x2] =	stream.linear.gather @!p1 [hbm4b:s15+s16], $0x200, $0x38;
	[tilespmem:$0x800] =	vst v63  }
0x27: {  	p1 =	sge.u32 s31, s8  }
.Ltmp2:
0x28: {  	_ = 	snop;
	(pc) =	sbr.rel @p1 .LBB2_5-.Ltmp2, $1  }
0x29: {  	_ =	sdelay $0x3  }
0x2a: {  	s14 =	simm.s32 $0x1  }
0x2b: {  	_ =	swait.ge [sflag:s7], $0x200;
	s14 =	simm.s32 @!p0 $0x0  }
0x2c: {  	[sflag:s7] =	ssyncset.done $0x0;
	s14 =	sshll.u32 s14, $0x9  }
0x2d: {  	[sflag:s7] =	ssyncadd.s32 $0xFFFFFE00;
	(ifvalue) =	ssetifvalue $0x7FFFFFFF;
	v0 =	vld.msk [tilespmem:s14+$0x0 ss:$0x1], $0xffff;
	_ =	sdelay $0x4  }
0x2e: {  	s15 =	sadd.s32 $0x10, s14;
	vm1 =	vgt.s32 v0, $0x0  }
0x2f: {  	v2 =	vld.msk [tilespmem:s15+$0x0 ss:$0x1], $0xffff;
	v1 =	vnsel vm1, $0x0, v0  }
0x30: {  	v1 =	vmin.u32 v1, $0x7FFF;
	_ =	sdelay $0x1  }
0x31: {  	s16 =	sshll.u32 s12, $0x9;
	s18 =	simm.s32 $0x20  }
0x32: {  	s16 =	sand.u32 $0x200, s16;
	s17 =	sadd.s32 $0x10, s15;
	s15 =	sor.u32 $0x400, s14  }
0x33: {  	s14 =	sor.u32 $0x400, s16;
	s16 =	sadd.s32 $0x10, s15;
	v0 =	vld.msk [tilespmem:s17+$0x0 ss:$0x1], $0xffff;
	vm1 =	vgt.s32 v2, $0x0;
	(ifvalue) =	ssetifvalue $0x7FFFFFFF  }
.LBB2_3:
0x34: {  	[tilespmem:s15], [sflag:$0x1] =	stream.indirect_vreg.gather [hbm4b:s2+s10], $0x1, v1, vm0, $0x4038;
	[tilespmem:$0x800] =	vst v63  }
0x35: {  	s18 =	sadd.s32 $0x10, s18  }
0x36: {  	v2 =	vnsel vm1, $0x0, v2;
	p1 =	slt.u32 s18, $0x1F0  }
.Ltmp3:
0x37: {  	s15 =	smov.u32 s16;
	v1 =	vmin.u32 v2, $0x7FFF;
	(pc) =	sbr.rel @p1 .LBB2_3-.Ltmp3, $3  }
0x38: {  	_ =	sdelay $0x1  }
0x39: {  	s17 =	sadd.s32 $0x10, s17  }
0x3a: {  	vm1 =	vgt.s32 v0, $0x0;
	s16 =	sadd.s32 $0x10, s16;
	v2 =	vmov v0;
	(ifvalue) =	ssetifvalue $0x7FFFFFFF;
	v0 =	vld.msk [tilespmem:s17+$0x0 ss:$0x1], $0xffff  }
.Ltmp4:
0x3b: {  	_ = 	snop;
	(pc) =	sbr.rel .LBB2_4-.Ltmp4, $1  }
0x3c: {  	_ =	sdelay $0x3  }
.LBB2_6:
0x3d: {  	_ =	sfence.sel $0x180000  }
0x3e: {  	s2 =	simm.s32 $0x2;
	[bflag:$0x0] =	sbarrier.arrive $0xFFFF  }
0x3f: {  	s30 =	simm.s32 $0x3;
	[sflag:s2] =	ssyncpa.u1 $0x1  }
0x40: {  	s31 =	simm.s32 $0x1;
	[sflag:s30] =	ssyncpa.u1 $0x1  }
0x41: {  	[sflag:s31] =	ssyncpa.u1 $0x1  }
0x42: {  	p0 =	sne.s32 s0, $0x0;
	_ =	strace $0x9000004D  }
0x43: {  	s0 =	sadd.s32 @!p0 $0x100000, s1;
	[bflag:$0x2] =	sbarrier.arrive $0xFFFF  }
0x44: {  	[sflag:s0] =	ssyncadd.tile.s32 @!p0 $0x1;
	_ =	shalt  }
.Lfunc_end2:
_tile_overlayer_lowered:
.L_overlay_start_2:
0x45: {  	(tag) =	ssettag $0x2  }
0x46: {  	s0 =	rddreg [dreg:$0x0];
	s2 =	stileid.u32  }
0x47: {  	s1 =	rddreg [dreg:$0x1];
	p0 =	sne.s32 s2, $0x0  }
0x48: {  	s3 =	rddreg [dreg:$0x2];
	[bflag:$0x3] =	sbarrier.arrive $0xFFFF;
	s2 =	simm.s32 @!p0 $0x1C01  }
0x49: {  	[timem:s3], [sflag:s2] =	dma.local @!p0 [hbm:s0], s1  }
0x4a: {  	s0 =	simm.s32 @!p0 $0x1  }
0x4b: {  	_ =	swait.ge @!p0 [sflag:s0], s1  }
0x4c: {  	s1 =	ssub.s32 @!p0 $0x0, s1;
	[sflag:s0] =	ssyncset.done @!p0 $0x0  }
0x4d: {  	[sflag:s0] =	ssyncadd.s32 @!p0 s1  }
0x4e: {  	[bflag:$0x3] =	sbarrier.arrive $0xFFFF  }
0x4f: {  	_ =	shalt  }

// kernel: gather_offload_async_start.2
scs
__scs_entry_jumppad:
0x0: {  	(pc) =	sbr.rel $0x88, $3  }
0x1: {  	(tag) =	ssettag $0x0;
	lr =	simm.s32 $0x1  }
0x2: {  	[smem:$0x3F95] =	sst lr;
	_ =	strace $0xD0000000  }
0x3: {  	_ = 	snop  }
0x4: {  	_ = 	snop  }
0x5: {  	_ = 	snop  }
0x6: {  	_ = 	snop  }
0x7: {  	_ = 	snop  }
__scs_overlays_trampoline_lowered:
0x8: {  	[smem:$0x3FA4] =	sst s0  }
0x9: {  	[smem:$0x3FA5] =	sst s1  }
0xa: {  	[smem:$0x3FA6] =	sst s2  }
0xb: {  	[smem:$0x3FA7] =	sst s3  }
0xc: {  	[smem:$0x3FA8] =	sst s4  }
0xd: {  	[smem:$0x3FA9] =	sst s5  }
0xe: {  	[smem:$0x3FAA] =	sst s6  }
0xf: {  	[smem:$0x3FAB] =	sst s7  }
0x10: {  	[smem:$0x3FAC] =	sst s8  }
0x11: {  	[smem:$0x3FAD] =	sst s9;
	s0 =	simm.s32 @!p0 $0x0  }
0x12: {  	s1 =	sld [smem:$0x3F93];
	s0 =	simm.s32 @p0 $0x1  }
0x13: {  	[smem:$0x3FAE] =	sst s0;
	s0 =	simm.s32 @!p1 $0x0  }
0x14: {  	s2 =	sld [smem:$0x3F92];
	s0 =	simm.s32 @p1 $0x1  }
0x15: {  	[smem:$0x3FAF] =	sst s0;
	s0 =	simm.s32 @!p2 $0x0  }
0x16: {  	s3 =	sld [smem:$0x3FDB];
	s0 =	simm.s32 @p2 $0x1  }
0x17: {  	s4 =	simm.s32 $0x1BF5;
	[smem:$0x3FB1] =	sst s0  }
0x18: {  	s0 =	sld [smem:$0x3F94];
	_ =	swait.ge [sflag:s4], $0x0  }
0x19: {  	s7 =	sld [smem:$0x3F95]  }
0x1a: {  	s8 =	sadd.s32 $0xFFFFE003, lr  }
0x1b: {  	s9 =	sadd.s32 $0xFFFFFEF7, lr;
	s5 =	simm.s32 $0xFFFFFFFF;
	p2 =	slt.u32 s8, $0xFFFFF086  }
0x1c: {  	p1 =	slt.u32 s9, $0xF7A;
	s5 =	simm.s32 @!p2 $0x0  }
0x1d: {  	s5 =	simm.s32 @p1 $0x1;
	p0 =	seq.s32 s7, s2  }
0x1e: {  	s7 =	smul.u32 @!p0 $0xF7A, s2;
	p2 =	seq.s32 @!p0 s5, $0x0  }
0x1f: {  	s9 =	smul.u32 $0xF7A, s1;
	s8 =	simm.s32 @!p0 $0x1BF5;
	p2 =	por !p2, p0  }
0x20: {  	[sflag:s8] =	ssyncset.s32 @!p0 $0xFFFFF086;
	s6 =	sadd.s32 @!p0 s3, s7;
	s7 =	simm.s32 @!p0 $0x108  }
0x21: {  	s3 =	sadd.s32 s3, s9;
	s6 =	sadd.s32 @!p0 $0x88, s6;
	s7 =	simm.s32 @p2 $0x1082  }
0x22: {  	[simem:s7], [sflag:s8] =	dma.local @!p0 [hbm:s6], $0xF7A  }
0x23: {  	s9 =	sor.u32 $0xD0000000, s2;
	s6 =	simm.s32 $0x108;
	_ =	swait.ge @!p0 [sflag:s8], $0x0  }
0x24: {  	s3 =	sadd.s32 $0x88, s3;
	s6 =	simm.s32 @!p1 $0x1082;
	[sflag:s4] =	ssyncset.s32 $0xFFFFF086  }
0x25: {  	[simem:s6], [sflag:s4] =	dma.local [hbm:s3], $0xF7A  }
0x26: {  	[smem:$0x3F95] =	sst s1;
	(tag) =	ssettag s2;
	_ =	strace s9  }
0x27: {  	s1 =	sld [smem:$0x3FA5]  }
0x28: {  	s2 =	sld [smem:$0x3FA6]  }
0x29: {  	s4 =	sld [smem:$0x3FA8]  }
0x2a: {  	p0 =	seq.s32 s5, $0x0;
	s5 =	sld [smem:$0x3FA9]  }
0x2b: {  	s6 =	sld [smem:$0x3FAA]  }
0x2c: {  	s7 =	sld [smem:$0x3FAB]  }
0x2d: {  	s3 =	simm.s32 $0x108;
	s8 =	sld [smem:$0x3FAC]  }
0x2e: {  	s3 =	simm.s32 @!p0 $0x1082;
	s9 =	sld [smem:$0x3FAD]  }
0x2f: {  	lr =	sadd.s32 s0, s3;
	s0 =	sld [smem:$0x3FA4]  }
0x30: {  	s3 =	sld [smem:$0x3FA7]  }
0x31: {  	[smem:$0x3FB0] =	sst s10  }
0x32: {  	s10 =	sld [smem:$0x3FAE];
	_ =	sdelay $0x3  }
0x33: {  	p0 =	seq.s32 s10, $0x1;
	s10 =	sld [smem:$0x3FB0];
	_ =	sdelay $0x3  }
0x34: {  	[smem:$0x3FB0] =	sst s10  }
0x35: {  	s10 =	sld [smem:$0x3FAF];
	_ =	sdelay $0x3  }
0x36: {  	p1 =	seq.s32 s10, $0x1;
	s10 =	sld [smem:$0x3FB0];
	_ =	sdelay $0x3  }
0x37: {  	[smem:$0x3FB0] =	sst s10  }
0x38: {  	s10 =	sld [smem:$0x3FB1]  }
0x39: {  	_ = 	snop;
	(pc) =	sbr.ind lr, $3  }
0x3a: {  	_ = 	snop  }
0x3b: {  	_ = 	snop  }
0x3c: {  	p2 =	seq.s32 s10, $0x1;
	s10 =	sld [smem:$0x3FB0]  }
0x3d: {  	_ =	shalt  }
0x3e: {  	_ =	shalt  }
0x3f: {  	_ =	shalt  }
0x40: {  	_ =	shalt  }
0x41: {  	_ =	shalt  }
0x42: {  	_ =	shalt  }
0x43: {  	_ =	shalt  }
0x44: {  	_ =	shalt  }
0x45: {  	_ =	shalt  }
0x46: {  	_ =	shalt  }
0x47: {  	_ =	shalt  }
0x48: {  	_ =	shalt  }
0x49: {  	_ =	shalt  }
0x4a: {  	_ =	shalt  }
0x4b: {  	_ =	shalt  }
0x4c: {  	_ =	shalt  }
0x4d: {  	_ =	shalt  }
0x4e: {  	_ =	shalt  }
0x4f: {  	_ =	shalt  }
0x50: {  	_ =	shalt  }
0x51: {  	_ =	shalt  }
0x52: {  	_ =	shalt  }
0x53: {  	_ =	shalt  }
0x54: {  	_ =	shalt  }
0x55: {  	_ =	shalt  }
0x56: {  	_ =	shalt  }
0x57: {  	_ =	shalt  }
0x58: {  	_ =	shalt  }
0x59: {  	_ =	shalt  }
0x5a: {  	_ =	shalt  }
0x5b: {  	_ =	shalt  }
0x5c: {  	_ =	shalt  }
0x5d: {  	_ =	shalt  }
0x5e: {  	_ =	shalt  }
0x5f: {  	_ =	shalt  }
0x60: {  	_ =	shalt  }
0x61: {  	_ =	shalt  }
0x62: {  	_ =	shalt  }
0x63: {  	_ =	shalt  }
0x64: {  	_ =	shalt  }
0x65: {  	_ =	shalt  }
0x66: {  	_ =	shalt  }
0x67: {  	_ =	shalt  }
0x68: {  	_ =	shalt  }
0x69: {  	_ =	shalt  }
0x6a: {  	_ =	shalt  }
0x6b: {  	_ =	shalt  }
0x6c: {  	_ =	shalt  }
0x6d: {  	_ =	shalt  }
0x6e: {  	_ =	shalt  }
0x6f: {  	_ =	shalt  }
0x70: {  	_ =	shalt  }
0x71: {  	_ =	shalt  }
0x72: {  	_ =	shalt  }
0x73: {  	_ =	shalt  }
0x74: {  	_ =	shalt  }
0x75: {  	_ =	shalt  }
0x76: {  	_ =	shalt  }
0x77: {  	_ =	shalt  }
0x78: {  	_ =	shalt  }
0x79: {  	_ =	shalt  }
0x7a: {  	_ =	shalt  }
0x7b: {  	_ =	shalt  }
0x7c: {  	_ =	shalt  }
0x7d: {  	_ =	shalt  }
0x7e: {  	_ =	shalt  }
0x7f: {  	_ =	shalt  }
0x80: {  	_ =	shalt  }
0x81: {  	_ =	shalt  }
0x82: {  	_ =	shalt  }
0x83: {  	_ =	shalt  }
0x84: {  	_ =	shalt  }
0x85: {  	_ =	shalt  }
0x86: {  	_ =	shalt  }
0x87: {  	_ =	shalt  }
.Lfunc_end0:
.L_simem_size_0:
called_computation.2_lowered:
.L_overlay_start_0:
0x88: {  	s2 =	sld [smem:$0x3FD9]  }
0x89: {  	s3 =	sld [smem:$0x3FFE];
	_ =	sdelay $0x1  }
0x8a: {  	s1 =	srdreg.scid  }
0x8b: {  	s0 =	sand.u32 $0x1, s1  }
0x8c: {  	s17 =	sshll.u32 s0, $0xA;
	s2 =	sadd.s32 s3, s2  }
0x8d: {  	s2 =	sadd.s32 s2, s17  }
0x8e: {  	[smem:$0x3FBC] =	sst s2  }
0x8f: {  	_ = 	snop  }
0x90: {  	s18 =	sld [smem:$0x3FC7]  }
0x91: {  	s4 =	sld [smem:$0x3FD0];
	(tm) =	ssettm $0x1  }
0x92: {  	s19 =	sld [smem:$0x3FFB];
	_ =	sdelay $0x3  }
0x93: {  	_ =	strace s19  }
0x94: {  	s2 =	sld [smem:$0x3FFC];
	_ =	sdelay $0x3  }
0x95: {  	_ =	strace s2  }
0x96: {  	s2 =	sld [smem:$0x3FFD];
	_ =	sdelay $0x3  }
0x97: {  	_ =	strace s2  }
0x98: {  	_ =	strace $0x8FFFFFFF  }
0x99: {  	s20 =	sld [smem:$0x3FDB];
	_ =	sdelay $0x1  }
0x9a: {  	s5 =	simm.s32 $_scs_section_size  }
0x9b: {  	s6 =	simm.s32 $_size__tile_overlayer_lowered;
	s7 =	simm.s32 $_tile_overlayer_lowered  }
0x9c: {  	s8 =	simm.s32 $0x1BFF;
	s21 =	sshll.u32 s7, $0x1;
	s5 =	sadd.s32 s5, s20  }
0x9d: {  	s22 =	simm.s32 $0x0;
	s6 =	sshll.u32 s6, $0x1;
	s7 =	sadd.s32 s21, s5  }
0x9e: {  	[timem:s22], [sflag:s8] =	dma.local [hbm:s7], s6  }
0x9f: {  	_ =	swait.ge [sflag:s8], s6  }
0xa0: {  	s6 =	ssub.s32 $0x0, s6;
	[sflag:s8] =	ssyncset.done $0x0  }
0xa1: {  	[sflag:s8] =	ssyncadd.s32 s6;
	_ =	sdelay $0x1  }
0xa2: {  	s23 =	simm.s32 $0x1B8B  }
0xa3: {  	_ =	swait.ge [sflag:s23], $0x1  }
0xa4: {  	[sflag:s23] =	ssyncset.done $0x0  }
0xa5: {  	[sflag:s23] =	ssyncadd.s32 $0xFFFFFFFF  }
0xa6: {  	s6 =	sld [smem:$0x0]  }
0xa7: {  	s7 =	sand.u32 $0xFFFFFFFE, s1  }
0xa8: {  	p0 =	sne.s32 s1, s7  }
0xa9: {  	s7 =	sshll.u32 @p0 s7, $0xE  }
0xaa: {  	s7 =	sadd.s32 @p0 $0x11B8D, s7;
	s8 =	sshll.u32 @p0 s6, $0x11  }
0xab: {  	s7 =	sor.u32 @p0 s8, s7  }
0xac: {  	[sflag:s7] =	ssyncadd.remote.s32 @p0 $0x1;
	_ =	sdelay $0x1  }
0xad: {  	s7 =	simm.s32 @p0 $0x1B8D  }
0xae: {  	_ =	swait.eq @p0 [sflag:s7], $0x1  }
0xaf: {  	[sflag:s7] =	ssyncadd.s32 @p0 $0xFFFFFFFF  }
0xb0: {  	s8 =	sshll.u32 @!p0 s1, $0xE  }
0xb1: {  	s8 =	sor.u32 @!p0 $0x4000, s8;
	s7 =	simm.s32 @!p0 $0x1B8D  }
0xb2: {  	s6 =	sshll.u32 @!p0 s6, $0x11;
	s8 =	sadd.s32 @!p0 $0x11B8D, s8;
	_ =	swait.eq @!p0 [sflag:s7], $0x1  }
0xb3: {  	s6 =	sor.u32 @!p0 s6, s8;
	[sflag:s7] =	ssyncadd.s32 @!p0 $0xFFFFFFFF  }
0xb4: {  	s25 =	simm.s32 $0x1B8E;
	s24 =	sld [smem:$0x3FFE];
	[sflag:s6] =	ssyncadd.remote.s32 @!p0 $0x1  }
0xb5: {  	s26 =	simm.s32 $execute0_lowered;
	[smem:$0x3FD2] =	sst s25  }
0xb6: {  	s7 =	sshll.u32 s26, $0x1;
	_ =	strace $0x8000004F;
	[dreg:$0x1] =	wrdreg $0xFFFFFFFF  }
0xb7: {  	s28 =	simm.s32 $_size_execute0_lowered;
	s5 =	sadd.s32 s5, s7;
	[dreg:$0x0] =	wrdreg $0x0  }
0xb8: {  	s7 =	sshll.u32 s28, $0x1;
	[dreg:$0x2] =	wrdreg s5  }
0xb9: {  	[dreg:$0x3] =	wrdreg s7  }
0xba: {  	[dreg:$0x4] =	wrdreg $0xC0  }
0xbb: {  	_ =	task [dreg:s22], $0x5FFFF  }
0xbc: {  	[dreg:$0x1] =	wrdreg $0xFFFFFFFF  }
0xbd: {  	[dreg:$0x0] =	wrdreg $0x60  }
0xbe: {  	[dreg:$0x2] =	wrdreg s18  }
0xbf: {  	[dreg:$0x3] =	wrdreg s4  }
0xc0: {  	[dreg:$0x4] =	wrdreg s24  }
0xc1: {  	[dreg:$0x5] =	wrdreg $0xA  }
0xc2: {  	_ =	task.clear_ibuf [dreg:s22], $0x6FFFF;
	_ =	strace $0x9000004F  }
0xc3: {  	s29 =	simm.s32 $0xA;
	_ =	strace $0x80000051  }
0xc4: {  	_ =	swait.ge [sflag:s29], $0x1  }
0xc5: {  	[sflag:s29] =	ssyncadd.s32 $0xFFFFFFFF  }
0xc6: {  	_ =	strace $0x90000051  }
0xc7: {  	_ =	sfence  }
0xc8: {  	s30 =	sld [smem:$0x0];
	_ =	sdelay $0x2  }
0xc9: {  	s31 =	sshll.u32 s1, $0xD;
	s1 =	sshrl.u32 s1, $0x2  }
0xca: {  	s4 =	sand.u32 $0x4000, s31;
	s1 =	sadd.s32 s1, s30  }
0xcb: {  	s0 =	sor.u32 s4, s0;
	s1 =	sshll.u32 s1, $0x11  }
0xcc: {  	s0 =	sor.u32 s1, s0  }
0xcd: {  	s0 =	sadd.s32 $0x8F2B, s0  }
0xce: {  	[sflag:s0] =	ssyncadd.remote.s32 $0x1  }
0xcf: {  	_ =	sfence.sel $0xFFFF  }
0xd0: {  	[dreg:$0x0] =	wrdreg $0xFFFFFFFF;
	(pc) =	sbr.abs _section_cstart, $3  }
0xd1: {  	[dreg:$0x1] =	wrdreg $0xFFFFFFFF  }
0xd2: {  	_ =	task.clear_ibuf [dreg:s22], $0x2FFFF;
	_ =	strace $0x9FFFFFFF  }
0xd3: {  	(tm) =	ssettm $0x7FFFFFFF  }
tec
execute0_lowered:
.L_overlay_start_1:
0x0: {  	(tag) =	ssettag $0x1  }
0x1: {  	s2 =	rddreg [dreg:$0x0]  }
0x2: {  	s1 =	srdreg.scid;
	s3 =	rddreg [dreg:$0x1]  }
0x3: {  	s0 =	stileid.u32;
	s5 =	rddreg [dreg:$0x2]  }
0x4: {  	s9 =	simm.s32 $0x1;
	s10 =	simm.s32 $0x3;
	s1 =	sshll.u32 s1, $0x9  }
0x5: {  	s13 =	simm.s32 $0x0;
	s4 =	sshll.u32 s0, $0xA;
	s6 =	sand.u32 $0x200, s1  }
0x6: {  	s12 =	simm.s32 $0x0;
	s5 =	sadd.s32 $0xB400, s5;
	s4 =	sor.u32 s4, s6  }
0x7: {  	s1 =	rddreg [dreg:$0x3];
	_ =	strace $0x80000050;
	s8 =	ssub.s32 $0x8000, s4  }
.Ltmp0:
0x8: {  	s6 =	simm.s32 $0x1;
	s7 =	sand.u32 $0x3E00, s8;
	(pc) =	sbr.rel .LBB2_1-.Ltmp0, $4  }
0x9: {  	[sflag:s6] =	ssyncpa.u1 $0x0;
	s11 =	smov.u32 s4;
	p0 =	sne.s32 s7, $0x0  }
0xa: {  	s8 =	sshrl.u32 s8, $0xE;
	s7 =	simm.s32 $0x2;
	s9 =	simm.s32 @!p0 $0x0  }
0xb: {  	[sflag:s7] =	ssyncpa.u1 $0x0;
	p0 =	por $0x0, $0x0;
	s8 =	sadd.s32 s9, s8  }
0xc: {  	vm0 =	vmmov $0xffff;
	[sflag:s10] =	ssyncpa.u1 $0x0;
	s10 =	simm.s32 $0x0;
	s9 =	sadd.s32 $0x1, s8  }
.LBB2_4:
0xd: {  	v2 =	vnsel vm1, $0x0, v2  }
0xe: {  	vm1 =	vgt.s32 v0, $0x0;
	v2 =	vmin.u32 v2, $0x7FFF  }
0xf: {  	v0 =	vnsel vm1, $0x0, v0  }
0x10: {  	v0 =	vmin.u32 v0, $0x7FFF  }
0x11: {  	[tilespmem:s15], [sflag:$0x1] =	stream.indirect_vreg.gather [hbm4b:s2+s10], $0x1, v1, vm0, $0x4038;
	[tilespmem:$0x800] =	vst v63  }
0x12: {  	(ifvalue) =	ssetifvalue $0x7FFFFFFF  }
0x13: {  	[tilespmem:s16], [sflag:$0x1] =	stream.indirect_vreg.gather [hbm4b:s2+s10], $0x1, v2, vm0, $0x4038;
	[tilespmem:$0x800] =	vst v63  }
0x14: {  	s29 =	sadd.s32 $0x10, s16;
	(ifvalue) =	ssetifvalue $0x7FFFFFFF  }
0x15: {  	[tilespmem:s29], [sflag:$0x1] =	stream.indirect_vreg.gather [hbm4b:s2+s10], $0x1, v0, vm0, $0x4038;
	[tilespmem:$0x800] =	vst v63  }
0x16: {  	_ =	swait.ge [sflag:s6], $0x200  }
0x17: {  	s30 =	sshrl.u32 s13, $0x3;
	[sflag:s6] =	ssyncset.done $0x0  }
0x18: {  	s31 =	sand.u32 $0x7, s13;
	s15 =	sadd.s32 s5, s30;
	[sflag:s6] =	ssyncadd.s32 $0xFFFFFE00  }
0x19: {  	[hbm4b:s15+s31] =	stream.linear.scatter [tilespmem:s14], [sflag:$0x3], $0x200, $0x38;
	[tilespmem:$0x800] =	vst v63  }
.LBB2_5:
0x1a: {  	s15 =	sadd.s32 $0x4000, s11  }
0x1b: {  	p2 =	sgt.s32 s15, $0x7FFF  }
0x1c: {  	s15 =	smov.u32 @p2 s4;
	p2 =	sne.s32 s12, s9  }
.Ltmp1:
0x1d: {  	p1 =	slt.u32 s12, $0x2;
	(pc) =	sbr.rel @!p2 .LBB2_6-.Ltmp1, $4  }
0x1e: {  	s14 =	simm.s32 @!p1 $0x3  }
0x1f: {  	s16 =	sadd.s32 $0x1, s12;
	_ =	swait.ge @!p1 [sflag:s14], $0x200  }
0x20: {  	s13 =	smov.u32 s11;
	p0 =	por !p0, !p0;
	[sflag:s14] =	ssyncset.done @!p1 $0x0  }
0x21: {  	s12 =	smov.u32 s16;
	s11 =	smov.u32 s15;
	[sflag:s14] =	ssyncadd.s32 @!p1 $0xFFFFFE00  }
.LBB2_1:
0x22: {  	p1 =	sge.u32 s12, s8  }
0x23: {  	s14 =	sxor.u32 @!p1 $0xFFFFFFFF, s12  }
0x24: {  	s31 =	sadd.s32 $0xFFFFFFFF, s12;
	s15 =	sshrl.u32 @!p1 s11, $0x3;
	s14 =	sshll.u32 @!p1 s14, $0x9  }
0x25: {  	s16 =	sand.u32 @!p1 $0x7, s11;
	s15 =	sadd.s32 @!p1 s3, s15;
	s14 =	sand.u32 @!p1 $0x200, s14  }
0x26: {  	[tilespmem:s14], [sflag:$0x2] =	stream.linear.gather @!p1 [hbm4b:s15+s16], $0x200, $0x38;
	[tilespmem:$0x800] =	vst v63  }
0x27: {  	p1 =	sge.u32 s31, s8  }
.Ltmp2:
0x28: {  	_ = 	snop;
	(pc) =	sbr.rel @p1 .LBB2_5-.Ltmp2, $1  }
0x29: {  	_ =	sdelay $0x3  }
0x2a: {  	s14 =	simm.s32 $0x1  }
0x2b: {  	_ =	swait.ge [sflag:s7], $0x200;
	s14 =	simm.s32 @!p0 $0x0  }
0x2c: {  	[sflag:s7] =	ssyncset.done $0x0;
	s14 =	sshll.u32 s14, $0x9  }
0x2d: {  	[sflag:s7] =	ssyncadd.s32 $0xFFFFFE00;
	(ifvalue) =	ssetifvalue $0x7FFFFFFF;
	v0 =	vld.msk [tilespmem:s14+$0x0 ss:$0x1], $0xffff;
	_ =	sdelay $0x4  }
0x2e: {  	s15 =	sadd.s32 $0x10, s14;
	vm1 =	vgt.s32 v0, $0x0  }
0x2f: {  	v2 =	vld.msk [tilespmem:s15+$0x0 ss:$0x1], $0xffff;
	v1 =	vnsel vm1, $0x0, v0  }
0x30: {  	v1 =	vmin.u32 v1, $0x7FFF;
	_ =	sdelay $0x1  }
0x31: {  	s16 =	sshll.u32 s12, $0x9;
	s18 =	simm.s32 $0x20  }
0x32: {  	s16 =	sand.u32 $0x200, s16;
	s17 =	sadd.s32 $0x10, s15;
	s15 =	sor.u32 $0x400, s14  }
0x33: {  	s14 =	sor.u32 $0x400, s16;
	s16 =	sadd.s32 $0x10, s15;
	v0 =	vld.msk [tilespmem:s17+$0x0 ss:$0x1], $0xffff;
	vm1 =	vgt.s32 v2, $0x0;
	(ifvalue) =	ssetifvalue $0x7FFFFFFF  }
.LBB2_3:
0x34: {  	[tilespmem:s15], [sflag:$0x1] =	stream.indirect_vreg.gather [hbm4b:s2+s10], $0x1, v1, vm0, $0x4038;
	[tilespmem:$0x800] =	vst v63  }
0x35: {  	s18 =	sadd.s32 $0x10, s18  }
0x36: {  	v2 =	vnsel vm1, $0x0, v2;
	p1 =	slt.u32 s18, $0x1F0  }
.Ltmp3:
0x37: {  	s15 =	smov.u32 s16;
	v1 =	vmin.u32 v2, $0x7FFF;
	(pc) =	sbr.rel @p1 .LBB2_3-.Ltmp3, $3  }
0x38: {  	_ =	sdelay $0x1  }
0x39: {  	s17 =	sadd.s32 $0x10, s17  }
0x3a: {  	vm1 =	vgt.s32 v0, $0x0;
	s16 =	sadd.s32 $0x10, s16;
	v2 =	vmov v0;
	(ifvalue) =	ssetifvalue $0x7FFFFFFF;
	v0 =	vld.msk [tilespmem:s17+$0x0 ss:$0x1], $0xffff  }
.Ltmp4:
0x3b: {  	_ = 	snop;
	(pc) =	sbr.rel .LBB2_4-.Ltmp4, $1  }
0x3c: {  	_ =	sdelay $0x3  }
.LBB2_6:
0x3d: {  	_ =	sfence.sel $0x180000  }
0x3e: {  	s2 =	simm.s32 $0x2;
	[bflag:$0x0] =	sbarrier.arrive $0xFFFF  }
0x3f: {  	s30 =	simm.s32 $0x3;
	[sflag:s2] =	ssyncpa.u1 $0x1  }
0x40: {  	s31 =	simm.s32 $0x1;
	[sflag:s30] =	ssyncpa.u1 $0x1  }
0x41: {  	[sflag:s31] =	ssyncpa.u1 $0x1  }
0x42: {  	p0 =	sne.s32 s0, $0x0;
	_ =	strace $0x90000050  }
0x43: {  	s0 =	sadd.s32 @!p0 $0x100000, s1;
	[bflag:$0x2] =	sbarrier.arrive $0xFFFF  }
0x44: {  	[sflag:s0] =	ssyncadd.tile.s32 @!p0 $0x1;
	_ =	shalt  }
.Lfunc_end2:
_tile_overlayer_lowered:
.L_overlay_start_2:
0x45: {  	(tag) =	ssettag $0x2  }
0x46: {  	s0 =	rddreg [dreg:$0x0];
	s2 =	stileid.u32  }
0x47: {  	s1 =	rddreg [dreg:$0x1];
	p0 =	sne.s32 s2, $0x0  }
0x48: {  	s3 =	rddreg [dreg:$0x2];
	[bflag:$0x3] =	sbarrier.arrive $0xFFFF;
	s2 =	simm.s32 @!p0 $0x1C01  }
0x49: {  	[timem:s3], [sflag:s2] =	dma.local @!p0 [hbm:s0], s1  }
0x4a: {  	s0 =	simm.s32 @!p0 $0x1  }
0x4b: {  	_ =	swait.ge @!p0 [sflag:s0], s1  }
0x4c: {  	s1 =	ssub.s32 @!p0 $0x0, s1;
	[sflag:s0] =	ssyncset.done @!p0 $0x0  }
0x4d: {  	[sflag:s0] =	ssyncadd.s32 @!p0 s1  }
0x4e: {  	[bflag:$0x3] =	sbarrier.arrive $0xFFFF  }
0x4f: {  	_ =	shalt  }

// kernel: gather_offload_async_start.3
scs
__scs_entry_jumppad:
0x0: {  	(pc) =	sbr.rel $0x88, $3  }
0x1: {  	(tag) =	ssettag $0x0;
	lr =	simm.s32 $0x1  }
0x2: {  	[smem:$0x3F95] =	sst lr;
	_ =	strace $0xD0000000  }
0x3: {  	_ = 	snop  }
0x4: {  	_ = 	snop  }
0x5: {  	_ = 	snop  }
0x6: {  	_ = 	snop  }
0x7: {  	_ = 	snop  }
__scs_overlays_trampoline_lowered:
0x8: {  	[smem:$0x3FA4] =	sst s0  }
0x9: {  	[smem:$0x3FA5] =	sst s1  }
0xa: {  	[smem:$0x3FA6] =	sst s2  }
0xb: {  	[smem:$0x3FA7] =	sst s3  }
0xc: {  	[smem:$0x3FA8] =	sst s4  }
0xd: {  	[smem:$0x3FA9] =	sst s5  }
0xe: {  	[smem:$0x3FAA] =	sst s6  }
0xf: {  	[smem:$0x3FAB] =	sst s7  }
0x10: {  	[smem:$0x3FAC] =	sst s8  }
0x11: {  	[smem:$0x3FAD] =	sst s9;
	s0 =	simm.s32 @!p0 $0x0  }
0x12: {  	s1 =	sld [smem:$0x3F93];
	s0 =	simm.s32 @p0 $0x1  }
0x13: {  	[smem:$0x3FAE] =	sst s0;
	s0 =	simm.s32 @!p1 $0x0  }
0x14: {  	s2 =	sld [smem:$0x3F92];
	s0 =	simm.s32 @p1 $0x1  }
0x15: {  	[smem:$0x3FAF] =	sst s0;
	s0 =	simm.s32 @!p2 $0x0  }
0x16: {  	s3 =	sld [smem:$0x3FDB];
	s0 =	simm.s32 @p2 $0x1  }
0x17: {  	s4 =	simm.s32 $0x1BF5;
	[smem:$0x3FB1] =	sst s0  }
0x18: {  	s0 =	sld [smem:$0x3F94];
	_ =	swait.ge [sflag:s4], $0x0  }
0x19: {  	s7 =	sld [smem:$0x3F95]  }
0x1a: {  	s8 =	sadd.s32 $0xFFFFE003, lr  }
0x1b: {  	s9 =	sadd.s32 $0xFFFFFEF7, lr;
	s5 =	simm.s32 $0xFFFFFFFF;
	p2 =	slt.u32 s8, $0xFFFFF086  }
0x1c: {  	p1 =	slt.u32 s9, $0xF7A;
	s5 =	simm.s32 @!p2 $0x0  }
0x1d: {  	s5 =	simm.s32 @p1 $0x1;
	p0 =	seq.s32 s7, s2  }
0x1e: {  	s7 =	smul.u32 @!p0 $0xF7A, s2;
	p2 =	seq.s32 @!p0 s5, $0x0  }
0x1f: {  	s9 =	smul.u32 $0xF7A, s1;
	s8 =	simm.s32 @!p0 $0x1BF5;
	p2 =	por !p2, p0  }
0x20: {  	[sflag:s8] =	ssyncset.s32 @!p0 $0xFFFFF086;
	s6 =	sadd.s32 @!p0 s3, s7;
	s7 =	simm.s32 @!p0 $0x108  }
0x21: {  	s3 =	sadd.s32 s3, s9;
	s6 =	sadd.s32 @!p0 $0x88, s6;
	s7 =	simm.s32 @p2 $0x1082  }
0x22: {  	[simem:s7], [sflag:s8] =	dma.local @!p0 [hbm:s6], $0xF7A  }
0x23: {  	s9 =	sor.u32 $0xD0000000, s2;
	s6 =	simm.s32 $0x108;
	_ =	swait.ge @!p0 [sflag:s8], $0x0  }
0x24: {  	s3 =	sadd.s32 $0x88, s3;
	s6 =	simm.s32 @!p1 $0x1082;
	[sflag:s4] =	ssyncset.s32 $0xFFFFF086  }
0x25: {  	[simem:s6], [sflag:s4] =	dma.local [hbm:s3], $0xF7A  }
0x26: {  	[smem:$0x3F95] =	sst s1;
	(tag) =	ssettag s2;
	_ =	strace s9  }
0x27: {  	s1 =	sld [smem:$0x3FA5]  }
0x28: {  	s2 =	sld [smem:$0x3FA6]  }
0x29: {  	s4 =	sld [smem:$0x3FA8]  }
0x2a: {  	p0 =	seq.s32 s5, $0x0;
	s5 =	sld [smem:$0x3FA9]  }
0x2b: {  	s6 =	sld [smem:$0x3FAA]  }
0x2c: {  	s7 =	sld [smem:$0x3FAB]  }
0x2d: {  	s3 =	simm.s32 $0x108;
	s8 =	sld [smem:$0x3FAC]  }
0x2e: {  	s3 =	simm.s32 @!p0 $0x1082;
	s9 =	sld [smem:$0x3FAD]  }
0x2f: {  	lr =	sadd.s32 s0, s3;
	s0 =	sld [smem:$0x3FA4]  }
0x30: {  	s3 =	sld [smem:$0x3FA7]  }
0x31: {  	[smem:$0x3FB0] =	sst s10  }
0x32: {  	s10 =	sld [smem:$0x3FAE];
	_ =	sdelay $0x3  }
0x33: {  	p0 =	seq.s32 s10, $0x1;
	s10 =	sld [smem:$0x3FB0];
	_ =	sdelay $0x3  }
0x34: {  	[smem:$0x3FB0] =	sst s10  }
0x35: {  	s10 =	sld [smem:$0x3FAF];
	_ =	sdelay $0x3  }
0x36: {  	p1 =	seq.s32 s10, $0x1;
	s10 =	sld [smem:$0x3FB0];
	_ =	sdelay $0x3  }
0x37: {  	[smem:$0x3FB0] =	sst s10  }
0x38: {  	s10 =	sld [smem:$0x3FB1]  }
0x39: {  	_ = 	snop;
	(pc) =	sbr.ind lr, $3  }
0x3a: {  	_ = 	snop  }
0x3b: {  	_ = 	snop  }
0x3c: {  	p2 =	seq.s32 s10, $0x1;
	s10 =	sld [smem:$0x3FB0]  }
0x3d: {  	_ =	shalt  }
0x3e: {  	_ =	shalt  }
0x3f: {  	_ =	shalt  }
0x40: {  	_ =	shalt  }
0x41: {  	_ =	shalt  }
0x42: {  	_ =	shalt  }
0x43: {  	_ =	shalt  }
0x44: {  	_ =	shalt  }
0x45: {  	_ =	shalt  }
0x46: {  	_ =	shalt  }
0x47: {  	_ =	shalt  }
0x48: {  	_ =	shalt  }
0x49: {  	_ =	shalt  }
0x4a: {  	_ =	shalt  }
0x4b: {  	_ =	shalt  }
0x4c: {  	_ =	shalt  }
0x4d: {  	_ =	shalt  }
0x4e: {  	_ =	shalt  }
0x4f: {  	_ =	shalt  }
0x50: {  	_ =	shalt  }
0x51: {  	_ =	shalt  }
0x52: {  	_ =	shalt  }
0x53: {  	_ =	shalt  }
0x54: {  	_ =	shalt  }
0x55: {  	_ =	shalt  }
0x56: {  	_ =	shalt  }
0x57: {  	_ =	shalt  }
0x58: {  	_ =	shalt  }
0x59: {  	_ =	shalt  }
0x5a: {  	_ =	shalt  }
0x5b: {  	_ =	shalt  }
0x5c: {  	_ =	shalt  }
0x5d: {  	_ =	shalt  }
0x5e: {  	_ =	shalt  }
0x5f: {  	_ =	shalt  }
0x60: {  	_ =	shalt  }
0x61: {  	_ =	shalt  }
0x62: {  	_ =	shalt  }
0x63: {  	_ =	shalt  }
0x64: {  	_ =	shalt  }
0x65: {  	_ =	shalt  }
0x66: {  	_ =	shalt  }
0x67: {  	_ =	shalt  }
0x68: {  	_ =	shalt  }
0x69: {  	_ =	shalt  }
0x6a: {  	_ =	shalt  }
0x6b: {  	_ =	shalt  }
0x6c: {  	_ =	shalt  }
0x6d: {  	_ =	shalt  }
0x6e: {  	_ =	shalt  }
0x6f: {  	_ =	shalt  }
0x70: {  	_ =	shalt  }
0x71: {  	_ =	shalt  }
0x72: {  	_ =	shalt  }
0x73: {  	_ =	shalt  }
0x74: {  	_ =	shalt  }
0x75: {  	_ =	shalt  }
0x76: {  	_ =	shalt  }
0x77: {  	_ =	shalt  }
0x78: {  	_ =	shalt  }
0x79: {  	_ =	shalt  }
0x7a: {  	_ =	shalt  }
0x7b: {  	_ =	shalt  }
0x7c: {  	_ =	shalt  }
0x7d: {  	_ =	shalt  }
0x7e: {  	_ =	shalt  }
0x7f: {  	_ =	shalt  }
0x80: {  	_ =	shalt  }
0x81: {  	_ =	shalt  }
0x82: {  	_ =	shalt  }
0x83: {  	_ =	shalt  }
0x84: {  	_ =	shalt  }
0x85: {  	_ =	shalt  }
0x86: {  	_ =	shalt  }
0x87: {  	_ =	shalt  }
.Lfunc_end0:
.L_simem_size_0:
called_computation.3_lowered:
.L_overlay_start_0:
0x88: {  	s2 =	sld [smem:$0x3FD9]  }
0x89: {  	s3 =	sld [smem:$0x3FFE];
	_ =	sdelay $0x1  }
0x8a: {  	s1 =	srdreg.scid  }
0x8b: {  	s0 =	sand.u32 $0x1, s1  }
0x8c: {  	s17 =	sshll.u32 s0, $0xA;
	s2 =	sadd.s32 s3, s2  }
0x8d: {  	s2 =	sadd.s32 s2, s17  }
0x8e: {  	[smem:$0x3FBC] =	sst s2  }
0x8f: {  	_ = 	snop  }
0x90: {  	s18 =	sld [smem:$0x3FC5]  }
0x91: {  	s4 =	sld [smem:$0x3FD0];
	(tm) =	ssettm $0x1  }
0x92: {  	s19 =	sld [smem:$0x3FFB];
	_ =	sdelay $0x3  }
0x93: {  	_ =	strace s19  }
0x94: {  	s2 =	sld [smem:$0x3FFC];
	_ =	sdelay $0x3  }
0x95: {  	_ =	strace s2  }
0x96: {  	s2 =	sld [smem:$0x3FFD];
	_ =	sdelay $0x3  }
0x97: {  	_ =	strace s2  }
0x98: {  	_ =	strace $0x8FFFFFFF  }
0x99: {  	s20 =	sld [smem:$0x3FDB];
	_ =	sdelay $0x1  }
0x9a: {  	s5 =	simm.s32 $_scs_section_size  }
0x9b: {  	s6 =	simm.s32 $_size__tile_overlayer_lowered;
	s7 =	simm.s32 $_tile_overlayer_lowered  }
0x9c: {  	s8 =	simm.s32 $0x1BFF;
	s21 =	sshll.u32 s7, $0x1;
	s5 =	sadd.s32 s5, s20  }
0x9d: {  	s22 =	simm.s32 $0x0;
	s6 =	sshll.u32 s6, $0x1;
	s7 =	sadd.s32 s21, s5  }
0x9e: {  	[timem:s22], [sflag:s8] =	dma.local [hbm:s7], s6  }
0x9f: {  	_ =	swait.ge [sflag:s8], s6  }
0xa0: {  	s6 =	ssub.s32 $0x0, s6;
	[sflag:s8] =	ssyncset.done $0x0  }
0xa1: {  	[sflag:s8] =	ssyncadd.s32 s6;
	_ =	sdelay $0x1  }
0xa2: {  	s23 =	simm.s32 $0x1B8B  }
0xa3: {  	_ =	swait.ge [sflag:s23], $0x1  }
0xa4: {  	[sflag:s23] =	ssyncset.done $0x0  }
0xa5: {  	[sflag:s23] =	ssyncadd.s32 $0xFFFFFFFF  }
0xa6: {  	s6 =	sld [smem:$0x0]  }
0xa7: {  	s7 =	sand.u32 $0xFFFFFFFE, s1  }
0xa8: {  	p0 =	sne.s32 s1, s7  }
0xa9: {  	s7 =	sshll.u32 @p0 s7, $0xE  }
0xaa: {  	s7 =	sadd.s32 @p0 $0x11B8D, s7;
	s8 =	sshll.u32 @p0 s6, $0x11  }
0xab: {  	s7 =	sor.u32 @p0 s8, s7  }
0xac: {  	[sflag:s7] =	ssyncadd.remote.s32 @p0 $0x1;
	_ =	sdelay $0x1  }
0xad: {  	s7 =	simm.s32 @p0 $0x1B8D  }
0xae: {  	_ =	swait.eq @p0 [sflag:s7], $0x1  }
0xaf: {  	[sflag:s7] =	ssyncadd.s32 @p0 $0xFFFFFFFF  }
0xb0: {  	s8 =	sshll.u32 @!p0 s1, $0xE  }
0xb1: {  	s8 =	sor.u32 @!p0 $0x4000, s8;
	s7 =	simm.s32 @!p0 $0x1B8D  }
0xb2: {  	s6 =	sshll.u32 @!p0 s6, $0x11;
	s8 =	sadd.s32 @!p0 $0x11B8D, s8;
	_ =	swait.eq @!p0 [sflag:s7], $0x1  }
0xb3: {  	s6 =	sor.u32 @!p0 s6, s8;
	[sflag:s7] =	ssyncadd.s32 @!p0 $0xFFFFFFFF  }
0xb4: {  	s25 =	simm.s32 $0x1B8E;
	s24 =	sld [smem:$0x3FFE];
	[sflag:s6] =	ssyncadd.remote.s32 @!p0 $0x1  }
0xb5: {  	s26 =	simm.s32 $execute0_lowered;
	[smem:$0x3FD2] =	sst s25  }
0xb6: {  	s7 =	sshll.u32 s26, $0x1;
	_ =	strace $0x80000052;
	[dreg:$0x1] =	wrdreg $0xFFFFFFFF  }
0xb7: {  	s28 =	simm.s32 $_size_execute0_lowered;
	s5 =	sadd.s32 s5, s7;
	[dreg:$0x0] =	wrdreg $0x0  }
0xb8: {  	s7 =	sshll.u32 s28, $0x1;
	[dreg:$0x2] =	wrdreg s5  }
0xb9: {  	[dreg:$0x3] =	wrdreg s7  }
0xba: {  	[dreg:$0x4] =	wrdreg $0xC0  }
0xbb: {  	_ =	task [dreg:s22], $0x5FFFF  }
0xbc: {  	[dreg:$0x1] =	wrdreg $0xFFFFFFFF  }
0xbd: {  	[dreg:$0x0] =	wrdreg $0x60  }
0xbe: {  	[dreg:$0x2] =	wrdreg s18  }
0xbf: {  	[dreg:$0x3] =	wrdreg s4  }
0xc0: {  	[dreg:$0x4] =	wrdreg s24  }
0xc1: {  	[dreg:$0x5] =	wrdreg $0xB  }
0xc2: {  	_ =	task.clear_ibuf [dreg:s22], $0x6FFFF;
	_ =	strace $0x90000052  }
0xc3: {  	s29 =	simm.s32 $0xB;
	_ =	strace $0x80000054  }
0xc4: {  	_ =	swait.ge [sflag:s29], $0x1  }
0xc5: {  	[sflag:s29] =	ssyncadd.s32 $0xFFFFFFFF  }
0xc6: {  	_ =	strace $0x90000054  }
0xc7: {  	_ =	sfence  }
0xc8: {  	s30 =	sld [smem:$0x0];
	_ =	sdelay $0x2  }
0xc9: {  	s31 =	sshll.u32 s1, $0xD;
	s1 =	sshrl.u32 s1, $0x2  }
0xca: {  	s4 =	sand.u32 $0x4000, s31;
	s1 =	sadd.s32 s1, s30  }
0xcb: {  	s0 =	sor.u32 s4, s0;
	s1 =	sshll.u32 s1, $0x11  }
0xcc: {  	s0 =	sor.u32 s1, s0  }
0xcd: {  	s0 =	sadd.s32 $0x8F2B, s0  }
0xce: {  	[sflag:s0] =	ssyncadd.remote.s32 $0x1  }
0xcf: {  	_ =	sfence.sel $0xFFFF  }
0xd0: {  	[dreg:$0x0] =	wrdreg $0xFFFFFFFF;
	(pc) =	sbr.abs _section_cstart, $3  }
0xd1: {  	[dreg:$0x1] =	wrdreg $0xFFFFFFFF  }
0xd2: {  	_ =	task.clear_ibuf [dreg:s22], $0x2FFFF;
	_ =	strace $0x9FFFFFFF  }
0xd3: {  	(tm) =	ssettm $0x7FFFFFFF  }
tec
execute0_lowered:
.L_overlay_start_1:
0x0: {  	(tag) =	ssettag $0x1  }
0x1: {  	s2 =	rddreg [dreg:$0x0]  }
0x2: {  	s1 =	srdreg.scid;
	s3 =	rddreg [dreg:$0x1]  }
0x3: {  	s0 =	stileid.u32;
	s5 =	rddreg [dreg:$0x2]  }
0x4: {  	s9 =	simm.s32 $0x1;
	s10 =	simm.s32 $0x3;
	s1 =	sshll.u32 s1, $0x9  }
0x5: {  	s13 =	simm.s32 $0x0;
	s4 =	sshll.u32 s0, $0xA;
	s6 =	sand.u32 $0x200, s1  }
0x6: {  	s12 =	simm.s32 $0x0;
	s5 =	sadd.s32 $0xC400, s5;
	s4 =	sor.u32 s4, s6  }
0x7: {  	s1 =	rddreg [dreg:$0x3];
	_ =	strace $0x80000053;
	s8 =	ssub.s32 $0x8000, s4  }
.Ltmp0:
0x8: {  	s6 =	simm.s32 $0x1;
	s7 =	sand.u32 $0x3E00, s8;
	(pc) =	sbr.rel .LBB2_1-.Ltmp0, $4  }
0x9: {  	[sflag:s6] =	ssyncpa.u1 $0x0;
	s11 =	smov.u32 s4;
	p0 =	sne.s32 s7, $0x0  }
0xa: {  	s8 =	sshrl.u32 s8, $0xE;
	s7 =	simm.s32 $0x2;
	s9 =	simm.s32 @!p0 $0x0  }
0xb: {  	[sflag:s7] =	ssyncpa.u1 $0x0;
	p0 =	por $0x0, $0x0;
	s8 =	sadd.s32 s9, s8  }
0xc: {  	vm0 =	vmmov $0xffff;
	[sflag:s10] =	ssyncpa.u1 $0x0;
	s10 =	simm.s32 $0x0;
	s9 =	sadd.s32 $0x1, s8  }
.LBB2_4:
0xd: {  	v2 =	vnsel vm1, $0x0, v2  }
0xe: {  	vm1 =	vgt.s32 v0, $0x0;
	v2 =	vmin.u32 v2, $0x7FFF  }
0xf: {  	v0 =	vnsel vm1, $0x0, v0  }
0x10: {  	v0 =	vmin.u32 v0, $0x7FFF  }
0x11: {  	[tilespmem:s15], [sflag:$0x1] =	stream.indirect_vreg.gather [hbm4b:s2+s10], $0x1, v1, vm0, $0x4038;
	[tilespmem:$0x800] =	vst v63  }
0x12: {  	(ifvalue) =	ssetifvalue $0x7FFFFFFF  }
0x13: {  	[tilespmem:s16], [sflag:$0x1] =	stream.indirect_vreg.gather [hbm4b:s2+s10], $0x1, v2, vm0, $0x4038;
	[tilespmem:$0x800] =	vst v63  }
0x14: {  	s29 =	sadd.s32 $0x10, s16;
	(ifvalue) =	ssetifvalue $0x7FFFFFFF  }
0x15: {  	[tilespmem:s29], [sflag:$0x1] =	stream.indirect_vreg.gather [hbm4b:s2+s10], $0x1, v0, vm0, $0x4038;
	[tilespmem:$0x800] =	vst v63  }
0x16: {  	_ =	swait.ge [sflag:s6], $0x200  }
0x17: {  	s30 =	sshrl.u32 s13, $0x3;
	[sflag:s6] =	ssyncset.done $0x0  }
0x18: {  	s31 =	sand.u32 $0x7, s13;
	s15 =	sadd.s32 s5, s30;
	[sflag:s6] =	ssyncadd.s32 $0xFFFFFE00  }
0x19: {  	[hbm4b:s15+s31] =	stream.linear.scatter [tilespmem:s14], [sflag:$0x3], $0x200, $0x38;
	[tilespmem:$0x800] =	vst v63  }
.LBB2_5:
0x1a: {  	s15 =	sadd.s32 $0x4000, s11  }
0x1b: {  	p2 =	sgt.s32 s15, $0x7FFF  }
0x1c: {  	s15 =	smov.u32 @p2 s4;
	p2 =	sne.s32 s12, s9  }
.Ltmp1:
0x1d: {  	p1 =	slt.u32 s12, $0x2;
	(pc) =	sbr.rel @!p2 .LBB2_6-.Ltmp1, $4  }
0x1e: {  	s14 =	simm.s32 @!p1 $0x3  }
0x1f: {  	s16 =	sadd.s32 $0x1, s12;
	_ =	swait.ge @!p1 [sflag:s14], $0x200  }
0x20: {  	s13 =	smov.u32 s11;
	p0 =	por !p0, !p0;
	[sflag:s14] =	ssyncset.done @!p1 $0x0  }
0x21: {  	s12 =	smov.u32 s16;
	s11 =	smov.u32 s15;
	[sflag:s14] =	ssyncadd.s32 @!p1 $0xFFFFFE00  }
.LBB2_1:
0x22: {  	p1 =	sge.u32 s12, s8  }
0x23: {  	s14 =	sxor.u32 @!p1 $0xFFFFFFFF, s12  }
0x24: {  	s31 =	sadd.s32 $0xFFFFFFFF, s12;
	s15 =	sshrl.u32 @!p1 s11, $0x3;
	s14 =	sshll.u32 @!p1 s14, $0x9  }
0x25: {  	s16 =	sand.u32 @!p1 $0x7, s11;
	s15 =	sadd.s32 @!p1 s3, s15;
	s14 =	sand.u32 @!p1 $0x200, s14  }
0x26: {  	[tilespmem:s14], [sflag:$0x2] =	stream.linear.gather @!p1 [hbm4b:s15+s16], $0x200, $0x38;
	[tilespmem:$0x800] =	vst v63  }
0x27: {  	p1 =	sge.u32 s31, s8  }
.Ltmp2:
0x28: {  	_ = 	snop;
	(pc) =	sbr.rel @p1 .LBB2_5-.Ltmp2, $1  }
0x29: {  	_ =	sdelay $0x3  }
0x2a: {  	s14 =	simm.s32 $0x1  }
0x2b: {  	_ =	swait.ge [sflag:s7], $0x200;
	s14 =	simm.s32 @!p0 $0x0  }
0x2c: {  	[sflag:s7] =	ssyncset.done $0x0;
	s14 =	sshll.u32 s14, $0x9  }
0x2d: {  	[sflag:s7] =	ssyncadd.s32 $0xFFFFFE00;
	(ifvalue) =	ssetifvalue $0x7FFFFFFF;
	v0 =	vld.msk [tilespmem:s14+$0x0 ss:$0x1], $0xffff;
	_ =	sdelay $0x4  }
0x2e: {  	s15 =	sadd.s32 $0x10, s14;
	vm1 =	vgt.s32 v0, $0x0  }
0x2f: {  	v2 =	vld.msk [tilespmem:s15+$0x0 ss:$0x1], $0xffff;
	v1 =	vnsel vm1, $0x0, v0  }
0x30: {  	v1 =	vmin.u32 v1, $0x7FFF;
	_ =	sdelay $0x1  }
0x31: {  	s16 =	sshll.u32 s12, $0x9;
	s18 =	simm.s32 $0x20  }
0x32: {  	s16 =	sand.u32 $0x200, s16;
	s17 =	sadd.s32 $0x10, s15;
	s15 =	sor.u32 $0x400, s14  }
0x33: {  	s14 =	sor.u32 $0x400, s16;
	s16 =	sadd.s32 $0x10, s15;
	v0 =	vld.msk [tilespmem:s17+$0x0 ss:$0x1], $0xffff;
	vm1 =	vgt.s32 v2, $0x0;
	(ifvalue) =	ssetifvalue $0x7FFFFFFF  }
.LBB2_3:
0x34: {  	[tilespmem:s15], [sflag:$0x1] =	stream.indirect_vreg.gather [hbm4b:s2+s10], $0x1, v1, vm0, $0x4038;
	[tilespmem:$0x800] =	vst v63  }
0x35: {  	s18 =	sadd.s32 $0x10, s18  }
0x36: {  	v2 =	vnsel vm1, $0x0, v2;
	p1 =	slt.u32 s18, $0x1F0  }
.Ltmp3:
0x37: {  	s15 =	smov.u32 s16;
	v1 =	vmin.u32 v2, $0x7FFF;
	(pc) =	sbr.rel @p1 .LBB2_3-.Ltmp3, $3  }
0x38: {  	_ =	sdelay $0x1  }
0x39: {  	s17 =	sadd.s32 $0x10, s17  }
0x3a: {  	vm1 =	vgt.s32 v0, $0x0;
	s16 =	sadd.s32 $0x10, s16;
	v2 =	vmov v0;
	(ifvalue) =	ssetifvalue $0x7FFFFFFF;
	v0 =	vld.msk [tilespmem:s17+$0x0 ss:$0x1], $0xffff  }
.Ltmp4:
0x3b: {  	_ = 	snop;
	(pc) =	sbr.rel .LBB2_4-.Ltmp4, $1  }
0x3c: {  	_ =	sdelay $0x3  }
.LBB2_6:
0x3d: {  	_ =	sfence.sel $0x180000  }
0x3e: {  	s2 =	simm.s32 $0x2;
	[bflag:$0x0] =	sbarrier.arrive $0xFFFF  }
0x3f: {  	s30 =	simm.s32 $0x3;
	[sflag:s2] =	ssyncpa.u1 $0x1  }
0x40: {  	s31 =	simm.s32 $0x1;
	[sflag:s30] =	ssyncpa.u1 $0x1  }
0x41: {  	[sflag:s31] =	ssyncpa.u1 $0x1  }
0x42: {  	p0 =	sne.s32 s0, $0x0;
	_ =	strace $0x90000053  }
0x43: {  	s0 =	sadd.s32 @!p0 $0x100000, s1;
	[bflag:$0x2] =	sbarrier.arrive $0xFFFF  }
0x44: {  	[sflag:s0] =	ssyncadd.tile.s32 @!p0 $0x1;
	_ =	shalt  }
.Lfunc_end2:
_tile_overlayer_lowered:
.L_overlay_start_2:
0x45: {  	(tag) =	ssettag $0x2  }
0x46: {  	s0 =	rddreg [dreg:$0x0];
	s2 =	stileid.u32  }
0x47: {  	s1 =	rddreg [dreg:$0x1];
	p0 =	sne.s32 s2, $0x0  }
0x48: {  	s3 =	rddreg [dreg:$0x2];
	[bflag:$0x3] =	sbarrier.arrive $0xFFFF;
	s2 =	simm.s32 @!p0 $0x1C01  }
0x49: {  	[timem:s3], [sflag:s2] =	dma.local @!p0 [hbm:s0], s1  }
0x4a: {  	s0 =	simm.s32 @!p0 $0x1  }
0x4b: {  	_ =	swait.ge @!p0 [sflag:s0], s1  }
0x4c: {  	s1 =	ssub.s32 @!p0 $0x0, s1;
	[sflag:s0] =	ssyncset.done @!p0 $0x0  }
0x4d: {  	[sflag:s0] =	ssyncadd.s32 @!p0 s1  }
0x4e: {  	[bflag:$0x3] =	sbarrier.arrive $0xFFFF  }
0x4f: {  	_ =	shalt  }

// kernel: gather_offload_async_start.4
scs
__scs_entry_jumppad:
0x0: {  	(pc) =	sbr.rel $0x88, $3  }
0x1: {  	(tag) =	ssettag $0x0;
	lr =	simm.s32 $0x1  }
0x2: {  	[smem:$0x3F95] =	sst lr;
	_ =	strace $0xD0000000  }
0x3: {  	_ = 	snop  }
0x4: {  	_ = 	snop  }
0x5: {  	_ = 	snop  }
0x6: {  	_ = 	snop  }
0x7: {  	_ = 	snop  }
__scs_overlays_trampoline_lowered:
0x8: {  	[smem:$0x3FA4] =	sst s0  }
0x9: {  	[smem:$0x3FA5] =	sst s1  }
0xa: {  	[smem:$0x3FA6] =	sst s2  }
0xb: {  	[smem:$0x3FA7] =	sst s3  }
0xc: {  	[smem:$0x3FA8] =	sst s4  }
0xd: {  	[smem:$0x3FA9] =	sst s5  }
0xe: {  	[smem:$0x3FAA] =	sst s6  }
0xf: {  	[smem:$0x3FAB] =	sst s7  }
0x10: {  	[smem:$0x3FAC] =	sst s8  }
0x11: {  	[smem:$0x3FAD] =	sst s9;
	s0 =	simm.s32 @!p0 $0x0  }
0x12: {  	s1 =	sld [smem:$0x3F93];
	s0 =	simm.s32 @p0 $0x1  }
0x13: {  	[smem:$0x3FAE] =	sst s0;
	s0 =	simm.s32 @!p1 $0x0  }
0x14: {  	s2 =	sld [smem:$0x3F92];
	s0 =	simm.s32 @p1 $0x1  }
0x15: {  	[smem:$0x3FAF] =	sst s0;
	s0 =	simm.s32 @!p2 $0x0  }
0x16: {  	s3 =	sld [smem:$0x3FDB];
	s0 =	simm.s32 @p2 $0x1  }
0x17: {  	s4 =	simm.s32 $0x1BF5;
	[smem:$0x3FB1] =	sst s0  }
0x18: {  	s0 =	sld [smem:$0x3F94];
	_ =	swait.ge [sflag:s4], $0x0  }
0x19: {  	s7 =	sld [smem:$0x3F95]  }
0x1a: {  	s8 =	sadd.s32 $0xFFFFE003, lr  }
0x1b: {  	s9 =	sadd.s32 $0xFFFFFEF7, lr;
	s5 =	simm.s32 $0xFFFFFFFF;
	p2 =	slt.u32 s8, $0xFFFFF086  }
0x1c: {  	p1 =	slt.u32 s9, $0xF7A;
	s5 =	simm.s32 @!p2 $0x0  }
0x1d: {  	s5 =	simm.s32 @p1 $0x1;
	p0 =	seq.s32 s7, s2  }
0x1e: {  	s7 =	smul.u32 @!p0 $0xF7A, s2;
	p2 =	seq.s32 @!p0 s5, $0x0  }
0x1f: {  	s9 =	smul.u32 $0xF7A, s1;
	s8 =	simm.s32 @!p0 $0x1BF5;
	p2 =	por !p2, p0  }
0x20: {  	[sflag:s8] =	ssyncset.s32 @!p0 $0xFFFFF086;
	s6 =	sadd.s32 @!p0 s3, s7;
	s7 =	simm.s32 @!p0 $0x108  }
0x21: {  	s3 =	sadd.s32 s3, s9;
	s6 =	sadd.s32 @!p0 $0x88, s6;
	s7 =	simm.s32 @p2 $0x1082  }
0x22: {  	[simem:s7], [sflag:s8] =	dma.local @!p0 [hbm:s6], $0xF7A  }
0x23: {  	s9 =	sor.u32 $0xD0000000, s2;
	s6 =	simm.s32 $0x108;
	_ =	swait.ge @!p0 [sflag:s8], $0x0  }
0x24: {  	s3 =	sadd.s32 $0x88, s3;
	s6 =	simm.s32 @!p1 $0x1082;
	[sflag:s4] =	ssyncset.s32 $0xFFFFF086  }
0x25: {  	[simem:s6], [sflag:s4] =	dma.local [hbm:s3], $0xF7A  }
0x26: {  	[smem:$0x3F95] =	sst s1;
	(tag) =	ssettag s2;
	_ =	strace s9  }
0x27: {  	s1 =	sld [smem:$0x3FA5]  }
0x28: {  	s2 =	sld [smem:$0x3FA6]  }
0x29: {  	s4 =	sld [smem:$0x3FA8]  }
0x2a: {  	p0 =	seq.s32 s5, $0x0;
	s5 =	sld [smem:$0x3FA9]  }
0x2b: {  	s6 =	sld [smem:$0x3FAA]  }
0x2c: {  	s7 =	sld [smem:$0x3FAB]  }
0x2d: {  	s3 =	simm.s32 $0x108;
	s8 =	sld [smem:$0x3FAC]  }
0x2e: {  	s3 =	simm.s32 @!p0 $0x1082;
	s9 =	sld [smem:$0x3FAD]  }
0x2f: {  	lr =	sadd.s32 s0, s3;
	s0 =	sld [smem:$0x3FA4]  }
0x30: {  	s3 =	sld [smem:$0x3FA7]  }
0x31: {  	[smem:$0x3FB0] =	sst s10  }
0x32: {  	s10 =	sld [smem:$0x3FAE];
	_ =	sdelay $0x3  }
0x33: {  	p0 =	seq.s32 s10, $0x1;
	s10 =	sld [smem:$0x3FB0];
	_ =	sdelay $0x3  }
0x34: {  	[smem:$0x3FB0] =	sst s10  }
0x35: {  	s10 =	sld [smem:$0x3FAF];
	_ =	sdelay $0x3  }
0x36: {  	p1 =	seq.s32 s10, $0x1;
	s10 =	sld [smem:$0x3FB0];
	_ =	sdelay $0x3  }
0x37: {  	[smem:$0x3FB0] =	sst s10  }
0x38: {  	s10 =	sld [smem:$0x3FB1]  }
0x39: {  	_ = 	snop;
	(pc) =	sbr.ind lr, $3  }
0x3a: {  	_ = 	snop  }
0x3b: {  	_ = 	snop  }
0x3c: {  	p2 =	seq.s32 s10, $0x1;
	s10 =	sld [smem:$0x3FB0]  }
0x3d: {  	_ =	shalt  }
0x3e: {  	_ =	shalt  }
0x3f: {  	_ =	shalt  }
0x40: {  	_ =	shalt  }
0x41: {  	_ =	shalt  }
0x42: {  	_ =	shalt  }
0x43: {  	_ =	shalt  }
0x44: {  	_ =	shalt  }
0x45: {  	_ =	shalt  }
0x46: {  	_ =	shalt  }
0x47: {  	_ =	shalt  }
0x48: {  	_ =	shalt  }
0x49: {  	_ =	shalt  }
0x4a: {  	_ =	shalt  }
0x4b: {  	_ =	shalt  }
0x4c: {  	_ =	shalt  }
0x4d: {  	_ =	shalt  }
0x4e: {  	_ =	shalt  }
0x4f: {  	_ =	shalt  }
0x50: {  	_ =	shalt  }
0x51: {  	_ =	shalt  }
0x52: {  	_ =	shalt  }
0x53: {  	_ =	shalt  }
0x54: {  	_ =	shalt  }
0x55: {  	_ =	shalt  }
0x56: {  	_ =	shalt  }
0x57: {  	_ =	shalt  }
0x58: {  	_ =	shalt  }
0x59: {  	_ =	shalt  }
0x5a: {  	_ =	shalt  }
0x5b: {  	_ =	shalt  }
0x5c: {  	_ =	shalt  }
0x5d: {  	_ =	shalt  }
0x5e: {  	_ =	shalt  }
0x5f: {  	_ =	shalt  }
0x60: {  	_ =	shalt  }
0x61: {  	_ =	shalt  }
0x62: {  	_ =	shalt  }
0x63: {  	_ =	shalt  }
0x64: {  	_ =	shalt  }
0x65: {  	_ =	shalt  }
0x66: {  	_ =	shalt  }
0x67: {  	_ =	shalt  }
0x68: {  	_ =	shalt  }
0x69: {  	_ =	shalt  }
0x6a: {  	_ =	shalt  }
0x6b: {  	_ =	shalt  }
0x6c: {  	_ =	shalt  }
0x6d: {  	_ =	shalt  }
0x6e: {  	_ =	shalt  }
0x6f: {  	_ =	shalt  }
0x70: {  	_ =	shalt  }
0x71: {  	_ =	shalt  }
0x72: {  	_ =	shalt  }
0x73: {  	_ =	shalt  }
0x74: {  	_ =	shalt  }
0x75: {  	_ =	shalt  }
0x76: {  	_ =	shalt  }
0x77: {  	_ =	shalt  }
0x78: {  	_ =	shalt  }
0x79: {  	_ =	shalt  }
0x7a: {  	_ =	shalt  }
0x7b: {  	_ =	shalt  }
0x7c: {  	_ =	shalt  }
0x7d: {  	_ =	shalt  }
0x7e: {  	_ =	shalt  }
0x7f: {  	_ =	shalt  }
0x80: {  	_ =	shalt  }
0x81: {  	_ =	shalt  }
0x82: {  	_ =	shalt  }
0x83: {  	_ =	shalt  }
0x84: {  	_ =	shalt  }
0x85: {  	_ =	shalt  }
0x86: {  	_ =	shalt  }
0x87: {  	_ =	shalt  }
.Lfunc_end0:
.L_simem_size_0:
called_computation.4_lowered:
.L_overlay_start_0:
0x88: {  	s2 =	sld [smem:$0x3FD9]  }
0x89: {  	s3 =	sld [smem:$0x3FFE];
	_ =	sdelay $0x1  }
0x8a: {  	s1 =	srdreg.scid  }
0x8b: {  	s0 =	sand.u32 $0x1, s1  }
0x8c: {  	s17 =	sshll.u32 s0, $0xA;
	s2 =	sadd.s32 s3, s2  }
0x8d: {  	s2 =	sadd.s32 s2, s17  }
0x8e: {  	[smem:$0x3FBC] =	sst s2  }
0x8f: {  	_ = 	snop  }
0x90: {  	s2 =	sld [smem:$0x3FD0];
	(tm) =	ssettm $0x1  }
0x91: {  	s18 =	sld [smem:$0x3FFB];
	_ =	sdelay $0x3  }
0x92: {  	_ =	strace s18  }
0x93: {  	s3 =	sld [smem:$0x3FFC];
	_ =	sdelay $0x3  }
0x94: {  	_ =	strace s3  }
0x95: {  	s3 =	sld [smem:$0x3FFD];
	_ =	sdelay $0x3  }
0x96: {  	_ =	strace s3  }
0x97: {  	_ =	strace $0x8FFFFFFF  }
0x98: {  	s19 =	sld [smem:$0x3FDB];
	_ =	sdelay $0x1  }
0x99: {  	s4 =	simm.s32 $_scs_section_size  }
0x9a: {  	s5 =	simm.s32 $_size__tile_overlayer_lowered;
	s6 =	simm.s32 $_tile_overlayer_lowered  }
0x9b: {  	s22 =	simm.s32 $0x1BFF;
	s21 =	sshll.u32 s6, $0x1;
	s3 =	sadd.s32 s4, s19  }
0x9c: {  	s7 =	simm.s32 $0x0;
	s20 =	sshll.u32 s5, $0x1;
	s5 =	sadd.s32 s21, s3  }
0x9d: {  	[timem:s7], [sflag:s22] =	dma.local [hbm:s5], s20  }
0x9e: {  	_ =	swait.ge [sflag:s22], s20  }
0x9f: {  	s4 =	ssub.s32 $0x0, s20;
	[sflag:s22] =	ssyncset.done $0x0  }
0xa0: {  	[sflag:s22] =	ssyncadd.s32 s4;
	_ =	sdelay $0x1  }
0xa1: {  	s23 =	simm.s32 $0x1B8B  }
0xa2: {  	_ =	swait.ge [sflag:s23], $0x1  }
0xa3: {  	[sflag:s23] =	ssyncset.done $0x0  }
0xa4: {  	s25 =	simm.s32 $0x1B8E;
	s24 =	sld [smem:$0x3FFE];
	[sflag:s23] =	ssyncadd.s32 $0xFFFFFFFF  }
0xa5: {  	s26 =	simm.s32 $execute0_lowered;
	[smem:$0x3FD2] =	sst s25  }
0xa6: {  	s5 =	sshll.u32 s26, $0x1;
	_ =	strace $0x80000049;
	[dreg:$0x1] =	wrdreg $0xFFFFFFFF  }
0xa7: {  	s28 =	simm.s32 $_size_execute0_lowered;
	s3 =	sadd.s32 s3, s5;
	[dreg:$0x0] =	wrdreg $0x0  }
0xa8: {  	s5 =	sshll.u32 s28, $0x1;
	[dreg:$0x2] =	wrdreg s3  }
0xa9: {  	[dreg:$0x3] =	wrdreg s5  }
0xaa: {  	[dreg:$0x4] =	wrdreg $0xC0  }
0xab: {  	_ =	task [dreg:s7], $0x5FFFF  }
0xac: {  	[dreg:$0x1] =	wrdreg $0xFFFFFFFF  }
0xad: {  	[dreg:$0x0] =	wrdreg $0x60  }
0xae: {  	[dreg:$0x2] =	wrdreg s24  }
0xaf: {  	[dreg:$0x3] =	wrdreg s2  }
0xb0: {  	[dreg:$0x4] =	wrdreg $0x9  }
0xb1: {  	_ =	task.clear_ibuf [dreg:s7], $0x5FFFF;
	_ =	strace $0x90000049  }
0xb2: {  	s29 =	simm.s32 $0x9;
	_ =	strace $0x8000004B  }
0xb3: {  	_ =	swait.ge [sflag:s29], $0x1  }
0xb4: {  	[sflag:s29] =	ssyncadd.s32 $0xFFFFFFFF  }
0xb5: {  	_ =	strace $0x9000004B  }
0xb6: {  	_ =	sfence  }
0xb7: {  	s30 =	sld [smem:$0x0];
	_ =	sdelay $0x2  }
0xb8: {  	s31 =	sshll.u32 s1, $0xD;
	s1 =	sshrl.u32 s1, $0x2  }
0xb9: {  	s3 =	sand.u32 $0x4000, s31;
	s1 =	sadd.s32 s1, s30  }
0xba: {  	s0 =	sor.u32 s3, s0;
	s1 =	sshll.u32 s1, $0x11  }
0xbb: {  	s0 =	sor.u32 s1, s0  }
0xbc: {  	s0 =	sadd.s32 $0x8F2B, s0  }
0xbd: {  	[sflag:s0] =	ssyncadd.remote.s32 $0x1  }
0xbe: {  	_ =	sfence.sel $0xFFFF  }
0xbf: {  	[dreg:$0x0] =	wrdreg $0xFFFFFFFF;
	(pc) =	sbr.abs _section_cstart, $3  }
0xc0: {  	[dreg:$0x1] =	wrdreg $0xFFFFFFFF  }
0xc1: {  	_ =	task.clear_ibuf [dreg:s7], $0x2FFFF;
	_ =	strace $0x9FFFFFFF  }
0xc2: {  	(tm) =	ssettm $0x7FFFFFFF  }
0xc3: {  	_ =	shalt  }
tec
execute0_lowered:
.L_overlay_start_1:
0x0: {  	(tag) =	ssettag $0x1  }
0x1: {  	s7 =	rddreg [dreg:$0x0]  }
0x2: {  	s2 =	rddreg [dreg:$0x1]  }
0x3: {  	s0 =	rddreg [dreg:$0x2]  }
0x4: {  	s1 =	srdreg.scid;
	_ =	strace $0x8000004A;
	s4 =	simm.s32 $0x1  }
0x5: {  	s9 =	simm.s32 $0x3;
	s11 =	simm.s32 $0x0;
	s5 =	sshll.u32 s1, $0x4  }
.Ltmp0:
0x6: {  	s1 =	stileid.u32;
	s5 =	sand.u32 $0x10, s5;
	(pc) =	sbr.rel .LBB2_1-.Ltmp0, $4  }
0x7: {  	p0 =	por $0x0, $0x0;
	s3 =	sadd.s32 $0x4400, s7;
	s6 =	sor.u32 s1, s5  }
0x8: {  	[sflag:s4] =	ssyncpa.u1 $0x0;
	s5 =	simm.s32 $0x2;
	s6 =	sshll.u32 s6, $0xA  }
0x9: {  	s7 =	sadd.s32 $0xC5C00, s7;
	[sflag:s5] =	ssyncpa.u1 $0x0;
	s8 =	sadd.s32 $0x400, s6  }
0xa: {  	vm0 =	vmmov $0xff;
	vm1 =	vcmask $0x3F20;
	[sflag:s9] =	ssyncpa.u1 $0x0;
	s10 =	smov.u32 s6;
	s9 =	simm.s32 $0x0  }
.LBB2_7:
0xb: {  	p1 =	slt.u32 s9, $0x2;
	s11 =	sadd.s32 $0x100, s10  }
0xc: {  	s13 =	smov.u32 s6;
	s9 =	sadd.s32 $0x1, s9;
	p2 =	slt.s32 s11, s8  }
0xd: {  	s13 =	smov.u32 @p2 s11;
	p2 =	sne.s32 s9, $0x6  }
.Ltmp1:
0xe: {  	_ = 	snop;
	(pc) =	sbr.rel @!p2 .LBB2_8-.Ltmp1, $4  }
0xf: {  	s12 =	simm.s32 @!p1 $0x3  }
0x10: {  	_ =	swait.ge @!p1 [sflag:s12], $0x8000  }
0x11: {  	p0 =	por !p0, !p0;
	[sflag:s12] =	ssyncset.done @!p1 $0x0  }
0x12: {  	s11 =	smov.u32 s10;
	s10 =	smov.u32 s13;
	[sflag:s12] =	ssyncadd.s32 @!p1 $0xFFFF8000  }
.LBB2_1:
0x13: {  	p1 =	sgt.u32 s9, $0x3  }
0x14: {  	s12 =	sxor.u32 @!p1 $0xFFFFFFFF, s9  }
0x15: {  	s13 =	sshrl.u32 @!p1 s10, $0x3;
	s12 =	sshll.u32 @!p1 s12, $0x8  }
0x16: {  	s14 =	sand.u32 @!p1 $0x7, s10;
	s13 =	sadd.s32 @!p1 s2, s13;
	s12 =	sand.u32 @!p1 $0x100, s12  }
0x17: {  	[tilespmem:s12], [sflag:$0x2] =	stream.linear.gather @!p1 [hbm4b:s13+s14], $0x100, $0x38;
	[tilespmem:$0x10200] =	vst v63  }
0x18: {  	p1 =	seq.s32 s9, $0x0  }
0x19: {  	p2 =	seq.s32 @!p1 s9, $0x5  }
0x1a: {  	p1 =	por p1, p2  }
.Ltmp2:
0x1b: {  	_ = 	snop;
	(pc) =	sbr.rel @p1 .LBB2_7-.Ltmp2, $1  }
0x1c: {  	_ =	sdelay $0x3  }
0x1d: {  	s12 =	simm.s32 $0x1  }
0x1e: {  	_ =	swait.ge [sflag:s5], $0x100;
	s12 =	simm.s32 @!p0 $0x0  }
0x1f: {  	[sflag:s5] =	ssyncset.done $0x0;
	s14 =	sshll.u32 s12, $0x8  }
0x20: {  	[sflag:s5] =	ssyncadd.s32 $0xFFFFFF00;
	s13 =	sadd.s32 $0x0, s14  }
0x21: {  	v0 =	vld.msk [tilespmem:s13+$0x0 ss:$0x1], $0xffff;
	_ =	sdelay $0x4  }
0x22: {  	vm2 =	vgt.s32 v0, $0x0  }
0x23: {  	v0 =	vnsel vm2, $0x0, v0  }
0x24: {  	v0 =	vmin.u32 v0, $0x7FFF  }
0x25: {  	v0 =	vshll.u32 v0, $0x4;
	_ =	sdelay $0x2  }
0x26: {  	s12 =	sshll.u32 s12, $0xF  }
0x27: {  	s12 =	sor.u32 $0x200, s12  }
0x28: {  	[tilespmem:s12], [sflag:$0x1] =	stream.indirect_vreg.gather [hbm:s3], $0x80, v0, vm0, $0x38;
	[tilespmem:$0x10200] =	vst v63  }
0x29: {  	s15 =	sadd.s32 $0x10, s14;
	s13 =	sadd.s32 $0x400, s12  }
0x2a: {  	[tilespmem:s13], [sflag:$0x1] =	stream.indirect_vreg.gather [hbm:s3], $0x80, v0, vm1, $0x38;
	[tilespmem:$0x10200] =	vst v63  }
0x2b: {  	s16 =	simm.s32 $0x80;
	v0 =	vld.msk [tilespmem:s15+$0x0 ss:$0x1], $0xffff;
	s15 =	smov.u32 s12  }
.LBB2_3:
0x2c: {  	p1 =	sne.s32 s16, $0x3C0;
	_ =	sdelay $0x4  }
0x2d: {  	vm2 =	vgt.s32 v0, $0x0  }
0x2e: {  	v0 =	vnsel vm2, $0x0, v0  }
0x2f: {  	v0 =	vmin.u32 v0, $0x7FFF  }
0x30: {  	v0 =	vshll.u32 v0, $0x4;
	_ =	sdelay $0x3  }
.Ltmp3:
0x31: {  	s17 =	sshra.s32 s16, $0x2;
	s15 =	sadd.s32 $0x800, s15;
	(pc) =	sbr.rel @p1 .LBB2_3-.Ltmp3, $4  }
0x32: {  	[tilespmem:s15], [sflag:$0x1] =	stream.indirect_vreg.gather [hbm:s3], $0x80, v0, vm0, $0x38;
	[tilespmem:$0x10200] =	vst v63  }
0x33: {  	s17 =	sadd.s32 s17, s14;
	s18 =	sadd.s32 $0x400, s15  }
0x34: {  	[tilespmem:s18], [sflag:$0x1] =	stream.indirect_vreg.gather [hbm:s3], $0x80, v0, vm1, $0x38;
	[tilespmem:$0x10200] =	vst v63  }
0x35: {  	s16 =	sadd.s32 $0x40, s16;
	v0 =	vld.msk [tilespmem:s17+$0x0 ss:$0x1], $0xffff  }
0x36: {  	_ =	sdelay $0x3  }
0x37: {  	vm2 =	vgt.s32 v0, $0x0  }
0x38: {  	v0 =	vnsel vm2, $0x0, v0  }
0x39: {  	v0 =	vmin.u32 v0, $0x7FFF  }
0x3a: {  	v0 =	vshll.u32 v0, $0x4;
	_ =	sdelay $0x3  }
0x3b: {  	s14 =	sadd.s32 $0x800, s15  }
0x3c: {  	[tilespmem:s14], [sflag:$0x1] =	stream.indirect_vreg.gather [hbm:s3], $0x80, v0, vm0, $0x38;
	[tilespmem:$0x10200] =	vst v63  }
0x3d: {  	s14 =	sadd.s32 $0x400, s14  }
0x3e: {  	[tilespmem:s14], [sflag:$0x1] =	stream.indirect_vreg.gather [hbm:s3], $0x80, v0, vm1, $0x38;
	[tilespmem:$0x10200] =	vst v63  }
0x3f: {  	s11 =	sshll.u32 s11, $0x4;
	_ =	swait.ge [sflag:s4], $0x8000  }
0x40: {  	s11 =	sadd.s32 s11, s7;
	[sflag:s4] =	ssyncset.done $0x0  }
0x41: {  	s15 =	sadd.s32 $0x0, s11;
	s14 =	simm.s32 $0x80;
	[sflag:s4] =	ssyncadd.s32 $0xFFFF8000  }
.LBB2_5:
0x42: {  	[hbm:s15] =	stream.linear.scatter [tilespmem:s12], [sflag:$0x3], $0x400, $0x38;
	[tilespmem:$0x10200] =	vst v63  }
0x43: {  	s15 =	smov.u32 s14;
	s12 =	smov.u32 s13;
	p1 =	sne.s32 s14, $0xF80  }
.Ltmp4:
0x44: {  	s14 =	sadd.s32 $0x80, s14;
	(pc) =	sbr.rel @p1 .LBB2_5-.Ltmp4, $2  }
0x45: {  	_ =	sdelay $0x2  }
0x46: {  	s13 =	sadd.s32 $0x400, s13;
	s15 =	sadd.s32 s15, s11  }
.Ltmp5:
0x47: {  	(pc) =	sbr.rel .LBB2_7-.Ltmp5, $2  }
0x48: {  	_ =	sdelay $0x2  }
0x49: {  	[hbm:s15] =	stream.linear.scatter [tilespmem:s12], [sflag:$0x3], $0x400, $0x38;
	[tilespmem:$0x10200] =	vst v63  }
.LBB2_8:
0x4a: {  	_ =	sfence.sel $0x180000  }
0x4b: {  	s2 =	simm.s32 $0x2;
	[bflag:$0x0] =	sbarrier.arrive $0xFFFF  }
0x4c: {  	s30 =	simm.s32 $0x3;
	[sflag:s2] =	ssyncpa.u1 $0x1  }
0x4d: {  	s31 =	simm.s32 $0x1;
	[sflag:s30] =	ssyncpa.u1 $0x1  }
0x4e: {  	[sflag:s31] =	ssyncpa.u1 $0x1  }
0x4f: {  	p0 =	sne.s32 s1, $0x0;
	_ =	strace $0x9000004A  }
0x50: {  	s0 =	sadd.s32 @!p0 $0x100000, s0;
	[bflag:$0x2] =	sbarrier.arrive $0xFFFF  }
0x51: {  	[sflag:s0] =	ssyncadd.tile.s32 @!p0 $0x1;
	_ =	shalt  }
.Lfunc_end2:
_tile_overlayer_lowered:
.L_overlay_start_2:
0x52: {  	(tag) =	ssettag $0x2  }
0x53: {  	s0 =	rddreg [dreg:$0x0];
	s2 =	stileid.u32  }
0x54: {  	s1 =	rddreg [dreg:$0x1];
	p0 =	sne.s32 s2, $0x0  }
0x55: {  	s3 =	rddreg [dreg:$0x2];
	[bflag:$0x3] =	sbarrier.arrive $0xFFFF;
	s2 =	simm.s32 @!p0 $0x1C01  }
0x56: {  	[timem:s3], [sflag:s2] =	dma.local @!p0 [hbm:s0], s1  }
0x57: {  	s0 =	simm.s32 @!p0 $0x1  }
0x58: {  	_ =	swait.ge @!p0 [sflag:s0], s1  }
0x59: {  	s1 =	ssub.s32 @!p0 $0x0, s1;
	[sflag:s0] =	ssyncset.done @!p0 $0x0  }
0x5a: {  	[sflag:s0] =	ssyncadd.s32 @!p0 s1  }
0x5b: {  	[bflag:$0x3] =	sbarrier.arrive $0xFFFF  }
0x5c: {  	_ =	shalt  }

// kernel: gather_offload_async_start
scs
__scs_entry_jumppad:
0x0: {  	(pc) =	sbr.rel $0x88, $3  }
0x1: {  	(tag) =	ssettag $0x0;
	lr =	simm.s32 $0x1  }
0x2: {  	[smem:$0x3F95] =	sst lr;
	_ =	strace $0xD0000000  }
0x3: {  	_ = 	snop  }
0x4: {  	_ = 	snop  }
0x5: {  	_ = 	snop  }
0x6: {  	_ = 	snop  }
0x7: {  	_ = 	snop  }
__scs_overlays_trampoline_lowered:
0x8: {  	[smem:$0x3FA4] =	sst s0  }
0x9: {  	[smem:$0x3FA5] =	sst s1  }
0xa: {  	[smem:$0x3FA6] =	sst s2  }
0xb: {  	[smem:$0x3FA7] =	sst s3  }
0xc: {  	[smem:$0x3FA8] =	sst s4  }
0xd: {  	[smem:$0x3FA9] =	sst s5  }
0xe: {  	[smem:$0x3FAA] =	sst s6  }
0xf: {  	[smem:$0x3FAB] =	sst s7  }
0x10: {  	[smem:$0x3FAC] =	sst s8  }
0x11: {  	[smem:$0x3FAD] =	sst s9;
	s0 =	simm.s32 @!p0 $0x0  }
0x12: {  	s1 =	sld [smem:$0x3F93];
	s0 =	simm.s32 @p0 $0x1  }
0x13: {  	[smem:$0x3FAE] =	sst s0;
	s0 =	simm.s32 @!p1 $0x0  }
0x14: {  	s2 =	sld [smem:$0x3F92];
	s0 =	simm.s32 @p1 $0x1  }
0x15: {  	[smem:$0x3FAF] =	sst s0;
	s0 =	simm.s32 @!p2 $0x0  }
0x16: {  	s3 =	sld [smem:$0x3FDB];
	s0 =	simm.s32 @p2 $0x1  }
0x17: {  	s4 =	simm.s32 $0x1BF5;
	[smem:$0x3FB1] =	sst s0  }
0x18: {  	s0 =	sld [smem:$0x3F94];
	_ =	swait.ge [sflag:s4], $0x0  }
0x19: {  	s7 =	sld [smem:$0x3F95]  }
0x1a: {  	s8 =	sadd.s32 $0xFFFFE003, lr  }
0x1b: {  	s9 =	sadd.s32 $0xFFFFFEF7, lr;
	s5 =	simm.s32 $0xFFFFFFFF;
	p2 =	slt.u32 s8, $0xFFFFF086  }
0x1c: {  	p1 =	slt.u32 s9, $0xF7A;
	s5 =	simm.s32 @!p2 $0x0  }
0x1d: {  	s5 =	simm.s32 @p1 $0x1;
	p0 =	seq.s32 s7, s2  }
0x1e: {  	s7 =	smul.u32 @!p0 $0xF7A, s2;
	p2 =	seq.s32 @!p0 s5, $0x0  }
0x1f: {  	s9 =	smul.u32 $0xF7A, s1;
	s8 =	simm.s32 @!p0 $0x1BF5;
	p2 =	por !p2, p0  }
0x20: {  	[sflag:s8] =	ssyncset.s32 @!p0 $0xFFFFF086;
	s6 =	sadd.s32 @!p0 s3, s7;
	s7 =	simm.s32 @!p0 $0x108  }
0x21: {  	s3 =	sadd.s32 s3, s9;
	s6 =	sadd.s32 @!p0 $0x88, s6;
	s7 =	simm.s32 @p2 $0x1082  }
0x22: {  	[simem:s7], [sflag:s8] =	dma.local @!p0 [hbm:s6], $0xF7A  }
0x23: {  	s9 =	sor.u32 $0xD0000000, s2;
	s6 =	simm.s32 $0x108;
	_ =	swait.ge @!p0 [sflag:s8], $0x0  }
0x24: {  	s3 =	sadd.s32 $0x88, s3;
	s6 =	simm.s32 @!p1 $0x1082;
	[sflag:s4] =	ssyncset.s32 $0xFFFFF086  }
0x25: {  	[simem:s6], [sflag:s4] =	dma.local [hbm:s3], $0xF7A  }
0x26: {  	[smem:$0x3F95] =	sst s1;
	(tag) =	ssettag s2;
	_ =	strace s9  }
0x27: {  	s1 =	sld [smem:$0x3FA5]  }
0x28: {  	s2 =	sld [smem:$0x3FA6]  }
0x29: {  	s4 =	sld [smem:$0x3FA8]  }
0x2a: {  	p0 =	seq.s32 s5, $0x0;
	s5 =	sld [smem:$0x3FA9]  }
0x2b: {  	s6 =	sld [smem:$0x3FAA]  }
0x2c: {  	s7 =	sld [smem:$0x3FAB]  }
0x2d: {  	s3 =	simm.s32 $0x108;
	s8 =	sld [smem:$0x3FAC]  }
0x2e: {  	s3 =	simm.s32 @!p0 $0x1082;
	s9 =	sld [smem:$0x3FAD]  }
0x2f: {  	lr =	sadd.s32 s0, s3;
	s0 =	sld [smem:$0x3FA4]  }
0x30: {  	s3 =	sld [smem:$0x3FA7]  }
0x31: {  	[smem:$0x3FB0] =	sst s10  }
0x32: {  	s10 =	sld [smem:$0x3FAE];
	_ =	sdelay $0x3  }
0x33: {  	p0 =	seq.s32 s10, $0x1;
	s10 =	sld [smem:$0x3FB0];
	_ =	sdelay $0x3  }
0x34: {  	[smem:$0x3FB0] =	sst s10  }
0x35: {  	s10 =	sld [smem:$0x3FAF];
	_ =	sdelay $0x3  }
0x36: {  	p1 =	seq.s32 s10, $0x1;
	s10 =	sld [smem:$0x3FB0];
	_ =	sdelay $0x3  }
0x37: {  	[smem:$0x3FB0] =	sst s10  }
0x38: {  	s10 =	sld [smem:$0x3FB1]  }
0x39: {  	_ = 	snop;
	(pc) =	sbr.ind lr, $3  }
0x3a: {  	_ = 	snop  }
0x3b: {  	_ = 	snop  }
0x3c: {  	p2 =	seq.s32 s10, $0x1;
	s10 =	sld [smem:$0x3FB0]  }
0x3d: {  	_ =	shalt  }
0x3e: {  	_ =	shalt  }
0x3f: {  	_ =	shalt  }
0x40: {  	_ =	shalt  }
0x41: {  	_ =	shalt  }
0x42: {  	_ =	shalt  }
0x43: {  	_ =	shalt  }
0x44: {  	_ =	shalt  }
0x45: {  	_ =	shalt  }
0x46: {  	_ =	shalt  }
0x47: {  	_ =	shalt  }
0x48: {  	_ =	shalt  }
0x49: {  	_ =	shalt  }
0x4a: {  	_ =	shalt  }
0x4b: {  	_ =	shalt  }
0x4c: {  	_ =	shalt  }
0x4d: {  	_ =	shalt  }
0x4e: {  	_ =	shalt  }
0x4f: {  	_ =	shalt  }
0x50: {  	_ =	shalt  }
0x51: {  	_ =	shalt  }
0x52: {  	_ =	shalt  }
0x53: {  	_ =	shalt  }
0x54: {  	_ =	shalt  }
0x55: {  	_ =	shalt  }
0x56: {  	_ =	shalt  }
0x57: {  	_ =	shalt  }
0x58: {  	_ =	shalt  }
0x59: {  	_ =	shalt  }
0x5a: {  	_ =	shalt  }
0x5b: {  	_ =	shalt  }
0x5c: {  	_ =	shalt  }
0x5d: {  	_ =	shalt  }
0x5e: {  	_ =	shalt  }
0x5f: {  	_ =	shalt  }
0x60: {  	_ =	shalt  }
0x61: {  	_ =	shalt  }
0x62: {  	_ =	shalt  }
0x63: {  	_ =	shalt  }
0x64: {  	_ =	shalt  }
0x65: {  	_ =	shalt  }
0x66: {  	_ =	shalt  }
0x67: {  	_ =	shalt  }
0x68: {  	_ =	shalt  }
0x69: {  	_ =	shalt  }
0x6a: {  	_ =	shalt  }
0x6b: {  	_ =	shalt  }
0x6c: {  	_ =	shalt  }
0x6d: {  	_ =	shalt  }
0x6e: {  	_ =	shalt  }
0x6f: {  	_ =	shalt  }
0x70: {  	_ =	shalt  }
0x71: {  	_ =	shalt  }
0x72: {  	_ =	shalt  }
0x73: {  	_ =	shalt  }
0x74: {  	_ =	shalt  }
0x75: {  	_ =	shalt  }
0x76: {  	_ =	shalt  }
0x77: {  	_ =	shalt  }
0x78: {  	_ =	shalt  }
0x79: {  	_ =	shalt  }
0x7a: {  	_ =	shalt  }
0x7b: {  	_ =	shalt  }
0x7c: {  	_ =	shalt  }
0x7d: {  	_ =	shalt  }
0x7e: {  	_ =	shalt  }
0x7f: {  	_ =	shalt  }
0x80: {  	_ =	shalt  }
0x81: {  	_ =	shalt  }
0x82: {  	_ =	shalt  }
0x83: {  	_ =	shalt  }
0x84: {  	_ =	shalt  }
0x85: {  	_ =	shalt  }
0x86: {  	_ =	shalt  }
0x87: {  	_ =	shalt  }
.Lfunc_end0:
.L_simem_size_0:
called_computation_lowered:
.L_overlay_start_0:
0x88: {  	s2 =	sld [smem:$0x3FD9]  }
0x89: {  	s3 =	sld [smem:$0x3FFE];
	_ =	sdelay $0x1  }
0x8a: {  	s1 =	srdreg.scid  }
0x8b: {  	s0 =	sand.u32 $0x1, s1  }
0x8c: {  	s16 =	sshll.u32 s0, $0xA;
	s2 =	sadd.s32 s3, s2  }
0x8d: {  	s2 =	sadd.s32 s2, s16  }
0x8e: {  	[smem:$0x3FBC] =	sst s2  }
0x8f: {  	_ = 	snop  }
0x90: {  	(tm) =	ssettm $0x1  }
0x91: {  	s17 =	sld [smem:$0x3FFB];
	_ =	sdelay $0x3  }
0x92: {  	_ =	strace s17  }
0x93: {  	s2 =	sld [smem:$0x3FFC];
	_ =	sdelay $0x3  }
0x94: {  	_ =	strace s2  }
0x95: {  	s2 =	sld [smem:$0x3FFD];
	_ =	sdelay $0x3  }
0x96: {  	_ =	strace s2  }
0x97: {  	_ =	strace $0x8FFFFFFF  }
0x98: {  	s18 =	sld [smem:$0x3FDB];
	_ =	sdelay $0x1  }
0x99: {  	s19 =	simm.s32 $_scs_section_size  }
0x9a: {  	s4 =	simm.s32 $_size__tile_overlayer_lowered;
	s5 =	simm.s32 $_tile_overlayer_lowered  }
0x9b: {  	s22 =	simm.s32 $0x1BFF;
	s21 =	sshll.u32 s5, $0x1;
	s2 =	sadd.s32 s19, s18  }
0x9c: {  	s6 =	simm.s32 $0x0;
	s20 =	sshll.u32 s4, $0x1;
	s4 =	sadd.s32 s21, s2  }
0x9d: {  	[timem:s6], [sflag:s22] =	dma.local [hbm:s4], s20  }
0x9e: {  	_ =	swait.ge [sflag:s22], s20  }
0x9f: {  	s3 =	ssub.s32 $0x0, s20;
	[sflag:s22] =	ssyncset.done $0x0  }
0xa0: {  	[sflag:s22] =	ssyncadd.s32 s3;
	_ =	sdelay $0x1  }
0xa1: {  	s23 =	simm.s32 $0x1B8B  }
0xa2: {  	_ =	swait.ge [sflag:s23], $0x1  }
0xa3: {  	[sflag:s23] =	ssyncset.done $0x0  }
0xa4: {  	s25 =	simm.s32 $0x1B8E;
	s24 =	sld [smem:$0x3FFE];
	[sflag:s23] =	ssyncadd.s32 $0xFFFFFFFF  }
0xa5: {  	s26 =	simm.s32 $execute0_lowered;
	[smem:$0x3FD2] =	sst s25  }
0xa6: {  	s4 =	sshll.u32 s26, $0x1;
	_ =	strace $0x80000046;
	[dreg:$0x1] =	wrdreg $0xFFFFFFFF  }
0xa7: {  	s28 =	simm.s32 $_size_execute0_lowered;
	s2 =	sadd.s32 s2, s4;
	[dreg:$0x0] =	wrdreg $0x0  }
0xa8: {  	s4 =	sshll.u32 s28, $0x1;
	[dreg:$0x2] =	wrdreg s2  }
0xa9: {  	[dreg:$0x3] =	wrdreg s4  }
0xaa: {  	[dreg:$0x4] =	wrdreg $0xC0  }
0xab: {  	_ =	task [dreg:s6], $0x5FFFF  }
0xac: {  	[dreg:$0x1] =	wrdreg $0xFFFFFFFF  }
0xad: {  	[dreg:$0x0] =	wrdreg $0x60  }
0xae: {  	[dreg:$0x2] =	wrdreg s24  }
0xaf: {  	[dreg:$0x3] =	wrdreg $0x9  }
0xb0: {  	_ =	task.clear_ibuf [dreg:s6], $0x4FFFF;
	_ =	strace $0x90000046  }
0xb1: {  	s29 =	simm.s32 $0x9;
	_ =	strace $0x80000048  }
0xb2: {  	_ =	swait.ge [sflag:s29], $0x1  }
0xb3: {  	[sflag:s29] =	ssyncadd.s32 $0xFFFFFFFF  }
0xb4: {  	_ =	strace $0x90000048  }
0xb5: {  	_ =	sfence  }
0xb6: {  	s30 =	sld [smem:$0x0];
	_ =	sdelay $0x2  }
0xb7: {  	s31 =	sshll.u32 s1, $0xD;
	s1 =	sshrl.u32 s1, $0x2  }
0xb8: {  	s3 =	sand.u32 $0x4000, s31;
	s1 =	sadd.s32 s1, s30  }
0xb9: {  	s0 =	sor.u32 s3, s0;
	s1 =	sshll.u32 s1, $0x11  }
0xba: {  	s0 =	sor.u32 s1, s0  }
0xbb: {  	s0 =	sadd.s32 $0x8F2B, s0  }
0xbc: {  	[sflag:s0] =	ssyncadd.remote.s32 $0x1  }
0xbd: {  	_ =	sfence.sel $0xFFFF  }
0xbe: {  	[dreg:$0x0] =	wrdreg $0xFFFFFFFF;
	(pc) =	sbr.abs _section_cstart, $3  }
0xbf: {  	[dreg:$0x1] =	wrdreg $0xFFFFFFFF  }
0xc0: {  	_ =	task.clear_ibuf [dreg:s6], $0x2FFFF;
	_ =	strace $0x9FFFFFFF  }
0xc1: {  	(tm) =	ssettm $0x7FFFFFFF  }
tec
execute0_lowered:
.L_overlay_start_1:
0x0: {  	(tag) =	ssettag $0x1  }
0x1: {  	s0 =	srdreg.scid;
	s5 =	rddreg [dreg:$0x0]  }
0x2: {  	s1 =	stileid.u32;
	s6 =	simm.s32 $0x1;
	s9 =	simm.s32 $0x1  }
0x3: {  	s10 =	simm.s32 $0x3;
	s13 =	simm.s32 $0x0;
	s2 =	sshll.u32 s0, $0x9  }
0x4: {  	s12 =	simm.s32 $0x0;
	s3 =	sshll.u32 s1, $0xA;
	s2 =	sand.u32 $0x200, s2  }
0x5: {  	s0 =	rddreg [dreg:$0x1];
	_ =	strace $0x80000047;
	s2 =	sor.u32 s3, s2  }
0x6: {  	s4 =	sadd.s32 $0x3400, s5;
	[sflag:s6] =	ssyncpa.u1 $0x0;
	s8 =	ssub.s32 $0x8000, s2  }
.Ltmp0:
0x7: {  	s3 =	sadd.s32 $0x2400, s5;
	s7 =	sand.u32 $0x3E00, s8;
	(pc) =	sbr.rel .LBB2_1-.Ltmp0, $4  }
0x8: {  	s5 =	sadd.s32 $0x84C00, s5;
	s11 =	smov.u32 s2;
	p0 =	sne.s32 s7, $0x0  }
0x9: {  	s8 =	sshrl.u32 s8, $0xE;
	s7 =	simm.s32 $0x2;
	s9 =	simm.s32 @!p0 $0x0  }
0xa: {  	[sflag:s7] =	ssyncpa.u1 $0x0;
	p0 =	por $0x0, $0x0;
	s8 =	sadd.s32 s9, s8  }
0xb: {  	vm0 =	vmmov $0xffff;
	[sflag:s10] =	ssyncpa.u1 $0x0;
	s10 =	simm.s32 $0x0;
	s9 =	sadd.s32 $0x1, s8  }
.LBB2_4:
0xc: {  	v2 =	vnsel vm1, $0x0, v2  }
0xd: {  	vm1 =	vgt.s32 v0, $0x0;
	v2 =	vmin.u32 v2, $0x7FFF  }
0xe: {  	v0 =	vnsel vm1, $0x0, v0  }
0xf: {  	v0 =	vmin.u32 v0, $0x7FFF  }
0x10: {  	[tilespmem:s15], [sflag:$0x1] =	stream.indirect_vreg.gather [hbm4b:s3+s10], $0x1, v1, vm0, $0x4038;
	[tilespmem:$0x800] =	vst v63  }
0x11: {  	(ifvalue) =	ssetifvalue $0x7FFFFFFF  }
0x12: {  	[tilespmem:s16], [sflag:$0x1] =	stream.indirect_vreg.gather [hbm4b:s3+s10], $0x1, v2, vm0, $0x4038;
	[tilespmem:$0x800] =	vst v63  }
0x13: {  	s29 =	sadd.s32 $0x10, s16;
	(ifvalue) =	ssetifvalue $0x7FFFFFFF  }
0x14: {  	[tilespmem:s29], [sflag:$0x1] =	stream.indirect_vreg.gather [hbm4b:s3+s10], $0x1, v0, vm0, $0x4038;
	[tilespmem:$0x800] =	vst v63  }
0x15: {  	_ =	swait.ge [sflag:s6], $0x200  }
0x16: {  	s30 =	sshrl.u32 s13, $0x3;
	[sflag:s6] =	ssyncset.done $0x0  }
0x17: {  	s31 =	sand.u32 $0x7, s13;
	s15 =	sadd.s32 s5, s30;
	[sflag:s6] =	ssyncadd.s32 $0xFFFFFE00  }
0x18: {  	[hbm4b:s15+s31] =	stream.linear.scatter [tilespmem:s14], [sflag:$0x3], $0x200, $0x38;
	[tilespmem:$0x800] =	vst v63  }
.LBB2_5:
0x19: {  	s15 =	sadd.s32 $0x4000, s11  }
0x1a: {  	p2 =	sgt.s32 s15, $0x7FFF  }
0x1b: {  	s15 =	smov.u32 @p2 s2;
	p2 =	sne.s32 s12, s9  }
.Ltmp1:
0x1c: {  	p1 =	slt.u32 s12, $0x2;
	(pc) =	sbr.rel @!p2 .LBB2_6-.Ltmp1, $4  }
0x1d: {  	s14 =	simm.s32 @!p1 $0x3  }
0x1e: {  	s16 =	sadd.s32 $0x1, s12;
	_ =	swait.ge @!p1 [sflag:s14], $0x200  }
0x1f: {  	s13 =	smov.u32 s11;
	p0 =	por !p0, !p0;
	[sflag:s14] =	ssyncset.done @!p1 $0x0  }
0x20: {  	s12 =	smov.u32 s16;
	s11 =	smov.u32 s15;
	[sflag:s14] =	ssyncadd.s32 @!p1 $0xFFFFFE00  }
.LBB2_1:
0x21: {  	p1 =	sge.u32 s12, s8  }
0x22: {  	s14 =	sxor.u32 @!p1 $0xFFFFFFFF, s12  }
0x23: {  	s31 =	sadd.s32 $0xFFFFFFFF, s12;
	s15 =	sshrl.u32 @!p1 s11, $0x3;
	s14 =	sshll.u32 @!p1 s14, $0x9  }
0x24: {  	s16 =	sand.u32 @!p1 $0x7, s11;
	s15 =	sadd.s32 @!p1 s4, s15;
	s14 =	sand.u32 @!p1 $0x200, s14  }
0x25: {  	[tilespmem:s14], [sflag:$0x2] =	stream.linear.gather @!p1 [hbm4b:s15+s16], $0x200, $0x38;
	[tilespmem:$0x800] =	vst v63  }
0x26: {  	p1 =	sge.u32 s31, s8  }
.Ltmp2:
0x27: {  	_ = 	snop;
	(pc) =	sbr.rel @p1 .LBB2_5-.Ltmp2, $1  }
0x28: {  	_ =	sdelay $0x3  }
0x29: {  	s14 =	simm.s32 $0x1  }
0x2a: {  	_ =	swait.ge [sflag:s7], $0x200;
	s14 =	simm.s32 @!p0 $0x0  }
0x2b: {  	[sflag:s7] =	ssyncset.done $0x0;
	s14 =	sshll.u32 s14, $0x9  }
0x2c: {  	[sflag:s7] =	ssyncadd.s32 $0xFFFFFE00;
	(ifvalue) =	ssetifvalue $0x7FFFFFFF;
	v0 =	vld.msk [tilespmem:s14+$0x0 ss:$0x1], $0xffff;
	_ =	sdelay $0x4  }
0x2d: {  	s15 =	sadd.s32 $0x10, s14;
	vm1 =	vgt.s32 v0, $0x0  }
0x2e: {  	v2 =	vld.msk [tilespmem:s15+$0x0 ss:$0x1], $0xffff;
	v1 =	vnsel vm1, $0x0, v0  }
0x2f: {  	v1 =	vmin.u32 v1, $0x7FFF;
	_ =	sdelay $0x1  }
0x30: {  	s16 =	sshll.u32 s12, $0x9;
	s18 =	simm.s32 $0x20  }
0x31: {  	s16 =	sand.u32 $0x200, s16;
	s17 =	sadd.s32 $0x10, s15;
	s15 =	sor.u32 $0x400, s14  }
0x32: {  	s14 =	sor.u32 $0x400, s16;
	s16 =	sadd.s32 $0x10, s15;
	v0 =	vld.msk [tilespmem:s17+$0x0 ss:$0x1], $0xffff;
	vm1 =	vgt.s32 v2, $0x0;
	(ifvalue) =	ssetifvalue $0x7FFFFFFF  }
.LBB2_3:
0x33: {  	[tilespmem:s15], [sflag:$0x1] =	stream.indirect_vreg.gather [hbm4b:s3+s10], $0x1, v1, vm0, $0x4038;
	[tilespmem:$0x800] =	vst v63  }
0x34: {  	s18 =	sadd.s32 $0x10, s18  }
0x35: {  	v2 =	vnsel vm1, $0x0, v2;
	p1 =	slt.u32 s18, $0x1F0  }
.Ltmp3:
0x36: {  	s15 =	smov.u32 s16;
	v1 =	vmin.u32 v2, $0x7FFF;
	(pc) =	sbr.rel @p1 .LBB2_3-.Ltmp3, $3  }
0x37: {  	_ =	sdelay $0x1  }
0x38: {  	s17 =	sadd.s32 $0x10, s17  }
0x39: {  	vm1 =	vgt.s32 v0, $0x0;
	s16 =	sadd.s32 $0x10, s16;
	v2 =	vmov v0;
	(ifvalue) =	ssetifvalue $0x7FFFFFFF;
	v0 =	vld.msk [tilespmem:s17+$0x0 ss:$0x1], $0xffff  }
.Ltmp4:
0x3a: {  	_ = 	snop;
	(pc) =	sbr.rel .LBB2_4-.Ltmp4, $1  }
0x3b: {  	_ =	sdelay $0x3  }
.LBB2_6:
0x3c: {  	_ =	sfence.sel $0x180000  }
0x3d: {  	s2 =	simm.s32 $0x2;
	[bflag:$0x0] =	sbarrier.arrive $0xFFFF  }
0x3e: {  	s30 =	simm.s32 $0x3;
	[sflag:s2] =	ssyncpa.u1 $0x1  }
0x3f: {  	s31 =	simm.s32 $0x1;
	[sflag:s30] =	ssyncpa.u1 $0x1  }
0x40: {  	[sflag:s31] =	ssyncpa.u1 $0x1  }
0x41: {  	p0 =	sne.s32 s1, $0x0;
	_ =	strace $0x90000047  }
0x42: {  	s0 =	sadd.s32 @!p0 $0x100000, s0;
	[bflag:$0x2] =	sbarrier.arrive $0xFFFF  }
0x43: {  	[sflag:s0] =	ssyncadd.tile.s32 @!p0 $0x1;
	_ =	shalt  }
.Lfunc_end2:
_tile_overlayer_lowered:
.L_overlay_start_2:
0x44: {  	(tag) =	ssettag $0x2  }
0x45: {  	s0 =	rddreg [dreg:$0x0];
	s2 =	stileid.u32  }
0x46: {  	s1 =	rddreg [dreg:$0x1];
	p0 =	sne.s32 s2, $0x0  }
0x47: {  	s3 =	rddreg [dreg:$0x2];
	[bflag:$0x3] =	sbarrier.arrive $0xFFFF;
	s2 =	simm.s32 @!p0 $0x1C01  }
0x48: {  	[timem:s3], [sflag:s2] =	dma.local @!p0 [hbm:s0], s1  }
0x49: {  	s0 =	simm.s32 @!p0 $0x1  }
0x4a: {  	_ =	swait.ge @!p0 [sflag:s0], s1  }
0x4b: {  	s1 =	ssub.s32 @!p0 $0x0, s1;
	[sflag:s0] =	ssyncset.done @!p0 $0x0  }
0x4c: {  	[sflag:s0] =	ssyncadd.s32 @!p0 s1  }
0x4d: {  	[bflag:$0x3] =	sbarrier.arrive $0xFFFF  }
0x4e: {  	_ =	shalt  }

// kernel: kernel.4.cloned.1.call-start
scs
__scs_entry_jumppad:
0x0: {  	(pc) =	sbr.rel $0x88, $3  }
0x1: {  	(tag) =	ssettag $0x0;
	lr =	simm.s32 $0x1  }
0x2: {  	[smem:$0x3F95] =	sst lr;
	_ =	strace $0xD0000000  }
0x3: {  	_ = 	snop  }
0x4: {  	_ = 	snop  }
0x5: {  	_ = 	snop  }
0x6: {  	_ = 	snop  }
0x7: {  	_ = 	snop  }
__scs_overlays_trampoline_lowered:
0x8: {  	[smem:$0x3FA4] =	sst s0  }
0x9: {  	[smem:$0x3FA5] =	sst s1  }
0xa: {  	[smem:$0x3FA6] =	sst s2  }
0xb: {  	[smem:$0x3FA7] =	sst s3  }
0xc: {  	[smem:$0x3FA8] =	sst s4  }
0xd: {  	[smem:$0x3FA9] =	sst s5  }
0xe: {  	[smem:$0x3FAA] =	sst s6  }
0xf: {  	[smem:$0x3FAB] =	sst s7  }
0x10: {  	[smem:$0x3FAC] =	sst s8  }
0x11: {  	[smem:$0x3FAD] =	sst s9;
	s0 =	simm.s32 @!p0 $0x0  }
0x12: {  	s1 =	sld [smem:$0x3F93];
	s0 =	simm.s32 @p0 $0x1  }
0x13: {  	[smem:$0x3FAE] =	sst s0;
	s0 =	simm.s32 @!p1 $0x0  }
0x14: {  	s2 =	sld [smem:$0x3F92];
	s0 =	simm.s32 @p1 $0x1  }
0x15: {  	[smem:$0x3FAF] =	sst s0;
	s0 =	simm.s32 @!p2 $0x0  }
0x16: {  	s3 =	sld [smem:$0x3FDB];
	s0 =	simm.s32 @p2 $0x1  }
0x17: {  	s4 =	simm.s32 $0x1BF5;
	[smem:$0x3FB1] =	sst s0  }
0x18: {  	s0 =	sld [smem:$0x3F94];
	_ =	swait.ge [sflag:s4], $0x0  }
0x19: {  	s7 =	sld [smem:$0x3F95]  }
0x1a: {  	s8 =	sadd.s32 $0xFFFFE003, lr  }
0x1b: {  	s9 =	sadd.s32 $0xFFFFFEF7, lr;
	s5 =	simm.s32 $0xFFFFFFFF;
	p2 =	slt.u32 s8, $0xFFFFF086  }
0x1c: {  	p1 =	slt.u32 s9, $0xF7A;
	s5 =	simm.s32 @!p2 $0x0  }
0x1d: {  	s5 =	simm.s32 @p1 $0x1;
	p0 =	seq.s32 s7, s2  }
0x1e: {  	s7 =	smul.u32 @!p0 $0xF7A, s2;
	p2 =	seq.s32 @!p0 s5, $0x0  }
0x1f: {  	s9 =	smul.u32 $0xF7A, s1;
	s8 =	simm.s32 @!p0 $0x1BF5;
	p2 =	por !p2, p0  }
0x20: {  	[sflag:s8] =	ssyncset.s32 @!p0 $0xFFFFF086;
	s6 =	sadd.s32 @!p0 s3, s7;
	s7 =	simm.s32 @!p0 $0x108  }
0x21: {  	s3 =	sadd.s32 s3, s9;
	s6 =	sadd.s32 @!p0 $0x88, s6;
	s7 =	simm.s32 @p2 $0x1082  }
0x22: {  	[simem:s7], [sflag:s8] =	dma.local @!p0 [hbm:s6], $0xF7A  }
0x23: {  	s9 =	sor.u32 $0xD0000000, s2;
	s6 =	simm.s32 $0x108;
	_ =	swait.ge @!p0 [sflag:s8], $0x0  }
0x24: {  	s3 =	sadd.s32 $0x88, s3;
	s6 =	simm.s32 @!p1 $0x1082;
	[sflag:s4] =	ssyncset.s32 $0xFFFFF086  }
0x25: {  	[simem:s6], [sflag:s4] =	dma.local [hbm:s3], $0xF7A  }
0x26: {  	[smem:$0x3F95] =	sst s1;
	(tag) =	ssettag s2;
	_ =	strace s9  }
0x27: {  	s1 =	sld [smem:$0x3FA5]  }
0x28: {  	s2 =	sld [smem:$0x3FA6]  }
0x29: {  	s4 =	sld [smem:$0x3FA8]  }
0x2a: {  	p0 =	seq.s32 s5, $0x0;
	s5 =	sld [smem:$0x3FA9]  }
0x2b: {  	s6 =	sld [smem:$0x3FAA]  }
0x2c: {  	s7 =	sld [smem:$0x3FAB]  }
0x2d: {  	s3 =	simm.s32 $0x108;
	s8 =	sld [smem:$0x3FAC]  }
0x2e: {  	s3 =	simm.s32 @!p0 $0x1082;
	s9 =	sld [smem:$0x3FAD]  }
0x2f: {  	lr =	sadd.s32 s0, s3;
	s0 =	sld [smem:$0x3FA4]  }
0x30: {  	s3 =	sld [smem:$0x3FA7]  }
0x31: {  	[smem:$0x3FB0] =	sst s10  }
0x32: {  	s10 =	sld [smem:$0x3FAE];
	_ =	sdelay $0x3  }
0x33: {  	p0 =	seq.s32 s10, $0x1;
	s10 =	sld [smem:$0x3FB0];
	_ =	sdelay $0x3  }
0x34: {  	[smem:$0x3FB0] =	sst s10  }
0x35: {  	s10 =	sld [smem:$0x3FAF];
	_ =	sdelay $0x3  }
0x36: {  	p1 =	seq.s32 s10, $0x1;
	s10 =	sld [smem:$0x3FB0];
	_ =	sdelay $0x3  }
0x37: {  	[smem:$0x3FB0] =	sst s10  }
0x38: {  	s10 =	sld [smem:$0x3FB1]  }
0x39: {  	_ = 	snop;
	(pc) =	sbr.ind lr, $3  }
0x3a: {  	_ = 	snop  }
0x3b: {  	_ = 	snop  }
0x3c: {  	p2 =	seq.s32 s10, $0x1;
	s10 =	sld [smem:$0x3FB0]  }
0x3d: {  	_ =	shalt  }
0x3e: {  	_ =	shalt  }
0x3f: {  	_ =	shalt  }
0x40: {  	_ =	shalt  }
0x41: {  	_ =	shalt  }
0x42: {  	_ =	shalt  }
0x43: {  	_ =	shalt  }
0x44: {  	_ =	shalt  }
0x45: {  	_ =	shalt  }
0x46: {  	_ =	shalt  }
0x47: {  	_ =	shalt  }
0x48: {  	_ =	shalt  }
0x49: {  	_ =	shalt  }
0x4a: {  	_ =	shalt  }
0x4b: {  	_ =	shalt  }
0x4c: {  	_ =	shalt  }
0x4d: {  	_ =	shalt  }
0x4e: {  	_ =	shalt  }
0x4f: {  	_ =	shalt  }
0x50: {  	_ =	shalt  }
0x51: {  	_ =	shalt  }
0x52: {  	_ =	shalt  }
0x53: {  	_ =	shalt  }
0x54: {  	_ =	shalt  }
0x55: {  	_ =	shalt  }
0x56: {  	_ =	shalt  }
0x57: {  	_ =	shalt  }
0x58: {  	_ =	shalt  }
0x59: {  	_ =	shalt  }
0x5a: {  	_ =	shalt  }
0x5b: {  	_ =	shalt  }
0x5c: {  	_ =	shalt  }
0x5d: {  	_ =	shalt  }
0x5e: {  	_ =	shalt  }
0x5f: {  	_ =	shalt  }
0x60: {  	_ =	shalt  }
0x61: {  	_ =	shalt  }
0x62: {  	_ =	shalt  }
0x63: {  	_ =	shalt  }
0x64: {  	_ =	shalt  }
0x65: {  	_ =	shalt  }
0x66: {  	_ =	shalt  }
0x67: {  	_ =	shalt  }
0x68: {  	_ =	shalt  }
0x69: {  	_ =	shalt  }
0x6a: {  	_ =	shalt  }
0x6b: {  	_ =	shalt  }
0x6c: {  	_ =	shalt  }
0x6d: {  	_ =	shalt  }
0x6e: {  	_ =	shalt  }
0x6f: {  	_ =	shalt  }
0x70: {  	_ =	shalt  }
0x71: {  	_ =	shalt  }
0x72: {  	_ =	shalt  }
0x73: {  	_ =	shalt  }
0x74: {  	_ =	shalt  }
0x75: {  	_ =	shalt  }
0x76: {  	_ =	shalt  }
0x77: {  	_ =	shalt  }
0x78: {  	_ =	shalt  }
0x79: {  	_ =	shalt  }
0x7a: {  	_ =	shalt  }
0x7b: {  	_ =	shalt  }
0x7c: {  	_ =	shalt  }
0x7d: {  	_ =	shalt  }
0x7e: {  	_ =	shalt  }
0x7f: {  	_ =	shalt  }
0x80: {  	_ =	shalt  }
0x81: {  	_ =	shalt  }
0x82: {  	_ =	shalt  }
0x83: {  	_ =	shalt  }
0x84: {  	_ =	shalt  }
0x85: {  	_ =	shalt  }
0x86: {  	_ =	shalt  }
0x87: {  	_ =	shalt  }
.Lfunc_end0:
.L_simem_size_0:
called_computation.5_lowered:
.L_overlay_start_0:
0x88: {  	s2 =	sld [smem:$0x3FD9]  }
0x89: {  	s3 =	sld [smem:$0x3FFE];
	_ =	sdelay $0x1  }
0x8a: {  	s1 =	srdreg.scid  }
0x8b: {  	s0 =	sand.u32 $0x1, s1  }
0x8c: {  	s17 =	sshll.u32 s0, $0xA;
	s2 =	sadd.s32 s3, s2  }
0x8d: {  	s2 =	sadd.s32 s2, s17  }
0x8e: {  	[smem:$0x3FBC] =	sst s2  }
0x8f: {  	_ = 	snop  }
0x90: {  	s2 =	sld [smem:$0x3FC2]  }
0x91: {  	s18 =	sld [smem:$0x3FD0];
	(tm) =	ssettm $0x1  }
0x92: {  	s4 =	sld [smem:$0x3FFB];
	_ =	sdelay $0x3  }
0x93: {  	_ =	strace s4  }
0x94: {  	s4 =	sld [smem:$0x3FFC];
	_ =	sdelay $0x3  }
0x95: {  	_ =	strace s4  }
0x96: {  	s4 =	sld [smem:$0x3FFD];
	_ =	sdelay $0x3  }
0x97: {  	_ =	strace s4  }
0x98: {  	_ =	strace $0x8FFFFFFF  }
0x99: {  	s19 =	sld [smem:$0x3FDB];
	_ =	sdelay $0x1  }
0x9a: {  	s5 =	simm.s32 $_scs_section_size  }
0x9b: {  	s6 =	simm.s32 $_size__tile_overlayer_lowered;
	s7 =	simm.s32 $_tile_overlayer_lowered  }
0x9c: {  	s22 =	simm.s32 $0x1BFF;
	s21 =	sshll.u32 s7, $0x1;
	s4 =	sadd.s32 s5, s19  }
0x9d: {  	s8 =	simm.s32 $0x0;
	s20 =	sshll.u32 s6, $0x1;
	s6 =	sadd.s32 s21, s4  }
0x9e: {  	[timem:s8], [sflag:s22] =	dma.local [hbm:s6], s20  }
0x9f: {  	_ =	swait.ge [sflag:s22], s20  }
0xa0: {  	s5 =	ssub.s32 $0x0, s20;
	[sflag:s22] =	ssyncset.done $0x0  }
0xa1: {  	[sflag:s22] =	ssyncadd.s32 s5;
	_ =	sdelay $0x1  }
0xa2: {  	s23 =	simm.s32 $0x1B8B  }
0xa3: {  	_ =	swait.ge [sflag:s23], $0x1  }
0xa4: {  	[sflag:s23] =	ssyncset.done $0x0  }
0xa5: {  	s25 =	simm.s32 $0x1B8E;
	s24 =	sld [smem:$0x3FFE];
	[sflag:s23] =	ssyncadd.s32 $0xFFFFFFFF  }
0xa6: {  	s26 =	simm.s32 $execute0_lowered;
	[smem:$0x3FD2] =	sst s25  }
0xa7: {  	s6 =	sshll.u32 s26, $0x1;
	_ =	strace $0x80000055;
	[dreg:$0x1] =	wrdreg $0xFFFFFFFF  }
0xa8: {  	s28 =	simm.s32 $_size_execute0_lowered;
	s4 =	sadd.s32 s4, s6;
	[dreg:$0x0] =	wrdreg $0x0  }
0xa9: {  	s6 =	sshll.u32 s28, $0x1;
	[dreg:$0x2] =	wrdreg s4  }
0xaa: {  	[dreg:$0x3] =	wrdreg s6  }
0xab: {  	[dreg:$0x4] =	wrdreg $0xC0  }
0xac: {  	_ =	task [dreg:s8], $0x5FFFF  }
0xad: {  	[dreg:$0x1] =	wrdreg $0xFFFFFFFF  }
0xae: {  	[dreg:$0x0] =	wrdreg $0x60  }
0xaf: {  	[dreg:$0x2] =	wrdreg s24  }
0xb0: {  	[dreg:$0x3] =	wrdreg s2  }
0xb1: {  	[dreg:$0x4] =	wrdreg s18  }
0xb2: {  	[dreg:$0x5] =	wrdreg $0x9  }
0xb3: {  	_ =	task.clear_ibuf [dreg:s8], $0x6FFFF;
	_ =	strace $0x90000055  }
0xb4: {  	s29 =	simm.s32 $0x9;
	_ =	strace $0x80000057  }
0xb5: {  	_ =	swait.ge [sflag:s29], $0x1  }
0xb6: {  	[sflag:s29] =	ssyncadd.s32 $0xFFFFFFFF  }
0xb7: {  	_ =	strace $0x90000057  }
0xb8: {  	_ =	sfence  }
0xb9: {  	s30 =	sld [smem:$0x0];
	_ =	sdelay $0x2  }
0xba: {  	s31 =	sshll.u32 s1, $0xD;
	s1 =	sshrl.u32 s1, $0x2  }
0xbb: {  	s3 =	sand.u32 $0x4000, s31;
	s1 =	sadd.s32 s1, s30  }
0xbc: {  	s0 =	sor.u32 s3, s0;
	s1 =	sshll.u32 s1, $0x11  }
0xbd: {  	s0 =	sor.u32 s1, s0  }
0xbe: {  	s0 =	sadd.s32 $0x8F2B, s0  }
0xbf: {  	[sflag:s0] =	ssyncadd.remote.s32 $0x1  }
0xc0: {  	_ =	sfence.sel $0xFFFF  }
0xc1: {  	[dreg:$0x0] =	wrdreg $0xFFFFFFFF;
	(pc) =	sbr.abs _section_cstart, $3  }
0xc2: {  	[dreg:$0x1] =	wrdreg $0xFFFFFFFF  }
0xc3: {  	_ =	task.clear_ibuf [dreg:s8], $0x2FFFF;
	_ =	strace $0x9FFFFFFF  }
0xc4: {  	(tm) =	ssettm $0x7FFFFFFF  }
0xc5: {  	_ =	shalt  }
tec
execute0_lowered:
.L_overlay_start_1:
0x0: {  	(tag) =	ssettag $0x1  }
0x1: {  	s0 =	rddreg [dreg:$0x0]  }
0x2: {  	s1 =	rddreg [dreg:$0x2];
	s2 =	simm.s32 $0x0;
	s16 =	stileid.u32  }
0x3: {  	s8 =	srdreg.scid;
	s29 =	simm.s32 $0x3;
	s30 =	simm.s32 $0x6200  }
0x4: {  	s28 =	simm.s32 $0xA200;
	s31 =	simm.s32 $0x18980;
	[smem:$0x7FF] =	sst s2  }
0x5: {  	s3 =	sadd.s32 $0x85C00, s0;
	s4 =	sadd.s32 $0x95C00, s0;
	s7 =	sadd.s32 $0xA5C00, s0  }
0x6: {  	s5 =	sadd.s32 $0xB5C00, s0;
	s6 =	sshll.u32 s16, $0xA;
	s9 =	smul.u32 $0x30, s16  }
0x7: {  	s11 =	sand.u32 $0x1, s8;
	s15 =	sshll.u32 s16, $0x8;
	s17 =	sadd.s32 $0x84800, s0  }
0x8: {  	s8 =	sadd.s32 $0xD400, s0;
	s19 =	sshrl.u32 s16, $0x3;
	s22 =	sshll.u32 s16, $0x7  }
0x9: {  	s26 =	smul.u32 $0xC00, s16;
	_ =	strace $0x80000056;
	s12 =	sadd.s32 s6, s0  }
0xa: {  	s10 =	ssub.s32 $0x2, s11;
	s13 =	sadd.s32 s15, s0;
	[dreg:$0x4] =	wrdreg s17  }
0xb: {  	s21 =	sshll.u32 s11, $0xE;
	s24 =	sand.u32 $0x380, s22;
	p0 =	seq.s32 s11, $0x0  }
0xc: {  	s16 =	sor.u32 $0x4000, s6;
	s17 =	sor.u32 $0x8000, s6;
	s22 =	simm.s32 $0x19980  }
0xd: {  	s9 =	sadd.s32 s9, s0;
	s14 =	sshrl.u32 s10, $0x1;
	s18 =	sadd.s32 $0x2400, s13  }
0xe: {  	s15 =	sadd.s32 $0xB400, s13;
	s20 =	sadd.s32 $0xC400, s13;
	s13 =	sadd.s32 $0x84C00, s13  }
0xf: {  	s12 =	sadd.s32 s21, s12;
	s4 =	smov.u32 @p0 s3;
	[dreg:$0x5] =	wrdreg s18  }
0x10: {  	s5 =	smov.u32 @p0 s7;
	s3 =	simm.s32 $0x18A80;
	[dreg:$0x6] =	wrdreg s15  }
0x11: {  	s0 =	ssub.s32 s10, s14;
	s10 =	smul.u32 $0xA0000, s11;
	[dreg:$0x7] =	wrdreg s20  }
0x12: {  	s14 =	smul.u32 $0x50000, s19;
	[dreg:$0x8] =	wrdreg s13;
	s12 =	sadd.s32 $0x3400, s12  }
0x13: {  	s11 =	sshll.u32 s11, $0x7;
	s18 =	sor.u32 $0xC000, s6;
	s9 =	sadd.s32 $0x84400, s9  }
0x14: {  	s15 =	simm.s32 $0x1;
	s19 =	simm.s32 $0xE200;
	[dreg:$0x9] =	wrdreg s12  }
0x15: {  	s20 =	simm.s32 $0x2;
	s11 =	sor.u32 s11, s26;
	[dreg:$0xb] =	wrdreg s9  }
0x16: {  	s0 =	smax.u32 s0, $0x1;
	s26 =	simm.s32 $0x19800;
	s9 =	simm.s32 $0x0  }
0x17: {  	s23 =	sadd.s32 s10, s14;
	s11 =	sshrl.u32 s11, $0x3;
	[dreg:$0xd] =	wrdreg s0  }
0x18: {  	s0 =	simm.s32 $0x18A00;
	s25 =	sor.u32 s24, s23;
	s1 =	sadd.s32 s1, s11  }
0x19: {  	v0 =	vlaneseq.u32;
	s23 =	simm.s32 $0x800;
	s11 =	simm.s32 $0xC200;
	s12 =	sshrl.u32 s25, $0x3  }
0x1a: {  	v1 =	vimm.f32 $0.0e+00;
	vm0 =	vmmov $0xffff;
	v3 =	vshrl.u32 v0, $0x3;
	s24 =	simm.s32 $0x18B00;
	[dreg:$0xc] =	wrdreg s1;
	s12 =	sadd.s32 s8, s12  }
0x1b: {  	v2 =	vand.u32 $0x7, v0;
	v4 =	vor.u32 $0x8, v0;
	v3 =	vmul.u32 $0x8, v3;
	s1 =	simm.s32 $0x8200;
	s25 =	simm.s32 $0x18B80;
	[dreg:$0xa] =	wrdreg s12  }
.LBB2_1:
0x1c: {  	[dreg:$0xe] =	wrdreg s9  }
0x1d: {  	s7 =	rddreg [dreg:$0x1]  }
0x1e: {  	[tilespmem:s2], [sflag:$0x3] =	stream.linear.gather [hbm4b:s7+s2], $0x800, $0x38;
	[tilespmem:$0x19F80] =	vst v63  }
0x1f: {  	_ =	swait.ge [sflag:s29], $0x800  }
0x20: {  	[sflag:s29] =	ssyncset.done $0x0  }
0x21: {  	s13 =	rddreg [dreg:$0x4];
	[sflag:s29] =	ssyncadd.s32 $0xFFFFF800  }
0x22: {  	[tilespmem:s23], [sflag:$0x3] =	stream.linear.gather [hbm4b:s13+s2], $0x1800, $0x38;
	[tilespmem:$0x19F80] =	vst v63  }
0x23: {  	_ =	swait.ge [sflag:s29], $0x1800  }
0x24: {  	[sflag:s29] =	ssyncset.done $0x0  }
0x25: {  	s21 =	simm.s32 $0x2000;
	s14 =	rddreg [dreg:$0x5];
	[sflag:s29] =	ssyncadd.s32 $0xFFFFE800  }
0x26: {  	[tilespmem:s21], [sflag:$0x3] =	stream.linear.gather [hbm4b:s14+s2], $0x800, $0x38;
	[tilespmem:$0x19F80] =	vst v63  }
0x27: {  	_ =	swait.ge [sflag:s29], $0x800  }
0x28: {  	[sflag:s29] =	ssyncset.done $0x0  }
0x29: {  	s13 =	simm.s32 $0x2800;
	s12 =	rddreg [dreg:$0x6];
	[sflag:s29] =	ssyncadd.s32 $0xFFFFF800  }
0x2a: {  	[tilespmem:s13], [sflag:$0x3] =	stream.linear.gather [hbm4b:s12+s2], $0x800, $0x38;
	[tilespmem:$0x19F80] =	vst v63  }
0x2b: {  	_ =	swait.ge [sflag:s29], $0x800  }
0x2c: {  	[sflag:s29] =	ssyncset.done $0x0  }
0x2d: {  	s21 =	simm.s32 $0x3000;
	s14 =	rddreg [dreg:$0x7];
	[sflag:s29] =	ssyncadd.s32 $0xFFFFF800  }
0x2e: {  	[tilespmem:s21], [sflag:$0x3] =	stream.linear.gather [hbm4b:s14+s2], $0x800, $0x38;
	[tilespmem:$0x19F80] =	vst v63  }
0x2f: {  	_ =	swait.ge [sflag:s29], $0x800  }
0x30: {  	[sflag:s29] =	ssyncset.done $0x0  }
0x31: {  	s13 =	simm.s32 $0x3800;
	s12 =	rddreg [dreg:$0x8];
	[sflag:s29] =	ssyncadd.s32 $0xFFFFF800  }
0x32: {  	[tilespmem:s13], [sflag:$0x3] =	stream.linear.gather [hbm4b:s12+s2], $0x800, $0x38;
	[tilespmem:$0x19F80] =	vst v63  }
0x33: {  	_ =	swait.ge [sflag:s29], $0x800  }
0x34: {  	[sflag:s29] =	ssyncset.done $0x0  }
0x35: {  	s21 =	simm.s32 $0x4000;
	s14 =	rddreg [dreg:$0x9];
	[sflag:s29] =	ssyncadd.s32 $0xFFFFF800  }
0x36: {  	[tilespmem:s21], [sflag:$0x3] =	stream.linear.gather [hbm4b:s14+s2], $0x2000, $0x38;
	[tilespmem:$0x19F80] =	vst v63  }
0x37: {  	_ =	swait.ge [sflag:s29], $0x2000  }
0x38: {  	[sflag:s29] =	ssyncset.done $0x0  }
0x39: {  	s9 =	simm.s32 $0x0;
	s7 =	simm.s32 $0x40;
	[sflag:s29] =	ssyncadd.s32 $0xFFFFE000  }
.LBB2_2:
0x3a: {  	p0 =	sne.s32 s7, $0x27FC0;
	[tilespmem:s9+$0xE200] =	vst v1;
	s9 =	smov.u32 s7;
	s7 =	sadd.s32 $0x40, s7  }
.Ltmp0:
0x3b: {  	(pc) =	sbr.rel @p0 .LBB2_2-.Ltmp0, $2  }
0x3c: {  	_ =	sdelay $0x2  }
0x3d: {  	s9 =	sshra.s32 s9, $0x2  }
0x3e: {  	[tilespmem:s9+$0xE200] =	vst v1  }
0x3f: {  	v5 =	vld [tilespmem:$0x2800];
	_ =	sdelay $0x2  }
0x40: {  	v6 =	vld [tilespmem:$0x2000];
	_ =	sdelay $0x3  }
0x41: {  	s29 =	simm.s32 $0x0  }
0x42: {  	v5 =	vld.idx.msk [tilespmem:v5+s29+$0x0], $0xffff;
	[tilespmem:$0x6000] =	vst v6  }
0x43: {  	v7 =	vld [tilespmem:$0x6000]  }
0x44: {  	v6 =	vld [tilespmem:$0x2810];
	_ =	sdelay $0x3  }
0x45: {  	v8 =	vshll.u32 v7, $0x1  }
0x46: {  	v7 =	vand.u32 $0x7, v7;
	v8 =	vand.u32 $0xFFFFFFF0, v8  }
0x47: {  	[tilespmem:$0x6080] =	vst v5;
	v5 =	vor.u32 v7, v8  }
0x48: {  	v63 =	vld [tilespmem:$0x2010];
	v7 =	vperm.xlane v5, v2  }
0x49: {  	v6 =	vld.idx.msk [tilespmem:v6+s29+$0x0], $0xffff  }
0x4a: {  	v5 =	vperm.xlane v5, v4;
	v7 =	vadd.s32 v3, v7;
	_ =	sdelay $0x1  }
0x4b: {  	v5 =	vadd.s32 v3, v5  }
0x4c: {  	[tilespmem:$0x6010] =	vst v63  }
0x4d: {  	[tilespmem:$0x6090] =	vst v6  }
0x4e: {  	[tilespmem:s30], [sflag:$0x1] =	stream.indirect_vreg.gather [hbm4b:s4+s29], $0x80, v7, vm0, $0xb8;
	[tilespmem:$0x19F80] =	vst v63  }
0x4f: {  	s7 =	simm.s32 $0x6A00  }
0x50: {  	[tilespmem:s7], [sflag:$0x1] =	stream.indirect_vreg.gather [hbm4b:s4+s29], $0x80, v5, vm0, $0xb8;
	[tilespmem:$0x19F80] =	vst v63  }
0x51: {  	v5 =	vld [tilespmem:$0x6010];
	_ =	sdelay $0x4  }
0x52: {  	v6 =	vshll.u32 v5, $0x1  }
0x53: {  	v5 =	vand.u32 $0x7, v5;
	v6 =	vand.u32 $0xFFFFFFF0, v6  }
0x54: {  	v5 =	vor.u32 v5, v6  }
0x55: {  	v6 =	vperm.xlane v5, v2;
	_ =	sdelay $0x1  }
0x56: {  	v5 =	vperm.xlane v5, v4;
	v6 =	vadd.s32 v3, v6;
	_ =	sdelay $0x1  }
0x57: {  	v5 =	vadd.s32 v3, v5;
	_ =	sdelay $0x1  }
0x58: {  	s9 =	simm.s32 $0x7200  }
0x59: {  	[tilespmem:s9], [sflag:$0x1] =	stream.indirect_vreg.gather [hbm4b:s4+s29], $0x80, v6, vm0, $0xb8;
	[tilespmem:$0x19F80] =	vst v63  }
0x5a: {  	s12 =	simm.s32 $0x7A00  }
0x5b: {  	[tilespmem:s12], [sflag:$0x1] =	stream.indirect_vreg.gather [hbm4b:s4+s29], $0x80, v5, vm0, $0xb8;
	[tilespmem:$0x19F80] =	vst v63  }
0x5c: {  	v5 =	vld [tilespmem:$0x6080];
	_ =	sdelay $0x4  }
0x5d: {  	v6 =	vshll.u32 v5, $0x1  }
0x5e: {  	v5 =	vand.u32 $0x7, v5;
	v6 =	vand.u32 $0xFFFFFFF0, v6  }
0x5f: {  	v5 =	vor.u32 v5, v6  }
0x60: {  	v6 =	vperm.xlane v5, v2;
	_ =	sdelay $0x1  }
0x61: {  	v5 =	vperm.xlane v5, v4;
	v6 =	vadd.s32 v3, v6;
	_ =	sdelay $0x1  }
0x62: {  	v5 =	vadd.s32 v3, v5;
	_ =	sdelay $0x2  }
0x63: {  	[tilespmem:s1], [sflag:$0x1] =	stream.indirect_vreg.gather [hbm4b:s5+s29], $0x80, v6, vm0, $0xb8;
	[tilespmem:$0x19F80] =	vst v63  }
0x64: {  	s13 =	simm.s32 $0x8A00  }
0x65: {  	[tilespmem:s13], [sflag:$0x1] =	stream.indirect_vreg.gather [hbm4b:s5+s29], $0x80, v5, vm0, $0xb8;
	[tilespmem:$0x19F80] =	vst v63  }
0x66: {  	v5 =	vld [tilespmem:$0x6090];
	_ =	sdelay $0x4  }
0x67: {  	v6 =	vshll.u32 v5, $0x1  }
0x68: {  	v5 =	vand.u32 $0x7, v5;
	v6 =	vand.u32 $0xFFFFFFF0, v6  }
0x69: {  	v5 =	vor.u32 v5, v6  }
0x6a: {  	v6 =	vperm.xlane v5, v2;
	_ =	sdelay $0x1  }
0x6b: {  	v5 =	vperm.xlane v5, v4;
	v6 =	vadd.s32 v3, v6;
	_ =	sdelay $0x1  }
0x6c: {  	v5 =	vadd.s32 v3, v5;
	_ =	sdelay $0x1  }
0x6d: {  	s14 =	simm.s32 $0x9200  }
0x6e: {  	[tilespmem:s14], [sflag:$0x1] =	stream.indirect_vreg.gather [hbm4b:s5+s29], $0x80, v6, vm0, $0xb8;
	[tilespmem:$0x19F80] =	vst v63  }
0x6f: {  	s21 =	simm.s32 $0x9A00;
	s7 =	simm.s32 $0x0  }
0x70: {  	[tilespmem:s21], [sflag:$0x1] =	stream.indirect_vreg.gather [hbm4b:s5+s29], $0x80, v5, vm0, $0xb8;
	[tilespmem:$0x19F80] =	vst v63  }
.LBB2_4:
0x71: {  	s12 =	sshll.u32 s7, $0x6  }
0x72: {  	v5 =	vld [tilespmem:s12+$0x2820];
	_ =	sdelay $0x7  }
0x73: {  	v5 =	vld.idx.msk [tilespmem:v5+s29+$0x0], $0xffff;
	_ =	sdelay $0x4  }
0x74: {  	[tilespmem:$0x6180] =	vst v5  }
0x75: {  	v5 =	vld [tilespmem:s12+$0x2020];
	_ =	sdelay $0x4  }
0x76: {  	[tilespmem:$0x6100] =	vst v5  }
0x77: {  	v5 =	vld [tilespmem:s12+$0x2830];
	_ =	sdelay $0x4  }
0x78: {  	v6 =	vld [tilespmem:$0x6100];
	_ =	sdelay $0x2  }
0x79: {  	v5 =	vld.idx.msk [tilespmem:v5+s29+$0x0], $0xffff;
	_ =	sdelay $0x1  }
0x7a: {  	v7 =	vshll.u32 v6, $0x1  }
0x7b: {  	v6 =	vand.u32 $0x7, v6;
	v7 =	vand.u32 $0xFFFFFFF0, v7  }
0x7c: {  	v6 =	vor.u32 v6, v7  }
0x7d: {  	[tilespmem:$0x6190] =	vst v5;
	v5 =	vperm.xlane v6, v2  }
0x7e: {  	v7 =	vld [tilespmem:s12+$0x2030]  }
0x7f: {  	v6 =	vperm.xlane v6, v4;
	v5 =	vadd.s32 v3, v5;
	_ =	sdelay $0x1  }
0x80: {  	v6 =	vadd.s32 v3, v6;
	_ =	sdelay $0x1  }
0x81: {  	[tilespmem:$0x6110] =	vst v7  }
0x82: {  	[tilespmem:s28], [sflag:$0x2] =	stream.indirect_vreg.gather [hbm4b:s4+s29], $0x80, v5, vm0, $0xb8;
	[tilespmem:$0x19F80] =	vst v63  }
0x83: {  	s9 =	simm.s32 $0xAA00  }
0x84: {  	[tilespmem:s9], [sflag:$0x2] =	stream.indirect_vreg.gather [hbm4b:s4+s29], $0x80, v6, vm0, $0xb8;
	[tilespmem:$0x19F80] =	vst v63  }
0x85: {  	v5 =	vld [tilespmem:$0x6110];
	_ =	sdelay $0x4  }
0x86: {  	v6 =	vshll.u32 v5, $0x1  }
0x87: {  	v5 =	vand.u32 $0x7, v5;
	v6 =	vand.u32 $0xFFFFFFF0, v6  }
0x88: {  	v5 =	vor.u32 v5, v6  }
0x89: {  	v6 =	vperm.xlane v5, v2;
	_ =	sdelay $0x1  }
0x8a: {  	v5 =	vperm.xlane v5, v4;
	v6 =	vadd.s32 v3, v6;
	_ =	sdelay $0x1  }
0x8b: {  	v5 =	vadd.s32 v3, v5;
	_ =	sdelay $0x1  }
0x8c: {  	s13 =	simm.s32 $0xB200  }
0x8d: {  	[tilespmem:s13], [sflag:$0x2] =	stream.indirect_vreg.gather [hbm4b:s4+s29], $0x80, v6, vm0, $0xb8;
	[tilespmem:$0x19F80] =	vst v63  }
0x8e: {  	s14 =	simm.s32 $0xBA00  }
0x8f: {  	[tilespmem:s14], [sflag:$0x2] =	stream.indirect_vreg.gather [hbm4b:s4+s29], $0x80, v5, vm0, $0xb8;
	[tilespmem:$0x19F80] =	vst v63  }
0x90: {  	v5 =	vld [tilespmem:$0x6180];
	_ =	sdelay $0x4  }
0x91: {  	v6 =	vshll.u32 v5, $0x1  }
0x92: {  	v5 =	vand.u32 $0x7, v5;
	v6 =	vand.u32 $0xFFFFFFF0, v6  }
0x93: {  	v5 =	vor.u32 v5, v6  }
0x94: {  	v6 =	vperm.xlane v5, v2;
	_ =	sdelay $0x1  }
0x95: {  	v5 =	vperm.xlane v5, v4;
	v6 =	vadd.s32 v3, v6;
	_ =	sdelay $0x1  }
0x96: {  	v5 =	vadd.s32 v3, v5;
	_ =	sdelay $0x2  }
0x97: {  	[tilespmem:s11], [sflag:$0x2] =	stream.indirect_vreg.gather [hbm4b:s5+s29], $0x80, v6, vm0, $0xb8;
	[tilespmem:$0x19F80] =	vst v63  }
0x98: {  	s21 =	simm.s32 $0xCA00  }
0x99: {  	[tilespmem:s21], [sflag:$0x2] =	stream.indirect_vreg.gather [hbm4b:s5+s29], $0x80, v5, vm0, $0xb8;
	[tilespmem:$0x19F80] =	vst v63  }
0x9a: {  	v5 =	vld [tilespmem:$0x6190];
	_ =	sdelay $0x4  }
0x9b: {  	v6 =	vshll.u32 v5, $0x1  }
0x9c: {  	v5 =	vand.u32 $0x7, v5;
	v6 =	vand.u32 $0xFFFFFFF0, v6  }
0x9d: {  	v5 =	vor.u32 v5, v6  }
0x9e: {  	v6 =	vperm.xlane v5, v2;
	_ =	sdelay $0x1  }
0x9f: {  	v5 =	vperm.xlane v5, v4;
	v6 =	vadd.s32 v3, v6;
	_ =	sdelay $0x1  }
0xa0: {  	v5 =	vadd.s32 v3, v5;
	_ =	sdelay $0x1  }
0xa1: {  	s13 =	simm.s32 $0xD200  }
0xa2: {  	[tilespmem:s13], [sflag:$0x2] =	stream.indirect_vreg.gather [hbm4b:s5+s29], $0x80, v6, vm0, $0xb8;
	[tilespmem:$0x19F80] =	vst v63  }
0xa3: {  	s14 =	simm.s32 $0xDA00  }
0xa4: {  	[tilespmem:s14], [sflag:$0x2] =	stream.indirect_vreg.gather [hbm4b:s5+s29], $0x80, v5, vm0, $0xb8;
	[tilespmem:$0x19F80] =	vst v63  }
0xa5: {  	_ =	swait.ge [sflag:s15], $0x2000  }
0xa6: {  	[sflag:s15] =	ssyncset.done $0x0  }
0xa7: {  	s21 =	sshll.u32 s7, $0x8;
	[sflag:s15] =	ssyncadd.s32 $0xFFFFE000  }
0xa8: {  	s13 =	sand.u32 $0x1E00, s21;
	_ =	swait.ge [sflag:s15], $0x2000  }
0xa9: {  	p1 =	por $0x1, $0x1;
	s13 =	sor.u32 $0x4000, s13;
	[sflag:s15] =	ssyncset.done $0x0  }
0xaa: {  	s9 =	sor.u32 $0x20, s12;
	v5 =	vmov s13;
	s13 =	simm.s32 $0x0;
	[sflag:s15] =	ssyncadd.s32 $0xFFFFE000  }
.LBB2_5:
0xab: {  	v6 =	vlaneseq.u32  }
0xac: {  	v7 =	vmov s13;
	v8 =	vmul.u32 $0x100, v6  }
0xad: {  	v7 =	vshll.u32 v7, $0x8;
	v9 =	vand.u32 $0x7, v6  }
0xae: {  	v9 =	vmul.u32 $0x80, v9;
	v7 =	vor.u32 v8, v7  }
0xaf: {  	v10 =	vadd.s32 $0x1, v6;
	v12 =	vadd.s32 $0xFFFFFFC1, v6;
	v7 =	vand.u32 $0x1800, v7  }
0xb0: {  	vm1 =	vgt.s32 v10, $0x3F;
	v8 =	vor.u32 v9, v7;
	v9 =	vor.u32 $0x400, v9  }
0xb1: {  	v9 =	vor.u32 v9, v7;
	v7 =	vsel vm1, v12, v10  }
0xb2: {  	v14 =	vshll.u32 v6, $0x3;
	v10 =	vand.u32 $0x7F, v6;
	v13 =	vadd.s32 $0x40, v7  }
0xb3: {  	v12 =	vadd.s32 $0xC0, v6;
	v6 =	vadd.s32 $0x40, v6;
	v16 =	vshll.u32 v13, $0x3  }
0xb4: {  	v15 =	vshll.u32 v12, $0x3;
	v17 =	vshll.u32 v7, $0x3;
	v16 =	vand.u32 $0xFFFFFC00, v16  }
0xb5: {  	v18 =	vshll.u32 v6, $0x3;
	v13 =	vand.u32 $0x7F, v13;
	v16 =	vadd.s32 v8, v16  }
0xb6: {  	v19 =	vand.u32 $0x7F, v7;
	v17 =	vand.u32 $0xFFFFFC00, v17;
	v13 =	vor.u32 v13, v16  }
0xb7: {  	v6 =	vand.u32 $0x7F, v6;
	v21 =	vand.u32 $0xFFFFFC00, v15;
	v20 =	vadd.s32 v8, v17  }
0xb8: {  	v23 =	vor.u32 v19, v20;
	v20 =	vand.u32 $0xFFFFFC00, v14;
	v16 =	vadd.s32 $0xC0, v7  }
0xb9: {  	v18 =	vand.u32 $0xFFFFFC00, v18;
	v14 =	vadd.s32 v8, v20;
	v15 =	vshll.u32 v16, $0x3  }
0xba: {  	v17 =	vadd.s32 v9, v17;
	v22 =	vor.u32 v10, v14;
	v25 =	vand.u32 $0xFFFFFC00, v15  }
0xbb: {  	v15 =	vor.u32 v19, v17;
	v17 =	vadd.s32 v8, v21;
	v21 =	vadd.s32 v8, v18;
	v14 =	vld.idx.msk [tilespmem:v13+s30+$0x0], $0xffff  }
0xbc: {  	v19 =	vadd.s32 v8, v25;
	v25 =	vand.u32 $0x7F, v16;
	v16 =	vld.idx.msk [tilespmem:v13+s1+$0x0], $0xffff;
	v13 =	vadd.s32 v9, v20  }
0xbd: {  	v18 =	vor.u32 v10, v13;
	v13 =	vor.u32 v6, v21  }
0xbe: {  	v24 =	vadd.s32 $0xFFFFFFC1, v7;
	v7 =	vadd.s32 $0x1, v7;
	v20 =	vld.idx.msk [tilespmem:v23+s30+$0x0], $0xffff  }
0xbf: {  	v11 =	vimm.f32 $0.0e+00;
	v12 =	vand.u32 $0x7F, v12;
	vm1 =	vgt.s32 v7, $0x3F;
	v21 =	vld.idx.msk [tilespmem:v23+s1+$0x0], $0xffff  }
0xc0: {  	v24 =	vsel vm1, v24, v7;
	v7 =	vimm.f32 $0.0e+00;
	v17 =	vor.u32 v12, v17;
	v23 =	vld.idx.msk [tilespmem:v22+s1+$0x0], $0xffff  }
0xc1: {  	p0 =	por p1, p1;
	s14 =	simm.s32 $0x1F;
	v12 =	vimm.f32 $0.0e+00;
	v19 =	vor.u32 v25, v19;
	v6 =	vimm.f32 $0.0e+00;
	v10 =	vld.idx.msk [tilespmem:v15+s30+$0x0], $0xffff  }
.LBB2_6:
0xc2: {  	v25 =	vand.u32 $0x7F, v24;
	v26 =	vshll.u32 v24, $0x3;
	v27 =	vadd.s32 $0xC0, v24;
	p1 =	sne.s32 s14, $0x1;
	s14 =	sadd.s32 $0xFFFFFFFF, s14;
	v28 =	vld.idx.msk [tilespmem:v13+s30+$0x0], $0xffff  }
0xc3: {  	v30 =	vadd.s32 $0x1, v24;
	v31 =	vadd.s32 $0xFFFFFFC1, v24;
	v29 =	vshll.u32 v27, $0x3;
	v22 =	vld.idx.msk [tilespmem:v22+s30+$0x0], $0xffff  }
0xc4: {  	v24 =	vadd.s32 $0x40, v24;
	v27 =	vand.u32 $0x7F, v27;
	vm1 =	vgt.s32 v30, $0x3F;
	v32 =	vld.idx.msk [tilespmem:v18+s1+$0x0], $0xffff  }
0xc5: {  	v34 =	vmul.f32 v16, v14;
	v33 =	vshll.u32 v24, $0x3;
	v30 =	vsel vm1, v31, v30;
	v31 =	vld.idx.msk [tilespmem:v17+s1+$0x0], $0xffff  }
0xc6: {  	v14 =	vand.u32 $0xFFFFFC00, v29;
	v16 =	vadd.s32 $0x40, v30;
	v29 =	vadd.s32 $0xC0, v30;
	v35 =	vld.idx.msk [tilespmem:v19+s30+$0x0], $0xffff  }
0xc7: {  	v38 =	vadd.s32 $0xFFFFFFC1, v30;
	v36 =	vshll.u32 v16, $0x3;
	v37 =	vshll.u32 v29, $0x3;
	v15 =	vld.idx.msk [tilespmem:v15+s1+$0x0], $0xffff  }
0xc8: {  	v21 =	vmul.f32 v21, v20;
	v36 =	vand.u32 $0xFFFFFC00, v36;
	v37 =	vand.u32 $0xFFFFFC00, v37;
	v19 =	vld.idx.msk [tilespmem:v19+s1+$0x0], $0xffff  }
0xc9: {  	v39 =	vadd.s32 v8, v14;
	v14 =	vadd.s32 v8, v36;
	v20 =	vadd.s32 v8, v37;
	v18 =	vld.idx.msk [tilespmem:v18+s30+$0x0], $0xffff  }
0xca: {  	v16 =	vand.u32 $0x7F, v16;
	v29 =	vand.u32 $0x7F, v29;
	v36 =	vand.u32 $0x7F, v30  }
0xcb: {  	v33 =	vand.u32 $0xFFFFFC00, v33;
	v37 =	vshll.u32 v30, $0x3;
	v22 =	vmul.f32 v23, v22;
	v13 =	vld.idx.msk [tilespmem:v13+s1+$0x0], $0xffff  }
0xcc: {  	v23 =	vadd.s32 v8, v33;
	v33 =	vand.u32 $0xFFFFFC00, v37;
	v16 =	vor.u32 v16, v14;
	v17 =	vld.idx.msk [tilespmem:v17+s30+$0x0], $0xffff  }
0xcd: {  	v24 =	vand.u32 $0x7F, v24;
	v14 =	vadd.s32 v8, v33;
	v37 =	vmul.f32 v15, v10  }
0xce: {  	v10 =	vor.u32 v36, v14;
	v14 =	vadd.s32 v9, v33;
	v33 =	vmul.f32 v19, v35  }
0xcf: {  	v19 =	vand.u32 $0xFFFFFC00, v26;
	v15 =	vor.u32 v36, v14;
	v26 =	vmul.f32 v32, v18  }
0xd0: {  	v11 =	vadd.f32 v22, v11;
	v14 =	vadd.s32 v8, v19;
	v18 =	vadd.s32 v9, v19  }
0xd1: {  	v22 =	vor.u32 v25, v14;
	v18 =	vor.u32 v25, v18;
	v25 =	vmul.f32 v13, v28;
	v14 =	vld.idx.msk [tilespmem:v16+s30+$0x0], $0xffff  }
.Ltmp1:
0xd2: {  	v19 =	vor.u32 v29, v20;
	v13 =	vor.u32 v24, v23;
	v17 =	vmul.f32 v31, v17;
	v16 =	vld.idx.msk [tilespmem:v16+s1+$0x0], $0xffff;
	(pc) =	sbr.rel @p1 .LBB2_6-.Ltmp1, $4  }
0xd3: {  	v11 =	vadd.f32 v21, v11;
	v23 =	vadd.s32 $0x1, v30;
	v12 =	vadd.f32 v25, v12;
	v20 =	vld.idx.msk [tilespmem:v10+s30+$0x0], $0xffff  }
0xd4: {  	v7 =	vadd.f32 v26, v7;
	vm1 =	vgt.s32 v23, $0x3F;
	v6 =	vadd.f32 v17, v6;
	v21 =	vld.idx.msk [tilespmem:v10+s1+$0x0], $0xffff  }
0xd5: {  	v24 =	vsel vm1, v38, v23;
	v17 =	vor.u32 v27, v39;
	v12 =	vadd.f32 v34, v12;
	v10 =	vld.idx.msk [tilespmem:v15+s30+$0x0], $0xffff  }
0xd6: {  	v7 =	vadd.f32 v37, v7;
	v6 =	vadd.f32 v33, v6;
	v23 =	vld.idx.msk [tilespmem:v22+s1+$0x0], $0xffff  }
0xd7: {  	_ =	sdelay $0x3  }
0xd8: {  	v8 =	vld.idx.msk [tilespmem:v22+s30+$0x0], $0xffff;
	_ =	sdelay $0x2  }
0xd9: {  	s14 =	sor.u32 s12, s13  }
0xda: {  	v9 =	vld [tilespmem:s14+$0x3800]  }
0xdb: {  	s13 =	sand.u32 $0x50, s14;
	v8 =	vmul.f32 v23, v8  }
0xdc: {  	v53 =	vld.idx.msk [tilespmem:v5+s13+$0x0 ss:$0x1], $0xffff  }
0xdd: {  	v20 =	vmul.f32 v21, v20;
	v8 =	vadd.f32 v8, v11;
	_ =	sdelay $0x1  }
0xde: {  	v9 =	vadd.f32 $-1.000000000e+00, v9;
	v8 =	vadd.f32 v20, v8;
	_ =	sdelay $0x1  }
0xdf: {  	v54 =	vld [tilespmem:s14+$0x3000];
	v9 =	vmul.f32 $1.000000000e+09, v9;
	v8 =	vadd.f32 v53, v8;
	_ =	sdelay $0x1  }
0xe0: {  	v55 =	vld [tilespmem:s14+$0x2800];
	v8 =	vadd.f32 v8, v9;
	_ =	sdelay $0x1  }
0xe1: {  	v8 =	vmul.f32 $1.442695020e+00, v8  }
0xe2: {  	v56 =	vld.idx.msk [tilespmem:v13+s30+$0x0], $0xffff;
	(erf) = vrcp.f32 v54  }
0xe3: {  	v57 =	vld.idx.msk [tilespmem:v18+s1+$0x0], $0xffff;
	(erf) = vpow2.f32 v8  }
0xe4: {  	v58 =	vld.idx.msk [tilespmem:v19+s30+$0x0], $0xffff;
	v20 =	vmul.u32 $0x3, v55  }
0xe5: {  	v15 =	vld.idx.msk [tilespmem:v15+s1+$0x0], $0xffff  }
0xe6: {  	v24 =	vld [tilespmem:s14+$0x2000];
	v25 =	vadd.s32 $0x1, v20  }
0xe7: {  	v59 =	vld.idx.msk [tilespmem:v19+s1+$0x0], $0xffff;
	v26 =	vadd.s32 $0x2, v20  }
0xe8: {  	v60 =	vld.idx.msk [tilespmem:v18+s30+$0x0], $0xffff  }
0xe9: {  	v62 =	vld.idx.msk [tilespmem:v13+s1+$0x0], $0xffff  }
0xea: {  	v20 =	vld.idx.msk [tilespmem:v20+s23+$0x0], $0xffff  }
0xeb: {  	vm1 =	veq.f32 v54, $0.0e+00;
	v61 =	vadd.s32 $0x2000, v24;
	v27 =	vpop (erf);
	v11 =	vld.idx.msk [tilespmem:v25+s23+$0x0], $0xffff  }
0xec: {  	v29 =	vadd.s32 $0x4000, v24;
	v27 =	vsel vm1, $0x0, v27;
	v26 =	vld.idx.msk [tilespmem:v26+s23+$0x0], $0xffff;
	v28 =	vpop (erf)  }
0xed: {  	v63 =	vld.idx.msk [tilespmem:v17+s30+$0x0], $0xffff;
	v31 =	vadd.s32 $0x4800, v24;
	v30 =	vmul.f32 v28, v27  }
0xee: {  	v32 =	vadd.s32 $0x5000, v24;
	v8 =	vld.idx.msk [tilespmem:v17+s1+$0x0], $0xffff  }
0xef: {  	[tilespmem:v24+s19+$0x0] =	vst.idx.add.f32.msk $0xffff, v28;
	v36 =	vmul.f32 v30, v20  }
0xf0: {  	[tilespmem:v61+s19+$0x0] =	vst.idx.add.f32.msk $0xffff, v30;
	v37 =	vmul.f32 v30, v11  }
0xf1: {  	v38 =	vmul.f32 v30, v26;
	[tilespmem:v29+s19+$0x0] =	vst.idx.add.f32.msk $0xffff, v36  }
0xf2: {  	[tilespmem:v31+s19+$0x0] =	vst.idx.add.f32.msk $0xffff, v37  }
0xf3: {  	v13 =	vmul.f32 v62, v56;
	[tilespmem:v32+s19+$0x0] =	vst.idx.add.f32.msk $0xffff, v38  }
0xf4: {  	v39 =	vld.idx.msk [tilespmem:v5+s13+$0x80 ss:$0x1], $0xffff  }
0xf5: {  	v14 =	vmul.f32 v16, v14;
	v12 =	vadd.f32 v13, v12;
	_ =	sdelay $0x1  }
0xf6: {  	v12 =	vadd.f32 v14, v12;
	_ =	sdelay $0x1  }
0xf7: {  	v12 =	vadd.f32 v39, v12;
	_ =	sdelay $0x1  }
0xf8: {  	v12 =	vadd.f32 v12, v9;
	_ =	sdelay $0x1  }
0xf9: {  	v12 =	vmul.f32 $1.442695020e+00, v12;
	_ =	sdelay $0x1  }
0xfa: {  	(erf) = vpow2.f32 v12;
	_ =	sdelay $0x6  }
0xfb: {  	v40 =	vadd.s32 $0x800, v24  }
0xfc: {  	v41 =	vadd.s32 $0x2800, v24  }
0xfd: {  	v43 =	vadd.s32 $0x5800, v24;
	v42 =	vpop (erf)  }
0xfe: {  	v45 =	vadd.s32 $0x6000, v24;
	v44 =	vmul.f32 v42, v27  }
0xff: {  	v46 =	vadd.s32 $0x6800, v24  }
0x100: {  	[tilespmem:v40+s19+$0x0] =	vst.idx.add.f32.msk $0xffff, v42;
	v47 =	vmul.f32 v44, v20  }
0x101: {  	[tilespmem:v41+s19+$0x0] =	vst.idx.add.f32.msk $0xffff, v44;
	v48 =	vmul.f32 v44, v11  }
0x102: {  	v49 =	vmul.f32 v44, v26;
	[tilespmem:v43+s19+$0x0] =	vst.idx.add.f32.msk $0xffff, v47  }
0x103: {  	[tilespmem:v45+s19+$0x0] =	vst.idx.add.f32.msk $0xffff, v48  }
0x104: {  	v50 =	vmul.f32 v57, v60;
	[tilespmem:v46+s19+$0x0] =	vst.idx.add.f32.msk $0xffff, v49  }
0x105: {  	v12 =	vld.idx.msk [tilespmem:v5+s13+$0x100 ss:$0x1], $0xffff  }
0x106: {  	v10 =	vmul.f32 v15, v10;
	v7 =	vadd.f32 v50, v7;
	_ =	sdelay $0x1  }
0x107: {  	v7 =	vadd.f32 v10, v7;
	_ =	sdelay $0x1  }
0x108: {  	v7 =	vadd.f32 v12, v7;
	_ =	sdelay $0x1  }
0x109: {  	v7 =	vadd.f32 v7, v9;
	_ =	sdelay $0x1  }
0x10a: {  	v7 =	vmul.f32 $1.442695020e+00, v7;
	_ =	sdelay $0x1  }
0x10b: {  	(erf) = vpow2.f32 v7;
	_ =	sdelay $0x6  }
0x10c: {  	v7 =	vadd.s32 $0x1000, v24  }
0x10d: {  	v51 =	vadd.s32 $0x3000, v24  }
0x10e: {  	v53 =	vadd.s32 $0x7000, v24;
	v52 =	vpop (erf)  }
0x10f: {  	v55 =	vadd.s32 $0x7800, v24;
	v54 =	vmul.f32 v52, v27  }
0x110: {  	v56 =	vadd.s32 $0x8000, v24  }
0x111: {  	[tilespmem:v7+s19+$0x0] =	vst.idx.add.f32.msk $0xffff, v52;
	v7 =	vmul.f32 v54, v20  }
0x112: {  	[tilespmem:v51+s19+$0x0] =	vst.idx.add.f32.msk $0xffff, v54;
	v57 =	vmul.f32 v54, v11  }
0x113: {  	[tilespmem:v53+s19+$0x0] =	vst.idx.add.f32.msk $0xffff, v7;
	v7 =	vmul.f32 v54, v26  }
0x114: {  	[tilespmem:v55+s19+$0x0] =	vst.idx.add.f32.msk $0xffff, v57  }
0x115: {  	v8 =	vmul.f32 v8, v63;
	[tilespmem:v56+s19+$0x0] =	vst.idx.add.f32.msk $0xffff, v7  }
0x116: {  	v7 =	vld.idx.msk [tilespmem:v5+s13+$0x180 ss:$0x1], $0xffff  }
0x117: {  	v58 =	vmul.f32 v59, v58;
	v6 =	vadd.f32 v8, v6;
	_ =	sdelay $0x1  }
0x118: {  	v6 =	vadd.f32 v58, v6;
	_ =	sdelay $0x1  }
0x119: {  	v6 =	vadd.f32 v7, v6;
	_ =	sdelay $0x1  }
0x11a: {  	v6 =	vadd.f32 v6, v9;
	_ =	sdelay $0x1  }
0x11b: {  	v6 =	vmul.f32 $1.442695020e+00, v6;
	_ =	sdelay $0x1  }
0x11c: {  	(erf) = vpow2.f32 v6;
	_ =	sdelay $0x6  }
0x11d: {  	v6 =	vadd.s32 $0x1800, v24  }
0x11e: {  	v7 =	vadd.s32 $0x3800, v24  }
0x11f: {  	v60 =	vadd.s32 $0x8800, v24;
	v59 =	vpop (erf)  }
0x120: {  	v62 =	vadd.s32 $0x9000, v24;
	v61 =	vmul.f32 v59, v27  }
0x121: {  	v63 =	vadd.s32 $0x9800, v24  }
.Ltmp2:
0x122: {  	[tilespmem:v6+s19+$0x0] =	vst.idx.add.f32.msk $0xffff, v59;
	v6 =	vmul.f32 v61, v20;
	(pc) =	sbr.rel @p0 .LBB2_5-.Ltmp2, $4  }
0x123: {  	[tilespmem:v7+s19+$0x0] =	vst.idx.add.f32.msk $0xffff, v61;
	v7 =	vmul.f32 v61, v11  }
0x124: {  	[tilespmem:v60+s19+$0x0] =	vst.idx.add.f32.msk $0xffff, v6;
	v6 =	vmul.f32 v61, v26  }
0x125: {  	[tilespmem:v62+s19+$0x0] =	vst.idx.add.f32.msk $0xffff, v7  }
0x126: {  	p1 =	por $0x0, $0x0;
	s13 =	simm.s32 $0x10;
	[tilespmem:v63+s19+$0x0] =	vst.idx.add.f32.msk $0xffff, v6  }
0x127: {  	p0 =	seq.s32 s7, $0x1F  }
.Ltmp3:
0x128: {  	_ = 	snop;
	(pc) =	sbr.rel @p0 .LBB2_10-.Ltmp3, $1  }
0x129: {  	_ =	sdelay $0x3  }
0x12a: {  	v6 =	vld [tilespmem:s12+$0x2840];
	_ =	sdelay $0x7  }
0x12b: {  	v6 =	vld.idx.msk [tilespmem:v6+s2+$0x0], $0xffff;
	_ =	sdelay $0x4  }
0x12c: {  	[tilespmem:$0x6080] =	vst v6  }
0x12d: {  	v6 =	vld [tilespmem:s12+$0x2040];
	_ =	sdelay $0x4  }
0x12e: {  	[tilespmem:$0x6000] =	vst v6  }
0x12f: {  	v6 =	vld [tilespmem:s12+$0x2850];
	_ =	sdelay $0x4  }
0x130: {  	v7 =	vld [tilespmem:$0x6000];
	_ =	sdelay $0x2  }
0x131: {  	v6 =	vld.idx.msk [tilespmem:v6+s2+$0x0], $0xffff;
	_ =	sdelay $0x1  }
0x132: {  	v8 =	vshll.u32 v7, $0x1  }
0x133: {  	v7 =	vand.u32 $0x7, v7;
	v8 =	vand.u32 $0xFFFFFFF0, v8  }
0x134: {  	v7 =	vor.u32 v7, v8  }
0x135: {  	[tilespmem:$0x6090] =	vst v6;
	v6 =	vperm.xlane v7, v2  }
0x136: {  	v63 =	vld [tilespmem:s12+$0x2050]  }
0x137: {  	v7 =	vperm.xlane v7, v4;
	v6 =	vadd.s32 v3, v6;
	_ =	sdelay $0x1  }
0x138: {  	v7 =	vadd.s32 v3, v7;
	_ =	sdelay $0x1  }
0x139: {  	[tilespmem:$0x6010] =	vst v63  }
0x13a: {  	[tilespmem:s30], [sflag:$0x1] =	stream.indirect_vreg.gather [hbm4b:s4+s2], $0x80, v6, vm0, $0xb8;
	[tilespmem:$0x19F80] =	vst v63  }
0x13b: {  	s13 =	simm.s32 $0x6A00  }
0x13c: {  	[tilespmem:s13], [sflag:$0x1] =	stream.indirect_vreg.gather [hbm4b:s4+s2], $0x80, v7, vm0, $0xb8;
	[tilespmem:$0x19F80] =	vst v63  }
0x13d: {  	v6 =	vld [tilespmem:$0x6010];
	_ =	sdelay $0x4  }
0x13e: {  	v7 =	vshll.u32 v6, $0x1  }
0x13f: {  	v6 =	vand.u32 $0x7, v6;
	v7 =	vand.u32 $0xFFFFFFF0, v7  }
0x140: {  	v6 =	vor.u32 v6, v7  }
0x141: {  	v7 =	vperm.xlane v6, v2;
	_ =	sdelay $0x1  }
0x142: {  	v6 =	vperm.xlane v6, v4;
	v7 =	vadd.s32 v3, v7;
	_ =	sdelay $0x1  }
0x143: {  	v6 =	vadd.s32 v3, v6;
	_ =	sdelay $0x1  }
0x144: {  	s14 =	simm.s32 $0x7200  }
0x145: {  	[tilespmem:s14], [sflag:$0x1] =	stream.indirect_vreg.gather [hbm4b:s4+s2], $0x80, v7, vm0, $0xb8;
	[tilespmem:$0x19F80] =	vst v63  }
0x146: {  	s21 =	simm.s32 $0x7A00  }
0x147: {  	[tilespmem:s21], [sflag:$0x1] =	stream.indirect_vreg.gather [hbm4b:s4+s2], $0x80, v6, vm0, $0xb8;
	[tilespmem:$0x19F80] =	vst v63  }
0x148: {  	v6 =	vld [tilespmem:$0x6080];
	_ =	sdelay $0x4  }
0x149: {  	v7 =	vshll.u32 v6, $0x1  }
0x14a: {  	v6 =	vand.u32 $0x7, v6;
	v7 =	vand.u32 $0xFFFFFFF0, v7  }
0x14b: {  	v6 =	vor.u32 v6, v7  }
0x14c: {  	v7 =	vperm.xlane v6, v2;
	_ =	sdelay $0x1  }
0x14d: {  	v6 =	vperm.xlane v6, v4;
	v7 =	vadd.s32 v3, v7;
	_ =	sdelay $0x1  }
0x14e: {  	v6 =	vadd.s32 v3, v6;
	_ =	sdelay $0x2  }
0x14f: {  	[tilespmem:s1], [sflag:$0x1] =	stream.indirect_vreg.gather [hbm4b:s5+s2], $0x80, v7, vm0, $0xb8;
	[tilespmem:$0x19F80] =	vst v63  }
0x150: {  	s13 =	simm.s32 $0x8A00  }
0x151: {  	[tilespmem:s13], [sflag:$0x1] =	stream.indirect_vreg.gather [hbm4b:s5+s2], $0x80, v6, vm0, $0xb8;
	[tilespmem:$0x19F80] =	vst v63  }
0x152: {  	v6 =	vld [tilespmem:$0x6090];
	_ =	sdelay $0x4  }
0x153: {  	v7 =	vshll.u32 v6, $0x1  }
0x154: {  	v6 =	vand.u32 $0x7, v6;
	v7 =	vand.u32 $0xFFFFFFF0, v7  }
0x155: {  	v6 =	vor.u32 v6, v7  }
0x156: {  	v7 =	vperm.xlane v6, v2;
	_ =	sdelay $0x1  }
0x157: {  	v6 =	vperm.xlane v6, v4;
	v7 =	vadd.s32 v3, v7;
	_ =	sdelay $0x1  }
0x158: {  	v6 =	vadd.s32 v3, v6;
	_ =	sdelay $0x1  }
0x159: {  	s14 =	simm.s32 $0x9200  }
0x15a: {  	[tilespmem:s14], [sflag:$0x1] =	stream.indirect_vreg.gather [hbm4b:s5+s2], $0x80, v7, vm0, $0xb8;
	[tilespmem:$0x19F80] =	vst v63  }
0x15b: {  	s21 =	simm.s32 $0x9A00  }
0x15c: {  	[tilespmem:s21], [sflag:$0x1] =	stream.indirect_vreg.gather [hbm4b:s5+s2], $0x80, v6, vm0, $0xb8;
	[tilespmem:$0x19F80] =	vst v63  }
.LBB2_10:
0x15d: {  	_ =	swait.ge [sflag:s20], $0x2000  }
0x15e: {  	[sflag:s20] =	ssyncset.done $0x0  }
0x15f: {  	[sflag:s20] =	ssyncadd.s32 $0xFFFFE000  }
0x160: {  	_ =	swait.ge [sflag:s20], $0x2000  }
0x161: {  	[sflag:s20] =	ssyncset.done $0x0  }
0x162: {  	s12 =	simm.s32 $0x0;
	p1 =	por $0x1, $0x1;
	[sflag:s20] =	ssyncadd.s32 $0xFFFFE000  }
.LBB2_11:
0x163: {  	v6 =	vlaneseq.u32  }
0x164: {  	v7 =	vmov s12;
	v8 =	vmul.u32 $0x100, v6  }
0x165: {  	v7 =	vshll.u32 v7, $0x8;
	v9 =	vand.u32 $0x7, v6  }
0x166: {  	v9 =	vmul.u32 $0x80, v9;
	v7 =	vor.u32 v8, v7  }
0x167: {  	v10 =	vadd.s32 $0x1, v6;
	v12 =	vadd.s32 $0xFFFFFFC1, v6;
	v7 =	vand.u32 $0x1800, v7  }
0x168: {  	vm1 =	vgt.s32 v10, $0x3F;
	v8 =	vor.u32 v9, v7;
	v9 =	vor.u32 $0x400, v9  }
0x169: {  	v9 =	vor.u32 v9, v7;
	v7 =	vsel vm1, v12, v10  }
0x16a: {  	v14 =	vshll.u32 v6, $0x3;
	v10 =	vand.u32 $0x7F, v6;
	v13 =	vadd.s32 $0x40, v7  }
0x16b: {  	v12 =	vadd.s32 $0xC0, v6;
	v6 =	vadd.s32 $0x40, v6;
	v16 =	vshll.u32 v13, $0x3  }
0x16c: {  	v15 =	vshll.u32 v12, $0x3;
	v17 =	vshll.u32 v7, $0x3;
	v16 =	vand.u32 $0xFFFFFC00, v16  }
0x16d: {  	v18 =	vshll.u32 v6, $0x3;
	v13 =	vand.u32 $0x7F, v13;
	v16 =	vadd.s32 v8, v16  }
0x16e: {  	v19 =	vand.u32 $0x7F, v7;
	v17 =	vand.u32 $0xFFFFFC00, v17;
	v13 =	vor.u32 v13, v16  }
0x16f: {  	v6 =	vand.u32 $0x7F, v6;
	v21 =	vand.u32 $0xFFFFFC00, v15;
	v20 =	vadd.s32 v8, v17  }
0x170: {  	v23 =	vor.u32 v19, v20;
	v20 =	vand.u32 $0xFFFFFC00, v14;
	v16 =	vadd.s32 $0xC0, v7  }
0x171: {  	v18 =	vand.u32 $0xFFFFFC00, v18;
	v14 =	vadd.s32 v8, v20;
	v15 =	vshll.u32 v16, $0x3  }
0x172: {  	v17 =	vadd.s32 v9, v17;
	v22 =	vor.u32 v10, v14;
	v25 =	vand.u32 $0xFFFFFC00, v15  }
0x173: {  	v15 =	vor.u32 v19, v17;
	v17 =	vadd.s32 v8, v21;
	v21 =	vadd.s32 v8, v18;
	v14 =	vld.idx.msk [tilespmem:v13+s28+$0x0], $0xffff  }
0x174: {  	v19 =	vadd.s32 v8, v25;
	v25 =	vand.u32 $0x7F, v16;
	v16 =	vld.idx.msk [tilespmem:v13+s11+$0x0], $0xffff;
	v13 =	vadd.s32 v9, v20  }
0x175: {  	v18 =	vor.u32 v10, v13;
	v13 =	vor.u32 v6, v21  }
0x176: {  	v24 =	vadd.s32 $0xFFFFFFC1, v7;
	v7 =	vadd.s32 $0x1, v7;
	v20 =	vld.idx.msk [tilespmem:v23+s28+$0x0], $0xffff  }
0x177: {  	v11 =	vimm.f32 $0.0e+00;
	v12 =	vand.u32 $0x7F, v12;
	vm1 =	vgt.s32 v7, $0x3F;
	v21 =	vld.idx.msk [tilespmem:v23+s11+$0x0], $0xffff  }
0x178: {  	v24 =	vsel vm1, v24, v7;
	v7 =	vimm.f32 $0.0e+00;
	v17 =	vor.u32 v12, v17;
	v23 =	vld.idx.msk [tilespmem:v22+s11+$0x0], $0xffff  }
0x179: {  	p0 =	por p1, p1;
	s13 =	simm.s32 $0x1F;
	v12 =	vimm.f32 $0.0e+00;
	v19 =	vor.u32 v25, v19;
	v6 =	vimm.f32 $0.0e+00;
	v10 =	vld.idx.msk [tilespmem:v15+s28+$0x0], $0xffff  }
.LBB2_12:
0x17a: {  	v25 =	vand.u32 $0x7F, v24;
	v26 =	vshll.u32 v24, $0x3;
	v27 =	vadd.s32 $0xC0, v24;
	p1 =	sne.s32 s13, $0x1;
	s13 =	sadd.s32 $0xFFFFFFFF, s13;
	v28 =	vld.idx.msk [tilespmem:v13+s28+$0x0], $0xffff  }
0x17b: {  	v30 =	vadd.s32 $0x1, v24;
	v31 =	vadd.s32 $0xFFFFFFC1, v24;
	v29 =	vshll.u32 v27, $0x3;
	v22 =	vld.idx.msk [tilespmem:v22+s28+$0x0], $0xffff  }
0x17c: {  	v24 =	vadd.s32 $0x40, v24;
	v27 =	vand.u32 $0x7F, v27;
	vm1 =	vgt.s32 v30, $0x3F;
	v32 =	vld.idx.msk [tilespmem:v18+s11+$0x0], $0xffff  }
0x17d: {  	v34 =	vmul.f32 v16, v14;
	v33 =	vshll.u32 v24, $0x3;
	v30 =	vsel vm1, v31, v30;
	v31 =	vld.idx.msk [tilespmem:v17+s11+$0x0], $0xffff  }
0x17e: {  	v14 =	vand.u32 $0xFFFFFC00, v29;
	v16 =	vadd.s32 $0x40, v30;
	v29 =	vadd.s32 $0xC0, v30;
	v35 =	vld.idx.msk [tilespmem:v19+s28+$0x0], $0xffff  }
0x17f: {  	v38 =	vadd.s32 $0xFFFFFFC1, v30;
	v36 =	vshll.u32 v16, $0x3;
	v37 =	vshll.u32 v29, $0x3;
	v15 =	vld.idx.msk [tilespmem:v15+s11+$0x0], $0xffff  }
0x180: {  	v21 =	vmul.f32 v21, v20;
	v36 =	vand.u32 $0xFFFFFC00, v36;
	v37 =	vand.u32 $0xFFFFFC00, v37;
	v19 =	vld.idx.msk [tilespmem:v19+s11+$0x0], $0xffff  }
0x181: {  	v39 =	vadd.s32 v8, v14;
	v14 =	vadd.s32 v8, v36;
	v20 =	vadd.s32 v8, v37;
	v18 =	vld.idx.msk [tilespmem:v18+s28+$0x0], $0xffff  }
0x182: {  	v16 =	vand.u32 $0x7F, v16;
	v29 =	vand.u32 $0x7F, v29;
	v36 =	vand.u32 $0x7F, v30  }
0x183: {  	v33 =	vand.u32 $0xFFFFFC00, v33;
	v37 =	vshll.u32 v30, $0x3;
	v22 =	vmul.f32 v23, v22;
	v13 =	vld.idx.msk [tilespmem:v13+s11+$0x0], $0xffff  }
0x184: {  	v23 =	vadd.s32 v8, v33;
	v33 =	vand.u32 $0xFFFFFC00, v37;
	v16 =	vor.u32 v16, v14;
	v17 =	vld.idx.msk [tilespmem:v17+s28+$0x0], $0xffff  }
0x185: {  	v24 =	vand.u32 $0x7F, v24;
	v14 =	vadd.s32 v8, v33;
	v37 =	vmul.f32 v15, v10  }
0x186: {  	v10 =	vor.u32 v36, v14;
	v14 =	vadd.s32 v9, v33;
	v33 =	vmul.f32 v19, v35  }
0x187: {  	v19 =	vand.u32 $0xFFFFFC00, v26;
	v15 =	vor.u32 v36, v14;
	v26 =	vmul.f32 v32, v18  }
0x188: {  	v11 =	vadd.f32 v22, v11;
	v14 =	vadd.s32 v8, v19;
	v18 =	vadd.s32 v9, v19  }
0x189: {  	v22 =	vor.u32 v25, v14;
	v18 =	vor.u32 v25, v18;
	v25 =	vmul.f32 v13, v28;
	v14 =	vld.idx.msk [tilespmem:v16+s28+$0x0], $0xffff  }
.Ltmp4:
0x18a: {  	v19 =	vor.u32 v29, v20;
	v13 =	vor.u32 v24, v23;
	v17 =	vmul.f32 v31, v17;
	v16 =	vld.idx.msk [tilespmem:v16+s11+$0x0], $0xffff;
	(pc) =	sbr.rel @p1 .LBB2_12-.Ltmp4, $4  }
0x18b: {  	v11 =	vadd.f32 v21, v11;
	v23 =	vadd.s32 $0x1, v30;
	v12 =	vadd.f32 v25, v12;
	v20 =	vld.idx.msk [tilespmem:v10+s28+$0x0], $0xffff  }
0x18c: {  	v7 =	vadd.f32 v26, v7;
	vm1 =	vgt.s32 v23, $0x3F;
	v6 =	vadd.f32 v17, v6;
	v21 =	vld.idx.msk [tilespmem:v10+s11+$0x0], $0xffff  }
0x18d: {  	v24 =	vsel vm1, v38, v23;
	v17 =	vor.u32 v27, v39;
	v12 =	vadd.f32 v34, v12;
	v10 =	vld.idx.msk [tilespmem:v15+s28+$0x0], $0xffff  }
0x18e: {  	v7 =	vadd.f32 v37, v7;
	v6 =	vadd.f32 v33, v6;
	v23 =	vld.idx.msk [tilespmem:v22+s11+$0x0], $0xffff  }
0x18f: {  	_ =	sdelay $0x3  }
0x190: {  	v8 =	vld.idx.msk [tilespmem:v22+s28+$0x0], $0xffff;
	_ =	sdelay $0x2  }
0x191: {  	s13 =	sor.u32 s9, s12  }
0x192: {  	v9 =	vld [tilespmem:s13+$0x3800]  }
0x193: {  	s12 =	sand.u32 $0x70, s13;
	v8 =	vmul.f32 v23, v8  }
0x194: {  	v53 =	vld.idx.msk [tilespmem:v5+s12+$0x0 ss:$0x1], $0xffff  }
0x195: {  	v20 =	vmul.f32 v21, v20;
	v8 =	vadd.f32 v8, v11;
	_ =	sdelay $0x1  }
0x196: {  	v9 =	vadd.f32 $-1.000000000e+00, v9;
	v8 =	vadd.f32 v20, v8;
	_ =	sdelay $0x1  }
0x197: {  	v54 =	vld [tilespmem:s13+$0x3000];
	v9 =	vmul.f32 $1.000000000e+09, v9;
	v8 =	vadd.f32 v53, v8;
	_ =	sdelay $0x1  }
0x198: {  	v55 =	vld [tilespmem:s13+$0x2800];
	v8 =	vadd.f32 v8, v9;
	_ =	sdelay $0x1  }
0x199: {  	v8 =	vmul.f32 $1.442695020e+00, v8  }
0x19a: {  	v56 =	vld.idx.msk [tilespmem:v13+s28+$0x0], $0xffff;
	(erf) = vrcp.f32 v54  }
0x19b: {  	v57 =	vld.idx.msk [tilespmem:v18+s11+$0x0], $0xffff;
	(erf) = vpow2.f32 v8  }
0x19c: {  	v58 =	vld.idx.msk [tilespmem:v19+s28+$0x0], $0xffff;
	v20 =	vmul.u32 $0x3, v55  }
0x19d: {  	v15 =	vld.idx.msk [tilespmem:v15+s11+$0x0], $0xffff  }
0x19e: {  	v24 =	vld [tilespmem:s13+$0x2000];
	v25 =	vadd.s32 $0x1, v20  }
0x19f: {  	v59 =	vld.idx.msk [tilespmem:v19+s11+$0x0], $0xffff;
	v26 =	vadd.s32 $0x2, v20  }
0x1a0: {  	v60 =	vld.idx.msk [tilespmem:v18+s28+$0x0], $0xffff  }
0x1a1: {  	v62 =	vld.idx.msk [tilespmem:v13+s11+$0x0], $0xffff  }
0x1a2: {  	v20 =	vld.idx.msk [tilespmem:v20+s23+$0x0], $0xffff  }
0x1a3: {  	vm1 =	veq.f32 v54, $0.0e+00;
	v61 =	vadd.s32 $0x2000, v24;
	v27 =	vpop (erf);
	v11 =	vld.idx.msk [tilespmem:v25+s23+$0x0], $0xffff  }
0x1a4: {  	v29 =	vadd.s32 $0x4000, v24;
	v27 =	vsel vm1, $0x0, v27;
	v26 =	vld.idx.msk [tilespmem:v26+s23+$0x0], $0xffff;
	v28 =	vpop (erf)  }
0x1a5: {  	v63 =	vld.idx.msk [tilespmem:v17+s28+$0x0], $0xffff;
	v31 =	vadd.s32 $0x4800, v24;
	v30 =	vmul.f32 v28, v27  }
0x1a6: {  	v32 =	vadd.s32 $0x5000, v24;
	v8 =	vld.idx.msk [tilespmem:v17+s11+$0x0], $0xffff  }
0x1a7: {  	[tilespmem:v24+s19+$0x0] =	vst.idx.add.f32.msk $0xffff, v28;
	v36 =	vmul.f32 v30, v20  }
0x1a8: {  	[tilespmem:v61+s19+$0x0] =	vst.idx.add.f32.msk $0xffff, v30;
	v37 =	vmul.f32 v30, v11  }
0x1a9: {  	v38 =	vmul.f32 v30, v26;
	[tilespmem:v29+s19+$0x0] =	vst.idx.add.f32.msk $0xffff, v36  }
0x1aa: {  	[tilespmem:v31+s19+$0x0] =	vst.idx.add.f32.msk $0xffff, v37  }
0x1ab: {  	v13 =	vmul.f32 v62, v56;
	[tilespmem:v32+s19+$0x0] =	vst.idx.add.f32.msk $0xffff, v38  }
0x1ac: {  	v39 =	vld.idx.msk [tilespmem:v5+s12+$0x80 ss:$0x1], $0xffff  }
0x1ad: {  	v14 =	vmul.f32 v16, v14;
	v12 =	vadd.f32 v13, v12;
	_ =	sdelay $0x1  }
0x1ae: {  	v12 =	vadd.f32 v14, v12;
	_ =	sdelay $0x1  }
0x1af: {  	v12 =	vadd.f32 v39, v12;
	_ =	sdelay $0x1  }
0x1b0: {  	v12 =	vadd.f32 v12, v9;
	_ =	sdelay $0x1  }
0x1b1: {  	v12 =	vmul.f32 $1.442695020e+00, v12;
	_ =	sdelay $0x1  }
0x1b2: {  	(erf) = vpow2.f32 v12;
	_ =	sdelay $0x6  }
0x1b3: {  	v40 =	vadd.s32 $0x800, v24  }
0x1b4: {  	v41 =	vadd.s32 $0x2800, v24  }
0x1b5: {  	v43 =	vadd.s32 $0x5800, v24;
	v42 =	vpop (erf)  }
0x1b6: {  	v45 =	vadd.s32 $0x6000, v24;
	v44 =	vmul.f32 v42, v27  }
0x1b7: {  	v46 =	vadd.s32 $0x6800, v24  }
0x1b8: {  	[tilespmem:v40+s19+$0x0] =	vst.idx.add.f32.msk $0xffff, v42;
	v47 =	vmul.f32 v44, v20  }
0x1b9: {  	[tilespmem:v41+s19+$0x0] =	vst.idx.add.f32.msk $0xffff, v44;
	v48 =	vmul.f32 v44, v11  }
0x1ba: {  	v49 =	vmul.f32 v44, v26;
	[tilespmem:v43+s19+$0x0] =	vst.idx.add.f32.msk $0xffff, v47  }
0x1bb: {  	[tilespmem:v45+s19+$0x0] =	vst.idx.add.f32.msk $0xffff, v48  }
0x1bc: {  	v50 =	vmul.f32 v57, v60;
	[tilespmem:v46+s19+$0x0] =	vst.idx.add.f32.msk $0xffff, v49  }
0x1bd: {  	v12 =	vld.idx.msk [tilespmem:v5+s12+$0x100 ss:$0x1], $0xffff  }
0x1be: {  	v10 =	vmul.f32 v15, v10;
	v7 =	vadd.f32 v50, v7;
	_ =	sdelay $0x1  }
0x1bf: {  	v7 =	vadd.f32 v10, v7;
	_ =	sdelay $0x1  }
0x1c0: {  	v7 =	vadd.f32 v12, v7;
	_ =	sdelay $0x1  }
0x1c1: {  	v7 =	vadd.f32 v7, v9;
	_ =	sdelay $0x1  }
0x1c2: {  	v7 =	vmul.f32 $1.442695020e+00, v7;
	_ =	sdelay $0x1  }
0x1c3: {  	(erf) = vpow2.f32 v7;
	_ =	sdelay $0x6  }
0x1c4: {  	v7 =	vadd.s32 $0x1000, v24  }
0x1c5: {  	v51 =	vadd.s32 $0x3000, v24  }
0x1c6: {  	v53 =	vadd.s32 $0x7000, v24;
	v52 =	vpop (erf)  }
0x1c7: {  	v55 =	vadd.s32 $0x7800, v24;
	v54 =	vmul.f32 v52, v27  }
0x1c8: {  	v56 =	vadd.s32 $0x8000, v24  }
0x1c9: {  	[tilespmem:v7+s19+$0x0] =	vst.idx.add.f32.msk $0xffff, v52;
	v7 =	vmul.f32 v54, v20  }
0x1ca: {  	[tilespmem:v51+s19+$0x0] =	vst.idx.add.f32.msk $0xffff, v54;
	v57 =	vmul.f32 v54, v11  }
0x1cb: {  	[tilespmem:v53+s19+$0x0] =	vst.idx.add.f32.msk $0xffff, v7;
	v7 =	vmul.f32 v54, v26  }
0x1cc: {  	[tilespmem:v55+s19+$0x0] =	vst.idx.add.f32.msk $0xffff, v57  }
0x1cd: {  	v8 =	vmul.f32 v8, v63;
	[tilespmem:v56+s19+$0x0] =	vst.idx.add.f32.msk $0xffff, v7  }
0x1ce: {  	v7 =	vld.idx.msk [tilespmem:v5+s12+$0x180 ss:$0x1], $0xffff  }
0x1cf: {  	v58 =	vmul.f32 v59, v58;
	v6 =	vadd.f32 v8, v6;
	_ =	sdelay $0x1  }
0x1d0: {  	v6 =	vadd.f32 v58, v6;
	_ =	sdelay $0x1  }
0x1d1: {  	v6 =	vadd.f32 v7, v6;
	_ =	sdelay $0x1  }
0x1d2: {  	v6 =	vadd.f32 v6, v9;
	_ =	sdelay $0x1  }
0x1d3: {  	v6 =	vmul.f32 $1.442695020e+00, v6;
	_ =	sdelay $0x1  }
0x1d4: {  	(erf) = vpow2.f32 v6;
	_ =	sdelay $0x6  }
0x1d5: {  	v6 =	vadd.s32 $0x1800, v24  }
0x1d6: {  	v7 =	vadd.s32 $0x3800, v24  }
0x1d7: {  	v60 =	vadd.s32 $0x8800, v24;
	v59 =	vpop (erf)  }
0x1d8: {  	v62 =	vadd.s32 $0x9000, v24;
	v61 =	vmul.f32 v59, v27  }
0x1d9: {  	v63 =	vadd.s32 $0x9800, v24  }
.Ltmp5:
0x1da: {  	[tilespmem:v6+s19+$0x0] =	vst.idx.add.f32.msk $0xffff, v59;
	v6 =	vmul.f32 v61, v20;
	(pc) =	sbr.rel @p0 .LBB2_11-.Ltmp5, $4  }
0x1db: {  	[tilespmem:v7+s19+$0x0] =	vst.idx.add.f32.msk $0xffff, v61;
	v7 =	vmul.f32 v61, v11  }
0x1dc: {  	[tilespmem:v60+s19+$0x0] =	vst.idx.add.f32.msk $0xffff, v6;
	v6 =	vmul.f32 v61, v26  }
0x1dd: {  	[tilespmem:v62+s19+$0x0] =	vst.idx.add.f32.msk $0xffff, v7  }
0x1de: {  	p1 =	por $0x0, $0x0;
	s12 =	simm.s32 $0x10;
	[tilespmem:v63+s19+$0x0] =	vst.idx.add.f32.msk $0xffff, v6  }
0x1df: {  	s7 =	sadd.s32 $0x1, s7  }
0x1e0: {  	p0 =	sne.s32 s7, $0x20  }
.Ltmp6:
0x1e1: {  	_ = 	snop;
	(pc) =	sbr.rel @p0 .LBB2_4-.Ltmp6, $1  }
0x1e2: {  	_ =	sdelay $0x3  }
0x1e3: {  	s7 =	rddreg [dreg:$0xa]  }
0x1e4: {  	s9 =	simm.s32 $0x80;
	s12 =	simm.s32 $0x400;
	s29 =	simm.s32 $0x3  }
0x1e5: {  	[hbm4b:s7+s9] =	stream.strided.scatter [tilespmem:s19], [sflag:$0x3], $0xA000, s12, s9, $0x38;
	[tilespmem:$0x19F80] =	vst v63  }
0x1e6: {  	_ =	swait.ge [sflag:s29], $0xA000  }
0x1e7: {  	[sflag:s29] =	ssyncset.done $0x0  }
0x1e8: {  	[sflag:s29] =	ssyncadd.s32 $0xFFFF6000  }
0x1e9: {  	[bflag:$0x0] =	sbarrier.arrive $0xFFFF  }
0x1ea: {  	[tilespmem:$0x18C00] =	vst v1  }
0x1eb: {  	[tilespmem:$0x18C10] =	vst v1  }
0x1ec: {  	[tilespmem:$0x18C20] =	vst v1  }
0x1ed: {  	[tilespmem:$0x18C30] =	vst v1  }
0x1ee: {  	[tilespmem:$0x18C40] =	vst v1  }
0x1ef: {  	[tilespmem:$0x18C50] =	vst v1  }
0x1f0: {  	[tilespmem:$0x18C60] =	vst v1  }
0x1f1: {  	[tilespmem:$0x18C70] =	vst v1  }
0x1f2: {  	[tilespmem:$0x18C80] =	vst v1  }
0x1f3: {  	[tilespmem:$0x18C90] =	vst v1  }
0x1f4: {  	[tilespmem:$0x18CA0] =	vst v1  }
0x1f5: {  	[tilespmem:$0x18CB0] =	vst v1  }
0x1f6: {  	[tilespmem:$0x18CC0] =	vst v1  }
0x1f7: {  	[tilespmem:$0x18CD0] =	vst v1  }
0x1f8: {  	[tilespmem:$0x18CE0] =	vst v1  }
0x1f9: {  	[tilespmem:$0x18CF0] =	vst v1  }
0x1fa: {  	[tilespmem:$0x18D00] =	vst v1  }
0x1fb: {  	[tilespmem:$0x18D10] =	vst v1  }
0x1fc: {  	[tilespmem:$0x18D20] =	vst v1  }
0x1fd: {  	[tilespmem:$0x18D30] =	vst v1  }
0x1fe: {  	[tilespmem:$0x18D40] =	vst v1  }
0x1ff: {  	[tilespmem:$0x18D50] =	vst v1  }
0x200: {  	[tilespmem:$0x18D60] =	vst v1  }
0x201: {  	[tilespmem:$0x18D70] =	vst v1  }
0x202: {  	[tilespmem:$0x18D80] =	vst v1  }
0x203: {  	[tilespmem:$0x18D90] =	vst v1  }
0x204: {  	[tilespmem:$0x18DA0] =	vst v1  }
0x205: {  	[tilespmem:$0x18DB0] =	vst v1  }
0x206: {  	[tilespmem:$0x18DC0] =	vst v1  }
0x207: {  	[tilespmem:$0x18DD0] =	vst v1  }
0x208: {  	[tilespmem:$0x18DE0] =	vst v1  }
0x209: {  	[tilespmem:$0x18DF0] =	vst v1  }
0x20a: {  	[tilespmem:$0x18E00] =	vst v1  }
0x20b: {  	[tilespmem:$0x18E10] =	vst v1  }
0x20c: {  	[tilespmem:$0x18E20] =	vst v1  }
0x20d: {  	[tilespmem:$0x18E30] =	vst v1  }
0x20e: {  	[tilespmem:$0x18E40] =	vst v1  }
0x20f: {  	[tilespmem:$0x18E50] =	vst v1  }
0x210: {  	[tilespmem:$0x18E60] =	vst v1  }
0x211: {  	[tilespmem:$0x18E70] =	vst v1  }
0x212: {  	[tilespmem:$0x18E80] =	vst v1  }
0x213: {  	[tilespmem:$0x18E90] =	vst v1  }
0x214: {  	[tilespmem:$0x18EA0] =	vst v1  }
0x215: {  	[tilespmem:$0x18EB0] =	vst v1  }
0x216: {  	[tilespmem:$0x18EC0] =	vst v1  }
0x217: {  	[tilespmem:$0x18ED0] =	vst v1  }
0x218: {  	[tilespmem:$0x18EE0] =	vst v1  }
0x219: {  	[tilespmem:$0x18EF0] =	vst v1  }
0x21a: {  	[tilespmem:$0x18F00] =	vst v1  }
0x21b: {  	[tilespmem:$0x18F10] =	vst v1  }
0x21c: {  	[tilespmem:$0x18F20] =	vst v1  }
0x21d: {  	[tilespmem:$0x18F30] =	vst v1  }
0x21e: {  	[tilespmem:$0x18F40] =	vst v1  }
0x21f: {  	[tilespmem:$0x18F50] =	vst v1  }
0x220: {  	[tilespmem:$0x18F60] =	vst v1  }
0x221: {  	[tilespmem:$0x18F70] =	vst v1  }
0x222: {  	[tilespmem:$0x18F80] =	vst v1  }
0x223: {  	[tilespmem:$0x18F90] =	vst v1  }
0x224: {  	[tilespmem:$0x18FA0] =	vst v1  }
0x225: {  	[tilespmem:$0x18FB0] =	vst v1  }
0x226: {  	[tilespmem:$0x18FC0] =	vst v1  }
0x227: {  	[tilespmem:$0x18FD0] =	vst v1  }
0x228: {  	[tilespmem:$0x18FE0] =	vst v1  }
0x229: {  	[tilespmem:$0x18FF0] =	vst v1  }
0x22a: {  	[tilespmem:$0x19000] =	vst v1  }
0x22b: {  	[tilespmem:$0x19010] =	vst v1  }
0x22c: {  	[tilespmem:$0x19020] =	vst v1  }
0x22d: {  	[tilespmem:$0x19030] =	vst v1  }
0x22e: {  	[tilespmem:$0x19040] =	vst v1  }
0x22f: {  	[tilespmem:$0x19050] =	vst v1  }
0x230: {  	[tilespmem:$0x19060] =	vst v1  }
0x231: {  	[tilespmem:$0x19070] =	vst v1  }
0x232: {  	[tilespmem:$0x19080] =	vst v1  }
0x233: {  	[tilespmem:$0x19090] =	vst v1  }
0x234: {  	[tilespmem:$0x190A0] =	vst v1  }
0x235: {  	[tilespmem:$0x190B0] =	vst v1  }
0x236: {  	[tilespmem:$0x190C0] =	vst v1  }
0x237: {  	[tilespmem:$0x190D0] =	vst v1  }
0x238: {  	[tilespmem:$0x190E0] =	vst v1  }
0x239: {  	[tilespmem:$0x190F0] =	vst v1  }
0x23a: {  	[tilespmem:$0x19100] =	vst v1  }
0x23b: {  	[tilespmem:$0x19110] =	vst v1  }
0x23c: {  	[tilespmem:$0x19120] =	vst v1  }
0x23d: {  	[tilespmem:$0x19130] =	vst v1  }
0x23e: {  	[tilespmem:$0x19140] =	vst v1  }
0x23f: {  	[tilespmem:$0x19150] =	vst v1  }
0x240: {  	[tilespmem:$0x19160] =	vst v1  }
0x241: {  	[tilespmem:$0x19170] =	vst v1  }
0x242: {  	[tilespmem:$0x19180] =	vst v1  }
0x243: {  	[tilespmem:$0x19190] =	vst v1  }
0x244: {  	[tilespmem:$0x191A0] =	vst v1  }
0x245: {  	[tilespmem:$0x191B0] =	vst v1  }
0x246: {  	[tilespmem:$0x191C0] =	vst v1  }
0x247: {  	[tilespmem:$0x191D0] =	vst v1  }
0x248: {  	[tilespmem:$0x191E0] =	vst v1  }
0x249: {  	[tilespmem:$0x191F0] =	vst v1  }
0x24a: {  	[tilespmem:$0x19200] =	vst v1  }
0x24b: {  	[tilespmem:$0x19210] =	vst v1  }
0x24c: {  	[tilespmem:$0x19220] =	vst v1  }
0x24d: {  	[tilespmem:$0x19230] =	vst v1  }
0x24e: {  	[tilespmem:$0x19240] =	vst v1  }
0x24f: {  	[tilespmem:$0x19250] =	vst v1  }
0x250: {  	[tilespmem:$0x19260] =	vst v1  }
0x251: {  	[tilespmem:$0x19270] =	vst v1  }
0x252: {  	[tilespmem:$0x19280] =	vst v1  }
0x253: {  	[tilespmem:$0x19290] =	vst v1  }
0x254: {  	[tilespmem:$0x192A0] =	vst v1  }
0x255: {  	[tilespmem:$0x192B0] =	vst v1  }
0x256: {  	[tilespmem:$0x192C0] =	vst v1  }
0x257: {  	[tilespmem:$0x192D0] =	vst v1  }
0x258: {  	[tilespmem:$0x192E0] =	vst v1  }
0x259: {  	[tilespmem:$0x192F0] =	vst v1  }
0x25a: {  	[tilespmem:$0x19300] =	vst v1  }
0x25b: {  	[tilespmem:$0x19310] =	vst v1  }
0x25c: {  	[tilespmem:$0x19320] =	vst v1  }
0x25d: {  	[tilespmem:$0x19330] =	vst v1  }
0x25e: {  	[tilespmem:$0x19340] =	vst v1  }
0x25f: {  	[tilespmem:$0x19350] =	vst v1  }
0x260: {  	[tilespmem:$0x19360] =	vst v1  }
0x261: {  	[tilespmem:$0x19370] =	vst v1  }
0x262: {  	[tilespmem:$0x19380] =	vst v1  }
0x263: {  	[tilespmem:$0x19390] =	vst v1  }
0x264: {  	[tilespmem:$0x193A0] =	vst v1  }
0x265: {  	[tilespmem:$0x193B0] =	vst v1  }
0x266: {  	[tilespmem:$0x193C0] =	vst v1  }
0x267: {  	[tilespmem:$0x193D0] =	vst v1  }
0x268: {  	[tilespmem:$0x193E0] =	vst v1  }
0x269: {  	[tilespmem:$0x193F0] =	vst v1  }
0x26a: {  	[tilespmem:$0x19400] =	vst v1  }
0x26b: {  	[tilespmem:$0x19410] =	vst v1  }
0x26c: {  	[tilespmem:$0x19420] =	vst v1  }
0x26d: {  	[tilespmem:$0x19430] =	vst v1  }
0x26e: {  	[tilespmem:$0x19440] =	vst v1  }
0x26f: {  	[tilespmem:$0x19450] =	vst v1  }
0x270: {  	[tilespmem:$0x19460] =	vst v1  }
0x271: {  	[tilespmem:$0x19470] =	vst v1  }
0x272: {  	[tilespmem:$0x19480] =	vst v1  }
0x273: {  	[tilespmem:$0x19490] =	vst v1  }
0x274: {  	[tilespmem:$0x194A0] =	vst v1  }
0x275: {  	[tilespmem:$0x194B0] =	vst v1  }
0x276: {  	[tilespmem:$0x194C0] =	vst v1  }
0x277: {  	[tilespmem:$0x194D0] =	vst v1  }
0x278: {  	[tilespmem:$0x194E0] =	vst v1  }
0x279: {  	[tilespmem:$0x194F0] =	vst v1  }
0x27a: {  	[tilespmem:$0x19500] =	vst v1  }
0x27b: {  	[tilespmem:$0x19510] =	vst v1  }
0x27c: {  	[tilespmem:$0x19520] =	vst v1  }
0x27d: {  	[tilespmem:$0x19530] =	vst v1  }
0x27e: {  	[tilespmem:$0x19540] =	vst v1  }
0x27f: {  	[tilespmem:$0x19550] =	vst v1  }
0x280: {  	[tilespmem:$0x19560] =	vst v1  }
0x281: {  	[tilespmem:$0x19570] =	vst v1  }
0x282: {  	[tilespmem:$0x19580] =	vst v1  }
0x283: {  	[tilespmem:$0x19590] =	vst v1  }
0x284: {  	[tilespmem:$0x195A0] =	vst v1  }
0x285: {  	[tilespmem:$0x195B0] =	vst v1  }
0x286: {  	[tilespmem:$0x195C0] =	vst v1  }
0x287: {  	[tilespmem:$0x195D0] =	vst v1  }
0x288: {  	[tilespmem:$0x195E0] =	vst v1  }
0x289: {  	s7 =	simm.s32 $0x0;
	[tilespmem:$0x195F0] =	vst v1  }
.LBB2_16:
0x28a: {  	s9 =	sshrl.u32 s7, $0x3  }
0x28b: {  	s12 =	sshll.u32 s7, $0x7;
	s9 =	smul.u32 $0x50000, s9  }
0x28c: {  	s12 =	sand.u32 $0x380, s12  }
0x28d: {  	s13 =	sor.u32 s6, s12;
	s9 =	sadd.s32 s10, s9  }
0x28e: {  	s14 =	sor.u32 s9, s13  }
0x28f: {  	s14 =	sshrl.u32 s14, $0x3  }
0x290: {  	s21 =	simm.s32 $0x18200;
	s14 =	sadd.s32 s8, s14  }
0x291: {  	[tilespmem:s21], [sflag:$0x1] =	stream.linear.gather [hbm4b:s14+s2], $0x80, $0x38;
	[tilespmem:$0x19F80] =	vst v63  }
0x292: {  	s21 =	sor.u32 s16, s12  }
0x293: {  	s14 =	sor.u32 s9, s21  }
0x294: {  	s14 =	sshrl.u32 s14, $0x3  }
0x295: {  	s21 =	simm.s32 $0x18280;
	s14 =	sadd.s32 s8, s14  }
0x296: {  	[tilespmem:s21], [sflag:$0x1] =	stream.linear.gather [hbm4b:s14+s2], $0x80, $0x38;
	[tilespmem:$0x19F80] =	vst v63  }
0x297: {  	s21 =	sor.u32 s17, s12  }
0x298: {  	s12 =	sor.u32 s18, s12;
	s14 =	sor.u32 s9, s21  }
0x299: {  	s21 =	simm.s32 $0x18300;
	s12 =	sor.u32 s9, s12;
	s14 =	sshrl.u32 s14, $0x3  }
0x29a: {  	s9 =	sadd.s32 s13, s9;
	s12 =	sshrl.u32 s12, $0x3;
	s14 =	sadd.s32 s8, s14  }
0x29b: {  	[tilespmem:s21], [sflag:$0x1] =	stream.linear.gather [hbm4b:s14+s2], $0x80, $0x38;
	[tilespmem:$0x19F80] =	vst v63  }
0x29c: {  	s12 =	sadd.s32 s8, s12;
	s21 =	simm.s32 $0x18380;
	s14 =	sadd.s32 $0x10000, s9  }
0x29d: {  	[tilespmem:s21], [sflag:$0x1] =	stream.linear.gather [hbm4b:s12+s2], $0x80, $0x38;
	[tilespmem:$0x19F80] =	vst v63  }
0x29e: {  	s12 =	sshrl.u32 s14, $0x3  }
0x29f: {  	s21 =	simm.s32 $0x18400;
	s14 =	sadd.s32 $0x14000, s9;
	s12 =	sadd.s32 s8, s12  }
0x2a0: {  	[tilespmem:s21], [sflag:$0x1] =	stream.linear.gather [hbm4b:s12+s2], $0x80, $0x38;
	[tilespmem:$0x19F80] =	vst v63  }
0x2a1: {  	s12 =	sshrl.u32 s14, $0x3  }
0x2a2: {  	s21 =	simm.s32 $0x18480;
	s14 =	sadd.s32 $0x18000, s9;
	s12 =	sadd.s32 s8, s12  }
0x2a3: {  	[tilespmem:s21], [sflag:$0x1] =	stream.linear.gather [hbm4b:s12+s2], $0x80, $0x38;
	[tilespmem:$0x19F80] =	vst v63  }
0x2a4: {  	s12 =	sshrl.u32 s14, $0x3  }
0x2a5: {  	s21 =	simm.s32 $0x18500;
	s14 =	sadd.s32 $0x1C000, s9;
	s12 =	sadd.s32 s8, s12  }
0x2a6: {  	[tilespmem:s21], [sflag:$0x1] =	stream.linear.gather [hbm4b:s12+s2], $0x80, $0x38;
	[tilespmem:$0x19F80] =	vst v63  }
0x2a7: {  	s12 =	sshrl.u32 s14, $0x3  }
0x2a8: {  	s21 =	simm.s32 $0x18580;
	s14 =	sadd.s32 $0x20000, s9;
	s12 =	sadd.s32 s8, s12  }
0x2a9: {  	[tilespmem:s21], [sflag:$0x1] =	stream.linear.gather [hbm4b:s12+s2], $0x80, $0x38;
	[tilespmem:$0x19F80] =	vst v63  }
0x2aa: {  	s12 =	sshrl.u32 s14, $0x3  }
0x2ab: {  	s21 =	simm.s32 $0x18600;
	s14 =	sadd.s32 $0x24000, s9;
	s12 =	sadd.s32 s8, s12  }
0x2ac: {  	[tilespmem:s21], [sflag:$0x1] =	stream.linear.gather [hbm4b:s12+s2], $0x80, $0x38;
	[tilespmem:$0x19F80] =	vst v63  }
0x2ad: {  	s12 =	sshrl.u32 s14, $0x3  }
0x2ae: {  	s21 =	simm.s32 $0x18680;
	s14 =	sadd.s32 $0x28000, s9;
	s12 =	sadd.s32 s8, s12  }
0x2af: {  	[tilespmem:s21], [sflag:$0x1] =	stream.linear.gather [hbm4b:s12+s2], $0x80, $0x38;
	[tilespmem:$0x19F80] =	vst v63  }
0x2b0: {  	s12 =	sshrl.u32 s14, $0x3  }
0x2b1: {  	s21 =	simm.s32 $0x18700;
	s14 =	sadd.s32 $0x2C000, s9;
	s12 =	sadd.s32 s8, s12  }
0x2b2: {  	[tilespmem:s21], [sflag:$0x1] =	stream.linear.gather [hbm4b:s12+s2], $0x80, $0x38;
	[tilespmem:$0x19F80] =	vst v63  }
0x2b3: {  	s12 =	sshrl.u32 s14, $0x3  }
0x2b4: {  	s21 =	simm.s32 $0x18780;
	s14 =	sadd.s32 $0x30000, s9;
	s12 =	sadd.s32 s8, s12  }
0x2b5: {  	[tilespmem:s21], [sflag:$0x1] =	stream.linear.gather [hbm4b:s12+s2], $0x80, $0x38;
	[tilespmem:$0x19F80] =	vst v63  }
0x2b6: {  	s12 =	sshrl.u32 s14, $0x3  }
0x2b7: {  	s21 =	simm.s32 $0x18800;
	s14 =	sadd.s32 $0x34000, s9;
	s12 =	sadd.s32 s8, s12  }
0x2b8: {  	[tilespmem:s21], [sflag:$0x1] =	stream.linear.gather [hbm4b:s12+s2], $0x80, $0x38;
	[tilespmem:$0x19F80] =	vst v63  }
0x2b9: {  	s12 =	sshrl.u32 s14, $0x3  }
0x2ba: {  	s13 =	sadd.s32 $0x38000, s9;
	s21 =	simm.s32 $0x18880;
	s12 =	sadd.s32 s8, s12  }
0x2bb: {  	[tilespmem:s21], [sflag:$0x1] =	stream.linear.gather [hbm4b:s12+s2], $0x80, $0x38;
	[tilespmem:$0x19F80] =	vst v63  }
0x2bc: {  	s12 =	sshrl.u32 s13, $0x3  }
0x2bd: {  	s14 =	simm.s32 $0x18900;
	s21 =	sadd.s32 $0x3C000, s9;
	s12 =	sadd.s32 s8, s12  }
0x2be: {  	[tilespmem:s14], [sflag:$0x1] =	stream.linear.gather [hbm4b:s12+s2], $0x80, $0x38;
	[tilespmem:$0x19F80] =	vst v63  }
0x2bf: {  	s12 =	sshrl.u32 s21, $0x3  }
0x2c0: {  	s13 =	sadd.s32 $0x40000, s9;
	s12 =	sadd.s32 s8, s12  }
0x2c1: {  	[tilespmem:s31], [sflag:$0x1] =	stream.linear.gather [hbm4b:s12+s2], $0x80, $0x38;
	[tilespmem:$0x19F80] =	vst v63  }
0x2c2: {  	s12 =	sshrl.u32 s13, $0x3  }
0x2c3: {  	s14 =	sadd.s32 $0x44000, s9;
	s12 =	sadd.s32 s8, s12  }
0x2c4: {  	[tilespmem:s0], [sflag:$0x1] =	stream.linear.gather [hbm4b:s12+s2], $0x80, $0x38;
	[tilespmem:$0x19F80] =	vst v63  }
0x2c5: {  	s12 =	sshrl.u32 s14, $0x3  }
0x2c6: {  	s21 =	sadd.s32 $0x48000, s9;
	s12 =	sadd.s32 s8, s12  }
0x2c7: {  	[tilespmem:s3], [sflag:$0x1] =	stream.linear.gather [hbm4b:s12+s2], $0x80, $0x38;
	[tilespmem:$0x19F80] =	vst v63  }
0x2c8: {  	s9 =	sadd.s32 $0x4C000, s9;
	s12 =	sshrl.u32 s21, $0x3  }
0x2c9: {  	s9 =	sshrl.u32 s9, $0x3;
	s12 =	sadd.s32 s8, s12  }
0x2ca: {  	[tilespmem:s24], [sflag:$0x1] =	stream.linear.gather [hbm4b:s12+s2], $0x80, $0x38;
	[tilespmem:$0x19F80] =	vst v63  }
0x2cb: {  	s9 =	sadd.s32 s8, s9  }
0x2cc: {  	[tilespmem:s25], [sflag:$0x1] =	stream.linear.gather [hbm4b:s9+s2], $0x80, $0x38;
	[tilespmem:$0x19F80] =	vst v63  }
0x2cd: {  	_ =	swait.ge [sflag:s15], $0x80  }
0x2ce: {  	[sflag:s15] =	ssyncset.done $0x0  }
0x2cf: {  	[sflag:s15] =	ssyncadd.s32 $0xFFFFFF80  }
0x2d0: {  	_ =	swait.ge [sflag:s15], $0x80  }
0x2d1: {  	[sflag:s15] =	ssyncset.done $0x0  }
0x2d2: {  	[sflag:s15] =	ssyncadd.s32 $0xFFFFFF80  }
0x2d3: {  	_ =	swait.ge [sflag:s15], $0x80  }
0x2d4: {  	[sflag:s15] =	ssyncset.done $0x0  }
0x2d5: {  	[sflag:s15] =	ssyncadd.s32 $0xFFFFFF80  }
0x2d6: {  	_ =	swait.ge [sflag:s15], $0x80  }
0x2d7: {  	[sflag:s15] =	ssyncset.done $0x0  }
0x2d8: {  	[sflag:s15] =	ssyncadd.s32 $0xFFFFFF80  }
0x2d9: {  	_ =	swait.ge [sflag:s15], $0x80  }
0x2da: {  	[sflag:s15] =	ssyncset.done $0x0  }
0x2db: {  	[sflag:s15] =	ssyncadd.s32 $0xFFFFFF80  }
0x2dc: {  	_ =	swait.ge [sflag:s15], $0x80  }
0x2dd: {  	[sflag:s15] =	ssyncset.done $0x0  }
0x2de: {  	[sflag:s15] =	ssyncadd.s32 $0xFFFFFF80  }
0x2df: {  	_ =	swait.ge [sflag:s15], $0x80  }
0x2e0: {  	[sflag:s15] =	ssyncset.done $0x0  }
0x2e1: {  	[sflag:s15] =	ssyncadd.s32 $0xFFFFFF80  }
0x2e2: {  	_ =	swait.ge [sflag:s15], $0x80  }
0x2e3: {  	[sflag:s15] =	ssyncset.done $0x0  }
0x2e4: {  	[sflag:s15] =	ssyncadd.s32 $0xFFFFFF80  }
0x2e5: {  	_ =	swait.ge [sflag:s15], $0x80  }
0x2e6: {  	[sflag:s15] =	ssyncset.done $0x0  }
0x2e7: {  	[sflag:s15] =	ssyncadd.s32 $0xFFFFFF80  }
0x2e8: {  	_ =	swait.ge [sflag:s15], $0x80  }
0x2e9: {  	[sflag:s15] =	ssyncset.done $0x0  }
0x2ea: {  	[sflag:s15] =	ssyncadd.s32 $0xFFFFFF80  }
0x2eb: {  	_ =	swait.ge [sflag:s15], $0x80  }
0x2ec: {  	[sflag:s15] =	ssyncset.done $0x0  }
0x2ed: {  	[sflag:s15] =	ssyncadd.s32 $0xFFFFFF80  }
0x2ee: {  	_ =	swait.ge [sflag:s15], $0x80  }
0x2ef: {  	[sflag:s15] =	ssyncset.done $0x0  }
0x2f0: {  	[sflag:s15] =	ssyncadd.s32 $0xFFFFFF80  }
0x2f1: {  	_ =	swait.ge [sflag:s15], $0x80  }
0x2f2: {  	[sflag:s15] =	ssyncset.done $0x0  }
0x2f3: {  	[sflag:s15] =	ssyncadd.s32 $0xFFFFFF80  }
0x2f4: {  	_ =	swait.ge [sflag:s15], $0x80  }
0x2f5: {  	[sflag:s15] =	ssyncset.done $0x0  }
0x2f6: {  	[sflag:s15] =	ssyncadd.s32 $0xFFFFFF80  }
0x2f7: {  	_ =	swait.ge [sflag:s15], $0x80  }
0x2f8: {  	[sflag:s15] =	ssyncset.done $0x0  }
0x2f9: {  	[sflag:s15] =	ssyncadd.s32 $0xFFFFFF80  }
0x2fa: {  	_ =	swait.ge [sflag:s15], $0x80  }
0x2fb: {  	[sflag:s15] =	ssyncset.done $0x0  }
0x2fc: {  	[sflag:s15] =	ssyncadd.s32 $0xFFFFFF80  }
0x2fd: {  	_ =	swait.ge [sflag:s15], $0x80  }
0x2fe: {  	[sflag:s15] =	ssyncset.done $0x0  }
0x2ff: {  	[sflag:s15] =	ssyncadd.s32 $0xFFFFFF80  }
0x300: {  	_ =	swait.ge [sflag:s15], $0x80  }
0x301: {  	[sflag:s15] =	ssyncset.done $0x0  }
0x302: {  	[sflag:s15] =	ssyncadd.s32 $0xFFFFFF80  }
0x303: {  	_ =	swait.ge [sflag:s15], $0x80  }
0x304: {  	[sflag:s15] =	ssyncset.done $0x0  }
0x305: {  	[sflag:s15] =	ssyncadd.s32 $0xFFFFFF80  }
0x306: {  	_ =	swait.ge [sflag:s15], $0x80  }
0x307: {  	[sflag:s15] =	ssyncset.done $0x0  }
0x308: {  	s9 =	simm.s32 $0xFFFFFF80;
	[sflag:s15] =	ssyncadd.s32 $0xFFFFFF80  }
0x309: {  	v11 =	vld [tilespmem:s9+$0x18280]  }
0x30a: {  	v12 =	vld [tilespmem:s9+$0x18300]  }
0x30b: {  	v13 =	vld [tilespmem:s9+$0x18380]  }
0x30c: {  	v14 =	vld [tilespmem:s9+$0x18400]  }
0x30d: {  	v15 =	vld [tilespmem:s9+$0x18480]  }
0x30e: {  	v16 =	vld [tilespmem:s9+$0x18500]  }
0x30f: {  	v17 =	vld [tilespmem:s9+$0x18580]  }
0x310: {  	v18 =	vld [tilespmem:s9+$0x18600]  }
0x311: {  	v19 =	vld [tilespmem:s9+$0x18680]  }
0x312: {  	v20 =	vld [tilespmem:s9+$0x18700]  }
0x313: {  	v21 =	vld [tilespmem:s9+$0x18780]  }
0x314: {  	v22 =	vld [tilespmem:s9+$0x18800]  }
0x315: {  	v23 =	vld [tilespmem:s9+$0x18880]  }
0x316: {  	v24 =	vld [tilespmem:s9+$0x18900]  }
0x317: {  	v10 =	vld [tilespmem:s9+$0x18980]  }
0x318: {  	v9 =	vld [tilespmem:s9+$0x18A00]  }
0x319: {  	v8 =	vld [tilespmem:s9+$0x18A80]  }
0x31a: {  	v7 =	vld [tilespmem:s9+$0x18B00]  }
0x31b: {  	v6 =	vld [tilespmem:s9+$0x18B80]  }
0x31c: {  	v5 =	vld [tilespmem:s9+$0x18C00]  }
0x31d: {  	v25 =	vld [tilespmem:s9+$0x18C80]  }
0x31e: {  	v26 =	vld [tilespmem:s9+$0x18D00]  }
0x31f: {  	v27 =	vld [tilespmem:s9+$0x18D80]  }
0x320: {  	v28 =	vld [tilespmem:s9+$0x18E00]  }
0x321: {  	v29 =	vld [tilespmem:s9+$0x18E80]  }
0x322: {  	v63 =	vld [tilespmem:s9+$0x18F00];
	v11 =	vadd.f32 v11, v25  }
0x323: {  	v30 =	vld [tilespmem:s9+$0x18F80];
	v12 =	vadd.f32 v12, v26  }
0x324: {  	v13 =	vadd.f32 v13, v27;
	[tilespmem:s9+$0x18C80] =	vst v11;
	v11 =	vld [tilespmem:s9+$0x19000]  }
0x325: {  	v14 =	vadd.f32 v14, v28;
	[tilespmem:s9+$0x18D00] =	vst v12;
	v12 =	vld [tilespmem:s9+$0x19080]  }
0x326: {  	v15 =	vadd.f32 v15, v29;
	[tilespmem:s9+$0x18D80] =	vst v13;
	v13 =	vld [tilespmem:s9+$0x19100]  }
0x327: {  	v16 =	vadd.f32 v16, v63;
	[tilespmem:s9+$0x18E00] =	vst v14;
	v14 =	vld [tilespmem:s9+$0x19180]  }
0x328: {  	v17 =	vadd.f32 v17, v30;
	[tilespmem:s9+$0x18E80] =	vst v15;
	v15 =	vld [tilespmem:s9+$0x19200]  }
0x329: {  	[tilespmem:s9+$0x18F00] =	vst v16;
	v16 =	vld [tilespmem:s9+$0x19280];
	v11 =	vadd.f32 v18, v11  }
0x32a: {  	[tilespmem:s9+$0x18F80] =	vst v17;
	v18 =	vld [tilespmem:s9+$0x19300];
	v17 =	vadd.f32 v19, v12  }
0x32b: {  	v12 =	vld [tilespmem:s9+$0x19380];
	v13 =	vadd.f32 v20, v13;
	[tilespmem:s9+$0x19000] =	vst v11  }
0x32c: {  	v14 =	vadd.f32 v21, v14;
	[tilespmem:s9+$0x19080] =	vst v17;
	v11 =	vld [tilespmem:s9+$0x19400]  }
0x32d: {  	v15 =	vadd.f32 v22, v15;
	[tilespmem:s9+$0x19100] =	vst v13;
	v13 =	vld [tilespmem:s9+$0x19480]  }
0x32e: {  	[tilespmem:s9+$0x19180] =	vst v14;
	v14 =	vld [tilespmem:s9+$0x19500];
	v17 =	vadd.f32 v23, v16  }
0x32f: {  	s12 =	simm.s32 $0xFFFFFE40;
	[tilespmem:s9+$0x19200] =	vst v15;
	v15 =	vld [tilespmem:s9+$0x19580];
	v16 =	vadd.f32 v24, v18  }
.LBB2_17:
0x330: {  	s13 =	sshra.s32 s12, $0x2;
	p0 =	sne.s32 s12, $0xFFFFFFC0;
	[tilespmem:s9+$0x19280] =	vst v17;
	v10 =	vadd.f32 v10, v12;
	v12 =	vld [tilespmem:s9+$0x19600]  }
0x331: {  	v17 =	vld [tilespmem:s13+$0x18280];
	[tilespmem:s9+$0x19300] =	vst v16;
	v9 =	vadd.f32 v9, v11  }
0x332: {  	v11 =	vld [tilespmem:s13+$0x18300];
	[tilespmem:s9+$0x19380] =	vst v10;
	v8 =	vadd.f32 v8, v13  }
0x333: {  	v13 =	vld [tilespmem:s13+$0x18380];
	[tilespmem:s9+$0x19400] =	vst v9;
	v7 =	vadd.f32 v7, v14  }
0x334: {  	v14 =	vld [tilespmem:s13+$0x18400];
	[tilespmem:s9+$0x19480] =	vst v8;
	v6 =	vadd.f32 v6, v15  }
0x335: {  	v15 =	vld [tilespmem:s13+$0x18480];
	[tilespmem:s9+$0x19500] =	vst v7;
	v5 =	vadd.f32 v5, v12  }
0x336: {  	v12 =	vld [tilespmem:s13+$0x18500];
	[tilespmem:s9+$0x19580] =	vst v6  }
0x337: {  	v16 =	vld [tilespmem:s13+$0x18580];
	[tilespmem:s9+$0x19600] =	vst v5;
	s9 =	smov.u32 s13  }
0x338: {  	v18 =	vld [tilespmem:s9+$0x18600]  }
0x339: {  	v19 =	vld [tilespmem:s9+$0x18680]  }
0x33a: {  	v20 =	vld [tilespmem:s9+$0x18700]  }
0x33b: {  	v21 =	vld [tilespmem:s9+$0x18780]  }
0x33c: {  	v22 =	vld [tilespmem:s9+$0x18800]  }
0x33d: {  	v23 =	vld [tilespmem:s9+$0x18880]  }
0x33e: {  	v24 =	vld [tilespmem:s9+$0x18900]  }
0x33f: {  	v10 =	vld [tilespmem:s9+$0x18980]  }
0x340: {  	v9 =	vld [tilespmem:s9+$0x18A00]  }
0x341: {  	v8 =	vld [tilespmem:s9+$0x18A80]  }
0x342: {  	v7 =	vld [tilespmem:s9+$0x18B00]  }
0x343: {  	v6 =	vld [tilespmem:s9+$0x18B80]  }
0x344: {  	v5 =	vld [tilespmem:s9+$0x18C00]  }
0x345: {  	v25 =	vld [tilespmem:s9+$0x18C80]  }
0x346: {  	v26 =	vld [tilespmem:s9+$0x18D00]  }
0x347: {  	v27 =	vld [tilespmem:s9+$0x18D80]  }
0x348: {  	v28 =	vld [tilespmem:s9+$0x18E00]  }
0x349: {  	v29 =	vld [tilespmem:s9+$0x18E80]  }
0x34a: {  	v17 =	vadd.f32 v17, v25;
	v25 =	vld [tilespmem:s9+$0x18F00]  }
0x34b: {  	v11 =	vadd.f32 v11, v26;
	v26 =	vld [tilespmem:s9+$0x18F80]  }
0x34c: {  	[tilespmem:s9+$0x18C80] =	vst v17;
	v13 =	vadd.f32 v13, v27;
	v17 =	vld [tilespmem:s9+$0x19000]  }
0x34d: {  	[tilespmem:s9+$0x18D00] =	vst v11;
	v11 =	vadd.f32 v14, v28;
	v14 =	vld [tilespmem:s9+$0x19080]  }
0x34e: {  	[tilespmem:s9+$0x18D80] =	vst v13;
	v13 =	vadd.f32 v15, v29;
	v15 =	vld [tilespmem:s9+$0x19100]  }
0x34f: {  	[tilespmem:s9+$0x18E00] =	vst v11;
	v11 =	vadd.f32 v12, v25;
	v25 =	vld [tilespmem:s9+$0x19180]  }
0x350: {  	[tilespmem:s9+$0x18E80] =	vst v13;
	v12 =	vadd.f32 v16, v26;
	v13 =	vld [tilespmem:s9+$0x19200]  }
0x351: {  	[tilespmem:s9+$0x18F00] =	vst v11;
	v11 =	vadd.f32 v18, v17;
	v16 =	vld [tilespmem:s9+$0x19280]  }
0x352: {  	[tilespmem:s9+$0x18F80] =	vst v12;
	v14 =	vadd.f32 v19, v14;
	v18 =	vld [tilespmem:s9+$0x19300]  }
.Ltmp7:
0x353: {  	[tilespmem:s9+$0x19000] =	vst v11;
	v15 =	vadd.f32 v20, v15;
	v12 =	vld [tilespmem:s9+$0x19380];
	(pc) =	sbr.rel @p0 .LBB2_17-.Ltmp7, $4  }
0x354: {  	[tilespmem:s9+$0x19080] =	vst v14;
	v14 =	vadd.f32 v21, v25;
	v11 =	vld [tilespmem:s9+$0x19400]  }
0x355: {  	[tilespmem:s9+$0x19100] =	vst v15;
	v15 =	vadd.f32 v22, v13;
	v13 =	vld [tilespmem:s9+$0x19480]  }
0x356: {  	[tilespmem:s9+$0x19180] =	vst v14;
	v17 =	vadd.f32 v23, v16;
	v14 =	vld [tilespmem:s9+$0x19500]  }
0x357: {  	s12 =	sadd.s32 $0x40, s12;
	[tilespmem:s9+$0x19200] =	vst v15;
	v16 =	vadd.f32 v24, v18;
	v15 =	vld [tilespmem:s9+$0x19580]  }
0x358: {  	[tilespmem:s9+$0x19280] =	vst v17;
	v10 =	vadd.f32 v10, v12;
	v63 =	vld [tilespmem:s9+$0x19600]  }
0x359: {  	s7 =	sadd.s32 $0x1, s7;
	[tilespmem:s9+$0x19300] =	vst v16;
	v9 =	vadd.f32 v9, v11  }
0x35a: {  	p0 =	sne.s32 s7, $0x10;
	[tilespmem:s9+$0x19380] =	vst v10;
	v8 =	vadd.f32 v8, v13  }
.Ltmp8:
0x35b: {  	[tilespmem:s9+$0x19400] =	vst v9;
	v7 =	vadd.f32 v7, v14;
	(pc) =	sbr.rel @p0 .LBB2_16-.Ltmp8, $4  }
0x35c: {  	[tilespmem:s9+$0x19480] =	vst v8;
	v6 =	vadd.f32 v6, v15  }
0x35d: {  	[tilespmem:s9+$0x19500] =	vst v7;
	v5 =	vadd.f32 v5, v63  }
0x35e: {  	[tilespmem:s9+$0x19580] =	vst v6  }
0x35f: {  	[tilespmem:s9+$0x19600] =	vst v5  }
0x360: {  	s9 =	simm.s32 $0x0;
	s7 =	rddreg [dreg:$0xb]  }
0x361: {  	[tilespmem:s26], [sflag:$0x3] =	stream.linear.gather [hbm4b:s7+s9], $0x180, $0x38;
	[tilespmem:$0x19F80] =	vst v63  }
0x362: {  	_ =	swait.ge [sflag:s29], $0x180  }
0x363: {  	[sflag:s29] =	ssyncset.done $0x0  }
0x364: {  	s7 =	simm.s32 $0x19100;
	[sflag:s29] =	ssyncadd.s32 $0xFFFFFE80  }
0x365: {  	v5 =	vor.u32 s9, v0;
	v6 =	vld [tilespmem:s7+$0xFFFFFB00]  }
0x366: {  	v7 =	vmul.u32 $0x3, v5;
	_ =	sdelay $0x3  }
0x367: {  	vm1 =	vgt.f32 v6, $0.0e+00  }
0x368: {  	v6 =	vnsel vm1, $0x3F800000, v6  }
0x369: {  	v8 =	vld.idx.msk [tilespmem:v7+s26+$0x0], $0xffff;
	(erf) = vrcp.f32 v6  }
0x36a: {  	v6 =	vld [tilespmem:s7+$0xFFFFFD00];
	_ =	sdelay $0x1  }
0x36b: {  	v9 =	vld [tilespmem:s7+$0xFFFFFF00];
	_ =	sdelay $0x2  }
0x36c: {  	v8 =	vmul.f32 v8, v6  }
0x36d: {  	v5 =	vmul.u32 $0xC, v5  }
0x36e: {  	v8 =	vsub.f32 v9, v8  }
0x36f: {  	v53 =	vadd.s32 $0x1, v7;
	v10 =	vpop (erf)  }
0x370: {  	v8 =	vmul.f32 v8, v10;
	_ =	sdelay $0x1  }
0x371: {  	v8 =	vnsel vm1, $0x0, v8  }
0x372: {  	[tilespmem:v5+s22+$0x0] =	vst.idx.msk $0xffff, v8  }
0x373: {  	v8 =	vld.idx.msk [tilespmem:v53+s26+$0x0], $0xffff;
	_ =	sdelay $0x1  }
0x374: {  	v11 =	vld [tilespmem:s7+$0xFFFFFF80];
	_ =	sdelay $0x2  }
0x375: {  	v8 =	vmul.f32 v8, v6;
	_ =	sdelay $0x1  }
0x376: {  	v54 =	vor.u32 $0x1, v5;
	v8 =	vsub.f32 v11, v8  }
0x377: {  	v12 =	vadd.s32 $0x2, v7  }
0x378: {  	v8 =	vmul.f32 v8, v10;
	_ =	sdelay $0x1  }
0x379: {  	v8 =	vnsel vm1, $0x0, v8  }
0x37a: {  	[tilespmem:v54+s22+$0x0] =	vst.idx.msk $0xffff, v8  }
0x37b: {  	v8 =	vld.idx.msk [tilespmem:v12+s26+$0x0], $0xffff;
	_ =	sdelay $0x1  }
0x37c: {  	v11 =	vld [tilespmem:s7+$0x0];
	_ =	sdelay $0x2  }
0x37d: {  	v6 =	vmul.f32 v8, v6;
	_ =	sdelay $0x1  }
0x37e: {  	v8 =	vor.u32 $0x2, v5;
	v6 =	vsub.f32 v11, v6;
	_ =	sdelay $0x1  }
0x37f: {  	v6 =	vmul.f32 v6, v10;
	_ =	sdelay $0x1  }
0x380: {  	v6 =	vnsel vm1, $0x0, v6  }
0x381: {  	[tilespmem:v8+s22+$0x0] =	vst.idx.msk $0xffff, v6  }
0x382: {  	v6 =	vld [tilespmem:s7+$0xFFFFFB80];
	_ =	sdelay $0x4  }
0x383: {  	vm1 =	vgt.f32 v6, $0.0e+00  }
0x384: {  	v6 =	vnsel vm1, $0x3F800000, v6  }
0x385: {  	v8 =	vld.idx.msk [tilespmem:v7+s26+$0x0], $0xffff;
	(erf) = vrcp.f32 v6  }
0x386: {  	v6 =	vld [tilespmem:s7+$0xFFFFFD80];
	_ =	sdelay $0x1  }
0x387: {  	v55 =	vld [tilespmem:s7+$0x80];
	_ =	sdelay $0x2  }
0x388: {  	v8 =	vmul.f32 v8, v6;
	_ =	sdelay $0x1  }
0x389: {  	v56 =	vor.u32 $0x3, v5;
	v8 =	vsub.f32 v55, v8  }
0x38a: {  	v57 =	vpop (erf)  }
0x38b: {  	v8 =	vmul.f32 v8, v57;
	_ =	sdelay $0x1  }
0x38c: {  	v8 =	vnsel vm1, $0x0, v8  }
0x38d: {  	[tilespmem:v56+s22+$0x0] =	vst.idx.msk $0xffff, v8  }
0x38e: {  	v8 =	vld.idx.msk [tilespmem:v53+s26+$0x0], $0xffff;
	_ =	sdelay $0x1  }
0x38f: {  	v10 =	vld [tilespmem:s7+$0x100];
	_ =	sdelay $0x2  }
0x390: {  	v8 =	vmul.f32 v8, v6;
	_ =	sdelay $0x1  }
0x391: {  	v58 =	vadd.s32 $0x4, v5;
	v8 =	vsub.f32 v10, v8;
	_ =	sdelay $0x1  }
0x392: {  	v8 =	vmul.f32 v8, v57;
	_ =	sdelay $0x1  }
0x393: {  	v8 =	vnsel vm1, $0x0, v8  }
0x394: {  	[tilespmem:v58+s22+$0x0] =	vst.idx.msk $0xffff, v8  }
0x395: {  	v8 =	vld.idx.msk [tilespmem:v12+s26+$0x0], $0xffff;
	_ =	sdelay $0x1  }
0x396: {  	v10 =	vld [tilespmem:s7+$0x180];
	_ =	sdelay $0x2  }
0x397: {  	v6 =	vmul.f32 v8, v6;
	_ =	sdelay $0x1  }
0x398: {  	v8 =	vadd.s32 $0x5, v5;
	v6 =	vsub.f32 v10, v6;
	_ =	sdelay $0x1  }
0x399: {  	v6 =	vmul.f32 v6, v57;
	_ =	sdelay $0x1  }
0x39a: {  	v6 =	vnsel vm1, $0x0, v6  }
0x39b: {  	[tilespmem:v8+s22+$0x0] =	vst.idx.msk $0xffff, v6  }
0x39c: {  	v6 =	vld [tilespmem:s7+$0xFFFFFC00];
	_ =	sdelay $0x4  }
0x39d: {  	vm1 =	vgt.f32 v6, $0.0e+00  }
0x39e: {  	v6 =	vnsel vm1, $0x3F800000, v6  }
0x39f: {  	v8 =	vld.idx.msk [tilespmem:v7+s26+$0x0], $0xffff;
	(erf) = vrcp.f32 v6  }
0x3a0: {  	v6 =	vld [tilespmem:s7+$0xFFFFFE00];
	_ =	sdelay $0x1  }
0x3a1: {  	v59 =	vld [tilespmem:s7+$0x200];
	_ =	sdelay $0x2  }
0x3a2: {  	v8 =	vmul.f32 v8, v6;
	_ =	sdelay $0x1  }
0x3a3: {  	v60 =	vadd.s32 $0x6, v5;
	v8 =	vsub.f32 v59, v8  }
0x3a4: {  	v61 =	vpop (erf)  }
0x3a5: {  	v8 =	vmul.f32 v8, v61;
	_ =	sdelay $0x1  }
0x3a6: {  	v8 =	vnsel vm1, $0x0, v8  }
0x3a7: {  	[tilespmem:v60+s22+$0x0] =	vst.idx.msk $0xffff, v8  }
0x3a8: {  	v8 =	vld.idx.msk [tilespmem:v53+s26+$0x0], $0xffff;
	_ =	sdelay $0x1  }
0x3a9: {  	v10 =	vld [tilespmem:s7+$0x280];
	_ =	sdelay $0x2  }
0x3aa: {  	v8 =	vmul.f32 v8, v6;
	_ =	sdelay $0x1  }
0x3ab: {  	v62 =	vadd.s32 $0x7, v5;
	v8 =	vsub.f32 v10, v8;
	_ =	sdelay $0x1  }
0x3ac: {  	v8 =	vmul.f32 v8, v61;
	_ =	sdelay $0x1  }
0x3ad: {  	v8 =	vnsel vm1, $0x0, v8  }
0x3ae: {  	[tilespmem:v62+s22+$0x0] =	vst.idx.msk $0xffff, v8  }
0x3af: {  	v8 =	vld.idx.msk [tilespmem:v12+s26+$0x0], $0xffff;
	_ =	sdelay $0x1  }
0x3b0: {  	v10 =	vld [tilespmem:s7+$0x300];
	_ =	sdelay $0x2  }
0x3b1: {  	v6 =	vmul.f32 v8, v6;
	_ =	sdelay $0x1  }
0x3b2: {  	v8 =	vadd.s32 $0x8, v5;
	v6 =	vsub.f32 v10, v6;
	_ =	sdelay $0x1  }
0x3b3: {  	v6 =	vmul.f32 v6, v61;
	_ =	sdelay $0x1  }
0x3b4: {  	v6 =	vnsel vm1, $0x0, v6  }
0x3b5: {  	[tilespmem:v8+s22+$0x0] =	vst.idx.msk $0xffff, v6  }
0x3b6: {  	v6 =	vld [tilespmem:s7+$0xFFFFFC80];
	_ =	sdelay $0x4  }
0x3b7: {  	vm1 =	vgt.f32 v6, $0.0e+00  }
0x3b8: {  	v6 =	vnsel vm1, $0x3F800000, v6  }
0x3b9: {  	v7 =	vld.idx.msk [tilespmem:v7+s26+$0x0], $0xffff;
	(erf) = vrcp.f32 v6  }
0x3ba: {  	v6 =	vld [tilespmem:s7+$0xFFFFFE80];
	_ =	sdelay $0x1  }
0x3bb: {  	v8 =	vld [tilespmem:s7+$0x380];
	_ =	sdelay $0x2  }
0x3bc: {  	v7 =	vmul.f32 v7, v6;
	_ =	sdelay $0x1  }
0x3bd: {  	v7 =	vsub.f32 v8, v7;
	v8 =	vadd.s32 $0x9, v5  }
0x3be: {  	v63 =	vpop (erf)  }
0x3bf: {  	v7 =	vmul.f32 v7, v63;
	_ =	sdelay $0x1  }
0x3c0: {  	v7 =	vnsel vm1, $0x0, v7  }
0x3c1: {  	[tilespmem:v8+s22+$0x0] =	vst.idx.msk $0xffff, v7  }
0x3c2: {  	v7 =	vld.idx.msk [tilespmem:v53+s26+$0x0], $0xffff;
	_ =	sdelay $0x1  }
0x3c3: {  	v8 =	vld [tilespmem:s7+$0x400];
	_ =	sdelay $0x2  }
0x3c4: {  	v7 =	vmul.f32 v7, v6;
	_ =	sdelay $0x1  }
0x3c5: {  	v7 =	vsub.f32 v8, v7;
	v8 =	vadd.s32 $0xA, v5;
	_ =	sdelay $0x1  }
0x3c6: {  	v7 =	vmul.f32 v7, v63;
	_ =	sdelay $0x1  }
0x3c7: {  	v7 =	vnsel vm1, $0x0, v7  }
0x3c8: {  	[tilespmem:v8+s22+$0x0] =	vst.idx.msk $0xffff, v7  }
0x3c9: {  	v7 =	vld.idx.msk [tilespmem:v12+s26+$0x0], $0xffff;
	_ =	sdelay $0x1  }
0x3ca: {  	v8 =	vld [tilespmem:s7+$0x480];
	_ =	sdelay $0x2  }
0x3cb: {  	v6 =	vmul.f32 v7, v6;
	_ =	sdelay $0x1  }
0x3cc: {  	v6 =	vsub.f32 v8, v6  }
0x3cd: {  	v5 =	vadd.s32 $0xB, v5  }
0x3ce: {  	v6 =	vmul.f32 v6, v63;
	_ =	sdelay $0x1  }
0x3cf: {  	s9 =	simm.s32 $0x10;
	v6 =	vnsel vm1, $0x0, v6  }
.LBB2_20:
0x3d0: {  	p0 =	sne.s32 s9, $0x70  }
0x3d1: {  	[tilespmem:v5+s22+$0x0] =	vst.idx.msk $0xffff, v6;
	s7 =	sadd.s32 $0x10, s7;
	s12 =	smov.u32 s9;
	s9 =	sadd.s32 $0x10, s9  }
0x3d2: {  	v5 =	vor.u32 s12, v0;
	v6 =	vld [tilespmem:s7+$0xFFFFFB00]  }
0x3d3: {  	v8 =	vmul.u32 $0x3, v5;
	_ =	sdelay $0x3  }
0x3d4: {  	vm1 =	vgt.f32 v6, $0.0e+00  }
0x3d5: {  	v6 =	vnsel vm1, $0x3F800000, v6  }
0x3d6: {  	v7 =	vld.idx.msk [tilespmem:v8+s26+$0x0], $0xffff;
	(erf) = vrcp.f32 v6  }
0x3d7: {  	v9 =	vld [tilespmem:s7+$0xFFFFFD00];
	_ =	sdelay $0x1  }
0x3d8: {  	v6 =	vld [tilespmem:s7+$0xFFFFFF00];
	_ =	sdelay $0x2  }
0x3d9: {  	v7 =	vmul.f32 v7, v9  }
0x3da: {  	v5 =	vmul.u32 $0xC, v5  }
0x3db: {  	v7 =	vsub.f32 v6, v7  }
0x3dc: {  	v6 =	vadd.s32 $0x1, v8;
	v10 =	vpop (erf)  }
0x3dd: {  	v7 =	vmul.f32 v7, v10;
	_ =	sdelay $0x1  }
0x3de: {  	v7 =	vnsel vm1, $0x0, v7  }
0x3df: {  	[tilespmem:v5+s22+$0x0] =	vst.idx.msk $0xffff, v7  }
0x3e0: {  	v7 =	vld.idx.msk [tilespmem:v6+s26+$0x0], $0xffff;
	_ =	sdelay $0x2  }
0x3e1: {  	v11 =	vld [tilespmem:s7+$0xFFFFFF80];
	_ =	sdelay $0x2  }
0x3e2: {  	v7 =	vmul.f32 v7, v9;
	_ =	sdelay $0x1  }
0x3e3: {  	v12 =	vor.u32 $0x1, v5;
	v11 =	vsub.f32 v11, v7  }
0x3e4: {  	v7 =	vadd.s32 $0x2, v8  }
0x3e5: {  	v11 =	vmul.f32 v11, v10;
	_ =	sdelay $0x1  }
0x3e6: {  	v11 =	vnsel vm1, $0x0, v11  }
0x3e7: {  	[tilespmem:v12+s22+$0x0] =	vst.idx.msk $0xffff, v11  }
0x3e8: {  	v11 =	vld.idx.msk [tilespmem:v7+s26+$0x0], $0xffff;
	_ =	sdelay $0x2  }
0x3e9: {  	v12 =	vld [tilespmem:s7+$0x0];
	_ =	sdelay $0x2  }
0x3ea: {  	v9 =	vmul.f32 v11, v9;
	_ =	sdelay $0x1  }
0x3eb: {  	v11 =	vor.u32 $0x2, v5;
	v9 =	vsub.f32 v12, v9;
	_ =	sdelay $0x1  }
0x3ec: {  	v9 =	vmul.f32 v9, v10;
	_ =	sdelay $0x1  }
0x3ed: {  	v9 =	vnsel vm1, $0x0, v9  }
0x3ee: {  	[tilespmem:v11+s22+$0x0] =	vst.idx.msk $0xffff, v9  }
0x3ef: {  	v9 =	vld [tilespmem:s7+$0xFFFFFB80];
	_ =	sdelay $0x4  }
0x3f0: {  	vm1 =	vgt.f32 v9, $0.0e+00  }
0x3f1: {  	v9 =	vnsel vm1, $0x3F800000, v9  }
0x3f2: {  	v10 =	vld.idx.msk [tilespmem:v8+s26+$0x0], $0xffff;
	(erf) = vrcp.f32 v9  }
0x3f3: {  	v9 =	vld [tilespmem:s7+$0xFFFFFD80];
	_ =	sdelay $0x1  }
0x3f4: {  	v11 =	vld [tilespmem:s7+$0x80];
	_ =	sdelay $0x2  }
0x3f5: {  	v10 =	vmul.f32 v10, v9;
	_ =	sdelay $0x1  }
0x3f6: {  	v10 =	vsub.f32 v11, v10;
	v11 =	vor.u32 $0x3, v5  }
0x3f7: {  	v12 =	vpop (erf)  }
0x3f8: {  	v10 =	vmul.f32 v10, v12;
	_ =	sdelay $0x1  }
0x3f9: {  	v10 =	vnsel vm1, $0x0, v10  }
0x3fa: {  	[tilespmem:v11+s22+$0x0] =	vst.idx.msk $0xffff, v10  }
0x3fb: {  	v10 =	vld.idx.msk [tilespmem:v6+s26+$0x0], $0xffff;
	_ =	sdelay $0x2  }
0x3fc: {  	v11 =	vld [tilespmem:s7+$0x100];
	_ =	sdelay $0x2  }
0x3fd: {  	v10 =	vmul.f32 v10, v9;
	_ =	sdelay $0x1  }
0x3fe: {  	v10 =	vsub.f32 v11, v10;
	v11 =	vadd.s32 $0x4, v5;
	_ =	sdelay $0x1  }
0x3ff: {  	v10 =	vmul.f32 v10, v12;
	_ =	sdelay $0x1  }
0x400: {  	v10 =	vnsel vm1, $0x0, v10  }
0x401: {  	[tilespmem:v11+s22+$0x0] =	vst.idx.msk $0xffff, v10  }
0x402: {  	v10 =	vld.idx.msk [tilespmem:v7+s26+$0x0], $0xffff;
	_ =	sdelay $0x2  }
0x403: {  	v11 =	vld [tilespmem:s7+$0x180];
	_ =	sdelay $0x2  }
0x404: {  	v9 =	vmul.f32 v10, v9;
	_ =	sdelay $0x1  }
0x405: {  	v10 =	vadd.s32 $0x5, v5;
	v9 =	vsub.f32 v11, v9;
	_ =	sdelay $0x1  }
0x406: {  	v9 =	vmul.f32 v9, v12;
	_ =	sdelay $0x1  }
0x407: {  	v9 =	vnsel vm1, $0x0, v9  }
0x408: {  	[tilespmem:v10+s22+$0x0] =	vst.idx.msk $0xffff, v9  }
0x409: {  	v9 =	vld [tilespmem:s7+$0xFFFFFC00]  }
0x40a: {  	v10 =	vld.idx.msk [tilespmem:v8+s26+$0x0], $0xffff  }
0x40b: {  	v11 =	vld [tilespmem:s7+$0xFFFFFE00];
	_ =	sdelay $0x2  }
0x40c: {  	vm1 =	vgt.f32 v9, $0.0e+00  }
0x40d: {  	v9 =	vnsel vm1, $0x3F800000, v9  }
0x40e: {  	v10 =	vmul.f32 v10, v11;
	(erf) = vrcp.f32 v9;
	_ =	sdelay $0x2  }
0x40f: {  	v9 =	vld [tilespmem:s7+$0x200];
	_ =	sdelay $0x4  }
0x410: {  	v9 =	vsub.f32 v9, v10;
	v10 =	vadd.s32 $0x6, v5  }
0x411: {  	v12 =	vpop (erf)  }
0x412: {  	v9 =	vmul.f32 v9, v12;
	_ =	sdelay $0x1  }
0x413: {  	v9 =	vnsel vm1, $0x0, v9  }
0x414: {  	[tilespmem:v10+s22+$0x0] =	vst.idx.msk $0xffff, v9  }
0x415: {  	v9 =	vld.idx.msk [tilespmem:v6+s26+$0x0], $0xffff  }
0x416: {  	v10 =	vld [tilespmem:s7+$0x280];
	_ =	sdelay $0x4  }
0x417: {  	v9 =	vmul.f32 v9, v11;
	_ =	sdelay $0x1  }
0x418: {  	v9 =	vsub.f32 v10, v9;
	v10 =	vadd.s32 $0x7, v5;
	_ =	sdelay $0x1  }
0x419: {  	v9 =	vmul.f32 v9, v12;
	_ =	sdelay $0x1  }
0x41a: {  	v9 =	vnsel vm1, $0x0, v9  }
0x41b: {  	[tilespmem:v10+s22+$0x0] =	vst.idx.msk $0xffff, v9  }
0x41c: {  	v9 =	vld.idx.msk [tilespmem:v7+s26+$0x0], $0xffff  }
0x41d: {  	v10 =	vld [tilespmem:s7+$0x300];
	_ =	sdelay $0x4  }
0x41e: {  	v9 =	vmul.f32 v9, v11;
	_ =	sdelay $0x1  }
0x41f: {  	v9 =	vsub.f32 v10, v9;
	v10 =	vadd.s32 $0x8, v5;
	_ =	sdelay $0x1  }
0x420: {  	v9 =	vmul.f32 v9, v12;
	_ =	sdelay $0x1  }
0x421: {  	v9 =	vnsel vm1, $0x0, v9  }
0x422: {  	[tilespmem:v10+s22+$0x0] =	vst.idx.msk $0xffff, v9  }
0x423: {  	v9 =	vld [tilespmem:s7+$0xFFFFFC80]  }
0x424: {  	v8 =	vld.idx.msk [tilespmem:v8+s26+$0x0], $0xffff  }
0x425: {  	v10 =	vld [tilespmem:s7+$0xFFFFFE80]  }
0x426: {  	v11 =	vld [tilespmem:s7+$0x380];
	_ =	sdelay $0x1  }
0x427: {  	vm1 =	vgt.f32 v9, $0.0e+00  }
0x428: {  	v9 =	vnsel vm1, $0x3F800000, v9  }
0x429: {  	v8 =	vmul.f32 v8, v10;
	(erf) = vrcp.f32 v9;
	_ =	sdelay $0x7  }
0x42a: {  	v9 =	vadd.s32 $0x9, v5;
	v8 =	vsub.f32 v11, v8  }
0x42b: {  	v11 =	vpop (erf)  }
0x42c: {  	v8 =	vmul.f32 v8, v11;
	_ =	sdelay $0x1  }
0x42d: {  	v8 =	vnsel vm1, $0x0, v8  }
0x42e: {  	[tilespmem:v9+s22+$0x0] =	vst.idx.msk $0xffff, v8  }
0x42f: {  	v6 =	vld.idx.msk [tilespmem:v6+s26+$0x0], $0xffff  }
0x430: {  	v8 =	vld [tilespmem:s7+$0x400];
	_ =	sdelay $0x4  }
0x431: {  	v6 =	vmul.f32 v6, v10;
	_ =	sdelay $0x1  }
0x432: {  	v6 =	vsub.f32 v8, v6;
	v8 =	vadd.s32 $0xA, v5;
	_ =	sdelay $0x1  }
0x433: {  	v6 =	vmul.f32 v6, v11;
	_ =	sdelay $0x1  }
0x434: {  	v6 =	vnsel vm1, $0x0, v6  }
0x435: {  	[tilespmem:v8+s22+$0x0] =	vst.idx.msk $0xffff, v6  }
0x436: {  	v6 =	vld.idx.msk [tilespmem:v7+s26+$0x0], $0xffff  }
0x437: {  	v7 =	vld [tilespmem:s7+$0x480];
	_ =	sdelay $0x4  }
0x438: {  	v6 =	vmul.f32 v6, v10;
	_ =	sdelay $0x1  }
.Ltmp9:
0x439: {  	v5 =	vadd.s32 $0xB, v5;
	v6 =	vsub.f32 v7, v6;
	(pc) =	sbr.rel @p0 .LBB2_20-.Ltmp9, $3  }
0x43a: {  	_ = 	snop  }
0x43b: {  	v6 =	vmul.f32 v6, v11;
	_ =	sdelay $0x1  }
0x43c: {  	v6 =	vnsel vm1, $0x0, v6  }
0x43d: {  	_ =	sdelay $0x3  }
0x43e: {  	[tilespmem:v5+s22+$0x0] =	vst.idx.msk $0xffff, v6;
	s7 =	rddreg [dreg:$0xc];
	s9 =	simm.s32 $0x80;
	s12 =	simm.s32 $0x100  }
0x43f: {  	[hbm4b:s7+s9] =	stream.strided.scatter [tilespmem:s22], [sflag:$0x3], $0x600, s12, s9, $0x38;
	[tilespmem:$0x19F80] =	vst v63  }
0x440: {  	_ =	swait.ge [sflag:s29], $0x600  }
0x441: {  	s14 =	rddreg [dreg:$0xe]  }
0x442: {  	s21 =	rddreg [dreg:$0xd];
	s9 =	sadd.s32 $0x1, s14  }
0x443: {  	p0 =	sne.s32 s9, s21  }
.Ltmp10:
0x444: {  	_ = 	snop;
	(pc) =	sbr.rel @p0 .LBB2_1-.Ltmp10, $3  }
0x445: {  	_ =	sdelay $0x1  }
0x446: {  	[sflag:s29] =	ssyncset.done $0x0  }
0x447: {  	[sflag:s29] =	ssyncadd.s32 $0xFFFFFA00  }
0x448: {  	_ =	sfence.sel $0x180000  }
0x449: {  	[bflag:$0x0] =	sbarrier.arrive $0xFFFF  }
0x44a: {  	_ =	strace $0x90000056  }
0x44b: {  	s0 =	stileid.u32;
	[bflag:$0x2] =	sbarrier.arrive $0xFFFF  }
0x44c: {  	p0 =	sne.s32 s0, $0x0;
	s0 =	rddreg [dreg:$0x3]  }
0x44d: {  	s0 =	sadd.s32 @!p0 $0x100000, s0  }
0x44e: {  	[sflag:s0] =	ssyncadd.tile.s32 @!p0 $0x1;
	_ =	shalt  }
.Lfunc_end2:
_tile_overlayer_lowered:
.L_overlay_start_2:
0x44f: {  	(tag) =	ssettag $0x2  }
0x450: {  	s0 =	rddreg [dreg:$0x0];
	s2 =	stileid.u32  }
0x451: {  	s1 =	rddreg [dreg:$0x1];
	p0 =	sne.s32 s2, $0x0  }
0x452: {  	s3 =	rddreg [dreg:$0x2];
	[bflag:$0x3] =	sbarrier.arrive $0xFFFF;
	s2 =	simm.s32 @!p0 $0x1C03  }
0x453: {  	[timem:s3], [sflag:s2] =	dma.local @!p0 [hbm:s0], s1  }
0x454: {  	s0 =	simm.s32 @!p0 $0x3  }
0x455: {  	_ =	swait.ge @!p0 [sflag:s0], s1  }
0x456: {  	s1 =	ssub.s32 @!p0 $0x0, s1;
	[sflag:s0] =	ssyncset.done @!p0 $0x0  }
0x457: {  	[sflag:s0] =	ssyncadd.s32 @!p0 s1  }
0x458: {  	[bflag:$0x3] =	sbarrier.arrive $0xFFFF  }
0x459: {  	_ =	shalt  }

</sc_bundles>
